<compile_context>
chip_gen: v7x
topology: tpu7x:2x2x1
jax: 0.10.2.dev20260603
libtpu: 0.0.44.dev20260713+nightly
codegen_flags: <defaults>
</compile_context>

<pallas_src>
import functools

import jax
import jax.numpy as jnp
from jax import lax
from jax.experimental import pallas as pl
from jax.experimental.pallas import tpu as pltpu
from jax.experimental.pallas import tpu_sc as plsc

N = 100000
E = 3200000
D_IN = 128
H = 16
G = 64

NPAD = 100352
NTILE = NPAD // 16
ZR = 784

EPW = E // 32
SB = 800
OUTER = EPW // SB

DSB = 4000
DOUTER = EPW // DSB

R = 4000
GRID = N // R

_mesh = plsc.VectorSubcoreMesh(core_axis_name="c", subcore_axis_name="s")
_sc_params = pltpu.CompilerParams(use_tc_tiling_on_sc=False)



@functools.partial(
    pl.kernel,
    out_type=jax.ShapeDtypeStruct((2, NPAD), jnp.float32),
    mesh=_mesh,
    compiler_params=_sc_params,
    scratch_types=[
        pltpu.VMEM((2, DSB), jnp.int32),
        pltpu.VMEM((2, DSB), jnp.float32),
        pltpu.VMEM((NTILE,), jnp.float32),
        pltpu.VMEM_SHARED((NPAD,), jnp.float32),
        pltpu.SemaphoreType.DMA((2,)),
        pltpu.SemaphoreType.DMA((2,)),
    ],
)
def _sc_deg(edge_hbm, ew_hbm, out_hbm, dstb, ewb, zb, acc, esem, ssem):
    cid = lax.axis_index("c")
    sid = lax.axis_index("s")
    wid = cid * 16 + sid
    wbase = wid * EPW

    def zloop(i, _):
        zb[pl.ds(i * 16, 16)] = jnp.zeros((16,), jnp.float32)
        return 0

    lax.fori_loop(0, NTILE // 16, zloop, 0)
    pltpu.sync_copy(zb, acc.at[pl.ds(sid * NTILE, NTILE)])
    plsc.subcore_barrier()

    def stage(kc, b):
        e0 = wbase + kc * DSB
        pltpu.async_copy(edge_hbm.at[1, pl.ds(e0, DSB)], dstb.at[b],
                         esem.at[b])
        pltpu.async_copy(ew_hbm.at[pl.ds(e0, DSB)], ewb.at[b], esem.at[b])

    def unstage(kc, b):
        e0 = wbase + kc * DSB
        pltpu.make_async_copy(edge_hbm.at[1, pl.ds(e0, DSB)], dstb.at[b],
                              esem.at[b]).wait()
        pltpu.make_async_copy(ew_hbm.at[pl.ds(e0, DSB)], ewb.at[b],
                              esem.at[b]).wait()

    stage(0, 0)

    def step(kc, _):
        b = kc % 2
        unstage(kc, b)

        @pl.when(kc < DOUTER - 1)
        def _():
            @pl.when(kc >= 1)
            def _():
                pltpu.make_async_copy(ewb.at[1 - b],
                                      acc.at[dstb.at[1 - b]],
                                      ssem.at[1 - b]).wait()
            stage(kc + 1, 1 - b)

        pltpu.async_copy(ewb.at[b], acc.at[dstb.at[b]], ssem.at[b],
                         add=True)
        return 0

    lax.fori_loop(0, DOUTER, step, 0)
    pltpu.make_async_copy(ewb.at[0], acc.at[dstb.at[0]], ssem.at[0]).wait()
    pltpu.make_async_copy(ewb.at[1], acc.at[dstb.at[1]], ssem.at[1]).wait()
    plsc.subcore_barrier()
    sl = pl.ds(sid * NTILE, NTILE)
    pltpu.sync_copy(acc.at[sl], out_hbm.at[cid, sl])


@functools.partial(
    pl.kernel,
    out_type=jax.ShapeDtypeStruct((2, NPAD, H), jnp.float32),
    mesh=_mesh,
    compiler_params=_sc_params,
    scratch_types=[
        pltpu.VMEM((2, SB), jnp.int32),
        pltpu.VMEM((2, SB), jnp.int32),
        pltpu.VMEM((2, SB), jnp.float32),
        pltpu.VMEM((2, SB, H), jnp.float32),
        pltpu.VMEM_SHARED((NPAD, H), jnp.float32),
        pltpu.SemaphoreType.DMA((2,)),
        pltpu.SemaphoreType.DMA((2,)),
        pltpu.SemaphoreType.DMA((2,)),
    ],
)
def _sc_agg(edge_hbm, ew_hbm, hs_hbm, out_hbm,
            srcb, dstb, ewb, rows, acc, esem, gsem, ssem):
    cid = lax.axis_index("c")
    sid = lax.axis_index("s")
    wid = cid * 16 + sid
    wbase = wid * EPW

    def zloop(i, _):
        rows[0, i] = jnp.zeros((H,), jnp.float32)
        return 0

    lax.fori_loop(0, ZR, zloop, 0)
    base = sid * NTILE
    for t in range(NTILE // ZR):
        pltpu.sync_copy(rows.at[0, pl.ds(0, ZR)],
                        acc.at[pl.ds(base + t * ZR, ZR)])
    plsc.subcore_barrier()

    def stage(kc, b):
        e0 = wbase + kc * SB
        pltpu.async_copy(edge_hbm.at[0, pl.ds(e0, SB)], srcb.at[b],
                         esem.at[b])
        pltpu.async_copy(edge_hbm.at[1, pl.ds(e0, SB)], dstb.at[b],
                         esem.at[b])
        pltpu.async_copy(ew_hbm.at[pl.ds(e0, SB)], ewb.at[b], esem.at[b])

    def unstage(kc, b):
        e0 = wbase + kc * SB
        pltpu.make_async_copy(edge_hbm.at[0, pl.ds(e0, SB)], srcb.at[b],
                              esem.at[b]).wait()
        pltpu.make_async_copy(edge_hbm.at[1, pl.ds(e0, SB)], dstb.at[b],
                              esem.at[b]).wait()
        pltpu.make_async_copy(ew_hbm.at[pl.ds(e0, SB)], ewb.at[b],
                              esem.at[b]).wait()

    stage(0, 0)

    def step(kc, _):
        b = kc % 2
        unstage(kc, b)
        pltpu.async_copy(hs_hbm.at[srcb.at[b]], rows.at[b], gsem.at[b])

        @pl.when(kc < OUTER - 1)
        def _():
            @pl.when(kc >= 1)
            def _():
                pltpu.make_async_copy(rows.at[1 - b],
                                      acc.at[dstb.at[1 - b]],
                                      ssem.at[1 - b]).wait()
            stage(kc + 1, 1 - b)

        pltpu.make_async_copy(hs_hbm.at[srcb.at[b]], rows.at[b],
                              gsem.at[b]).wait()

        def scale(g, _):
            e0 = g * 16
            ew16 = ewb[b, pl.ds(e0, 16)]
            for l in range(16):
                rows[b, e0 + l] = rows[b, e0 + l] * ew16[l]
            return 0

        lax.fori_loop(0, SB // 16, scale, 0)
        pltpu.async_copy(rows.at[b], acc.at[dstb.at[b]], ssem.at[b],
                         add=True)
        return 0

    lax.fori_loop(0, OUTER, step, 0)
    pltpu.make_async_copy(rows.at[0], acc.at[dstb.at[0]], ssem.at[0]).wait()
    pltpu.make_async_copy(rows.at[1], acc.at[dstb.at[1]], ssem.at[1]).wait()
    plsc.subcore_barrier()
    sl = pl.ds(base, NTILE)
    pltpu.sync_copy(acc.at[sl], out_hbm.at[cid, sl])



def _pre1_body(x_ref, degp_ref, w_ref, h_ref, hs_ref, dinv_ref):
    deg = 1.0 + degp_ref[0, 0] + degp_ref[1, 0]
    dinv_row = jnp.where(deg > 0, lax.rsqrt(deg), 0.0)
    dinv = jnp.transpose(dinv_row)
    h = jnp.dot(x_ref[...], w_ref[...], preferred_element_type=jnp.float32)
    h_ref[...] = h
    hs_ref[...] = dinv * h
    dinv_ref[...] = jnp.reshape(dinv_row, (1, 1, R))


_tc_pre1 = pl.pallas_call(
    _pre1_body,
    grid=(GRID,),
    in_specs=[
        pl.BlockSpec((R, D_IN), lambda i: (i, 0)),
        pl.BlockSpec((2, 1, 1, R), lambda i: (0, i, 0, 0)),
        pl.BlockSpec((D_IN, H), lambda i: (0, 0)),
    ],
    out_specs=[
        pl.BlockSpec((R, H), lambda i: (i, 0)),
        pl.BlockSpec((R, H), lambda i: (i, 0)),
        pl.BlockSpec((1, 1, R), lambda i: (i, 0, 0)),
    ],
    out_shape=[
        jax.ShapeDtypeStruct((N, H), jnp.float32),
        jax.ShapeDtypeStruct((N, H), jnp.float32),
        jax.ShapeDtypeStruct((GRID, 1, R), jnp.float32),
    ],
)


def _mid_body(accp_ref, h1_ref, dinv_ref, b1_ref, w2_ref, h2_ref, hs2_ref):
    dinv = jnp.transpose(dinv_ref[0])
    agg = accp_ref[0] + accp_ref[1]
    z = jnp.maximum(b1_ref[...] + dinv * agg + dinv * dinv * h1_ref[...], 0.0)
    h2 = jnp.dot(z, w2_ref[...], preferred_element_type=jnp.float32)
    h2_ref[...] = h2
    hs2_ref[...] = dinv * h2


_tc_mid = pl.pallas_call(
    _mid_body,
    grid=(GRID,),
    in_specs=[
        pl.BlockSpec((2, R, H), lambda i: (0, i, 0)),
        pl.BlockSpec((R, H), lambda i: (i, 0)),
        pl.BlockSpec((1, 1, R), lambda i: (i, 0, 0)),
        pl.BlockSpec((1, H), lambda i: (0, 0)),
        pl.BlockSpec((H, H), lambda i: (0, 0)),
    ],
    out_specs=[
        pl.BlockSpec((R, H), lambda i: (i, 0)),
        pl.BlockSpec((R, H), lambda i: (i, 0)),
    ],
    out_shape=[
        jax.ShapeDtypeStruct((N, H), jnp.float32),
        jax.ShapeDtypeStruct((N, H), jnp.float32),
    ],
)


def _final_body(accp_ref, h2_ref, dinv_ref, b2_ref, batch_ref, wfc_ref,
                bfc_ref, out_ref, acc, cnt):
    i = pl.program_id(0)

    @pl.when(i == 0)
    def _():
        acc[...] = jnp.zeros((G, H), jnp.float32)
        cnt[...] = jnp.zeros((G, 1), jnp.float32)

    dinv = jnp.transpose(dinv_ref[0])
    agg = accp_ref[0] + accp_ref[1]
    z = jnp.maximum(b2_ref[...] + dinv * agg + dinv * dinv * h2_ref[...], 0.0)
    b = batch_ref[0]
    oht = (lax.broadcasted_iota(jnp.int32, (G, R), 0) == b).astype(jnp.float32)
    acc[...] += lax.dot_general(oht, z, (((1,), (0,)), ((), ())),
                                preferred_element_type=jnp.float32)
    cnt[...] += lax.dot_general(oht, jnp.ones((R, 1), jnp.float32),
                                (((1,), (0,)), ((), ())),
                                preferred_element_type=jnp.float32)

    @pl.when(i == GRID - 1)
    def _():
        pooled = acc[...] / jnp.maximum(cnt[...], 1.0)
        logits = jnp.dot(pooled, wfc_ref[...],
                         preferred_element_type=jnp.float32) + bfc_ref[...]
        m = jnp.max(logits, axis=1, keepdims=True)
        lse = m + jnp.log(jnp.sum(jnp.exp(logits - m), axis=1, keepdims=True))
        out_ref[...] = logits - lse


_tc_final = pl.pallas_call(
    _final_body,
    grid=(GRID,),
    in_specs=[
        pl.BlockSpec((2, R, H), lambda i: (0, i, 0)),
        pl.BlockSpec((R, H), lambda i: (i, 0)),
        pl.BlockSpec((1, 1, R), lambda i: (i, 0, 0)),
        pl.BlockSpec((1, H), lambda i: (0, 0)),
        pl.BlockSpec((1, 1, R), lambda i: (i, 0, 0)),
        pl.BlockSpec((H, 2), lambda i: (0, 0)),
        pl.BlockSpec((1, 2), lambda i: (0, 0)),
    ],
    out_specs=pl.BlockSpec((G, 2), lambda i: (0, 0)),
    out_shape=jax.ShapeDtypeStruct((G, 2), jnp.float32),
    scratch_shapes=[
        pltpu.VMEM((G, H), jnp.float32),
        pltpu.VMEM((G, 1), jnp.float32),
    ],
)


def kernel(x, edge_index, batch, edge_attr, W1, b1, W2, b2, Wfc, bfc):
    degp = _sc_deg(edge_index, edge_attr)[:, :N].reshape(2, GRID, 1, R)
    h1, hs1, dinv = _tc_pre1(x, degp, W1)
    accp1 = _sc_agg(edge_index, edge_attr, hs1)
    h2, hs2 = _tc_mid(accp1, h1, dinv, b1.reshape(1, H), W2)
    accp2 = _sc_agg(edge_index, edge_attr, hs2)
    return _tc_final(accp2, h2, dinv, b2.reshape(1, H),
                     batch.reshape(GRID, 1, R), Wfc, bfc.reshape(1, 2))

# --- scband reference (transcript-rebuilt; emitter-appended) ---
"""Pipeline reference for scband-gcn-53764400611916 (READ-ONLY COPY).

The authoritative reference and input builder live on the scoring server;
editing this copy changes nothing except your own understanding.
"""

import jax, jax.numpy as jnp
import numpy as np

N = 100000
E = 3200000
D_IN = 128
H = 16
NUM_GRAPHS = 64

def setup_inputs(seed: int = 0):
    key = jax.random.key(seed)
    ks = jax.random.split(key, 12)
    x = jax.random.normal(ks[0], (N, D_IN), dtype=jnp.float32)
    edge_index = jax.random.randint(ks[1], (2, E), 0, N, dtype=jnp.int32)
    batch = jnp.sort(jax.random.randint(ks[2], (N,), 0, NUM_GRAPHS, dtype=jnp.int32))
    edge_attr = jax.random.uniform(ks[3], (E,), dtype=jnp.float32)
    W1 = jax.random.normal(ks[4], (D_IN, H), dtype=jnp.float32) * (1.0 / np.sqrt(D_IN))
    b1 = jnp.zeros((H,), dtype=jnp.float32)
    W2 = jax.random.normal(ks[5], (H, H), dtype=jnp.float32) * (1.0 / np.sqrt(H))
    b2 = jnp.zeros((H,), dtype=jnp.float32)
    Wfc = jax.random.normal(ks[6], (H, 2), dtype=jnp.float32) * (1.0 / np.sqrt(H))
    bfc = jnp.zeros((2,), dtype=jnp.float32)
    return {"x": x, "edge_index": edge_index, "batch": batch, "edge_attr": edge_attr,
            "W1": W1, "b1": b1, "W2": W2, "b2": b2, "Wfc": Wfc, "bfc": bfc}

def _gcn_conv(x, edge_index, edge_weight, W, b, num_nodes):
    # PyG GCNConv: add self loops (weight 1), symmetric normalization, linear transform, scatter-add
    src = edge_index[0]
    dst = edge_index[1]
    loop = jnp.arange(num_nodes, dtype=edge_index.dtype)
    src_f = jnp.concatenate([src, loop])
    dst_f = jnp.concatenate([dst, loop])
    ew = jnp.concatenate([edge_weight, jnp.ones((num_nodes,), dtype=edge_weight.dtype)])
    deg = jnp.zeros((num_nodes,), dtype=x.dtype).at[dst_f].add(ew)
    dinv = jnp.where(deg > 0, jax.lax.rsqrt(deg), 0.0)
    norm = dinv[src_f] * ew * dinv[dst_f]
    h = x @ W
    msg = h[src_f] * norm[:, None]
    out = jnp.zeros((num_nodes, h.shape[1]), dtype=h.dtype).at[dst_f].add(msg)
    return out + b

def reference(x, edge_index, batch, edge_attr, W1, b1, W2, b2, Wfc, bfc):
    num_nodes = x.shape[0]
    h = _gcn_conv(x, edge_index, edge_attr, W1, b1, num_nodes)
    h = jax.nn.relu(h)
    # F.dropout(p=0.2) is identity in eval mode
    h = _gcn_conv(h, edge_index, edge_attr, W2, b2, num_nodes)
    h = jax.nn.relu(h)
    sums = jax.ops.segment_sum(h, batch, num_segments=NUM_GRAPHS)
    counts = jax.ops.segment_sum(jnp.ones((num_nodes,), dtype=h.dtype), batch, num_segments=NUM_GRAPHS)
    pooled = sums / jnp.maximum(counts, 1.0)[:, None]
    logits = pooled @ Wfc + bfc
    return jax.nn.log_softmax(logits, axis=1)

if __name__ == "__main__":
    import jax
    _d = setup_inputs()
    print(jax.jit(kernel)(*tuple(_d.values())))

</pallas_src>

<mosaic_0001>
#map = affine_map<(d0, d1) -> (0, 0)>
#map1 = affine_map<(d0, d1) -> (0)>
#map2 = affine_map<(d0, d1) -> (0, 0, 0)>
module attributes {stable_mosaic.version = 14 : i64} {
  func.func @_sc_agg(%arg0: i32, %arg1: i32, %arg2: memref<2x3200000xi32, #tpu.memory_space<hbm>>, %arg3: memref<3200000xf32, #tpu.memory_space<hbm>>, %arg4: memref<100000x16xf32, #tpu.memory_space<hbm>>, %arg5: memref<2x100352x16xf32, #tpu.memory_space<hbm>>, %arg6: memref<2x800xi32, #tpu.memory_space<vmem>>, %arg7: memref<2x800xi32, #tpu.memory_space<vmem>>, %arg8: memref<2x800xf32, #tpu.memory_space<vmem>>, %arg9: memref<2x800x16xf32, #tpu.memory_space<vmem>>, %arg10: memref<100352x16xf32, #tpu.memory_space<vmem_shared>>, %arg11: memref<2x!tpu.dma_semaphore, #tpu.memory_space<semaphore_mem>>, %arg12: memref<2x!tpu.dma_semaphore, #tpu.memory_space<semaphore_mem>>, %arg13: memref<2x!tpu.dma_semaphore, #tpu.memory_space<semaphore_mem>>) attributes {dimension_semantics = [#tpu.dimension_semantics<core_parallel>, #tpu.dimension_semantics<subcore_parallel>], iteration_bounds = array<i64: 2, 16>, scalar_prefetch = 0 : i64, scratch_operands = 8 : i64, tpu.core_type = #tpu.core_type<sc_vector_subcore>, window_params = [{transform_indices = #map}, {transform_indices = #map1}, {transform_indices = #map}, {transform_indices = #map2}]} {
    %mul3A = arith.constant 16 : i32
    %mul3A_0 = arith.muli %arg0, %mul3A : i32
    %add3A = arith.addi %mul3A_0, %arg1 : i32
    %mul3A_1 = arith.constant 100000 : i32
    %mul3A_2 = arith.muli %add3A, %mul3A_1 : i32
    %scan3A = arith.constant 0 : i32
    %scan3A_3 = arith.constant 0 : i32
    %scan3A_4 = arith.constant 784 : i32
    %scan3A_5 = arith.addi %scan3A_3, %scan3A_4 : i32
    %scan3A_6 = arith.constant 1 : i32
    %scan3A_7 = scf.for %scan3A_114 = %scan3A_3 to %scan3A_5 step %scan3A_6 iter_args(%scan3A_115 = %scan3A) -> (i32)  : i32 {
      %broadcast_in_dim3A = arith.constant 0.000000e+00 : f32
      %broadcast_in_dim3A_116 = vector.broadcast %broadcast_in_dim3A : f32 to vector<16xf32>
      %swap3A = arith.constant 0 : i32
      %swap3A_117 = arith.index_cast %swap3A : i32 to index
      %swap3A_118 = arith.index_cast %scan3A_114 : i32 to index
      %swap3A_119 = arith.constant 0 : index
      %swap3A_120 = tpu.vector_load %arg9[%swap3A_117, %swap3A_118, %swap3A_119] {strides = array<i32>} : memref<2x800x16xf32, #tpu.memory_space<vmem>>, vector<1x1x16xf32>,
      %swap3A_121 = vector.shape_cast %swap3A_120 : vector<1x1x16xf32> to vector<16xf32>
      %swap3A_122 = vector.shape_cast %broadcast_in_dim3A_116 : vector<16xf32> to vector<1x1x16xf32>
      tpu.vector_store %arg9[%swap3A_117, %swap3A_118, %swap3A_119], %swap3A_122 {strides = array<i32>} : memref<2x800x16xf32, #tpu.memory_space<vmem>>, vector<1x1x16xf32>,
      %scan3A_123 = arith.constant 0 : i32
      scf.yield %scan3A_123 : i32
    }
    %scan3A_8 = arith.constant 784 : i32
    %mul3A_9 = arith.constant 6272 : i32
    %mul3A_10 = arith.muli %arg1, %mul3A_9 : i32
    %add3A_11 = arith.constant 0 : i32
    %add3A_12 = arith.addi %mul3A_10, %add3A_11 : i32
    %run_scoped3A = arith.constant 0 : i32
    "tpu.region"() ({
      %run_scoped3A_114 = tpu.sem_alloc : memref<!tpu.dma_semaphore, #tpu.memory_space<semaphore_mem>>
      %dma_start3A_115 = arith.constant 0 : i32
      %dma_start3A_116 = arith.constant 0 : i32
      %dma_start3A_117 = tpu.memref_slice %arg9[%run_scoped3A, %dma_start3A_115, %dma_start3A_116] : memref<2x800x16xf32, #tpu.memory_space<vmem>> -> memref<1x784x16xf32, #tpu.memory_space<vmem>>
      %dma_start3A_118 = tpu.memref_squeeze %dma_start3A_117 : memref<1x784x16xf32, #tpu.memory_space<vmem>> -> memref<784x16xf32, #tpu.memory_space<vmem>>
      %dma_start3A_119 = arith.constant 0 : i32
      %dma_start3A_120 = tpu.memref_slice %arg10[%add3A_12, %dma_start3A_119] : memref<100352x16xf32, #tpu.memory_space<vmem_shared>> -> memref<784x16xf32, #tpu.memory_space<vmem_shared>>
      %dma_start3A_121 = arith.constant 0 : i32
      %dma_start3A_122 = tpu.memref_slice %arg10[%add3A_12, %dma_start3A_121] : memref<100352x16xf32, #tpu.memory_space<vmem_shared>> -> memref<784x16xf32, #tpu.memory_space<vmem_shared>>
      %dma_start3A_123 = arith.constant 0 : i32
      %dma_start3A_124 = arith.constant 0 : i32
      %dma_start3A_125 = tpu.memref_slice %arg9[%run_scoped3A, %dma_start3A_123, %dma_start3A_124] : memref<2x800x16xf32, #tpu.memory_space<vmem>> -> memref<1x784x16xf32, #tpu.memory_space<vmem>>
      %dma_start3A_126 = tpu.memref_squeeze %dma_start3A_125 : memref<1x784x16xf32, #tpu.memory_space<vmem>> -> memref<784x16xf32, #tpu.memory_space<vmem>>
      tpu.enqueue_dma source(%dma_start3A_126 : memref<784x16xf32, #tpu.memory_space<vmem>>) target(%dma_start3A_122 : memref<784x16xf32, #tpu.memory_space<vmem_shared>>) target_semaphore(%run_scoped3A_114 : memref<!tpu.dma_semaphore, #tpu.memory_space<semaphore_mem>>)
      %dma_wait3A_127 = arith.constant 0 : i32
      %dma_wait3A_128 = arith.constant 0 : i32
      %dma_wait3A_129 = tpu.memref_slice %arg9[%run_scoped3A, %dma_wait3A_127, %dma_wait3A_128] : memref<2x800x16xf32, #tpu.memory_space<vmem>> -> memref<1x784x16xf32, #tpu.memory_space<vmem>>
      %dma_wait3A_130 = tpu.memref_squeeze %dma_wait3A_129 : memref<1x784x16xf32, #tpu.memory_space<vmem>> -> memref<784x16xf32, #tpu.memory_space<vmem>>
      %dma_wait3A_131 = arith.constant 0 : i32
      %dma_wait3A_132 = tpu.memref_slice %arg10[%add3A_12, %dma_wait3A_131] : memref<100352x16xf32, #tpu.memory_space<vmem_shared>> -> memref<784x16xf32, #tpu.memory_space<vmem_shared>>
      %dma_wait3A_133 = arith.constant 0 : i32
      %dma_wait3A_134 = tpu.memref_slice %arg10[%add3A_12, %dma_wait3A_133] : memref<100352x16xf32, #tpu.memory_space<vmem_shared>> -> memref<784x16xf32, #tpu.memory_space<vmem_shared>>
      %dma_wait3A_135 = arith.constant 0 : i32
      %dma_wait3A_136 = arith.constant 0 : i32
      %dma_wait3A_137 = tpu.memref_slice %arg9[%run_scoped3A, %dma_wait3A_135, %dma_wait3A_136] : memref<2x800x16xf32, #tpu.memory_space<vmem>> -> memref<1x784x16xf32, #tpu.memory_space<vmem>>
      %dma_wait3A_138 = tpu.memref_squeeze %dma_wait3A_137 : memref<1x784x16xf32, #tpu.memory_space<vmem>> -> memref<784x16xf32, #tpu.memory_space<vmem>>
      tpu.wait_dma2 semaphore(%run_scoped3A_114 : memref<!tpu.dma_semaphore, #tpu.memory_space<semaphore_mem>>) src(%dma_wait3A_138 : memref<784x16xf32, #tpu.memory_space<vmem>>) dst(%dma_wait3A_134 : memref<784x16xf32, #tpu.memory_space<vmem_shared>>)
      tpu.yield
    }) : () -> ()
    %add3A_13 = arith.constant 784 : i32
    %add3A_14 = arith.addi %mul3A_10, %add3A_13 : i32
    %run_scoped3A_15 = arith.constant 0 : i32
    "tpu.region"() ({
      %run_scoped3A_114 = tpu.sem_alloc : memref<!tpu.dma_semaphore, #tpu.memory_space<semaphore_mem>>
      %dma_start3A_115 = arith.constant 0 : i32
      %dma_start3A_116 = arith.constant 0 : i32
      %dma_start3A_117 = tpu.memref_slice %arg9[%run_scoped3A_15, %dma_start3A_115, %dma_start3A_116] : memref<2x800x16xf32, #tpu.memory_space<vmem>> -> memref<1x784x16xf32, #tpu.memory_space<vmem>>
      %dma_start3A_118 = tpu.memref_squeeze %dma_start3A_117 : memref<1x784x16xf32, #tpu.memory_space<vmem>> -> memref<784x16xf32, #tpu.memory_space<vmem>>
      %dma_start3A_119 = arith.constant 0 : i32
      %dma_start3A_120 = tpu.memref_slice %arg10[%add3A_14, %dma_start3A_119] : memref<100352x16xf32, #tpu.memory_space<vmem_shared>> -> memref<784x16xf32, #tpu.memory_space<vmem_shared>>
      %dma_start3A_121 = arith.constant 0 : i32
      %dma_start3A_122 = tpu.memref_slice %arg10[%add3A_14, %dma_start3A_121] : memref<100352x16xf32, #tpu.memory_space<vmem_shared>> -> memref<784x16xf32, #tpu.memory_space<vmem_shared>>
      %dma_start3A_123 = arith.constant 0 : i32
      %dma_start3A_124 = arith.constant 0 : i32
      %dma_start3A_125 = tpu.memref_slice %arg9[%run_scoped3A_15, %dma_start3A_123, %dma_start3A_124] : memref<2x800x16xf32, #tpu.memory_space<vmem>> -> memref<1x784x16xf32, #tpu.memory_space<vmem>>
      %dma_start3A_126 = tpu.memref_squeeze %dma_start3A_125 : memref<1x784x16xf32, #tpu.memory_space<vmem>> -> memref<784x16xf32, #tpu.memory_space<vmem>>
      tpu.enqueue_dma source(%dma_start3A_126 : memref<784x16xf32, #tpu.memory_space<vmem>>) target(%dma_start3A_122 : memref<784x16xf32, #tpu.memory_space<vmem_shared>>) target_semaphore(%run_scoped3A_114 : memref<!tpu.dma_semaphore, #tpu.memory_space<semaphore_mem>>)
      %dma_wait3A_127 = arith.constant 0 : i32
      %dma_wait3A_128 = arith.constant 0 : i32
      %dma_wait3A_129 = tpu.memref_slice %arg9[%run_scoped3A_15, %dma_wait3A_127, %dma_wait3A_128] : memref<2x800x16xf32, #tpu.memory_space<vmem>> -> memref<1x784x16xf32, #tpu.memory_space<vmem>>
      %dma_wait3A_130 = tpu.memref_squeeze %dma_wait3A_129 : memref<1x784x16xf32, #tpu.memory_space<vmem>> -> memref<784x16xf32, #tpu.memory_space<vmem>>
      %dma_wait3A_131 = arith.constant 0 : i32
      %dma_wait3A_132 = tpu.memref_slice %arg10[%add3A_14, %dma_wait3A_131] : memref<100352x16xf32, #tpu.memory_space<vmem_shared>> -> memref<784x16xf32, #tpu.memory_space<vmem_shared>>
      %dma_wait3A_133 = arith.constant 0 : i32
      %dma_wait3A_134 = tpu.memref_slice %arg10[%add3A_14, %dma_wait3A_133] : memref<100352x16xf32, #tpu.memory_space<vmem_shared>> -> memref<784x16xf32, #tpu.memory_space<vmem_shared>>
      %dma_wait3A_135 = arith.constant 0 : i32
      %dma_wait3A_136 = arith.constant 0 : i32
      %dma_wait3A_137 = tpu.memref_slice %arg9[%run_scoped3A_15, %dma_wait3A_135, %dma_wait3A_136] : memref<2x800x16xf32, #tpu.memory_space<vmem>> -> memref<1x784x16xf32, #tpu.memory_space<vmem>>
      %dma_wait3A_138 = tpu.memref_squeeze %dma_wait3A_137 : memref<1x784x16xf32, #tpu.memory_space<vmem>> -> memref<784x16xf32, #tpu.memory_space<vmem>>
      tpu.wait_dma2 semaphore(%run_scoped3A_114 : memref<!tpu.dma_semaphore, #tpu.memory_space<semaphore_mem>>) src(%dma_wait3A_138 : memref<784x16xf32, #tpu.memory_space<vmem>>) dst(%dma_wait3A_134 : memref<784x16xf32, #tpu.memory_space<vmem_shared>>)
      tpu.yield
    }) : () -> ()
    %add3A_16 = arith.constant 1568 : i32
    %add3A_17 = arith.addi %mul3A_10, %add3A_16 : i32
    %run_scoped3A_18 = arith.constant 0 : i32
    "tpu.region"() ({
      %run_scoped3A_114 = tpu.sem_alloc : memref<!tpu.dma_semaphore, #tpu.memory_space<semaphore_mem>>
      %dma_start3A_115 = arith.constant 0 : i32
      %dma_start3A_116 = arith.constant 0 : i32
      %dma_start3A_117 = tpu.memref_slice %arg9[%run_scoped3A_18, %dma_start3A_115, %dma_start3A_116] : memref<2x800x16xf32, #tpu.memory_space<vmem>> -> memref<1x784x16xf32, #tpu.memory_space<vmem>>
      %dma_start3A_118 = tpu.memref_squeeze %dma_start3A_117 : memref<1x784x16xf32, #tpu.memory_space<vmem>> -> memref<784x16xf32, #tpu.memory_space<vmem>>
      %dma_start3A_119 = arith.constant 0 : i32
      %dma_start3A_120 = tpu.memref_slice %arg10[%add3A_17, %dma_start3A_119] : memref<100352x16xf32, #tpu.memory_space<vmem_shared>> -> memref<784x16xf32, #tpu.memory_space<vmem_shared>>
      %dma_start3A_121 = arith.constant 0 : i32
      %dma_start3A_122 = tpu.memref_slice %arg10[%add3A_17, %dma_start3A_121] : memref<100352x16xf32, #tpu.memory_space<vmem_shared>> -> memref<784x16xf32, #tpu.memory_space<vmem_shared>>
      %dma_start3A_123 = arith.constant 0 : i32
      %dma_start3A_124 = arith.constant 0 : i32
      %dma_start3A_125 = tpu.memref_slice %arg9[%run_scoped3A_18, %dma_start3A_123, %dma_start3A_124] : memref<2x800x16xf32, #tpu.memory_space<vmem>> -> memref<1x784x16xf32, #tpu.memory_space<vmem>>
      %dma_start3A_126 = tpu.memref_squeeze %dma_start3A_125 : memref<1x784x16xf32, #tpu.memory_space<vmem>> -> memref<784x16xf32, #tpu.memory_space<vmem>>
      tpu.enqueue_dma source(%dma_start3A_126 : memref<784x16xf32, #tpu.memory_space<vmem>>) target(%dma_start3A_122 : memref<784x16xf32, #tpu.memory_space<vmem_shared>>) target_semaphore(%run_scoped3A_114 : memref<!tpu.dma_semaphore, #tpu.memory_space<semaphore_mem>>)
      %dma_wait3A_127 = arith.constant 0 : i32
      %dma_wait3A_128 = arith.constant 0 : i32
      %dma_wait3A_129 = tpu.memref_slice %arg9[%run_scoped3A_18, %dma_wait3A_127, %dma_wait3A_128] : memref<2x800x16xf32, #tpu.memory_space<vmem>> -> memref<1x784x16xf32, #tpu.memory_space<vmem>>
      %dma_wait3A_130 = tpu.memref_squeeze %dma_wait3A_129 : memref<1x784x16xf32, #tpu.memory_space<vmem>> -> memref<784x16xf32, #tpu.memory_space<vmem>>
      %dma_wait3A_131 = arith.constant 0 : i32
      %dma_wait3A_132 = tpu.memref_slice %arg10[%add3A_17, %dma_wait3A_131] : memref<100352x16xf32, #tpu.memory_space<vmem_shared>> -> memref<784x16xf32, #tpu.memory_space<vmem_shared>>
      %dma_wait3A_133 = arith.constant 0 : i32
      %dma_wait3A_134 = tpu.memref_slice %arg10[%add3A_17, %dma_wait3A_133] : memref<100352x16xf32, #tpu.memory_space<vmem_shared>> -> memref<784x16xf32, #tpu.memory_space<vmem_shared>>
      %dma_wait3A_135 = arith.constant 0 : i32
      %dma_wait3A_136 = arith.constant 0 : i32
      %dma_wait3A_137 = tpu.memref_slice %arg9[%run_scoped3A_18, %dma_wait3A_135, %dma_wait3A_136] : memref<2x800x16xf32, #tpu.memory_space<vmem>> -> memref<1x784x16xf32, #tpu.memory_space<vmem>>
      %dma_wait3A_138 = tpu.memref_squeeze %dma_wait3A_137 : memref<1x784x16xf32, #tpu.memory_space<vmem>> -> memref<784x16xf32, #tpu.memory_space<vmem>>
      tpu.wait_dma2 semaphore(%run_scoped3A_114 : memref<!tpu.dma_semaphore, #tpu.memory_space<semaphore_mem>>) src(%dma_wait3A_138 : memref<784x16xf32, #tpu.memory_space<vmem>>) dst(%dma_wait3A_134 : memref<784x16xf32, #tpu.memory_space<vmem_shared>>)
      tpu.yield
    }) : () -> ()
    %add3A_19 = arith.constant 2352 : i32
    %add3A_20 = arith.addi %mul3A_10, %add3A_19 : i32
    %run_scoped3A_21 = arith.constant 0 : i32
    "tpu.region"() ({
      %run_scoped3A_114 = tpu.sem_alloc : memref<!tpu.dma_semaphore, #tpu.memory_space<semaphore_mem>>
      %dma_start3A_115 = arith.constant 0 : i32
      %dma_start3A_116 = arith.constant 0 : i32
      %dma_start3A_117 = tpu.memref_slice %arg9[%run_scoped3A_21, %dma_start3A_115, %dma_start3A_116] : memref<2x800x16xf32, #tpu.memory_space<vmem>> -> memref<1x784x16xf32, #tpu.memory_space<vmem>>
      %dma_start3A_118 = tpu.memref_squeeze %dma_start3A_117 : memref<1x784x16xf32, #tpu.memory_space<vmem>> -> memref<784x16xf32, #tpu.memory_space<vmem>>
      %dma_start3A_119 = arith.constant 0 : i32
      %dma_start3A_120 = tpu.memref_slice %arg10[%add3A_20, %dma_start3A_119] : memref<100352x16xf32, #tpu.memory_space<vmem_shared>> -> memref<784x16xf32, #tpu.memory_space<vmem_shared>>
      %dma_start3A_121 = arith.constant 0 : i32
      %dma_start3A_122 = tpu.memref_slice %arg10[%add3A_20, %dma_start3A_121] : memref<100352x16xf32, #tpu.memory_space<vmem_shared>> -> memref<784x16xf32, #tpu.memory_space<vmem_shared>>
      %dma_start3A_123 = arith.constant 0 : i32
      %dma_start3A_124 = arith.constant 0 : i32
      %dma_start3A_125 = tpu.memref_slice %arg9[%run_scoped3A_21, %dma_start3A_123, %dma_start3A_124] : memref<2x800x16xf32, #tpu.memory_space<vmem>> -> memref<1x784x16xf32, #tpu.memory_space<vmem>>
      %dma_start3A_126 = tpu.memref_squeeze %dma_start3A_125 : memref<1x784x16xf32, #tpu.memory_space<vmem>> -> memref<784x16xf32, #tpu.memory_space<vmem>>
      tpu.enqueue_dma source(%dma_start3A_126 : memref<784x16xf32, #tpu.memory_space<vmem>>) target(%dma_start3A_122 : memref<784x16xf32, #tpu.memory_space<vmem_shared>>) target_semaphore(%run_scoped3A_114 : memref<!tpu.dma_semaphore, #tpu.memory_space<semaphore_mem>>)
      %dma_wait3A_127 = arith.constant 0 : i32
      %dma_wait3A_128 = arith.constant 0 : i32
      %dma_wait3A_129 = tpu.memref_slice %arg9[%run_scoped3A_21, %dma_wait3A_127, %dma_wait3A_128] : memref<2x800x16xf32, #tpu.memory_space<vmem>> -> memref<1x784x16xf32, #tpu.memory_space<vmem>>
      %dma_wait3A_130 = tpu.memref_squeeze %dma_wait3A_129 : memref<1x784x16xf32, #tpu.memory_space<vmem>> -> memref<784x16xf32, #tpu.memory_space<vmem>>
      %dma_wait3A_131 = arith.constant 0 : i32
      %dma_wait3A_132 = tpu.memref_slice %arg10[%add3A_20, %dma_wait3A_131] : memref<100352x16xf32, #tpu.memory_space<vmem_shared>> -> memref<784x16xf32, #tpu.memory_space<vmem_shared>>
      %dma_wait3A_133 = arith.constant 0 : i32
      %dma_wait3A_134 = tpu.memref_slice %arg10[%add3A_20, %dma_wait3A_133] : memref<100352x16xf32, #tpu.memory_space<vmem_shared>> -> memref<784x16xf32, #tpu.memory_space<vmem_shared>>
      %dma_wait3A_135 = arith.constant 0 : i32
      %dma_wait3A_136 = arith.constant 0 : i32
      %dma_wait3A_137 = tpu.memref_slice %arg9[%run_scoped3A_21, %dma_wait3A_135, %dma_wait3A_136] : memref<2x800x16xf32, #tpu.memory_space<vmem>> -> memref<1x784x16xf32, #tpu.memory_space<vmem>>
      %dma_wait3A_138 = tpu.memref_squeeze %dma_wait3A_137 : memref<1x784x16xf32, #tpu.memory_space<vmem>> -> memref<784x16xf32, #tpu.memory_space<vmem>>
      tpu.wait_dma2 semaphore(%run_scoped3A_114 : memref<!tpu.dma_semaphore, #tpu.memory_space<semaphore_mem>>) src(%dma_wait3A_138 : memref<784x16xf32, #tpu.memory_space<vmem>>) dst(%dma_wait3A_134 : memref<784x16xf32, #tpu.memory_space<vmem_shared>>)
      tpu.yield
    }) : () -> ()
    %add3A_22 = arith.constant 3136 : i32
    %add3A_23 = arith.addi %mul3A_10, %add3A_22 : i32
    %run_scoped3A_24 = arith.constant 0 : i32
    "tpu.region"() ({
      %run_scoped3A_114 = tpu.sem_alloc : memref<!tpu.dma_semaphore, #tpu.memory_space<semaphore_mem>>
      %dma_start3A_115 = arith.constant 0 : i32
      %dma_start3A_116 = arith.constant 0 : i32
      %dma_start3A_117 = tpu.memref_slice %arg9[%run_scoped3A_24, %dma_start3A_115, %dma_start3A_116] : memref<2x800x16xf32, #tpu.memory_space<vmem>> -> memref<1x784x16xf32, #tpu.memory_space<vmem>>
      %dma_start3A_118 = tpu.memref_squeeze %dma_start3A_117 : memref<1x784x16xf32, #tpu.memory_space<vmem>> -> memref<784x16xf32, #tpu.memory_space<vmem>>
      %dma_start3A_119 = arith.constant 0 : i32
      %dma_start3A_120 = tpu.memref_slice %arg10[%add3A_23, %dma_start3A_119] : memref<100352x16xf32, #tpu.memory_space<vmem_shared>> -> memref<784x16xf32, #tpu.memory_space<vmem_shared>>
      %dma_start3A_121 = arith.constant 0 : i32
      %dma_start3A_122 = tpu.memref_slice %arg10[%add3A_23, %dma_start3A_121] : memref<100352x16xf32, #tpu.memory_space<vmem_shared>> -> memref<784x16xf32, #tpu.memory_space<vmem_shared>>
      %dma_start3A_123 = arith.constant 0 : i32
      %dma_start3A_124 = arith.constant 0 : i32
      %dma_start3A_125 = tpu.memref_slice %arg9[%run_scoped3A_24, %dma_start3A_123, %dma_start3A_124] : memref<2x800x16xf32, #tpu.memory_space<vmem>> -> memref<1x784x16xf32, #tpu.memory_space<vmem>>
      %dma_start3A_126 = tpu.memref_squeeze %dma_start3A_125 : memref<1x784x16xf32, #tpu.memory_space<vmem>> -> memref<784x16xf32, #tpu.memory_space<vmem>>
      tpu.enqueue_dma source(%dma_start3A_126 : memref<784x16xf32, #tpu.memory_space<vmem>>) target(%dma_start3A_122 : memref<784x16xf32, #tpu.memory_space<vmem_shared>>) target_semaphore(%run_scoped3A_114 : memref<!tpu.dma_semaphore, #tpu.memory_space<semaphore_mem>>)
      %dma_wait3A_127 = arith.constant 0 : i32
      %dma_wait3A_128 = arith.constant 0 : i32
      %dma_wait3A_129 = tpu.memref_slice %arg9[%run_scoped3A_24, %dma_wait3A_127, %dma_wait3A_128] : memref<2x800x16xf32, #tpu.memory_space<vmem>> -> memref<1x784x16xf32, #tpu.memory_space<vmem>>
      %dma_wait3A_130 = tpu.memref_squeeze %dma_wait3A_129 : memref<1x784x16xf32, #tpu.memory_space<vmem>> -> memref<784x16xf32, #tpu.memory_space<vmem>>
      %dma_wait3A_131 = arith.constant 0 : i32
      %dma_wait3A_132 = tpu.memref_slice %arg10[%add3A_23, %dma_wait3A_131] : memref<100352x16xf32, #tpu.memory_space<vmem_shared>> -> memref<784x16xf32, #tpu.memory_space<vmem_shared>>
      %dma_wait3A_133 = arith.constant 0 : i32
      %dma_wait3A_134 = tpu.memref_slice %arg10[%add3A_23, %dma_wait3A_133] : memref<100352x16xf32, #tpu.memory_space<vmem_shared>> -> memref<784x16xf32, #tpu.memory_space<vmem_shared>>
      %dma_wait3A_135 = arith.constant 0 : i32
      %dma_wait3A_136 = arith.constant 0 : i32
      %dma_wait3A_137 = tpu.memref_slice %arg9[%run_scoped3A_24, %dma_wait3A_135, %dma_wait3A_136] : memref<2x800x16xf32, #tpu.memory_space<vmem>> -> memref<1x784x16xf32, #tpu.memory_space<vmem>>
      %dma_wait3A_138 = tpu.memref_squeeze %dma_wait3A_137 : memref<1x784x16xf32, #tpu.memory_space<vmem>> -> memref<784x16xf32, #tpu.memory_space<vmem>>
      tpu.wait_dma2 semaphore(%run_scoped3A_114 : memref<!tpu.dma_semaphore, #tpu.memory_space<semaphore_mem>>) src(%dma_wait3A_138 : memref<784x16xf32, #tpu.memory_space<vmem>>) dst(%dma_wait3A_134 : memref<784x16xf32, #tpu.memory_space<vmem_shared>>)
      tpu.yield
    }) : () -> ()
    %add3A_25 = arith.constant 3920 : i32
    %add3A_26 = arith.addi %mul3A_10, %add3A_25 : i32
    %run_scoped3A_27 = arith.constant 0 : i32
    "tpu.region"() ({
      %run_scoped3A_114 = tpu.sem_alloc : memref<!tpu.dma_semaphore, #tpu.memory_space<semaphore_mem>>
      %dma_start3A_115 = arith.constant 0 : i32
      %dma_start3A_116 = arith.constant 0 : i32
      %dma_start3A_117 = tpu.memref_slice %arg9[%run_scoped3A_27, %dma_start3A_115, %dma_start3A_116] : memref<2x800x16xf32, #tpu.memory_space<vmem>> -> memref<1x784x16xf32, #tpu.memory_space<vmem>>
      %dma_start3A_118 = tpu.memref_squeeze %dma_start3A_117 : memref<1x784x16xf32, #tpu.memory_space<vmem>> -> memref<784x16xf32, #tpu.memory_space<vmem>>
      %dma_start3A_119 = arith.constant 0 : i32
      %dma_start3A_120 = tpu.memref_slice %arg10[%add3A_26, %dma_start3A_119] : memref<100352x16xf32, #tpu.memory_space<vmem_shared>> -> memref<784x16xf32, #tpu.memory_space<vmem_shared>>
      %dma_start3A_121 = arith.constant 0 : i32
      %dma_start3A_122 = tpu.memref_slice %arg10[%add3A_26, %dma_start3A_121] : memref<100352x16xf32, #tpu.memory_space<vmem_shared>> -> memref<784x16xf32, #tpu.memory_space<vmem_shared>>
      %dma_start3A_123 = arith.constant 0 : i32
      %dma_start3A_124 = arith.constant 0 : i32
      %dma_start3A_125 = tpu.memref_slice %arg9[%run_scoped3A_27, %dma_start3A_123, %dma_start3A_124] : memref<2x800x16xf32, #tpu.memory_space<vmem>> -> memref<1x784x16xf32, #tpu.memory_space<vmem>>
      %dma_start3A_126 = tpu.memref_squeeze %dma_start3A_125 : memref<1x784x16xf32, #tpu.memory_space<vmem>> -> memref<784x16xf32, #tpu.memory_space<vmem>>
      tpu.enqueue_dma source(%dma_start3A_126 : memref<784x16xf32, #tpu.memory_space<vmem>>) target(%dma_start3A_122 : memref<784x16xf32, #tpu.memory_space<vmem_shared>>) target_semaphore(%run_scoped3A_114 : memref<!tpu.dma_semaphore, #tpu.memory_space<semaphore_mem>>)
      %dma_wait3A_127 = arith.constant 0 : i32
      %dma_wait3A_128 = arith.constant 0 : i32
      %dma_wait3A_129 = tpu.memref_slice %arg9[%run_scoped3A_27, %dma_wait3A_127, %dma_wait3A_128] : memref<2x800x16xf32, #tpu.memory_space<vmem>> -> memref<1x784x16xf32, #tpu.memory_space<vmem>>
      %dma_wait3A_130 = tpu.memref_squeeze %dma_wait3A_129 : memref<1x784x16xf32, #tpu.memory_space<vmem>> -> memref<784x16xf32, #tpu.memory_space<vmem>>
      %dma_wait3A_131 = arith.constant 0 : i32
      %dma_wait3A_132 = tpu.memref_slice %arg10[%add3A_26, %dma_wait3A_131] : memref<100352x16xf32, #tpu.memory_space<vmem_shared>> -> memref<784x16xf32, #tpu.memory_space<vmem_shared>>
      %dma_wait3A_133 = arith.constant 0 : i32
      %dma_wait3A_134 = tpu.memref_slice %arg10[%add3A_26, %dma_wait3A_133] : memref<100352x16xf32, #tpu.memory_space<vmem_shared>> -> memref<784x16xf32, #tpu.memory_space<vmem_shared>>
      %dma_wait3A_135 = arith.constant 0 : i32
      %dma_wait3A_136 = arith.constant 0 : i32
      %dma_wait3A_137 = tpu.memref_slice %arg9[%run_scoped3A_27, %dma_wait3A_135, %dma_wait3A_136] : memref<2x800x16xf32, #tpu.memory_space<vmem>> -> memref<1x784x16xf32, #tpu.memory_space<vmem>>
      %dma_wait3A_138 = tpu.memref_squeeze %dma_wait3A_137 : memref<1x784x16xf32, #tpu.memory_space<vmem>> -> memref<784x16xf32, #tpu.memory_space<vmem>>
      tpu.wait_dma2 semaphore(%run_scoped3A_114 : memref<!tpu.dma_semaphore, #tpu.memory_space<semaphore_mem>>) src(%dma_wait3A_138 : memref<784x16xf32, #tpu.memory_space<vmem>>) dst(%dma_wait3A_134 : memref<784x16xf32, #tpu.memory_space<vmem_shared>>)
      tpu.yield
    }) : () -> ()
    %add3A_28 = arith.constant 4704 : i32
    %add3A_29 = arith.addi %mul3A_10, %add3A_28 : i32
    %run_scoped3A_30 = arith.constant 0 : i32
    "tpu.region"() ({
      %run_scoped3A_114 = tpu.sem_alloc : memref<!tpu.dma_semaphore, #tpu.memory_space<semaphore_mem>>
      %dma_start3A_115 = arith.constant 0 : i32
      %dma_start3A_116 = arith.constant 0 : i32
      %dma_start3A_117 = tpu.memref_slice %arg9[%run_scoped3A_30, %dma_start3A_115, %dma_start3A_116] : memref<2x800x16xf32, #tpu.memory_space<vmem>> -> memref<1x784x16xf32, #tpu.memory_space<vmem>>
      %dma_start3A_118 = tpu.memref_squeeze %dma_start3A_117 : memref<1x784x16xf32, #tpu.memory_space<vmem>> -> memref<784x16xf32, #tpu.memory_space<vmem>>
      %dma_start3A_119 = arith.constant 0 : i32
      %dma_start3A_120 = tpu.memref_slice %arg10[%add3A_29, %dma_start3A_119] : memref<100352x16xf32, #tpu.memory_space<vmem_shared>> -> memref<784x16xf32, #tpu.memory_space<vmem_shared>>
      %dma_start3A_121 = arith.constant 0 : i32
      %dma_start3A_122 = tpu.memref_slice %arg10[%add3A_29, %dma_start3A_121] : memref<100352x16xf32, #tpu.memory_space<vmem_shared>> -> memref<784x16xf32, #tpu.memory_space<vmem_shared>>
      %dma_start3A_123 = arith.constant 0 : i32
      %dma_start3A_124 = arith.constant 0 : i32
      %dma_start3A_125 = tpu.memref_slice %arg9[%run_scoped3A_30, %dma_start3A_123, %dma_start3A_124] : memref<2x800x16xf32, #tpu.memory_space<vmem>> -> memref<1x784x16xf32, #tpu.memory_space<vmem>>
      %dma_start3A_126 = tpu.memref_squeeze %dma_start3A_125 : memref<1x784x16xf32, #tpu.memory_space<vmem>> -> memref<784x16xf32, #tpu.memory_space<vmem>>
      tpu.enqueue_dma source(%dma_start3A_126 : memref<784x16xf32, #tpu.memory_space<vmem>>) target(%dma_start3A_122 : memref<784x16xf32, #tpu.memory_space<vmem_shared>>) target_semaphore(%run_scoped3A_114 : memref<!tpu.dma_semaphore, #tpu.memory_space<semaphore_mem>>)
      %dma_wait3A_127 = arith.constant 0 : i32
      %dma_wait3A_128 = arith.constant 0 : i32
      %dma_wait3A_129 = tpu.memref_slice %arg9[%run_scoped3A_30, %dma_wait3A_127, %dma_wait3A_128] : memref<2x800x16xf32, #tpu.memory_space<vmem>> -> memref<1x784x16xf32, #tpu.memory_space<vmem>>
      %dma_wait3A_130 = tpu.memref_squeeze %dma_wait3A_129 : memref<1x784x16xf32, #tpu.memory_space<vmem>> -> memref<784x16xf32, #tpu.memory_space<vmem>>
      %dma_wait3A_131 = arith.constant 0 : i32
      %dma_wait3A_132 = tpu.memref_slice %arg10[%add3A_29, %dma_wait3A_131] : memref<100352x16xf32, #tpu.memory_space<vmem_shared>> -> memref<784x16xf32, #tpu.memory_space<vmem_shared>>
      %dma_wait3A_133 = arith.constant 0 : i32
      %dma_wait3A_134 = tpu.memref_slice %arg10[%add3A_29, %dma_wait3A_133] : memref<100352x16xf32, #tpu.memory_space<vmem_shared>> -> memref<784x16xf32, #tpu.memory_space<vmem_shared>>
      %dma_wait3A_135 = arith.constant 0 : i32
      %dma_wait3A_136 = arith.constant 0 : i32
      %dma_wait3A_137 = tpu.memref_slice %arg9[%run_scoped3A_30, %dma_wait3A_135, %dma_wait3A_136] : memref<2x800x16xf32, #tpu.memory_space<vmem>> -> memref<1x784x16xf32, #tpu.memory_space<vmem>>
      %dma_wait3A_138 = tpu.memref_squeeze %dma_wait3A_137 : memref<1x784x16xf32, #tpu.memory_space<vmem>> -> memref<784x16xf32, #tpu.memory_space<vmem>>
      tpu.wait_dma2 semaphore(%run_scoped3A_114 : memref<!tpu.dma_semaphore, #tpu.memory_space<semaphore_mem>>) src(%dma_wait3A_138 : memref<784x16xf32, #tpu.memory_space<vmem>>) dst(%dma_wait3A_134 : memref<784x16xf32, #tpu.memory_space<vmem_shared>>)
      tpu.yield
    }) : () -> ()
    %add3A_31 = arith.constant 5488 : i32
    %add3A_32 = arith.addi %mul3A_10, %add3A_31 : i32
    %run_scoped3A_33 = arith.constant 0 : i32
    "tpu.region"() ({
      %run_scoped3A_114 = tpu.sem_alloc : memref<!tpu.dma_semaphore, #tpu.memory_space<semaphore_mem>>
      %dma_start3A_115 = arith.constant 0 : i32
      %dma_start3A_116 = arith.constant 0 : i32
      %dma_start3A_117 = tpu.memref_slice %arg9[%run_scoped3A_33, %dma_start3A_115, %dma_start3A_116] : memref<2x800x16xf32, #tpu.memory_space<vmem>> -> memref<1x784x16xf32, #tpu.memory_space<vmem>>
      %dma_start3A_118 = tpu.memref_squeeze %dma_start3A_117 : memref<1x784x16xf32, #tpu.memory_space<vmem>> -> memref<784x16xf32, #tpu.memory_space<vmem>>
      %dma_start3A_119 = arith.constant 0 : i32
      %dma_start3A_120 = tpu.memref_slice %arg10[%add3A_32, %dma_start3A_119] : memref<100352x16xf32, #tpu.memory_space<vmem_shared>> -> memref<784x16xf32, #tpu.memory_space<vmem_shared>>
      %dma_start3A_121 = arith.constant 0 : i32
      %dma_start3A_122 = tpu.memref_slice %arg10[%add3A_32, %dma_start3A_121] : memref<100352x16xf32, #tpu.memory_space<vmem_shared>> -> memref<784x16xf32, #tpu.memory_space<vmem_shared>>
      %dma_start3A_123 = arith.constant 0 : i32
      %dma_start3A_124 = arith.constant 0 : i32
      %dma_start3A_125 = tpu.memref_slice %arg9[%run_scoped3A_33, %dma_start3A_123, %dma_start3A_124] : memref<2x800x16xf32, #tpu.memory_space<vmem>> -> memref<1x784x16xf32, #tpu.memory_space<vmem>>
      %dma_start3A_126 = tpu.memref_squeeze %dma_start3A_125 : memref<1x784x16xf32, #tpu.memory_space<vmem>> -> memref<784x16xf32, #tpu.memory_space<vmem>>
      tpu.enqueue_dma source(%dma_start3A_126 : memref<784x16xf32, #tpu.memory_space<vmem>>) target(%dma_start3A_122 : memref<784x16xf32, #tpu.memory_space<vmem_shared>>) target_semaphore(%run_scoped3A_114 : memref<!tpu.dma_semaphore, #tpu.memory_space<semaphore_mem>>)
      %dma_wait3A_127 = arith.constant 0 : i32
      %dma_wait3A_128 = arith.constant 0 : i32
      %dma_wait3A_129 = tpu.memref_slice %arg9[%run_scoped3A_33, %dma_wait3A_127, %dma_wait3A_128] : memref<2x800x16xf32, #tpu.memory_space<vmem>> -> memref<1x784x16xf32, #tpu.memory_space<vmem>>
      %dma_wait3A_130 = tpu.memref_squeeze %dma_wait3A_129 : memref<1x784x16xf32, #tpu.memory_space<vmem>> -> memref<784x16xf32, #tpu.memory_space<vmem>>
      %dma_wait3A_131 = arith.constant 0 : i32
      %dma_wait3A_132 = tpu.memref_slice %arg10[%add3A_32, %dma_wait3A_131] : memref<100352x16xf32, #tpu.memory_space<vmem_shared>> -> memref<784x16xf32, #tpu.memory_space<vmem_shared>>
      %dma_wait3A_133 = arith.constant 0 : i32
      %dma_wait3A_134 = tpu.memref_slice %arg10[%add3A_32, %dma_wait3A_133] : memref<100352x16xf32, #tpu.memory_space<vmem_shared>> -> memref<784x16xf32, #tpu.memory_space<vmem_shared>>
      %dma_wait3A_135 = arith.constant 0 : i32
      %dma_wait3A_136 = arith.constant 0 : i32
      %dma_wait3A_137 = tpu.memref_slice %arg9[%run_scoped3A_33, %dma_wait3A_135, %dma_wait3A_136] : memref<2x800x16xf32, #tpu.memory_space<vmem>> -> memref<1x784x16xf32, #tpu.memory_space<vmem>>
      %dma_wait3A_138 = tpu.memref_squeeze %dma_wait3A_137 : memref<1x784x16xf32, #tpu.memory_space<vmem>> -> memref<784x16xf32, #tpu.memory_space<vmem>>
      tpu.wait_dma2 semaphore(%run_scoped3A_114 : memref<!tpu.dma_semaphore, #tpu.memory_space<semaphore_mem>>) src(%dma_wait3A_138 : memref<784x16xf32, #tpu.memory_space<vmem>>) dst(%dma_wait3A_134 : memref<784x16xf32, #tpu.memory_space<vmem_shared>>)
      tpu.yield
    }) : () -> ()
    %barrier3A = arith.constant 0 : index
    tpu.barrier barrier_id(%barrier3A)
    %add3A_34 = arith.constant 0 : i32
    %add3A_35 = arith.addi %mul3A_2, %add3A_34 : i32
    %dma_start3A = arith.constant 0 : i32
    %dma_start3A_36 = arith.constant 0 : i32
    %dma_start3A_37 = arith.constant 0 : i32
    %dma_start3A_38 = arith.constant 0 : i32
    %dma_start3A_39 = tpu.memref_slice %arg6[%dma_start3A_36, %dma_start3A_38] : memref<2x800xi32, #tpu.memory_space<vmem>> -> memref<1x800xi32, #tpu.memory_space<vmem>>
    %dma_start3A_40 = tpu.memref_squeeze %dma_start3A_39 : memref<1x800xi32, #tpu.memory_space<vmem>> -> memref<800xi32, #tpu.memory_space<vmem>>
    %dma_start3A_41 = tpu.memref_slice %arg2[%dma_start3A, %add3A_35] : memref<2x3200000xi32, #tpu.memory_space<hbm>> -> memref<1x800xi32, #tpu.memory_space<hbm>>
    %dma_start3A_42 = tpu.memref_squeeze %dma_start3A_41 : memref<1x800xi32, #tpu.memory_space<hbm>> -> memref<800xi32, #tpu.memory_space<hbm>>
    %dma_start3A_43 = tpu.memref_slice %arg11[%dma_start3A_37] : memref<2x!tpu.dma_semaphore, #tpu.memory_space<semaphore_mem>> -> memref<1x!tpu.dma_semaphore, #tpu.memory_space<semaphore_mem>>
    %dma_start3A_44 = tpu.memref_squeeze %dma_start3A_43 : memref<1x!tpu.dma_semaphore, #tpu.memory_space<semaphore_mem>> -> memref<!tpu.dma_semaphore, #tpu.memory_space<semaphore_mem>>
    %dma_start3A_45 = arith.constant 0 : i32
    %dma_start3A_46 = tpu.memref_slice %arg6[%dma_start3A_36, %dma_start3A_45] : memref<2x800xi32, #tpu.memory_space<vmem>> -> memref<1x800xi32, #tpu.memory_space<vmem>>
    %dma_start3A_47 = tpu.memref_squeeze %dma_start3A_46 : memref<1x800xi32, #tpu.memory_space<vmem>> -> memref<800xi32, #tpu.memory_space<vmem>>
    %dma_start3A_48 = tpu.memref_slice %arg2[%dma_start3A, %add3A_35] : memref<2x3200000xi32, #tpu.memory_space<hbm>> -> memref<1x800xi32, #tpu.memory_space<hbm>>
    %dma_start3A_49 = tpu.memref_squeeze %dma_start3A_48 : memref<1x800xi32, #tpu.memory_space<hbm>> -> memref<800xi32, #tpu.memory_space<hbm>>
    tpu.enqueue_dma source(%dma_start3A_49 : memref<800xi32, #tpu.memory_space<hbm>>) target(%dma_start3A_47 : memref<800xi32, #tpu.memory_space<vmem>>) target_semaphore(%dma_start3A_44 : memref<!tpu.dma_semaphore, #tpu.memory_space<semaphore_mem>>)
    %dma_start3A_50 = arith.constant 1 : i32
    %dma_start3A_51 = arith.constant 0 : i32
    %dma_start3A_52 = arith.constant 0 : i32
    %dma_start3A_53 = arith.constant 0 : i32
    %dma_start3A_54 = tpu.memref_slice %arg7[%dma_start3A_51, %dma_start3A_53] : memref<2x800xi32, #tpu.memory_space<vmem>> -> memref<1x800xi32, #tpu.memory_space<vmem>>
    %dma_start3A_55 = tpu.memref_squeeze %dma_start3A_54 : memref<1x800xi32, #tpu.memory_space<vmem>> -> memref<800xi32, #tpu.memory_space<vmem>>
    %dma_start3A_56 = tpu.memref_slice %arg2[%dma_start3A_50, %add3A_35] : memref<2x3200000xi32, #tpu.memory_space<hbm>> -> memref<1x800xi32, #tpu.memory_space<hbm>>
    %dma_start3A_57 = tpu.memref_squeeze %dma_start3A_56 : memref<1x800xi32, #tpu.memory_space<hbm>> -> memref<800xi32, #tpu.memory_space<hbm>>
    %dma_start3A_58 = tpu.memref_slice %arg11[%dma_start3A_52] : memref<2x!tpu.dma_semaphore, #tpu.memory_space<semaphore_mem>> -> memref<1x!tpu.dma_semaphore, #tpu.memory_space<semaphore_mem>>
    %dma_start3A_59 = tpu.memref_squeeze %dma_start3A_58 : memref<1x!tpu.dma_semaphore, #tpu.memory_space<semaphore_mem>> -> memref<!tpu.dma_semaphore, #tpu.memory_space<semaphore_mem>>
    %dma_start3A_60 = arith.constant 0 : i32
    %dma_start3A_61 = tpu.memref_slice %arg7[%dma_start3A_51, %dma_start3A_60] : memref<2x800xi32, #tpu.memory_space<vmem>> -> memref<1x800xi32, #tpu.memory_space<vmem>>
    %dma_start3A_62 = tpu.memref_squeeze %dma_start3A_61 : memref<1x800xi32, #tpu.memory_space<vmem>> -> memref<800xi32, #tpu.memory_space<vmem>>
    %dma_start3A_63 = tpu.memref_slice %arg2[%dma_start3A_50, %add3A_35] : memref<2x3200000xi32, #tpu.memory_space<hbm>> -> memref<1x800xi32, #tpu.memory_space<hbm>>
    %dma_start3A_64 = tpu.memref_squeeze %dma_start3A_63 : memref<1x800xi32, #tpu.memory_space<hbm>> -> memref<800xi32, #tpu.memory_space<hbm>>
    tpu.enqueue_dma source(%dma_start3A_64 : memref<800xi32, #tpu.memory_space<hbm>>) target(%dma_start3A_62 : memref<800xi32, #tpu.memory_space<vmem>>) target_semaphore(%dma_start3A_59 : memref<!tpu.dma_semaphore, #tpu.memory_space<semaphore_mem>>)
    %dma_start3A_65 = arith.constant 0 : i32
    %dma_start3A_66 = arith.constant 0 : i32
    %dma_start3A_67 = arith.constant 0 : i32
    %dma_start3A_68 = tpu.memref_slice %arg8[%dma_start3A_65, %dma_start3A_67] : memref<2x800xf32, #tpu.memory_space<vmem>> -> memref<1x800xf32, #tpu.memory_space<vmem>>
    %dma_start3A_69 = tpu.memref_squeeze %dma_start3A_68 : memref<1x800xf32, #tpu.memory_space<vmem>> -> memref<800xf32, #tpu.memory_space<vmem>>
    %dma_start3A_70 = tpu.memref_slice %arg3[%add3A_35] : memref<3200000xf32, #tpu.memory_space<hbm>> -> memref<800xf32, #tpu.memory_space<hbm>>
    %dma_start3A_71 = tpu.memref_slice %arg11[%dma_start3A_66] : memref<2x!tpu.dma_semaphore, #tpu.memory_space<semaphore_mem>> -> memref<1x!tpu.dma_semaphore, #tpu.memory_space<semaphore_mem>>
    %dma_start3A_72 = tpu.memref_squeeze %dma_start3A_71 : memref<1x!tpu.dma_semaphore, #tpu.memory_space<semaphore_mem>> -> memref<!tpu.dma_semaphore, #tpu.memory_space<semaphore_mem>>
    %dma_start3A_73 = arith.constant 0 : i32
    %dma_start3A_74 = tpu.memref_slice %arg8[%dma_start3A_65, %dma_start3A_73] : memref<2x800xf32, #tpu.memory_space<vmem>> -> memref<1x800xf32, #tpu.memory_space<vmem>>
    %dma_start3A_75 = tpu.memref_squeeze %dma_start3A_74 : memref<1x800xf32, #tpu.memory_space<vmem>> -> memref<800xf32, #tpu.memory_space<vmem>>
    %dma_start3A_76 = tpu.memref_slice %arg3[%add3A_35] : memref<3200000xf32, #tpu.memory_space<hbm>> -> memref<800xf32, #tpu.memory_space<hbm>>
    tpu.enqueue_dma source(%dma_start3A_76 : memref<800xf32, #tpu.memory_space<hbm>>) target(%dma_start3A_75 : memref<800xf32, #tpu.memory_space<vmem>>) target_semaphore(%dma_start3A_72 : memref<!tpu.dma_semaphore, #tpu.memory_space<semaphore_mem>>)
    %scan3A_77 = arith.constant 0 : i32
    %scan3A_78 = arith.constant 0 : i32
    %scan3A_79 = arith.constant 125 : i32
    %scan3A_80 = arith.addi %scan3A_78, %scan3A_79 : i32
    %scan3A_81 = arith.constant 1 : i32
    %scan3A_82 = scf.for %scan3A_114 = %scan3A_78 to %scan3A_80 step %scan3A_81 iter_args(%scan3A_115 = %scan3A_77) -> (i32)  : i32 {
      %jit3A = arith.constant 2 : i32
      %eq3A = arith.constant 0 : i32
      %eq3A_116 = arith.cmpi eq, %jit3A, %eq3A : i32
      %jit3A_117 = arith.constant 1 : i32
      %select_n3A = arith.select %eq3A_116, %jit3A_117, %jit3A : i32
      %rem3A = arith.remsi %scan3A_114, %select_n3A : i32
      %ne3A = arith.constant 0 : i32
      %ne3A_118 = arith.cmpi ne, %rem3A, %ne3A : i32
      %lt3A = arith.constant 0 : i32
      %lt3A_119 = arith.cmpi slt, %rem3A, %lt3A : i32
      %lt3A_120 = arith.constant 0 : i32
      %lt3A_121 = arith.cmpi slt, %select_n3A, %lt3A_120 : i32
      %ne3A_122 = arith.xori %lt3A_119, %lt3A_121 : i1
      %and3A = arith.andi %ne3A_122, %ne3A_118 : i1
      %add3A_123 = arith.addi %rem3A, %select_n3A : i32
      %select_n3A_124 = arith.select %and3A, %add3A_123, %rem3A : i32
      %mul3A_125 = arith.constant 800 : i32
      %mul3A_126 = arith.muli %scan3A_114, %mul3A_125 : i32
      %add3A_127 = arith.addi %mul3A_2, %mul3A_126 : i32
      %dma_wait3A_128 = arith.constant 0 : i32
      %dma_wait3A_129 = arith.constant 0 : i32
      %dma_wait3A_130 = tpu.memref_slice %arg6[%select_n3A_124, %dma_wait3A_129] : memref<2x800xi32, #tpu.memory_space<vmem>> -> memref<1x800xi32, #tpu.memory_space<vmem>>
      %dma_wait3A_131 = tpu.memref_squeeze %dma_wait3A_130 : memref<1x800xi32, #tpu.memory_space<vmem>> -> memref<800xi32, #tpu.memory_space<vmem>>
      %dma_wait3A_132 = tpu.memref_slice %arg2[%dma_wait3A_128, %add3A_127] : memref<2x3200000xi32, #tpu.memory_space<hbm>> -> memref<1x800xi32, #tpu.memory_space<hbm>>
      %dma_wait3A_133 = tpu.memref_squeeze %dma_wait3A_132 : memref<1x800xi32, #tpu.memory_space<hbm>> -> memref<800xi32, #tpu.memory_space<hbm>>
      %dma_wait3A_134 = tpu.memref_slice %arg11[%select_n3A_124] : memref<2x!tpu.dma_semaphore, #tpu.memory_space<semaphore_mem>> -> memref<1x!tpu.dma_semaphore, #tpu.memory_space<semaphore_mem>>
      %dma_wait3A_135 = tpu.memref_squeeze %dma_wait3A_134 : memref<1x!tpu.dma_semaphore, #tpu.memory_space<semaphore_mem>> -> memref<!tpu.dma_semaphore, #tpu.memory_space<semaphore_mem>>
      %dma_wait3A_136 = arith.constant 0 : i32
      %dma_wait3A_137 = tpu.memref_slice %arg6[%select_n3A_124, %dma_wait3A_136] : memref<2x800xi32, #tpu.memory_space<vmem>> -> memref<1x800xi32, #tpu.memory_space<vmem>>
      %dma_wait3A_138 = tpu.memref_squeeze %dma_wait3A_137 : memref<1x800xi32, #tpu.memory_space<vmem>> -> memref<800xi32, #tpu.memory_space<vmem>>
      %dma_wait3A_139 = tpu.memref_slice %arg2[%dma_wait3A_128, %add3A_127] : memref<2x3200000xi32, #tpu.memory_space<hbm>> -> memref<1x800xi32, #tpu.memory_space<hbm>>
      %dma_wait3A_140 = tpu.memref_squeeze %dma_wait3A_139 : memref<1x800xi32, #tpu.memory_space<hbm>> -> memref<800xi32, #tpu.memory_space<hbm>>
      tpu.wait_dma2 semaphore(%dma_wait3A_135 : memref<!tpu.dma_semaphore, #tpu.memory_space<semaphore_mem>>) src(%dma_wait3A_140 : memref<800xi32, #tpu.memory_space<hbm>>) dst(%dma_wait3A_138 : memref<800xi32, #tpu.memory_space<vmem>>)
      %dma_wait3A_141 = arith.constant 1 : i32
      %dma_wait3A_142 = arith.constant 0 : i32
      %dma_wait3A_143 = tpu.memref_slice %arg7[%select_n3A_124, %dma_wait3A_142] : memref<2x800xi32, #tpu.memory_space<vmem>> -> memref<1x800xi32, #tpu.memory_space<vmem>>
      %dma_wait3A_144 = tpu.memref_squeeze %dma_wait3A_143 : memref<1x800xi32, #tpu.memory_space<vmem>> -> memref<800xi32, #tpu.memory_space<vmem>>
      %dma_wait3A_145 = tpu.memref_slice %arg2[%dma_wait3A_141, %add3A_127] : memref<2x3200000xi32, #tpu.memory_space<hbm>> -> memref<1x800xi32, #tpu.memory_space<hbm>>
      %dma_wait3A_146 = tpu.memref_squeeze %dma_wait3A_145 : memref<1x800xi32, #tpu.memory_space<hbm>> -> memref<800xi32, #tpu.memory_space<hbm>>
      %dma_wait3A_147 = tpu.memref_slice %arg11[%select_n3A_124] : memref<2x!tpu.dma_semaphore, #tpu.memory_space<semaphore_mem>> -> memref<1x!tpu.dma_semaphore, #tpu.memory_space<semaphore_mem>>
      %dma_wait3A_148 = tpu.memref_squeeze %dma_wait3A_147 : memref<1x!tpu.dma_semaphore, #tpu.memory_space<semaphore_mem>> -> memref<!tpu.dma_semaphore, #tpu.memory_space<semaphore_mem>>
      %dma_wait3A_149 = arith.constant 0 : i32
      %dma_wait3A_150 = tpu.memref_slice %arg7[%select_n3A_124, %dma_wait3A_149] : memref<2x800xi32, #tpu.memory_space<vmem>> -> memref<1x800xi32, #tpu.memory_space<vmem>>
      %dma_wait3A_151 = tpu.memref_squeeze %dma_wait3A_150 : memref<1x800xi32, #tpu.memory_space<vmem>> -> memref<800xi32, #tpu.memory_space<vmem>>
      %dma_wait3A_152 = tpu.memref_slice %arg2[%dma_wait3A_141, %add3A_127] : memref<2x3200000xi32, #tpu.memory_space<hbm>> -> memref<1x800xi32, #tpu.memory_space<hbm>>
      %dma_wait3A_153 = tpu.memref_squeeze %dma_wait3A_152 : memref<1x800xi32, #tpu.memory_space<hbm>> -> memref<800xi32, #tpu.memory_space<hbm>>
      tpu.wait_dma2 semaphore(%dma_wait3A_148 : memref<!tpu.dma_semaphore, #tpu.memory_space<semaphore_mem>>) src(%dma_wait3A_153 : memref<800xi32, #tpu.memory_space<hbm>>) dst(%dma_wait3A_151 : memref<800xi32, #tpu.memory_space<vmem>>)
      %dma_wait3A_154 = arith.constant 0 : i32
      %dma_wait3A_155 = tpu.memref_slice %arg8[%select_n3A_124, %dma_wait3A_154] : memref<2x800xf32, #tpu.memory_space<vmem>> -> memref<1x800xf32, #tpu.memory_space<vmem>>
      %dma_wait3A_156 = tpu.memref_squeeze %dma_wait3A_155 : memref<1x800xf32, #tpu.memory_space<vmem>> -> memref<800xf32, #tpu.memory_space<vmem>>
      %dma_wait3A_157 = tpu.memref_slice %arg3[%add3A_127] : memref<3200000xf32, #tpu.memory_space<hbm>> -> memref<800xf32, #tpu.memory_space<hbm>>
      %dma_wait3A_158 = tpu.memref_slice %arg11[%select_n3A_124] : memref<2x!tpu.dma_semaphore, #tpu.memory_space<semaphore_mem>> -> memref<1x!tpu.dma_semaphore, #tpu.memory_space<semaphore_mem>>
      %dma_wait3A_159 = tpu.memref_squeeze %dma_wait3A_158 : memref<1x!tpu.dma_semaphore, #tpu.memory_space<semaphore_mem>> -> memref<!tpu.dma_semaphore, #tpu.memory_space<semaphore_mem>>
      %dma_wait3A_160 = arith.constant 0 : i32
      %dma_wait3A_161 = tpu.memref_slice %arg8[%select_n3A_124, %dma_wait3A_160] : memref<2x800xf32, #tpu.memory_space<vmem>> -> memref<1x800xf32, #tpu.memory_space<vmem>>
      %dma_wait3A_162 = tpu.memref_squeeze %dma_wait3A_161 : memref<1x800xf32, #tpu.memory_space<vmem>> -> memref<800xf32, #tpu.memory_space<vmem>>
      %dma_wait3A_163 = tpu.memref_slice %arg3[%add3A_127] : memref<3200000xf32, #tpu.memory_space<hbm>> -> memref<800xf32, #tpu.memory_space<hbm>>
      tpu.wait_dma2 semaphore(%dma_wait3A_159 : memref<!tpu.dma_semaphore, #tpu.memory_space<semaphore_mem>>) src(%dma_wait3A_163 : memref<800xf32, #tpu.memory_space<hbm>>) dst(%dma_wait3A_162 : memref<800xf32, #tpu.memory_space<vmem>>)
      %dma_start3A_164 = arith.constant 0 : i32
      %dma_start3A_165 = arith.constant 0 : i32
      %dma_start3A_166 = tpu.memref_slice %arg9[%select_n3A_124, %dma_start3A_164, %dma_start3A_165] : memref<2x800x16xf32, #tpu.memory_space<vmem>> -> memref<1x800x16xf32, #tpu.memory_space<vmem>>
      %dma_start3A_167 = tpu.memref_squeeze %dma_start3A_166 : memref<1x800x16xf32, #tpu.memory_space<vmem>> -> memref<800x16xf32, #tpu.memory_space<vmem>>
      %dma_start3A_168 = arith.constant 0 : i32
      %dma_start3A_169 = tpu.memref_slice %arg6[%select_n3A_124, %dma_start3A_168] : memref<2x800xi32, #tpu.memory_space<vmem>> -> memref<1x800xi32, #tpu.memory_space<vmem>>
      %dma_start3A_170 = tpu.memref_squeeze %dma_start3A_169 : memref<1x800xi32, #tpu.memory_space<vmem>> -> memref<800xi32, #tpu.memory_space<vmem>>
      %dma_start3A_171 = arith.constant 0 : i32
      %dma_start3A_172 = arith.constant 0 : i32
      %dma_start3A_173 = tpu.memref_slice %arg4[%dma_start3A_171, %dma_start3A_172] : memref<100000x16xf32, #tpu.memory_space<hbm>> -> memref<100000x16xf32, #tpu.memory_space<hbm>>
      %dma_start3A_174 = tpu.memref_slice %arg12[%select_n3A_124] : memref<2x!tpu.dma_semaphore, #tpu.memory_space<semaphore_mem>> -> memref<1x!tpu.dma_semaphore, #tpu.memory_space<semaphore_mem>>
      %dma_start3A_175 = tpu.memref_squeeze %dma_start3A_174 : memref<1x!tpu.dma_semaphore, #tpu.memory_space<semaphore_mem>> -> memref<!tpu.dma_semaphore, #tpu.memory_space<semaphore_mem>>
      tpu.enqueue_indirect_dma source(%dma_start3A_173 : memref<100000x16xf32, #tpu.memory_space<hbm>>) target(%dma_start3A_167 : memref<800x16xf32, #tpu.memory_space<vmem>>) offsets(%dma_start3A_170 : memref<800xi32, #tpu.memory_space<vmem>>) semaphore(%dma_start3A_175 : memref<!tpu.dma_semaphore, #tpu.memory_space<semaphore_mem>>)
      %lt3A_176 = arith.constant 124 : i32
      %lt3A_177 = arith.cmpi slt, %scan3A_114, %lt3A_176 : i32
      %convert_element_type3A = arith.extui %lt3A_177 : i1 to i32
      %cond3A = arith.constant 0 : i32
      %cond3A_178 = arith.cmpi ne, %convert_element_type3A, %cond3A : i32
      scf.if %cond3A_178 {
        %ge3A = arith.constant 1 : i32
        %ge3A_211 = arith.cmpi sge, %scan3A_114, %ge3A : i32
        %convert_element_type3A_212 = arith.extui %ge3A_211 : i1 to i32
        %cond3A_213 = arith.constant 0 : i32
        %cond3A_214 = arith.cmpi ne, %convert_element_type3A_212, %cond3A_213 : i32
        scf.if %cond3A_214 {
          %sub3A_257 = arith.constant 1 : i32
          %sub3A_258 = arith.subi %sub3A_257, %select_n3A_124 : i32
          %sub3A_259 = arith.constant 1 : i32
          %sub3A_260 = arith.subi %sub3A_259, %select_n3A_124 : i32
          %sub3A_261 = arith.constant 1 : i32
          %sub3A_262 = arith.subi %sub3A_261, %select_n3A_124 : i32
          %dma_wait3A_263 = arith.constant 0 : i32
          %dma_wait3A_264 = arith.constant 0 : i32
          %dma_wait3A_265 = tpu.memref_slice %arg9[%sub3A_258, %dma_wait3A_263, %dma_wait3A_264] : memref<2x800x16xf32, #tpu.memory_space<vmem>> -> memref<1x800x16xf32, #tpu.memory_space<vmem>>
          %dma_wait3A_266 = tpu.memref_squeeze %dma_wait3A_265 : memref<1x800x16xf32, #tpu.memory_space<vmem>> -> memref<800x16xf32, #tpu.memory_space<vmem>>
          %dma_wait3A_267 = arith.constant 0 : i32
          %dma_wait3A_268 = tpu.memref_slice %arg7[%sub3A_260, %dma_wait3A_267] : memref<2x800xi32, #tpu.memory_space<vmem>> -> memref<1x800xi32, #tpu.memory_space<vmem>>
          %dma_wait3A_269 = tpu.memref_squeeze %dma_wait3A_268 : memref<1x800xi32, #tpu.memory_space<vmem>> -> memref<800xi32, #tpu.memory_space<vmem>>
          %dma_wait3A_270 = arith.constant 0 : i32
          %dma_wait3A_271 = arith.constant 0 : i32
          %dma_wait3A_272 = tpu.memref_slice %arg10[%dma_wait3A_270, %dma_wait3A_271] : memref<100352x16xf32, #tpu.memory_space<vmem_shared>> -> memref<100352x16xf32, #tpu.memory_space<vmem_shared>>
          %dma_wait3A_273 = tpu.memref_slice %arg13[%sub3A_262] : memref<2x!tpu.dma_semaphore, #tpu.memory_space<semaphore_mem>> -> memref<1x!tpu.dma_semaphore, #tpu.memory_space<semaphore_mem>>
          %dma_wait3A_274 = tpu.memref_squeeze %dma_wait3A_273 : memref<1x!tpu.dma_semaphore, #tpu.memory_space<semaphore_mem>> -> memref<!tpu.dma_semaphore, #tpu.memory_space<semaphore_mem>>
          tpu.wait_indirect_dma semaphore(%dma_wait3A_274 : memref<!tpu.dma_semaphore, #tpu.memory_space<semaphore_mem>>) src(%dma_wait3A_266 : memref<800x16xf32, #tpu.memory_space<vmem>>) dst(%dma_wait3A_272 : memref<100352x16xf32, #tpu.memory_space<vmem_shared>>)
        } else {
        }
        %add3A_215 = arith.constant 1 : i32
        %add3A_216 = arith.addi %scan3A_114, %add3A_215 : i32
        %sub3A = arith.constant 1 : i32
        %sub3A_217 = arith.subi %sub3A, %select_n3A_124 : i32
        %mul3A_218 = arith.constant 800 : i32
        %mul3A_219 = arith.muli %add3A_216, %mul3A_218 : i32
        %add3A_220 = arith.addi %mul3A_2, %mul3A_219 : i32
        %dma_start3A_221 = arith.constant 0 : i32
        %dma_start3A_222 = arith.constant 0 : i32
        %dma_start3A_223 = tpu.memref_slice %arg6[%sub3A_217, %dma_start3A_222] : memref<2x800xi32, #tpu.memory_space<vmem>> -> memref<1x800xi32, #tpu.memory_space<vmem>>
        %dma_start3A_224 = tpu.memref_squeeze %dma_start3A_223 : memref<1x800xi32, #tpu.memory_space<vmem>> -> memref<800xi32, #tpu.memory_space<vmem>>
        %dma_start3A_225 = tpu.memref_slice %arg2[%dma_start3A_221, %add3A_220] : memref<2x3200000xi32, #tpu.memory_space<hbm>> -> memref<1x800xi32, #tpu.memory_space<hbm>>
        %dma_start3A_226 = tpu.memref_squeeze %dma_start3A_225 : memref<1x800xi32, #tpu.memory_space<hbm>> -> memref<800xi32, #tpu.memory_space<hbm>>
        %dma_start3A_227 = tpu.memref_slice %arg11[%sub3A_217] : memref<2x!tpu.dma_semaphore, #tpu.memory_space<semaphore_mem>> -> memref<1x!tpu.dma_semaphore, #tpu.memory_space<semaphore_mem>>
        %dma_start3A_228 = tpu.memref_squeeze %dma_start3A_227 : memref<1x!tpu.dma_semaphore, #tpu.memory_space<semaphore_mem>> -> memref<!tpu.dma_semaphore, #tpu.memory_space<semaphore_mem>>
        %dma_start3A_229 = arith.constant 0 : i32
        %dma_start3A_230 = tpu.memref_slice %arg6[%sub3A_217, %dma_start3A_229] : memref<2x800xi32, #tpu.memory_space<vmem>> -> memref<1x800xi32, #tpu.memory_space<vmem>>
        %dma_start3A_231 = tpu.memref_squeeze %dma_start3A_230 : memref<1x800xi32, #tpu.memory_space<vmem>> -> memref<800xi32, #tpu.memory_space<vmem>>
        %dma_start3A_232 = tpu.memref_slice %arg2[%dma_start3A_221, %add3A_220] : memref<2x3200000xi32, #tpu.memory_space<hbm>> -> memref<1x800xi32, #tpu.memory_space<hbm>>
        %dma_start3A_233 = tpu.memref_squeeze %dma_start3A_232 : memref<1x800xi32, #tpu.memory_space<hbm>> -> memref<800xi32, #tpu.memory_space<hbm>>
        tpu.enqueue_dma source(%dma_start3A_233 : memref<800xi32, #tpu.memory_space<hbm>>) target(%dma_start3A_231 : memref<800xi32, #tpu.memory_space<vmem>>) target_semaphore(%dma_start3A_228 : memref<!tpu.dma_semaphore, #tpu.memory_space<semaphore_mem>>)
        %dma_start3A_234 = arith.constant 1 : i32
        %dma_start3A_235 = arith.constant 0 : i32
        %dma_start3A_236 = tpu.memref_slice %arg7[%sub3A_217, %dma_start3A_235] : memref<2x800xi32, #tpu.memory_space<vmem>> -> memref<1x800xi32, #tpu.memory_space<vmem>>
        %dma_start3A_237 = tpu.memref_squeeze %dma_start3A_236 : memref<1x800xi32, #tpu.memory_space<vmem>> -> memref<800xi32, #tpu.memory_space<vmem>>
        %dma_start3A_238 = tpu.memref_slice %arg2[%dma_start3A_234, %add3A_220] : memref<2x3200000xi32, #tpu.memory_space<hbm>> -> memref<1x800xi32, #tpu.memory_space<hbm>>
        %dma_start3A_239 = tpu.memref_squeeze %dma_start3A_238 : memref<1x800xi32, #tpu.memory_space<hbm>> -> memref<800xi32, #tpu.memory_space<hbm>>
        %dma_start3A_240 = tpu.memref_slice %arg11[%sub3A_217] : memref<2x!tpu.dma_semaphore, #tpu.memory_space<semaphore_mem>> -> memref<1x!tpu.dma_semaphore, #tpu.memory_space<semaphore_mem>>
        %dma_start3A_241 = tpu.memref_squeeze %dma_start3A_240 : memref<1x!tpu.dma_semaphore, #tpu.memory_space<semaphore_mem>> -> memref<!tpu.dma_semaphore, #tpu.memory_space<semaphore_mem>>
        %dma_start3A_242 = arith.constant 0 : i32
        %dma_start3A_243 = tpu.memref_slice %arg7[%sub3A_217, %dma_start3A_242] : memref<2x800xi32, #tpu.memory_space<vmem>> -> memref<1x800xi32, #tpu.memory_space<vmem>>
        %dma_start3A_244 = tpu.memref_squeeze %dma_start3A_243 : memref<1x800xi32, #tpu.memory_space<vmem>> -> memref<800xi32, #tpu.memory_space<vmem>>
        %dma_start3A_245 = tpu.memref_slice %arg2[%dma_start3A_234, %add3A_220] : memref<2x3200000xi32, #tpu.memory_space<hbm>> -> memref<1x800xi32, #tpu.memory_space<hbm>>
        %dma_start3A_246 = tpu.memref_squeeze %dma_start3A_245 : memref<1x800xi32, #tpu.memory_space<hbm>> -> memref<800xi32, #tpu.memory_space<hbm>>
        tpu.enqueue_dma source(%dma_start3A_246 : memref<800xi32, #tpu.memory_space<hbm>>) target(%dma_start3A_244 : memref<800xi32, #tpu.memory_space<vmem>>) target_semaphore(%dma_start3A_241 : memref<!tpu.dma_semaphore, #tpu.memory_space<semaphore_mem>>)
        %dma_start3A_247 = arith.constant 0 : i32
        %dma_start3A_248 = tpu.memref_slice %arg8[%sub3A_217, %dma_start3A_247] : memref<2x800xf32, #tpu.memory_space<vmem>> -> memref<1x800xf32, #tpu.memory_space<vmem>>
        %dma_start3A_249 = tpu.memref_squeeze %dma_start3A_248 : memref<1x800xf32, #tpu.memory_space<vmem>> -> memref<800xf32, #tpu.memory_space<vmem>>
        %dma_start3A_250 = tpu.memref_slice %arg3[%add3A_220] : memref<3200000xf32, #tpu.memory_space<hbm>> -> memref<800xf32, #tpu.memory_space<hbm>>
        %dma_start3A_251 = tpu.memref_slice %arg11[%sub3A_217] : memref<2x!tpu.dma_semaphore, #tpu.memory_space<semaphore_mem>> -> memref<1x!tpu.dma_semaphore, #tpu.memory_space<semaphore_mem>>
        %dma_start3A_252 = tpu.memref_squeeze %dma_start3A_251 : memref<1x!tpu.dma_semaphore, #tpu.memory_space<semaphore_mem>> -> memref<!tpu.dma_semaphore, #tpu.memory_space<semaphore_mem>>
        %dma_start3A_253 = arith.constant 0 : i32
        %dma_start3A_254 = tpu.memref_slice %arg8[%sub3A_217, %dma_start3A_253] : memref<2x800xf32, #tpu.memory_space<vmem>> -> memref<1x800xf32, #tpu.memory_space<vmem>>
        %dma_start3A_255 = tpu.memref_squeeze %dma_start3A_254 : memref<1x800xf32, #tpu.memory_space<vmem>> -> memref<800xf32, #tpu.memory_space<vmem>>
        %dma_start3A_256 = tpu.memref_slice %arg3[%add3A_220] : memref<3200000xf32, #tpu.memory_space<hbm>> -> memref<800xf32, #tpu.memory_space<hbm>>
        tpu.enqueue_dma source(%dma_start3A_256 : memref<800xf32, #tpu.memory_space<hbm>>) target(%dma_start3A_255 : memref<800xf32, #tpu.memory_space<vmem>>) target_semaphore(%dma_start3A_252 : memref<!tpu.dma_semaphore, #tpu.memory_space<semaphore_mem>>)
      } else {
      }
      %dma_wait3A_179 = arith.constant 0 : i32
      %dma_wait3A_180 = arith.constant 0 : i32
      %dma_wait3A_181 = tpu.memref_slice %arg9[%select_n3A_124, %dma_wait3A_179, %dma_wait3A_180] : memref<2x800x16xf32, #tpu.memory_space<vmem>> -> memref<1x800x16xf32, #tpu.memory_space<vmem>>
      %dma_wait3A_182 = tpu.memref_squeeze %dma_wait3A_181 : memref<1x800x16xf32, #tpu.memory_space<vmem>> -> memref<800x16xf32, #tpu.memory_space<vmem>>
      %dma_wait3A_183 = arith.constant 0 : i32
      %dma_wait3A_184 = tpu.memref_slice %arg6[%select_n3A_124, %dma_wait3A_183] : memref<2x800xi32, #tpu.memory_space<vmem>> -> memref<1x800xi32, #tpu.memory_space<vmem>>
      %dma_wait3A_185 = tpu.memref_squeeze %dma_wait3A_184 : memref<1x800xi32, #tpu.memory_space<vmem>> -> memref<800xi32, #tpu.memory_space<vmem>>
      %dma_wait3A_186 = arith.constant 0 : i32
      %dma_wait3A_187 = arith.constant 0 : i32
      %dma_wait3A_188 = tpu.memref_slice %arg4[%dma_wait3A_186, %dma_wait3A_187] : memref<100000x16xf32, #tpu.memory_space<hbm>> -> memref<100000x16xf32, #tpu.memory_space<hbm>>
      %dma_wait3A_189 = tpu.memref_slice %arg12[%select_n3A_124] : memref<2x!tpu.dma_semaphore, #tpu.memory_space<semaphore_mem>> -> memref<1x!tpu.dma_semaphore, #tpu.memory_space<semaphore_mem>>
      %dma_wait3A_190 = tpu.memref_squeeze %dma_wait3A_189 : memref<1x!tpu.dma_semaphore, #tpu.memory_space<semaphore_mem>> -> memref<!tpu.dma_semaphore, #tpu.memory_space<semaphore_mem>>
      tpu.wait_indirect_dma semaphore(%dma_wait3A_190 : memref<!tpu.dma_semaphore, #tpu.memory_space<semaphore_mem>>) src(%dma_wait3A_188 : memref<100000x16xf32, #tpu.memory_space<hbm>>) dst(%dma_wait3A_182 : memref<800x16xf32, #tpu.memory_space<vmem>>)
      %scan3A_191 = arith.constant 0 : i32
      %scan3A_192 = arith.constant 0 : i32
      %scan3A_193 = arith.constant 50 : i32
      %scan3A_194 = arith.addi %scan3A_192, %scan3A_193 : i32
      %scan3A_195 = arith.constant 1 : i32
      %scan3A_196 = scf.for %scan3A_211 = %scan3A_192 to %scan3A_194 step %scan3A_195 iter_args(%scan3A_212 = %scan3A_191) -> (i32)  : i32 {
        %mul3A_213 = arith.constant 16 : i32
        %mul3A_214 = arith.muli %scan3A_211, %mul3A_213 : i32
        %get3A = arith.index_cast %select_n3A_124 : i32 to index
        %get3A_215 = arith.index_cast %mul3A_214 : i32 to index
        %get3A_216 = tpu.vector_load %arg8[%get3A, %get3A_215] {strides = array<i32>} : memref<2x800xf32, #tpu.memory_space<vmem>>, vector<1x16xf32>,
        %get3A_217 = vector.shape_cast %get3A_216 : vector<1x16xf32> to vector<16xf32>
        %add3A_218 = arith.constant 0 : i32
        %add3A_219 = arith.addi %mul3A_214, %add3A_218 : i32
        %get3A_220 = arith.index_cast %select_n3A_124 : i32 to index
        %get3A_221 = arith.index_cast %add3A_219 : i32 to index
        %get3A_222 = arith.constant 0 : index
        %get3A_223 = tpu.vector_load %arg9[%get3A_220, %get3A_221, %get3A_222] {strides = array<i32>} : memref<2x800x16xf32, #tpu.memory_space<vmem>>, vector<1x1x16xf32>,
        %get3A_224 = vector.shape_cast %get3A_223 : vector<1x1x16xf32> to vector<16xf32>
        %slice3A = vector.extract_strided_slice %get3A_217 {offsets = [0], sizes = [1], strides = [1]} : vector<16xf32> to vector<1xf32>
        %squeeze3A = vector.extract %slice3A[0] : f32 from vector<1xf32>
        %mul3A_225 = vector.broadcast %squeeze3A : f32 to vector<16xf32>
        %mul3A_226 = arith.mulf %get3A_224, %mul3A_225 : vector<16xf32>
        %add3A_227 = arith.constant 0 : i32
        %add3A_228 = arith.addi %mul3A_214, %add3A_227 : i32
        %swap3A = arith.index_cast %select_n3A_124 : i32 to index
        %swap3A_229 = arith.index_cast %add3A_228 : i32 to index
        %swap3A_230 = arith.constant 0 : index
        %swap3A_231 = tpu.vector_load %arg9[%swap3A, %swap3A_229, %swap3A_230] {strides = array<i32>} : memref<2x800x16xf32, #tpu.memory_space<vmem>>, vector<1x1x16xf32>,
        %swap3A_232 = vector.shape_cast %swap3A_231 : vector<1x1x16xf32> to vector<16xf32>
        %swap3A_233 = vector.shape_cast %mul3A_226 : vector<16xf32> to vector<1x1x16xf32>
        tpu.vector_store %arg9[%swap3A, %swap3A_229, %swap3A_230], %swap3A_233 {strides = array<i32>} : memref<2x800x16xf32, #tpu.memory_space<vmem>>, vector<1x1x16xf32>,
        %add3A_234 = arith.constant 1 : i32
        %add3A_235 = arith.addi %mul3A_214, %add3A_234 : i32
        %get3A_236 = arith.index_cast %select_n3A_124 : i32 to index
        %get3A_237 = arith.index_cast %add3A_235 : i32 to index
        %get3A_238 = arith.constant 0 : index
        %get3A_239 = tpu.vector_load %arg9[%get3A_236, %get3A_237, %get3A_238] {strides = array<i32>} : memref<2x800x16xf32, #tpu.memory_space<vmem>>, vector<1x1x16xf32>,
        %get3A_240 = vector.shape_cast %get3A_239 : vector<1x1x16xf32> to vector<16xf32>
        %slice3A_241 = vector.extract_strided_slice %get3A_217 {offsets = [1], sizes = [1], strides = [1]} : vector<16xf32> to vector<1xf32>
        %squeeze3A_242 = vector.extract %slice3A_241[0] : f32 from vector<1xf32>
        %mul3A_243 = vector.broadcast %squeeze3A_242 : f32 to vector<16xf32>
        %mul3A_244 = arith.mulf %get3A_240, %mul3A_243 : vector<16xf32>
        %add3A_245 = arith.constant 1 : i32
        %add3A_246 = arith.addi %mul3A_214, %add3A_245 : i32
        %swap3A_247 = arith.index_cast %select_n3A_124 : i32 to index
        %swap3A_248 = arith.index_cast %add3A_246 : i32 to index
        %swap3A_249 = arith.constant 0 : index
        %swap3A_250 = tpu.vector_load %arg9[%swap3A_247, %swap3A_248, %swap3A_249] {strides = array<i32>} : memref<2x800x16xf32, #tpu.memory_space<vmem>>, vector<1x1x16xf32>,
        %swap3A_251 = vector.shape_cast %swap3A_250 : vector<1x1x16xf32> to vector<16xf32>
        %swap3A_252 = vector.shape_cast %mul3A_244 : vector<16xf32> to vector<1x1x16xf32>
        tpu.vector_store %arg9[%swap3A_247, %swap3A_248, %swap3A_249], %swap3A_252 {strides = array<i32>} : memref<2x800x16xf32, #tpu.memory_space<vmem>>, vector<1x1x16xf32>,
        %add3A_253 = arith.constant 2 : i32
        %add3A_254 = arith.addi %mul3A_214, %add3A_253 : i32
        %get3A_255 = arith.index_cast %select_n3A_124 : i32 to index
        %get3A_256 = arith.index_cast %add3A_254 : i32 to index
        %get3A_257 = arith.constant 0 : index
        %get3A_258 = tpu.vector_load %arg9[%get3A_255, %get3A_256, %get3A_257] {strides = array<i32>} : memref<2x800x16xf32, #tpu.memory_space<vmem>>, vector<1x1x16xf32>,
        %get3A_259 = vector.shape_cast %get3A_258 : vector<1x1x16xf32> to vector<16xf32>
        %slice3A_260 = vector.extract_strided_slice %get3A_217 {offsets = [2], sizes = [1], strides = [1]} : vector<16xf32> to vector<1xf32>
        %squeeze3A_261 = vector.extract %slice3A_260[0] : f32 from vector<1xf32>
        %mul3A_262 = vector.broadcast %squeeze3A_261 : f32 to vector<16xf32>
        %mul3A_263 = arith.mulf %get3A_259, %mul3A_262 : vector<16xf32>
        %add3A_264 = arith.constant 2 : i32
        %add3A_265 = arith.addi %mul3A_214, %add3A_264 : i32
        %swap3A_266 = arith.index_cast %select_n3A_124 : i32 to index
        %swap3A_267 = arith.index_cast %add3A_265 : i32 to index
        %swap3A_268 = arith.constant 0 : index
        %swap3A_269 = tpu.vector_load %arg9[%swap3A_266, %swap3A_267, %swap3A_268] {strides = array<i32>} : memref<2x800x16xf32, #tpu.memory_space<vmem>>, vector<1x1x16xf32>,
        %swap3A_270 = vector.shape_cast %swap3A_269 : vector<1x1x16xf32> to vector<16xf32>
        %swap3A_271 = vector.shape_cast %mul3A_263 : vector<16xf32> to vector<1x1x16xf32>
        tpu.vector_store %arg9[%swap3A_266, %swap3A_267, %swap3A_268], %swap3A_271 {strides = array<i32>} : memref<2x800x16xf32, #tpu.memory_space<vmem>>, vector<1x1x16xf32>,
        %add3A_272 = arith.constant 3 : i32
        %add3A_273 = arith.addi %mul3A_214, %add3A_272 : i32
        %get3A_274 = arith.index_cast %select_n3A_124 : i32 to index
        %get3A_275 = arith.index_cast %add3A_273 : i32 to index
        %get3A_276 = arith.constant 0 : index
        %get3A_277 = tpu.vector_load %arg9[%get3A_274, %get3A_275, %get3A_276] {strides = array<i32>} : memref<2x800x16xf32, #tpu.memory_space<vmem>>, vector<1x1x16xf32>,
        %get3A_278 = vector.shape_cast %get3A_277 : vector<1x1x16xf32> to vector<16xf32>
        %slice3A_279 = vector.extract_strided_slice %get3A_217 {offsets = [3], sizes = [1], strides = [1]} : vector<16xf32> to vector<1xf32>
        %squeeze3A_280 = vector.extract %slice3A_279[0] : f32 from vector<1xf32>
        %mul3A_281 = vector.broadcast %squeeze3A_280 : f32 to vector<16xf32>
        %mul3A_282 = arith.mulf %get3A_278, %mul3A_281 : vector<16xf32>
        %add3A_283 = arith.constant 3 : i32
        %add3A_284 = arith.addi %mul3A_214, %add3A_283 : i32
        %swap3A_285 = arith.index_cast %select_n3A_124 : i32 to index
        %swap3A_286 = arith.index_cast %add3A_284 : i32 to index
        %swap3A_287 = arith.constant 0 : index
        %swap3A_288 = tpu.vector_load %arg9[%swap3A_285, %swap3A_286, %swap3A_287] {strides = array<i32>} : memref<2x800x16xf32, #tpu.memory_space<vmem>>, vector<1x1x16xf32>,
        %swap3A_289 = vector.shape_cast %swap3A_288 : vector<1x1x16xf32> to vector<16xf32>
        %swap3A_290 = vector.shape_cast %mul3A_282 : vector<16xf32> to vector<1x1x16xf32>
        tpu.vector_store %arg9[%swap3A_285, %swap3A_286, %swap3A_287], %swap3A_290 {strides = array<i32>} : memref<2x800x16xf32, #tpu.memory_space<vmem>>, vector<1x1x16xf32>,
        %add3A_291 = arith.constant 4 : i32
        %add3A_292 = arith.addi %mul3A_214, %add3A_291 : i32
        %get3A_293 = arith.index_cast %select_n3A_124 : i32 to index
        %get3A_294 = arith.index_cast %add3A_292 : i32 to index
        %get3A_295 = arith.constant 0 : index
        %get3A_296 = tpu.vector_load %arg9[%get3A_293, %get3A_294, %get3A_295] {strides = array<i32>} : memref<2x800x16xf32, #tpu.memory_space<vmem>>, vector<1x1x16xf32>,
        %get3A_297 = vector.shape_cast %get3A_296 : vector<1x1x16xf32> to vector<16xf32>
        %slice3A_298 = vector.extract_strided_slice %get3A_217 {offsets = [4], sizes = [1], strides = [1]} : vector<16xf32> to vector<1xf32>
        %squeeze3A_299 = vector.extract %slice3A_298[0] : f32 from vector<1xf32>
        %mul3A_300 = vector.broadcast %squeeze3A_299 : f32 to vector<16xf32>
        %mul3A_301 = arith.mulf %get3A_297, %mul3A_300 : vector<16xf32>
        %add3A_302 = arith.constant 4 : i32
        %add3A_303 = arith.addi %mul3A_214, %add3A_302 : i32
        %swap3A_304 = arith.index_cast %select_n3A_124 : i32 to index
        %swap3A_305 = arith.index_cast %add3A_303 : i32 to index
        %swap3A_306 = arith.constant 0 : index
        %swap3A_307 = tpu.vector_load %arg9[%swap3A_304, %swap3A_305, %swap3A_306] {strides = array<i32>} : memref<2x800x16xf32, #tpu.memory_space<vmem>>, vector<1x1x16xf32>,
        %swap3A_308 = vector.shape_cast %swap3A_307 : vector<1x1x16xf32> to vector<16xf32>
        %swap3A_309 = vector.shape_cast %mul3A_301 : vector<16xf32> to vector<1x1x16xf32>
        tpu.vector_store %arg9[%swap3A_304, %swap3A_305, %swap3A_306], %swap3A_309 {strides = array<i32>} : memref<2x800x16xf32, #tpu.memory_space<vmem>>, vector<1x1x16xf32>,
        %add3A_310 = arith.constant 5 : i32
        %add3A_311 = arith.addi %mul3A_214, %add3A_310 : i32
        %get3A_312 = arith.index_cast %select_n3A_124 : i32 to index
        %get3A_313 = arith.index_cast %add3A_311 : i32 to index
        %get3A_314 = arith.constant 0 : index
        %get3A_315 = tpu.vector_load %arg9[%get3A_312, %get3A_313, %get3A_314] {strides = array<i32>} : memref<2x800x16xf32, #tpu.memory_space<vmem>>, vector<1x1x16xf32>,
        %get3A_316 = vector.shape_cast %get3A_315 : vector<1x1x16xf32> to vector<16xf32>
        %slice3A_317 = vector.extract_strided_slice %get3A_217 {offsets = [5], sizes = [1], strides = [1]} : vector<16xf32> to vector<1xf32>
        %squeeze3A_318 = vector.extract %slice3A_317[0] : f32 from vector<1xf32>
        %mul3A_319 = vector.broadcast %squeeze3A_318 : f32 to vector<16xf32>
        %mul3A_320 = arith.mulf %get3A_316, %mul3A_319 : vector<16xf32>
        %add3A_321 = arith.constant 5 : i32
        %add3A_322 = arith.addi %mul3A_214, %add3A_321 : i32
        %swap3A_323 = arith.index_cast %select_n3A_124 : i32 to index
        %swap3A_324 = arith.index_cast %add3A_322 : i32 to index
        %swap3A_325 = arith.constant 0 : index
        %swap3A_326 = tpu.vector_load %arg9[%swap3A_323, %swap3A_324, %swap3A_325] {strides = array<i32>} : memref<2x800x16xf32, #tpu.memory_space<vmem>>, vector<1x1x16xf32>,
        %swap3A_327 = vector.shape_cast %swap3A_326 : vector<1x1x16xf32> to vector<16xf32>
        %swap3A_328 = vector.shape_cast %mul3A_320 : vector<16xf32> to vector<1x1x16xf32>
        tpu.vector_store %arg9[%swap3A_323, %swap3A_324, %swap3A_325], %swap3A_328 {strides = array<i32>} : memref<2x800x16xf32, #tpu.memory_space<vmem>>, vector<1x1x16xf32>,
        %add3A_329 = arith.constant 6 : i32
        %add3A_330 = arith.addi %mul3A_214, %add3A_329 : i32
        %get3A_331 = arith.index_cast %select_n3A_124 : i32 to index
        %get3A_332 = arith.index_cast %add3A_330 : i32 to index
        %get3A_333 = arith.constant 0 : index
        %get3A_334 = tpu.vector_load %arg9[%get3A_331, %get3A_332, %get3A_333] {strides = array<i32>} : memref<2x800x16xf32, #tpu.memory_space<vmem>>, vector<1x1x16xf32>,
        %get3A_335 = vector.shape_cast %get3A_334 : vector<1x1x16xf32> to vector<16xf32>
        %slice3A_336 = vector.extract_strided_slice %get3A_217 {offsets = [6], sizes = [1], strides = [1]} : vector<16xf32> to vector<1xf32>
        %squeeze3A_337 = vector.extract %slice3A_336[0] : f32 from vector<1xf32>
        %mul3A_338 = vector.broadcast %squeeze3A_337 : f32 to vector<16xf32>
        %mul3A_339 = arith.mulf %get3A_335, %mul3A_338 : vector<16xf32>
        %add3A_340 = arith.constant 6 : i32
        %add3A_341 = arith.addi %mul3A_214, %add3A_340 : i32
        %swap3A_342 = arith.index_cast %select_n3A_124 : i32 to index
        %swap3A_343 = arith.index_cast %add3A_341 : i32 to index
        %swap3A_344 = arith.constant 0 : index
        %swap3A_345 = tpu.vector_load %arg9[%swap3A_342, %swap3A_343, %swap3A_344] {strides = array<i32>} : memref<2x800x16xf32, #tpu.memory_space<vmem>>, vector<1x1x16xf32>,
        %swap3A_346 = vector.shape_cast %swap3A_345 : vector<1x1x16xf32> to vector<16xf32>
        %swap3A_347 = vector.shape_cast %mul3A_339 : vector<16xf32> to vector<1x1x16xf32>
        tpu.vector_store %arg9[%swap3A_342, %swap3A_343, %swap3A_344], %swap3A_347 {strides = array<i32>} : memref<2x800x16xf32, #tpu.memory_space<vmem>>, vector<1x1x16xf32>,
        %add3A_348 = arith.constant 7 : i32
        %add3A_349 = arith.addi %mul3A_214, %add3A_348 : i32
        %get3A_350 = arith.index_cast %select_n3A_124 : i32 to index
        %get3A_351 = arith.index_cast %add3A_349 : i32 to index
        %get3A_352 = arith.constant 0 : index
        %get3A_353 = tpu.vector_load %arg9[%get3A_350, %get3A_351, %get3A_352] {strides = array<i32>} : memref<2x800x16xf32, #tpu.memory_space<vmem>>, vector<1x1x16xf32>,
        %get3A_354 = vector.shape_cast %get3A_353 : vector<1x1x16xf32> to vector<16xf32>
        %slice3A_355 = vector.extract_strided_slice %get3A_217 {offsets = [7], sizes = [1], strides = [1]} : vector<16xf32> to vector<1xf32>
        %squeeze3A_356 = vector.extract %slice3A_355[0] : f32 from vector<1xf32>
        %mul3A_357 = vector.broadcast %squeeze3A_356 : f32 to vector<16xf32>
        %mul3A_358 = arith.mulf %get3A_354, %mul3A_357 : vector<16xf32>
        %add3A_359 = arith.constant 7 : i32
        %add3A_360 = arith.addi %mul3A_214, %add3A_359 : i32
        %swap3A_361 = arith.index_cast %select_n3A_124 : i32 to index
        %swap3A_362 = arith.index_cast %add3A_360 : i32 to index
        %swap3A_363 = arith.constant 0 : index
        %swap3A_364 = tpu.vector_load %arg9[%swap3A_361, %swap3A_362, %swap3A_363] {strides = array<i32>} : memref<2x800x16xf32, #tpu.memory_space<vmem>>, vector<1x1x16xf32>,
        %swap3A_365 = vector.shape_cast %swap3A_364 : vector<1x1x16xf32> to vector<16xf32>
        %swap3A_366 = vector.shape_cast %mul3A_358 : vector<16xf32> to vector<1x1x16xf32>
        tpu.vector_store %arg9[%swap3A_361, %swap3A_362, %swap3A_363], %swap3A_366 {strides = array<i32>} : memref<2x800x16xf32, #tpu.memory_space<vmem>>, vector<1x1x16xf32>,
        %add3A_367 = arith.constant 8 : i32
        %add3A_368 = arith.addi %mul3A_214, %add3A_367 : i32
        %get3A_369 = arith.index_cast %select_n3A_124 : i32 to index
        %get3A_370 = arith.index_cast %add3A_368 : i32 to index
        %get3A_371 = arith.constant 0 : index
        %get3A_372 = tpu.vector_load %arg9[%get3A_369, %get3A_370, %get3A_371] {strides = array<i32>} : memref<2x800x16xf32, #tpu.memory_space<vmem>>, vector<1x1x16xf32>,
        %get3A_373 = vector.shape_cast %get3A_372 : vector<1x1x16xf32> to vector<16xf32>
        %slice3A_374 = vector.extract_strided_slice %get3A_217 {offsets = [8], sizes = [1], strides = [1]} : vector<16xf32> to vector<1xf32>
        %squeeze3A_375 = vector.extract %slice3A_374[0] : f32 from vector<1xf32>
        %mul3A_376 = vector.broadcast %squeeze3A_375 : f32 to vector<16xf32>
        %mul3A_377 = arith.mulf %get3A_373, %mul3A_376 : vector<16xf32>
        %add3A_378 = arith.constant 8 : i32
        %add3A_379 = arith.addi %mul3A_214, %add3A_378 : i32
        %swap3A_380 = arith.index_cast %select_n3A_124 : i32 to index
        %swap3A_381 = arith.index_cast %add3A_379 : i32 to index
        %swap3A_382 = arith.constant 0 : index
        %swap3A_383 = tpu.vector_load %arg9[%swap3A_380, %swap3A_381, %swap3A_382] {strides = array<i32>} : memref<2x800x16xf32, #tpu.memory_space<vmem>>, vector<1x1x16xf32>,
        %swap3A_384 = vector.shape_cast %swap3A_383 : vector<1x1x16xf32> to vector<16xf32>
        %swap3A_385 = vector.shape_cast %mul3A_377 : vector<16xf32> to vector<1x1x16xf32>
        tpu.vector_store %arg9[%swap3A_380, %swap3A_381, %swap3A_382], %swap3A_385 {strides = array<i32>} : memref<2x800x16xf32, #tpu.memory_space<vmem>>, vector<1x1x16xf32>,
        %add3A_386 = arith.constant 9 : i32
        %add3A_387 = arith.addi %mul3A_214, %add3A_386 : i32
        %get3A_388 = arith.index_cast %select_n3A_124 : i32 to index
        %get3A_389 = arith.index_cast %add3A_387 : i32 to index
        %get3A_390 = arith.constant 0 : index
        %get3A_391 = tpu.vector_load %arg9[%get3A_388, %get3A_389, %get3A_390] {strides = array<i32>} : memref<2x800x16xf32, #tpu.memory_space<vmem>>, vector<1x1x16xf32>,
        %get3A_392 = vector.shape_cast %get3A_391 : vector<1x1x16xf32> to vector<16xf32>
        %slice3A_393 = vector.extract_strided_slice %get3A_217 {offsets = [9], sizes = [1], strides = [1]} : vector<16xf32> to vector<1xf32>
        %squeeze3A_394 = vector.extract %slice3A_393[0] : f32 from vector<1xf32>
        %mul3A_395 = vector.broadcast %squeeze3A_394 : f32 to vector<16xf32>
        %mul3A_396 = arith.mulf %get3A_392, %mul3A_395 : vector<16xf32>
        %add3A_397 = arith.constant 9 : i32
        %add3A_398 = arith.addi %mul3A_214, %add3A_397 : i32
        %swap3A_399 = arith.index_cast %select_n3A_124 : i32 to index
        %swap3A_400 = arith.index_cast %add3A_398 : i32 to index
        %swap3A_401 = arith.constant 0 : index
        %swap3A_402 = tpu.vector_load %arg9[%swap3A_399, %swap3A_400, %swap3A_401] {strides = array<i32>} : memref<2x800x16xf32, #tpu.memory_space<vmem>>, vector<1x1x16xf32>,
        %swap3A_403 = vector.shape_cast %swap3A_402 : vector<1x1x16xf32> to vector<16xf32>
        %swap3A_404 = vector.shape_cast %mul3A_396 : vector<16xf32> to vector<1x1x16xf32>
        tpu.vector_store %arg9[%swap3A_399, %swap3A_400, %swap3A_401], %swap3A_404 {strides = array<i32>} : memref<2x800x16xf32, #tpu.memory_space<vmem>>, vector<1x1x16xf32>,
        %add3A_405 = arith.constant 10 : i32
        %add3A_406 = arith.addi %mul3A_214, %add3A_405 : i32
        %get3A_407 = arith.index_cast %select_n3A_124 : i32 to index
        %get3A_408 = arith.index_cast %add3A_406 : i32 to index
        %get3A_409 = arith.constant 0 : index
        %get3A_410 = tpu.vector_load %arg9[%get3A_407, %get3A_408, %get3A_409] {strides = array<i32>} : memref<2x800x16xf32, #tpu.memory_space<vmem>>, vector<1x1x16xf32>,
        %get3A_411 = vector.shape_cast %get3A_410 : vector<1x1x16xf32> to vector<16xf32>
        %slice3A_412 = vector.extract_strided_slice %get3A_217 {offsets = [10], sizes = [1], strides = [1]} : vector<16xf32> to vector<1xf32>
        %squeeze3A_413 = vector.extract %slice3A_412[0] : f32 from vector<1xf32>
        %mul3A_414 = vector.broadcast %squeeze3A_413 : f32 to vector<16xf32>
        %mul3A_415 = arith.mulf %get3A_411, %mul3A_414 : vector<16xf32>
        %add3A_416 = arith.constant 10 : i32
        %add3A_417 = arith.addi %mul3A_214, %add3A_416 : i32
        %swap3A_418 = arith.index_cast %select_n3A_124 : i32 to index
        %swap3A_419 = arith.index_cast %add3A_417 : i32 to index
        %swap3A_420 = arith.constant 0 : index
        %swap3A_421 = tpu.vector_load %arg9[%swap3A_418, %swap3A_419, %swap3A_420] {strides = array<i32>} : memref<2x800x16xf32, #tpu.memory_space<vmem>>, vector<1x1x16xf32>,
        %swap3A_422 = vector.shape_cast %swap3A_421 : vector<1x1x16xf32> to vector<16xf32>
        %swap3A_423 = vector.shape_cast %mul3A_415 : vector<16xf32> to vector<1x1x16xf32>
        tpu.vector_store %arg9[%swap3A_418, %swap3A_419, %swap3A_420], %swap3A_423 {strides = array<i32>} : memref<2x800x16xf32, #tpu.memory_space<vmem>>, vector<1x1x16xf32>,
        %add3A_424 = arith.constant 11 : i32
        %add3A_425 = arith.addi %mul3A_214, %add3A_424 : i32
        %get3A_426 = arith.index_cast %select_n3A_124 : i32 to index
        %get3A_427 = arith.index_cast %add3A_425 : i32 to index
        %get3A_428 = arith.constant 0 : index
        %get3A_429 = tpu.vector_load %arg9[%get3A_426, %get3A_427, %get3A_428] {strides = array<i32>} : memref<2x800x16xf32, #tpu.memory_space<vmem>>, vector<1x1x16xf32>,
        %get3A_430 = vector.shape_cast %get3A_429 : vector<1x1x16xf32> to vector<16xf32>
        %slice3A_431 = vector.extract_strided_slice %get3A_217 {offsets = [11], sizes = [1], strides = [1]} : vector<16xf32> to vector<1xf32>
        %squeeze3A_432 = vector.extract %slice3A_431[0] : f32 from vector<1xf32>
        %mul3A_433 = vector.broadcast %squeeze3A_432 : f32 to vector<16xf32>
        %mul3A_434 = arith.mulf %get3A_430, %mul3A_433 : vector<16xf32>
        %add3A_435 = arith.constant 11 : i32
        %add3A_436 = arith.addi %mul3A_214, %add3A_435 : i32
        %swap3A_437 = arith.index_cast %select_n3A_124 : i32 to index
        %swap3A_438 = arith.index_cast %add3A_436 : i32 to index
        %swap3A_439 = arith.constant 0 : index
        %swap3A_440 = tpu.vector_load %arg9[%swap3A_437, %swap3A_438, %swap3A_439] {strides = array<i32>} : memref<2x800x16xf32, #tpu.memory_space<vmem>>, vector<1x1x16xf32>,
        %swap3A_441 = vector.shape_cast %swap3A_440 : vector<1x1x16xf32> to vector<16xf32>
        %swap3A_442 = vector.shape_cast %mul3A_434 : vector<16xf32> to vector<1x1x16xf32>
        tpu.vector_store %arg9[%swap3A_437, %swap3A_438, %swap3A_439], %swap3A_442 {strides = array<i32>} : memref<2x800x16xf32, #tpu.memory_space<vmem>>, vector<1x1x16xf32>,
        %add3A_443 = arith.constant 12 : i32
        %add3A_444 = arith.addi %mul3A_214, %add3A_443 : i32
        %get3A_445 = arith.index_cast %select_n3A_124 : i32 to index
        %get3A_446 = arith.index_cast %add3A_444 : i32 to index
        %get3A_447 = arith.constant 0 : index
        %get3A_448 = tpu.vector_load %arg9[%get3A_445, %get3A_446, %get3A_447] {strides = array<i32>} : memref<2x800x16xf32, #tpu.memory_space<vmem>>, vector<1x1x16xf32>,
        %get3A_449 = vector.shape_cast %get3A_448 : vector<1x1x16xf32> to vector<16xf32>
        %slice3A_450 = vector.extract_strided_slice %get3A_217 {offsets = [12], sizes = [1], strides = [1]} : vector<16xf32> to vector<1xf32>
        %squeeze3A_451 = vector.extract %slice3A_450[0] : f32 from vector<1xf32>
        %mul3A_452 = vector.broadcast %squeeze3A_451 : f32 to vector<16xf32>
        %mul3A_453 = arith.mulf %get3A_449, %mul3A_452 : vector<16xf32>
        %add3A_454 = arith.constant 12 : i32
        %add3A_455 = arith.addi %mul3A_214, %add3A_454 : i32
        %swap3A_456 = arith.index_cast %select_n3A_124 : i32 to index
        %swap3A_457 = arith.index_cast %add3A_455 : i32 to index
        %swap3A_458 = arith.constant 0 : index
        %swap3A_459 = tpu.vector_load %arg9[%swap3A_456, %swap3A_457, %swap3A_458] {strides = array<i32>} : memref<2x800x16xf32, #tpu.memory_space<vmem>>, vector<1x1x16xf32>,
        %swap3A_460 = vector.shape_cast %swap3A_459 : vector<1x1x16xf32> to vector<16xf32>
        %swap3A_461 = vector.shape_cast %mul3A_453 : vector<16xf32> to vector<1x1x16xf32>
        tpu.vector_store %arg9[%swap3A_456, %swap3A_457, %swap3A_458], %swap3A_461 {strides = array<i32>} : memref<2x800x16xf32, #tpu.memory_space<vmem>>, vector<1x1x16xf32>,
        %add3A_462 = arith.constant 13 : i32
        %add3A_463 = arith.addi %mul3A_214, %add3A_462 : i32
        %get3A_464 = arith.index_cast %select_n3A_124 : i32 to index
        %get3A_465 = arith.index_cast %add3A_463 : i32 to index
        %get3A_466 = arith.constant 0 : index
        %get3A_467 = tpu.vector_load %arg9[%get3A_464, %get3A_465, %get3A_466] {strides = array<i32>} : memref<2x800x16xf32, #tpu.memory_space<vmem>>, vector<1x1x16xf32>,
        %get3A_468 = vector.shape_cast %get3A_467 : vector<1x1x16xf32> to vector<16xf32>
        %slice3A_469 = vector.extract_strided_slice %get3A_217 {offsets = [13], sizes = [1], strides = [1]} : vector<16xf32> to vector<1xf32>
        %squeeze3A_470 = vector.extract %slice3A_469[0] : f32 from vector<1xf32>
        %mul3A_471 = vector.broadcast %squeeze3A_470 : f32 to vector<16xf32>
        %mul3A_472 = arith.mulf %get3A_468, %mul3A_471 : vector<16xf32>
        %add3A_473 = arith.constant 13 : i32
        %add3A_474 = arith.addi %mul3A_214, %add3A_473 : i32
        %swap3A_475 = arith.index_cast %select_n3A_124 : i32 to index
        %swap3A_476 = arith.index_cast %add3A_474 : i32 to index
        %swap3A_477 = arith.constant 0 : index
        %swap3A_478 = tpu.vector_load %arg9[%swap3A_475, %swap3A_476, %swap3A_477] {strides = array<i32>} : memref<2x800x16xf32, #tpu.memory_space<vmem>>, vector<1x1x16xf32>,
        %swap3A_479 = vector.shape_cast %swap3A_478 : vector<1x1x16xf32> to vector<16xf32>
        %swap3A_480 = vector.shape_cast %mul3A_472 : vector<16xf32> to vector<1x1x16xf32>
        tpu.vector_store %arg9[%swap3A_475, %swap3A_476, %swap3A_477], %swap3A_480 {strides = array<i32>} : memref<2x800x16xf32, #tpu.memory_space<vmem>>, vector<1x1x16xf32>,
        %add3A_481 = arith.constant 14 : i32
        %add3A_482 = arith.addi %mul3A_214, %add3A_481 : i32
        %get3A_483 = arith.index_cast %select_n3A_124 : i32 to index
        %get3A_484 = arith.index_cast %add3A_482 : i32 to index
        %get3A_485 = arith.constant 0 : index
        %get3A_486 = tpu.vector_load %arg9[%get3A_483, %get3A_484, %get3A_485] {strides = array<i32>} : memref<2x800x16xf32, #tpu.memory_space<vmem>>, vector<1x1x16xf32>,
        %get3A_487 = vector.shape_cast %get3A_486 : vector<1x1x16xf32> to vector<16xf32>
        %slice3A_488 = vector.extract_strided_slice %get3A_217 {offsets = [14], sizes = [1], strides = [1]} : vector<16xf32> to vector<1xf32>
        %squeeze3A_489 = vector.extract %slice3A_488[0] : f32 from vector<1xf32>
        %mul3A_490 = vector.broadcast %squeeze3A_489 : f32 to vector<16xf32>
        %mul3A_491 = arith.mulf %get3A_487, %mul3A_490 : vector<16xf32>
        %add3A_492 = arith.constant 14 : i32
        %add3A_493 = arith.addi %mul3A_214, %add3A_492 : i32
        %swap3A_494 = arith.index_cast %select_n3A_124 : i32 to index
        %swap3A_495 = arith.index_cast %add3A_493 : i32 to index
        %swap3A_496 = arith.constant 0 : index
        %swap3A_497 = tpu.vector_load %arg9[%swap3A_494, %swap3A_495, %swap3A_496] {strides = array<i32>} : memref<2x800x16xf32, #tpu.memory_space<vmem>>, vector<1x1x16xf32>,
        %swap3A_498 = vector.shape_cast %swap3A_497 : vector<1x1x16xf32> to vector<16xf32>
        %swap3A_499 = vector.shape_cast %mul3A_491 : vector<16xf32> to vector<1x1x16xf32>
        tpu.vector_store %arg9[%swap3A_494, %swap3A_495, %swap3A_496], %swap3A_499 {strides = array<i32>} : memref<2x800x16xf32, #tpu.memory_space<vmem>>, vector<1x1x16xf32>,
        %add3A_500 = arith.constant 15 : i32
        %add3A_501 = arith.addi %mul3A_214, %add3A_500 : i32
        %get3A_502 = arith.index_cast %select_n3A_124 : i32 to index
        %get3A_503 = arith.index_cast %add3A_501 : i32 to index
        %get3A_504 = arith.constant 0 : index
        %get3A_505 = tpu.vector_load %arg9[%get3A_502, %get3A_503, %get3A_504] {strides = array<i32>} : memref<2x800x16xf32, #tpu.memory_space<vmem>>, vector<1x1x16xf32>,
        %get3A_506 = vector.shape_cast %get3A_505 : vector<1x1x16xf32> to vector<16xf32>
        %slice3A_507 = vector.extract_strided_slice %get3A_217 {offsets = [15], sizes = [1], strides = [1]} : vector<16xf32> to vector<1xf32>
        %squeeze3A_508 = vector.extract %slice3A_507[0] : f32 from vector<1xf32>
        %mul3A_509 = vector.broadcast %squeeze3A_508 : f32 to vector<16xf32>
        %mul3A_510 = arith.mulf %get3A_506, %mul3A_509 : vector<16xf32>
        %add3A_511 = arith.constant 15 : i32
        %add3A_512 = arith.addi %mul3A_214, %add3A_511 : i32
        %swap3A_513 = arith.index_cast %select_n3A_124 : i32 to index
        %swap3A_514 = arith.index_cast %add3A_512 : i32 to index
        %swap3A_515 = arith.constant 0 : index
        %swap3A_516 = tpu.vector_load %arg9[%swap3A_513, %swap3A_514, %swap3A_515] {strides = array<i32>} : memref<2x800x16xf32, #tpu.memory_space<vmem>>, vector<1x1x16xf32>,
        %swap3A_517 = vector.shape_cast %swap3A_516 : vector<1x1x16xf32> to vector<16xf32>
        %swap3A_518 = vector.shape_cast %mul3A_510 : vector<16xf32> to vector<1x1x16xf32>
        tpu.vector_store %arg9[%swap3A_513, %swap3A_514, %swap3A_515], %swap3A_518 {strides = array<i32>} : memref<2x800x16xf32, #tpu.memory_space<vmem>>, vector<1x1x16xf32>,
        %scan3A_519 = arith.constant 0 : i32
        scf.yield %scan3A_519 : i32
      }
      %scan3A_197 = arith.constant 50 : i32
      %dma_start3A_198 = arith.constant 0 : i32
      %dma_start3A_199 = arith.constant 0 : i32
      %dma_start3A_200 = tpu.memref_slice %arg9[%select_n3A_124, %dma_start3A_198, %dma_start3A_199] : memref<2x800x16xf32, #tpu.memory_space<vmem>> -> memref<1x800x16xf32, #tpu.memory_space<vmem>>
      %dma_start3A_201 = tpu.memref_squeeze %dma_start3A_200 : memref<1x800x16xf32, #tpu.memory_space<vmem>> -> memref<800x16xf32, #tpu.memory_space<vmem>>
      %dma_start3A_202 = arith.constant 0 : i32
      %dma_start3A_203 = tpu.memref_slice %arg7[%select_n3A_124, %dma_start3A_202] : memref<2x800xi32, #tpu.memory_space<vmem>> -> memref<1x800xi32, #tpu.memory_space<vmem>>
      %dma_start3A_204 = tpu.memref_squeeze %dma_start3A_203 : memref<1x800xi32, #tpu.memory_space<vmem>> -> memref<800xi32, #tpu.memory_space<vmem>>
      %dma_start3A_205 = arith.constant 0 : i32
      %dma_start3A_206 = arith.constant 0 : i32
      %dma_start3A_207 = tpu.memref_slice %arg10[%dma_start3A_205, %dma_start3A_206] : memref<100352x16xf32, #tpu.memory_space<vmem_shared>> -> memref<100352x16xf32, #tpu.memory_space<vmem_shared>>
      %dma_start3A_208 = tpu.memref_slice %arg13[%select_n3A_124] : memref<2x!tpu.dma_semaphore, #tpu.memory_space<semaphore_mem>> -> memref<1x!tpu.dma_semaphore, #tpu.memory_space<semaphore_mem>>
      %dma_start3A_209 = tpu.memref_squeeze %dma_start3A_208 : memref<1x!tpu.dma_semaphore, #tpu.memory_space<semaphore_mem>> -> memref<!tpu.dma_semaphore, #tpu.memory_space<semaphore_mem>>
      tpu.enqueue_indirect_dma source(%dma_start3A_201 : memref<800x16xf32, #tpu.memory_space<vmem>>) target(%dma_start3A_207 : memref<100352x16xf32, #tpu.memory_space<vmem_shared>>) offsets(%dma_start3A_204 : memref<800xi32, #tpu.memory_space<vmem>>) semaphore(%dma_start3A_209 : memref<!tpu.dma_semaphore, #tpu.memory_space<semaphore_mem>>) {add = true}
      %scan3A_210 = arith.constant 0 : i32
      scf.yield %scan3A_210 : i32
    }
    %scan3A_83 = arith.constant 125 : i32
    %dma_wait3A = arith.constant 0 : i32
    %dma_wait3A_84 = arith.constant 0 : i32
    %dma_wait3A_85 = arith.constant 0 : i32
    %dma_wait3A_86 = arith.constant 0 : i32
    %dma_wait3A_87 = arith.constant 0 : i32
    %dma_wait3A_88 = tpu.memref_slice %arg9[%dma_wait3A, %dma_wait3A_86, %dma_wait3A_87] : memref<2x800x16xf32, #tpu.memory_space<vmem>> -> memref<1x800x16xf32, #tpu.memory_space<vmem>>
    %dma_wait3A_89 = tpu.memref_squeeze %dma_wait3A_88 : memref<1x800x16xf32, #tpu.memory_space<vmem>> -> memref<800x16xf32, #tpu.memory_space<vmem>>
    %dma_wait3A_90 = arith.constant 0 : i32
    %dma_wait3A_91 = tpu.memref_slice %arg7[%dma_wait3A_84, %dma_wait3A_90] : memref<2x800xi32, #tpu.memory_space<vmem>> -> memref<1x800xi32, #tpu.memory_space<vmem>>
    %dma_wait3A_92 = tpu.memref_squeeze %dma_wait3A_91 : memref<1x800xi32, #tpu.memory_space<vmem>> -> memref<800xi32, #tpu.memory_space<vmem>>
    %dma_wait3A_93 = arith.constant 0 : i32
    %dma_wait3A_94 = arith.constant 0 : i32
    %dma_wait3A_95 = tpu.memref_slice %arg10[%dma_wait3A_93, %dma_wait3A_94] : memref<100352x16xf32, #tpu.memory_space<vmem_shared>> -> memref<100352x16xf32, #tpu.memory_space<vmem_shared>>
    %dma_wait3A_96 = tpu.memref_slice %arg13[%dma_wait3A_85] : memref<2x!tpu.dma_semaphore, #tpu.memory_space<semaphore_mem>> -> memref<1x!tpu.dma_semaphore, #tpu.memory_space<semaphore_mem>>
    %dma_wait3A_97 = tpu.memref_squeeze %dma_wait3A_96 : memref<1x!tpu.dma_semaphore, #tpu.memory_space<semaphore_mem>> -> memref<!tpu.dma_semaphore, #tpu.memory_space<semaphore_mem>>
    tpu.wait_indirect_dma semaphore(%dma_wait3A_97 : memref<!tpu.dma_semaphore, #tpu.memory_space<semaphore_mem>>) src(%dma_wait3A_89 : memref<800x16xf32, #tpu.memory_space<vmem>>) dst(%dma_wait3A_95 : memref<100352x16xf32, #tpu.memory_space<vmem_shared>>)
    %dma_wait3A_98 = arith.constant 1 : i32
    %dma_wait3A_99 = arith.constant 1 : i32
    %dma_wait3A_100 = arith.constant 1 : i32
    %dma_wait3A_101 = arith.constant 0 : i32
    %dma_wait3A_102 = arith.constant 0 : i32
    %dma_wait3A_103 = tpu.memref_slice %arg9[%dma_wait3A_98, %dma_wait3A_101, %dma_wait3A_102] : memref<2x800x16xf32, #tpu.memory_space<vmem>> -> memref<1x800x16xf32, #tpu.memory_space<vmem>>
    %dma_wait3A_104 = tpu.memref_squeeze %dma_wait3A_103 : memref<1x800x16xf32, #tpu.memory_space<vmem>> -> memref<800x16xf32, #tpu.memory_space<vmem>>
    %dma_wait3A_105 = arith.constant 0 : i32
    %dma_wait3A_106 = tpu.memref_slice %arg7[%dma_wait3A_99, %dma_wait3A_105] : memref<2x800xi32, #tpu.memory_space<vmem>> -> memref<1x800xi32, #tpu.memory_space<vmem>>
    %dma_wait3A_107 = tpu.memref_squeeze %dma_wait3A_106 : memref<1x800xi32, #tpu.memory_space<vmem>> -> memref<800xi32, #tpu.memory_space<vmem>>
    %dma_wait3A_108 = arith.constant 0 : i32
    %dma_wait3A_109 = arith.constant 0 : i32
    %dma_wait3A_110 = tpu.memref_slice %arg10[%dma_wait3A_108, %dma_wait3A_109] : memref<100352x16xf32, #tpu.memory_space<vmem_shared>> -> memref<100352x16xf32, #tpu.memory_space<vmem_shared>>
    %dma_wait3A_111 = tpu.memref_slice %arg13[%dma_wait3A_100] : memref<2x!tpu.dma_semaphore, #tpu.memory_space<semaphore_mem>> -> memref<1x!tpu.dma_semaphore, #tpu.memory_space<semaphore_mem>>
    %dma_wait3A_112 = tpu.memref_squeeze %dma_wait3A_111 : memref<1x!tpu.dma_semaphore, #tpu.memory_space<semaphore_mem>> -> memref<!tpu.dma_semaphore, #tpu.memory_space<semaphore_mem>>
    tpu.wait_indirect_dma semaphore(%dma_wait3A_112 : memref<!tpu.dma_semaphore, #tpu.memory_space<semaphore_mem>>) src(%dma_wait3A_104 : memref<800x16xf32, #tpu.memory_space<vmem>>) dst(%dma_wait3A_110 : memref<100352x16xf32, #tpu.memory_space<vmem_shared>>)
    %barrier3A_113 = arith.constant 0 : index
    tpu.barrier barrier_id(%barrier3A_113)
    "tpu.region"() ({
      %run_scoped3A_114 = tpu.sem_alloc : memref<!tpu.dma_semaphore, #tpu.memory_space<semaphore_mem>>
      %dma_start3A_115 = arith.constant 0 : i32
      %dma_start3A_116 = tpu.memref_slice %arg5[%arg0, %mul3A_10, %dma_start3A_115] : memref<2x100352x16xf32, #tpu.memory_space<hbm>> -> memref<1x6272x16xf32, #tpu.memory_space<hbm>>
      %dma_start3A_117 = tpu.memref_squeeze %dma_start3A_116 : memref<1x6272x16xf32, #tpu.memory_space<hbm>> -> memref<6272x16xf32, #tpu.memory_space<hbm>>
      %dma_start3A_118 = arith.constant 0 : i32
      %dma_start3A_119 = tpu.memref_slice %arg10[%mul3A_10, %dma_start3A_118] : memref<100352x16xf32, #tpu.memory_space<vmem_shared>> -> memref<6272x16xf32, #tpu.memory_space<vmem_shared>>
      tpu.enqueue_dma source(%dma_start3A_119 : memref<6272x16xf32, #tpu.memory_space<vmem_shared>>) target(%dma_start3A_117 : memref<6272x16xf32, #tpu.memory_space<hbm>>) target_semaphore(%run_scoped3A_114 : memref<!tpu.dma_semaphore, #tpu.memory_space<semaphore_mem>>)
      %dma_wait3A_120 = arith.constant 0 : i32
      %dma_wait3A_121 = tpu.memref_slice %arg5[%arg0, %mul3A_10, %dma_wait3A_120] : memref<2x100352x16xf32, #tpu.memory_space<hbm>> -> memref<1x6272x16xf32, #tpu.memory_space<hbm>>
      %dma_wait3A_122 = tpu.memref_squeeze %dma_wait3A_121 : memref<1x6272x16xf32, #tpu.memory_space<hbm>> -> memref<6272x16xf32, #tpu.memory_space<hbm>>
      %dma_wait3A_123 = arith.constant 0 : i32
      %dma_wait3A_124 = tpu.memref_slice %arg10[%mul3A_10, %dma_wait3A_123] : memref<100352x16xf32, #tpu.memory_space<vmem_shared>> -> memref<6272x16xf32, #tpu.memory_space<vmem_shared>>
      tpu.wait_dma2 semaphore(%run_scoped3A_114 : memref<!tpu.dma_semaphore, #tpu.memory_space<semaphore_mem>>) src(%dma_wait3A_124 : memref<6272x16xf32, #tpu.memory_space<vmem_shared>>) dst(%dma_wait3A_122 : memref<6272x16xf32, #tpu.memory_space<hbm>>)
      tpu.yield
    }) : () -> ()
    return
  }
}

#map = affine_map<(d0, d1) -> (0, 0)>
#map1 = affine_map<(d0, d1) -> (0)>
#map2 = affine_map<(d0, d1) -> (0, 0, 0)>
module attributes {stable_mosaic.version = 14 : i64} {
  func.func @_sc_agg(%arg0: i32, %arg1: i32, %arg2: memref<2x3200000xi32, #tpu.memory_space<hbm>>, %arg3: memref<3200000xf32, #tpu.memory_space<hbm>>, %arg4: memref<100000x16xf32, #tpu.memory_space<hbm>>, %arg5: memref<2x100352x16xf32, #tpu.memory_space<hbm>>, %arg6: memref<2x800xi32, #tpu.memory_space<vmem>>, %arg7: memref<2x800xi32, #tpu.memory_space<vmem>>, %arg8: memref<2x800xf32, #tpu.memory_space<vmem>>, %arg9: memref<2x800x16xf32, #tpu.memory_space<vmem>>, %arg10: memref<100352x16xf32, #tpu.memory_space<vmem_shared>>, %arg11: memref<2x!tpu.dma_semaphore, #tpu.memory_space<semaphore_mem>>, %arg12: memref<2x!tpu.dma_semaphore, #tpu.memory_space<semaphore_mem>>, %arg13: memref<2x!tpu.dma_semaphore, #tpu.memory_space<semaphore_mem>>) attributes {dimension_semantics = [#tpu.dimension_semantics<core_parallel>, #tpu.dimension_semantics<subcore_parallel>], iteration_bounds = array<i64: 2, 16>, scalar_prefetch = 0 : i64, scratch_operands = 8 : i64, tpu.core_type = #tpu.core_type<sc_vector_subcore>, window_params = [{transform_indices = #map}, {transform_indices = #map1}, {transform_indices = #map}, {transform_indices = #map2}]} {
    %mul3A = arith.constant 16 : i32
    %mul3A_0 = arith.muli %arg0, %mul3A : i32
    %add3A = arith.addi %mul3A_0, %arg1 : i32
    %mul3A_1 = arith.constant 100000 : i32
    %mul3A_2 = arith.muli %add3A, %mul3A_1 : i32
    %scan3A = arith.constant 0 : i32
    %scan3A_3 = arith.constant 0 : i32
    %scan3A_4 = arith.constant 784 : i32
    %scan3A_5 = arith.addi %scan3A_3, %scan3A_4 : i32
    %scan3A_6 = arith.constant 1 : i32
    %scan3A_7 = scf.for %scan3A_114 = %scan3A_3 to %scan3A_5 step %scan3A_6 iter_args(%scan3A_115 = %scan3A) -> (i32)  : i32 {
      %broadcast_in_dim3A = arith.constant 0.000000e+00 : f32
      %broadcast_in_dim3A_116 = vector.broadcast %broadcast_in_dim3A : f32 to vector<16xf32>
      %swap3A = arith.constant 0 : i32
      %swap3A_117 = arith.index_cast %swap3A : i32 to index
      %swap3A_118 = arith.index_cast %scan3A_114 : i32 to index
      %swap3A_119 = arith.constant 0 : index
      %swap3A_120 = tpu.vector_load %arg9[%swap3A_117, %swap3A_118, %swap3A_119] {strides = array<i32>} : memref<2x800x16xf32, #tpu.memory_space<vmem>>, vector<1x1x16xf32>,
      %swap3A_121 = vector.shape_cast %swap3A_120 : vector<1x1x16xf32> to vector<16xf32>
      %swap3A_122 = vector.shape_cast %broadcast_in_dim3A_116 : vector<16xf32> to vector<1x1x16xf32>
      tpu.vector_store %arg9[%swap3A_117, %swap3A_118, %swap3A_119], %swap3A_122 {strides = array<i32>} : memref<2x800x16xf32, #tpu.memory_space<vmem>>, vector<1x1x16xf32>,
      %scan3A_123 = arith.constant 0 : i32
      scf.yield %scan3A_123 : i32
    }
    %scan3A_8 = arith.constant 784 : i32
    %mul3A_9 = arith.constant 6272 : i32
    %mul3A_10 = arith.muli %arg1, %mul3A_9 : i32
    %add3A_11 = arith.constant 0 : i32
    %add3A_12 = arith.addi %mul3A_10, %add3A_11 : i32
    %run_scoped3A = arith.constant 0 : i32
    "tpu.region"() ({
      %run_scoped3A_114 = tpu.sem_alloc : memref<!tpu.dma_semaphore, #tpu.memory_space<semaphore_mem>>
      %dma_start3A_115 = arith.constant 0 : i32
      %dma_start3A_116 = arith.constant 0 : i32
      %dma_start3A_117 = tpu.memref_slice %arg9[%run_scoped3A, %dma_start3A_115, %dma_start3A_116] : memref<2x800x16xf32, #tpu.memory_space<vmem>> -> memref<1x784x16xf32, #tpu.memory_space<vmem>>
      %dma_start3A_118 = tpu.memref_squeeze %dma_start3A_117 : memref<1x784x16xf32, #tpu.memory_space<vmem>> -> memref<784x16xf32, #tpu.memory_space<vmem>>
      %dma_start3A_119 = arith.constant 0 : i32
      %dma_start3A_120 = tpu.memref_slice %arg10[%add3A_12, %dma_start3A_119] : memref<100352x16xf32, #tpu.memory_space<vmem_shared>> -> memref<784x16xf32, #tpu.memory_space<vmem_shared>>
      %dma_start3A_121 = arith.constant 0 : i32
      %dma_start3A_122 = tpu.memref_slice %arg10[%add3A_12, %dma_start3A_121] : memref<100352x16xf32, #tpu.memory_space<vmem_shared>> -> memref<784x16xf32, #tpu.memory_space<vmem_shared>>
      %dma_start3A_123 = arith.constant 0 : i32
      %dma_start3A_124 = arith.constant 0 : i32
      %dma_start3A_125 = tpu.memref_slice %arg9[%run_scoped3A, %dma_start3A_123, %dma_start3A_124] : memref<2x800x16xf32, #tpu.memory_space<vmem>> -> memref<1x784x16xf32, #tpu.memory_space<vmem>>
      %dma_start3A_126 = tpu.memref_squeeze %dma_start3A_125 : memref<1x784x16xf32, #tpu.memory_space<vmem>> -> memref<784x16xf32, #tpu.memory_space<vmem>>
      tpu.enqueue_dma source(%dma_start3A_126 : memref<784x16xf32, #tpu.memory_space<vmem>>) target(%dma_start3A_122 : memref<784x16xf32, #tpu.memory_space<vmem_shared>>) target_semaphore(%run_scoped3A_114 : memref<!tpu.dma_semaphore, #tpu.memory_space<semaphore_mem>>)
      %dma_wait3A_127 = arith.constant 0 : i32
      %dma_wait3A_128 = arith.constant 0 : i32
      %dma_wait3A_129 = tpu.memref_slice %arg9[%run_scoped3A, %dma_wait3A_127, %dma_wait3A_128] : memref<2x800x16xf32, #tpu.memory_space<vmem>> -> memref<1x784x16xf32, #tpu.memory_space<vmem>>
      %dma_wait3A_130 = tpu.memref_squeeze %dma_wait3A_129 : memref<1x784x16xf32, #tpu.memory_space<vmem>> -> memref<784x16xf32, #tpu.memory_space<vmem>>
      %dma_wait3A_131 = arith.constant 0 : i32
      %dma_wait3A_132 = tpu.memref_slice %arg10[%add3A_12, %dma_wait3A_131] : memref<100352x16xf32, #tpu.memory_space<vmem_shared>> -> memref<784x16xf32, #tpu.memory_space<vmem_shared>>
      %dma_wait3A_133 = arith.constant 0 : i32
      %dma_wait3A_134 = tpu.memref_slice %arg10[%add3A_12, %dma_wait3A_133] : memref<100352x16xf32, #tpu.memory_space<vmem_shared>> -> memref<784x16xf32, #tpu.memory_space<vmem_shared>>
      %dma_wait3A_135 = arith.constant 0 : i32
      %dma_wait3A_136 = arith.constant 0 : i32
      %dma_wait3A_137 = tpu.memref_slice %arg9[%run_scoped3A, %dma_wait3A_135, %dma_wait3A_136] : memref<2x800x16xf32, #tpu.memory_space<vmem>> -> memref<1x784x16xf32, #tpu.memory_space<vmem>>
      %dma_wait3A_138 = tpu.memref_squeeze %dma_wait3A_137 : memref<1x784x16xf32, #tpu.memory_space<vmem>> -> memref<784x16xf32, #tpu.memory_space<vmem>>
      tpu.wait_dma2 semaphore(%run_scoped3A_114 : memref<!tpu.dma_semaphore, #tpu.memory_space<semaphore_mem>>) src(%dma_wait3A_138 : memref<784x16xf32, #tpu.memory_space<vmem>>) dst(%dma_wait3A_134 : memref<784x16xf32, #tpu.memory_space<vmem_shared>>)
      tpu.yield
    }) : () -> ()
    %add3A_13 = arith.constant 784 : i32
    %add3A_14 = arith.addi %mul3A_10, %add3A_13 : i32
    %run_scoped3A_15 = arith.constant 0 : i32
    "tpu.region"() ({
      %run_scoped3A_114 = tpu.sem_alloc : memref<!tpu.dma_semaphore, #tpu.memory_space<semaphore_mem>>
      %dma_start3A_115 = arith.constant 0 : i32
      %dma_start3A_116 = arith.constant 0 : i32
      %dma_start3A_117 = tpu.memref_slice %arg9[%run_scoped3A_15, %dma_start3A_115, %dma_start3A_116] : memref<2x800x16xf32, #tpu.memory_space<vmem>> -> memref<1x784x16xf32, #tpu.memory_space<vmem>>
      %dma_start3A_118 = tpu.memref_squeeze %dma_start3A_117 : memref<1x784x16xf32, #tpu.memory_space<vmem>> -> memref<784x16xf32, #tpu.memory_space<vmem>>
      %dma_start3A_119 = arith.constant 0 : i32
      %dma_start3A_120 = tpu.memref_slice %arg10[%add3A_14, %dma_start3A_119] : memref<100352x16xf32, #tpu.memory_space<vmem_shared>> -> memref<784x16xf32, #tpu.memory_space<vmem_shared>>
      %dma_start3A_121 = arith.constant 0 : i32
      %dma_start3A_122 = tpu.memref_slice %arg10[%add3A_14, %dma_start3A_121] : memref<100352x16xf32, #tpu.memory_space<vmem_shared>> -> memref<784x16xf32, #tpu.memory_space<vmem_shared>>
      %dma_start3A_123 = arith.constant 0 : i32
      %dma_start3A_124 = arith.constant 0 : i32
      %dma_start3A_125 = tpu.memref_slice %arg9[%run_scoped3A_15, %dma_start3A_123, %dma_start3A_124] : memref<2x800x16xf32, #tpu.memory_space<vmem>> -> memref<1x784x16xf32, #tpu.memory_space<vmem>>
      %dma_start3A_126 = tpu.memref_squeeze %dma_start3A_125 : memref<1x784x16xf32, #tpu.memory_space<vmem>> -> memref<784x16xf32, #tpu.memory_space<vmem>>
      tpu.enqueue_dma source(%dma_start3A_126 : memref<784x16xf32, #tpu.memory_space<vmem>>) target(%dma_start3A_122 : memref<784x16xf32, #tpu.memory_space<vmem_shared>>) target_semaphore(%run_scoped3A_114 : memref<!tpu.dma_semaphore, #tpu.memory_space<semaphore_mem>>)
      %dma_wait3A_127 = arith.constant 0 : i32
      %dma_wait3A_128 = arith.constant 0 : i32
      %dma_wait3A_129 = tpu.memref_slice %arg9[%run_scoped3A_15, %dma_wait3A_127, %dma_wait3A_128] : memref<2x800x16xf32, #tpu.memory_space<vmem>> -> memref<1x784x16xf32, #tpu.memory_space<vmem>>
      %dma_wait3A_130 = tpu.memref_squeeze %dma_wait3A_129 : memref<1x784x16xf32, #tpu.memory_space<vmem>> -> memref<784x16xf32, #tpu.memory_space<vmem>>
      %dma_wait3A_131 = arith.constant 0 : i32
      %dma_wait3A_132 = tpu.memref_slice %arg10[%add3A_14, %dma_wait3A_131] : memref<100352x16xf32, #tpu.memory_space<vmem_shared>> -> memref<784x16xf32, #tpu.memory_space<vmem_shared>>
      %dma_wait3A_133 = arith.constant 0 : i32
      %dma_wait3A_134 = tpu.memref_slice %arg10[%add3A_14, %dma_wait3A_133] : memref<100352x16xf32, #tpu.memory_space<vmem_shared>> -> memref<784x16xf32, #tpu.memory_space<vmem_shared>>
      %dma_wait3A_135 = arith.constant 0 : i32
      %dma_wait3A_136 = arith.constant 0 : i32
      %dma_wait3A_137 = tpu.memref_slice %arg9[%run_scoped3A_15, %dma_wait3A_135, %dma_wait3A_136] : memref<2x800x16xf32, #tpu.memory_space<vmem>> -> memref<1x784x16xf32, #tpu.memory_space<vmem>>
      %dma_wait3A_138 = tpu.memref_squeeze %dma_wait3A_137 : memref<1x784x16xf32, #tpu.memory_space<vmem>> -> memref<784x16xf32, #tpu.memory_space<vmem>>
      tpu.wait_dma2 semaphore(%run_scoped3A_114 : memref<!tpu.dma_semaphore, #tpu.memory_space<semaphore_mem>>) src(%dma_wait3A_138 : memref<784x16xf32, #tpu.memory_space<vmem>>) dst(%dma_wait3A_134 : memref<784x16xf32, #tpu.memory_space<vmem_shared>>)
      tpu.yield
    }) : () -> ()
    %add3A_16 = arith.constant 1568 : i32
    %add3A_17 = arith.addi %mul3A_10, %add3A_16 : i32
    %run_scoped3A_18 = arith.constant 0 : i32
    "tpu.region"() ({
      %run_scoped3A_114 = tpu.sem_alloc : memref<!tpu.dma_semaphore, #tpu.memory_space<semaphore_mem>>
      %dma_start3A_115 = arith.constant 0 : i32
      %dma_start3A_116 = arith.constant 0 : i32
      %dma_start3A_117 = tpu.memref_slice %arg9[%run_scoped3A_18, %dma_start3A_115, %dma_start3A_116] : memref<2x800x16xf32, #tpu.memory_space<vmem>> -> memref<1x784x16xf32, #tpu.memory_space<vmem>>
      %dma_start3A_118 = tpu.memref_squeeze %dma_start3A_117 : memref<1x784x16xf32, #tpu.memory_space<vmem>> -> memref<784x16xf32, #tpu.memory_space<vmem>>
      %dma_start3A_119 = arith.constant 0 : i32
      %dma_start3A_120 = tpu.memref_slice %arg10[%add3A_17, %dma_start3A_119] : memref<100352x16xf32, #tpu.memory_space<vmem_shared>> -> memref<784x16xf32, #tpu.memory_space<vmem_shared>>
      %dma_start3A_121 = arith.constant 0 : i32
      %dma_start3A_122 = tpu.memref_slice %arg10[%add3A_17, %dma_start3A_121] : memref<100352x16xf32, #tpu.memory_space<vmem_shared>> -> memref<784x16xf32, #tpu.memory_space<vmem_shared>>
      %dma_start3A_123 = arith.constant 0 : i32
      %dma_start3A_124 = arith.constant 0 : i32
      %dma_start3A_125 = tpu.memref_slice %arg9[%run_scoped3A_18, %dma_start3A_123, %dma_start3A_124] : memref<2x800x16xf32, #tpu.memory_space<vmem>> -> memref<1x784x16xf32, #tpu.memory_space<vmem>>
      %dma_start3A_126 = tpu.memref_squeeze %dma_start3A_125 : memref<1x784x16xf32, #tpu.memory_space<vmem>> -> memref<784x16xf32, #tpu.memory_space<vmem>>
      tpu.enqueue_dma source(%dma_start3A_126 : memref<784x16xf32, #tpu.memory_space<vmem>>) target(%dma_start3A_122 : memref<784x16xf32, #tpu.memory_space<vmem_shared>>) target_semaphore(%run_scoped3A_114 : memref<!tpu.dma_semaphore, #tpu.memory_space<semaphore_mem>>)
      %dma_wait3A_127 = arith.constant 0 : i32
      %dma_wait3A_128 = arith.constant 0 : i32
      %dma_wait3A_129 = tpu.memref_slice %arg9[%run_scoped3A_18, %dma_wait3A_127, %dma_wait3A_128] : memref<2x800x16xf32, #tpu.memory_space<vmem>> -> memref<1x784x16xf32, #tpu.memory_space<vmem>>
      %dma_wait3A_130 = tpu.memref_squeeze %dma_wait3A_129 : memref<1x784x16xf32, #tpu.memory_space<vmem>> -> memref<784x16xf32, #tpu.memory_space<vmem>>
      %dma_wait3A_131 = arith.constant 0 : i32
      %dma_wait3A_132 = tpu.memref_slice %arg10[%add3A_17, %dma_wait3A_131] : memref<100352x16xf32, #tpu.memory_space<vmem_shared>> -> memref<784x16xf32, #tpu.memory_space<vmem_shared>>
      %dma_wait3A_133 = arith.constant 0 : i32
      %dma_wait3A_134 = tpu.memref_slice %arg10[%add3A_17, %dma_wait3A_133] : memref<100352x16xf32, #tpu.memory_space<vmem_shared>> -> memref<784x16xf32, #tpu.memory_space<vmem_shared>>
      %dma_wait3A_135 = arith.constant 0 : i32
      %dma_wait3A_136 = arith.constant 0 : i32
      %dma_wait3A_137 = tpu.memref_slice %arg9[%run_scoped3A_18, %dma_wait3A_135, %dma_wait3A_136] : memref<2x800x16xf32, #tpu.memory_space<vmem>> -> memref<1x784x16xf32, #tpu.memory_space<vmem>>
      %dma_wait3A_138 = tpu.memref_squeeze %dma_wait3A_137 : memref<1x784x16xf32, #tpu.memory_space<vmem>> -> memref<784x16xf32, #tpu.memory_space<vmem>>
      tpu.wait_dma2 semaphore(%run_scoped3A_114 : memref<!tpu.dma_semaphore, #tpu.memory_space<semaphore_mem>>) src(%dma_wait3A_138 : memref<784x16xf32, #tpu.memory_space<vmem>>) dst(%dma_wait3A_134 : memref<784x16xf32, #tpu.memory_space<vmem_shared>>)
      tpu.yield
    }) : () -> ()
    %add3A_19 = arith.constant 2352 : i32
    %add3A_20 = arith.addi %mul3A_10, %add3A_19 : i32
    %run_scoped3A_21 = arith.constant 0 : i32
    "tpu.region"() ({
      %run_scoped3A_114 = tpu.sem_alloc : memref<!tpu.dma_semaphore, #tpu.memory_space<semaphore_mem>>
      %dma_start3A_115 = arith.constant 0 : i32
      %dma_start3A_116 = arith.constant 0 : i32
      %dma_start3A_117 = tpu.memref_slice %arg9[%run_scoped3A_21, %dma_start3A_115, %dma_start3A_116] : memref<2x800x16xf32, #tpu.memory_space<vmem>> -> memref<1x784x16xf32, #tpu.memory_space<vmem>>
      %dma_start3A_118 = tpu.memref_squeeze %dma_start3A_117 : memref<1x784x16xf32, #tpu.memory_space<vmem>> -> memref<784x16xf32, #tpu.memory_space<vmem>>
      %dma_start3A_119 = arith.constant 0 : i32
      %dma_start3A_120 = tpu.memref_slice %arg10[%add3A_20, %dma_start3A_119] : memref<100352x16xf32, #tpu.memory_space<vmem_shared>> -> memref<784x16xf32, #tpu.memory_space<vmem_shared>>
      %dma_start3A_121 = arith.constant 0 : i32
      %dma_start3A_122 = tpu.memref_slice %arg10[%add3A_20, %dma_start3A_121] : memref<100352x16xf32, #tpu.memory_space<vmem_shared>> -> memref<784x16xf32, #tpu.memory_space<vmem_shared>>
      %dma_start3A_123 = arith.constant 0 : i32
      %dma_start3A_124 = arith.constant 0 : i32
      %dma_start3A_125 = tpu.memref_slice %arg9[%run_scoped3A_21, %dma_start3A_123, %dma_start3A_124] : memref<2x800x16xf32, #tpu.memory_space<vmem>> -> memref<1x784x16xf32, #tpu.memory_space<vmem>>
      %dma_start3A_126 = tpu.memref_squeeze %dma_start3A_125 : memref<1x784x16xf32, #tpu.memory_space<vmem>> -> memref<784x16xf32, #tpu.memory_space<vmem>>
      tpu.enqueue_dma source(%dma_start3A_126 : memref<784x16xf32, #tpu.memory_space<vmem>>) target(%dma_start3A_122 : memref<784x16xf32, #tpu.memory_space<vmem_shared>>) target_semaphore(%run_scoped3A_114 : memref<!tpu.dma_semaphore, #tpu.memory_space<semaphore_mem>>)
      %dma_wait3A_127 = arith.constant 0 : i32
      %dma_wait3A_128 = arith.constant 0 : i32
      %dma_wait3A_129 = tpu.memref_slice %arg9[%run_scoped3A_21, %dma_wait3A_127, %dma_wait3A_128] : memref<2x800x16xf32, #tpu.memory_space<vmem>> -> memref<1x784x16xf32, #tpu.memory_space<vmem>>
      %dma_wait3A_130 = tpu.memref_squeeze %dma_wait3A_129 : memref<1x784x16xf32, #tpu.memory_space<vmem>> -> memref<784x16xf32, #tpu.memory_space<vmem>>
      %dma_wait3A_131 = arith.constant 0 : i32
      %dma_wait3A_132 = tpu.memref_slice %arg10[%add3A_20, %dma_wait3A_131] : memref<100352x16xf32, #tpu.memory_space<vmem_shared>> -> memref<784x16xf32, #tpu.memory_space<vmem_shared>>
      %dma_wait3A_133 = arith.constant 0 : i32
      %dma_wait3A_134 = tpu.memref_slice %arg10[%add3A_20, %dma_wait3A_133] : memref<100352x16xf32, #tpu.memory_space<vmem_shared>> -> memref<784x16xf32, #tpu.memory_space<vmem_shared>>
      %dma_wait3A_135 = arith.constant 0 : i32
      %dma_wait3A_136 = arith.constant 0 : i32
      %dma_wait3A_137 = tpu.memref_slice %arg9[%run_scoped3A_21, %dma_wait3A_135, %dma_wait3A_136] : memref<2x800x16xf32, #tpu.memory_space<vmem>> -> memref<1x784x16xf32, #tpu.memory_space<vmem>>
      %dma_wait3A_138 = tpu.memref_squeeze %dma_wait3A_137 : memref<1x784x16xf32, #tpu.memory_space<vmem>> -> memref<784x16xf32, #tpu.memory_space<vmem>>
      tpu.wait_dma2 semaphore(%run_scoped3A_114 : memref<!tpu.dma_semaphore, #tpu.memory_space<semaphore_mem>>) src(%dma_wait3A_138 : memref<784x16xf32, #tpu.memory_space<vmem>>) dst(%dma_wait3A_134 : memref<784x16xf32, #tpu.memory_space<vmem_shared>>)
      tpu.yield
    }) : () -> ()
    %add3A_22 = arith.constant 3136 : i32
    %add3A_23 = arith.addi %mul3A_10, %add3A_22 : i32
    %run_scoped3A_24 = arith.constant 0 : i32
    "tpu.region"() ({
      %run_scoped3A_114 = tpu.sem_alloc : memref<!tpu.dma_semaphore, #tpu.memory_space<semaphore_mem>>
      %dma_start3A_115 = arith.constant 0 : i32
      %dma_start3A_116 = arith.constant 0 : i32
      %dma_start3A_117 = tpu.memref_slice %arg9[%run_scoped3A_24, %dma_start3A_115, %dma_start3A_116] : memref<2x800x16xf32, #tpu.memory_space<vmem>> -> memref<1x784x16xf32, #tpu.memory_space<vmem>>
      %dma_start3A_118 = tpu.memref_squeeze %dma_start3A_117 : memref<1x784x16xf32, #tpu.memory_space<vmem>> -> memref<784x16xf32, #tpu.memory_space<vmem>>
      %dma_start3A_119 = arith.constant 0 : i32
      %dma_start3A_120 = tpu.memref_slice %arg10[%add3A_23, %dma_start3A_119] : memref<100352x16xf32, #tpu.memory_space<vmem_shared>> -> memref<784x16xf32, #tpu.memory_space<vmem_shared>>
      %dma_start3A_121 = arith.constant 0 : i32
      %dma_start3A_122 = tpu.memref_slice %arg10[%add3A_23, %dma_start3A_121] : memref<100352x16xf32, #tpu.memory_space<vmem_shared>> -> memref<784x16xf32, #tpu.memory_space<vmem_shared>>
      %dma_start3A_123 = arith.constant 0 : i32
      %dma_start3A_124 = arith.constant 0 : i32
      %dma_start3A_125 = tpu.memref_slice %arg9[%run_scoped3A_24, %dma_start3A_123, %dma_start3A_124] : memref<2x800x16xf32, #tpu.memory_space<vmem>> -> memref<1x784x16xf32, #tpu.memory_space<vmem>>
      %dma_start3A_126 = tpu.memref_squeeze %dma_start3A_125 : memref<1x784x16xf32, #tpu.memory_space<vmem>> -> memref<784x16xf32, #tpu.memory_space<vmem>>
      tpu.enqueue_dma source(%dma_start3A_126 : memref<784x16xf32, #tpu.memory_space<vmem>>) target(%dma_start3A_122 : memref<784x16xf32, #tpu.memory_space<vmem_shared>>) target_semaphore(%run_scoped3A_114 : memref<!tpu.dma_semaphore, #tpu.memory_space<semaphore_mem>>)
      %dma_wait3A_127 = arith.constant 0 : i32
      %dma_wait3A_128 = arith.constant 0 : i32
      %dma_wait3A_129 = tpu.memref_slice %arg9[%run_scoped3A_24, %dma_wait3A_127, %dma_wait3A_128] : memref<2x800x16xf32, #tpu.memory_space<vmem>> -> memref<1x784x16xf32, #tpu.memory_space<vmem>>
      %dma_wait3A_130 = tpu.memref_squeeze %dma_wait3A_129 : memref<1x784x16xf32, #tpu.memory_space<vmem>> -> memref<784x16xf32, #tpu.memory_space<vmem>>
      %dma_wait3A_131 = arith.constant 0 : i32
      %dma_wait3A_132 = tpu.memref_slice %arg10[%add3A_23, %dma_wait3A_131] : memref<100352x16xf32, #tpu.memory_space<vmem_shared>> -> memref<784x16xf32, #tpu.memory_space<vmem_shared>>
      %dma_wait3A_133 = arith.constant 0 : i32
      %dma_wait3A_134 = tpu.memref_slice %arg10[%add3A_23, %dma_wait3A_133] : memref<100352x16xf32, #tpu.memory_space<vmem_shared>> -> memref<784x16xf32, #tpu.memory_space<vmem_shared>>
      %dma_wait3A_135 = arith.constant 0 : i32
      %dma_wait3A_136 = arith.constant 0 : i32
      %dma_wait3A_137 = tpu.memref_slice %arg9[%run_scoped3A_24, %dma_wait3A_135, %dma_wait3A_136] : memref<2x800x16xf32, #tpu.memory_space<vmem>> -> memref<1x784x16xf32, #tpu.memory_space<vmem>>
      %dma_wait3A_138 = tpu.memref_squeeze %dma_wait3A_137 : memref<1x784x16xf32, #tpu.memory_space<vmem>> -> memref<784x16xf32, #tpu.memory_space<vmem>>
      tpu.wait_dma2 semaphore(%run_scoped3A_114 : memref<!tpu.dma_semaphore, #tpu.memory_space<semaphore_mem>>) src(%dma_wait3A_138 : memref<784x16xf32, #tpu.memory_space<vmem>>) dst(%dma_wait3A_134 : memref<784x16xf32, #tpu.memory_space<vmem_shared>>)
      tpu.yield
    }) : () -> ()
    %add3A_25 = arith.constant 3920 : i32
    %add3A_26 = arith.addi %mul3A_10, %add3A_25 : i32
    %run_scoped3A_27 = arith.constant 0 : i32
    "tpu.region"() ({
      %run_scoped3A_114 = tpu.sem_alloc : memref<!tpu.dma_semaphore, #tpu.memory_space<semaphore_mem>>
      %dma_start3A_115 = arith.constant 0 : i32
      %dma_start3A_116 = arith.constant 0 : i32
      %dma_start3A_117 = tpu.memref_slice %arg9[%run_scoped3A_27, %dma_start3A_115, %dma_start3A_116] : memref<2x800x16xf32, #tpu.memory_space<vmem>> -> memref<1x784x16xf32, #tpu.memory_space<vmem>>
      %dma_start3A_118 = tpu.memref_squeeze %dma_start3A_117 : memref<1x784x16xf32, #tpu.memory_space<vmem>> -> memref<784x16xf32, #tpu.memory_space<vmem>>
      %dma_start3A_119 = arith.constant 0 : i32
      %dma_start3A_120 = tpu.memref_slice %arg10[%add3A_26, %dma_start3A_119] : memref<100352x16xf32, #tpu.memory_space<vmem_shared>> -> memref<784x16xf32, #tpu.memory_space<vmem_shared>>
      %dma_start3A_121 = arith.constant 0 : i32
      %dma_start3A_122 = tpu.memref_slice %arg10[%add3A_26, %dma_start3A_121] : memref<100352x16xf32, #tpu.memory_space<vmem_shared>> -> memref<784x16xf32, #tpu.memory_space<vmem_shared>>
      %dma_start3A_123 = arith.constant 0 : i32
      %dma_start3A_124 = arith.constant 0 : i32
      %dma_start3A_125 = tpu.memref_slice %arg9[%run_scoped3A_27, %dma_start3A_123, %dma_start3A_124] : memref<2x800x16xf32, #tpu.memory_space<vmem>> -> memref<1x784x16xf32, #tpu.memory_space<vmem>>
      %dma_start3A_126 = tpu.memref_squeeze %dma_start3A_125 : memref<1x784x16xf32, #tpu.memory_space<vmem>> -> memref<784x16xf32, #tpu.memory_space<vmem>>
      tpu.enqueue_dma source(%dma_start3A_126 : memref<784x16xf32, #tpu.memory_space<vmem>>) target(%dma_start3A_122 : memref<784x16xf32, #tpu.memory_space<vmem_shared>>) target_semaphore(%run_scoped3A_114 : memref<!tpu.dma_semaphore, #tpu.memory_space<semaphore_mem>>)
      %dma_wait3A_127 = arith.constant 0 : i32
      %dma_wait3A_128 = arith.constant 0 : i32
      %dma_wait3A_129 = tpu.memref_slice %arg9[%run_scoped3A_27, %dma_wait3A_127, %dma_wait3A_128] : memref<2x800x16xf32, #tpu.memory_space<vmem>> -> memref<1x784x16xf32, #tpu.memory_space<vmem>>
      %dma_wait3A_130 = tpu.memref_squeeze %dma_wait3A_129 : memref<1x784x16xf32, #tpu.memory_space<vmem>> -> memref<784x16xf32, #tpu.memory_space<vmem>>
      %dma_wait3A_131 = arith.constant 0 : i32
      %dma_wait3A_132 = tpu.memref_slice %arg10[%add3A_26, %dma_wait3A_131] : memref<100352x16xf32, #tpu.memory_space<vmem_shared>> -> memref<784x16xf32, #tpu.memory_space<vmem_shared>>
      %dma_wait3A_133 = arith.constant 0 : i32
      %dma_wait3A_134 = tpu.memref_slice %arg10[%add3A_26, %dma_wait3A_133] : memref<100352x16xf32, #tpu.memory_space<vmem_shared>> -> memref<784x16xf32, #tpu.memory_space<vmem_shared>>
      %dma_wait3A_135 = arith.constant 0 : i32
      %dma_wait3A_136 = arith.constant 0 : i32
      %dma_wait3A_137 = tpu.memref_slice %arg9[%run_scoped3A_27, %dma_wait3A_135, %dma_wait3A_136] : memref<2x800x16xf32, #tpu.memory_space<vmem>> -> memref<1x784x16xf32, #tpu.memory_space<vmem>>
      %dma_wait3A_138 = tpu.memref_squeeze %dma_wait3A_137 : memref<1x784x16xf32, #tpu.memory_space<vmem>> -> memref<784x16xf32, #tpu.memory_space<vmem>>
      tpu.wait_dma2 semaphore(%run_scoped3A_114 : memref<!tpu.dma_semaphore, #tpu.memory_space<semaphore_mem>>) src(%dma_wait3A_138 : memref<784x16xf32, #tpu.memory_space<vmem>>) dst(%dma_wait3A_134 : memref<784x16xf32, #tpu.memory_space<vmem_shared>>)
      tpu.yield
    }) : () -> ()
    %add3A_28 = arith.constant 4704 : i32
    %add3A_29 = arith.addi %mul3A_10, %add3A_28 : i32
    %run_scoped3A_30 = arith.constant 0 : i32
    "tpu.region"() ({
      %run_scoped3A_114 = tpu.sem_alloc : memref<!tpu.dma_semaphore, #tpu.memory_space<semaphore_mem>>
      %dma_start3A_115 = arith.constant 0 : i32
      %dma_start3A_116 = arith.constant 0 : i32
      %dma_start3A_117 = tpu.memref_slice %arg9[%run_scoped3A_30, %dma_start3A_115, %dma_start3A_116] : memref<2x800x16xf32, #tpu.memory_space<vmem>> -> memref<1x784x16xf32, #tpu.memory_space<vmem>>
      %dma_start3A_118 = tpu.memref_squeeze %dma_start3A_117 : memref<1x784x16xf32, #tpu.memory_space<vmem>> -> memref<784x16xf32, #tpu.memory_space<vmem>>
      %dma_start3A_119 = arith.constant 0 : i32
      %dma_start3A_120 = tpu.memref_slice %arg10[%add3A_29, %dma_start3A_119] : memref<100352x16xf32, #tpu.memory_space<vmem_shared>> -> memref<784x16xf32, #tpu.memory_space<vmem_shared>>
      %dma_start3A_121 = arith.constant 0 : i32
      %dma_start3A_122 = tpu.memref_slice %arg10[%add3A_29, %dma_start3A_121] : memref<100352x16xf32, #tpu.memory_space<vmem_shared>> -> memref<784x16xf32, #tpu.memory_space<vmem_shared>>
      %dma_start3A_123 = arith.constant 0 : i32
      %dma_start3A_124 = arith.constant 0 : i32
      %dma_start3A_125 = tpu.memref_slice %arg9[%run_scoped3A_30, %dma_start3A_123, %dma_start3A_124] : memref<2x800x16xf32, #tpu.memory_space<vmem>> -> memref<1x784x16xf32, #tpu.memory_space<vmem>>
      %dma_start3A_126 = tpu.memref_squeeze %dma_start3A_125 : memref<1x784x16xf32, #tpu.memory_space<vmem>> -> memref<784x16xf32, #tpu.memory_space<vmem>>
      tpu.enqueue_dma source(%dma_start3A_126 : memref<784x16xf32, #tpu.memory_space<vmem>>) target(%dma_start3A_122 : memref<784x16xf32, #tpu.memory_space<vmem_shared>>) target_semaphore(%run_scoped3A_114 : memref<!tpu.dma_semaphore, #tpu.memory_space<semaphore_mem>>)
      %dma_wait3A_127 = arith.constant 0 : i32
      %dma_wait3A_128 = arith.constant 0 : i32
      %dma_wait3A_129 = tpu.memref_slice %arg9[%run_scoped3A_30, %dma_wait3A_127, %dma_wait3A_128] : memref<2x800x16xf32, #tpu.memory_space<vmem>> -> memref<1x784x16xf32, #tpu.memory_space<vmem>>
      %dma_wait3A_130 = tpu.memref_squeeze %dma_wait3A_129 : memref<1x784x16xf32, #tpu.memory_space<vmem>> -> memref<784x16xf32, #tpu.memory_space<vmem>>
      %dma_wait3A_131 = arith.constant 0 : i32
      %dma_wait3A_132 = tpu.memref_slice %arg10[%add3A_29, %dma_wait3A_131] : memref<100352x16xf32, #tpu.memory_space<vmem_shared>> -> memref<784x16xf32, #tpu.memory_space<vmem_shared>>
      %dma_wait3A_133 = arith.constant 0 : i32
      %dma_wait3A_134 = tpu.memref_slice %arg10[%add3A_29, %dma_wait3A_133] : memref<100352x16xf32, #tpu.memory_space<vmem_shared>> -> memref<784x16xf32, #tpu.memory_space<vmem_shared>>
      %dma_wait3A_135 = arith.constant 0 : i32
      %dma_wait3A_136 = arith.constant 0 : i32
      %dma_wait3A_137 = tpu.memref_slice %arg9[%run_scoped3A_30, %dma_wait3A_135, %dma_wait3A_136] : memref<2x800x16xf32, #tpu.memory_space<vmem>> -> memref<1x784x16xf32, #tpu.memory_space<vmem>>
      %dma_wait3A_138 = tpu.memref_squeeze %dma_wait3A_137 : memref<1x784x16xf32, #tpu.memory_space<vmem>> -> memref<784x16xf32, #tpu.memory_space<vmem>>
      tpu.wait_dma2 semaphore(%run_scoped3A_114 : memref<!tpu.dma_semaphore, #tpu.memory_space<semaphore_mem>>) src(%dma_wait3A_138 : memref<784x16xf32, #tpu.memory_space<vmem>>) dst(%dma_wait3A_134 : memref<784x16xf32, #tpu.memory_space<vmem_shared>>)
      tpu.yield
    }) : () -> ()
    %add3A_31 = arith.constant 5488 : i32
    %add3A_32 = arith.addi %mul3A_10, %add3A_31 : i32
    %run_scoped3A_33 = arith.constant 0 : i32
    "tpu.region"() ({
      %run_scoped3A_114 = tpu.sem_alloc : memref<!tpu.dma_semaphore, #tpu.memory_space<semaphore_mem>>
      %dma_start3A_115 = arith.constant 0 : i32
      %dma_start3A_116 = arith.constant 0 : i32
      %dma_start3A_117 = tpu.memref_slice %arg9[%run_scoped3A_33, %dma_start3A_115, %dma_start3A_116] : memref<2x800x16xf32, #tpu.memory_space<vmem>> -> memref<1x784x16xf32, #tpu.memory_space<vmem>>
      %dma_start3A_118 = tpu.memref_squeeze %dma_start3A_117 : memref<1x784x16xf32, #tpu.memory_space<vmem>> -> memref<784x16xf32, #tpu.memory_space<vmem>>
      %dma_start3A_119 = arith.constant 0 : i32
      %dma_start3A_120 = tpu.memref_slice %arg10[%add3A_32, %dma_start3A_119] : memref<100352x16xf32, #tpu.memory_space<vmem_shared>> -> memref<784x16xf32, #tpu.memory_space<vmem_shared>>
      %dma_start3A_121 = arith.constant 0 : i32
      %dma_start3A_122 = tpu.memref_slice %arg10[%add3A_32, %dma_start3A_121] : memref<100352x16xf32, #tpu.memory_space<vmem_shared>> -> memref<784x16xf32, #tpu.memory_space<vmem_shared>>
      %dma_start3A_123 = arith.constant 0 : i32
      %dma_start3A_124 = arith.constant 0 : i32
      %dma_start3A_125 = tpu.memref_slice %arg9[%run_scoped3A_33, %dma_start3A_123, %dma_start3A_124] : memref<2x800x16xf32, #tpu.memory_space<vmem>> -> memref<1x784x16xf32, #tpu.memory_space<vmem>>
      %dma_start3A_126 = tpu.memref_squeeze %dma_start3A_125 : memref<1x784x16xf32, #tpu.memory_space<vmem>> -> memref<784x16xf32, #tpu.memory_space<vmem>>
      tpu.enqueue_dma source(%dma_start3A_126 : memref<784x16xf32, #tpu.memory_space<vmem>>) target(%dma_start3A_122 : memref<784x16xf32, #tpu.memory_space<vmem_shared>>) target_semaphore(%run_scoped3A_114 : memref<!tpu.dma_semaphore, #tpu.memory_space<semaphore_mem>>)
      %dma_wait3A_127 = arith.constant 0 : i32
      %dma_wait3A_128 = arith.constant 0 : i32
      %dma_wait3A_129 = tpu.memref_slice %arg9[%run_scoped3A_33, %dma_wait3A_127, %dma_wait3A_128] : memref<2x800x16xf32, #tpu.memory_space<vmem>> -> memref<1x784x16xf32, #tpu.memory_space<vmem>>
      %dma_wait3A_130 = tpu.memref_squeeze %dma_wait3A_129 : memref<1x784x16xf32, #tpu.memory_space<vmem>> -> memref<784x16xf32, #tpu.memory_space<vmem>>
      %dma_wait3A_131 = arith.constant 0 : i32
      %dma_wait3A_132 = tpu.memref_slice %arg10[%add3A_32, %dma_wait3A_131] : memref<100352x16xf32, #tpu.memory_space<vmem_shared>> -> memref<784x16xf32, #tpu.memory_space<vmem_shared>>
      %dma_wait3A_133 = arith.constant 0 : i32
      %dma_wait3A_134 = tpu.memref_slice %arg10[%add3A_32, %dma_wait3A_133] : memref<100352x16xf32, #tpu.memory_space<vmem_shared>> -> memref<784x16xf32, #tpu.memory_space<vmem_shared>>
      %dma_wait3A_135 = arith.constant 0 : i32
      %dma_wait3A_136 = arith.constant 0 : i32
      %dma_wait3A_137 = tpu.memref_slice %arg9[%run_scoped3A_33, %dma_wait3A_135, %dma_wait3A_136] : memref<2x800x16xf32, #tpu.memory_space<vmem>> -> memref<1x784x16xf32, #tpu.memory_space<vmem>>
      %dma_wait3A_138 = tpu.memref_squeeze %dma_wait3A_137 : memref<1x784x16xf32, #tpu.memory_space<vmem>> -> memref<784x16xf32, #tpu.memory_space<vmem>>
      tpu.wait_dma2 semaphore(%run_scoped3A_114 : memref<!tpu.dma_semaphore, #tpu.memory_space<semaphore_mem>>) src(%dma_wait3A_138 : memref<784x16xf32, #tpu.memory_space<vmem>>) dst(%dma_wait3A_134 : memref<784x16xf32, #tpu.memory_space<vmem_shared>>)
      tpu.yield
    }) : () -> ()
    %barrier3A = arith.constant 0 : index
    tpu.barrier barrier_id(%barrier3A)
    %add3A_34 = arith.constant 0 : i32
    %add3A_35 = arith.addi %mul3A_2, %add3A_34 : i32
    %dma_start3A = arith.constant 0 : i32
    %dma_start3A_36 = arith.constant 0 : i32
    %dma_start3A_37 = arith.constant 0 : i32
    %dma_start3A_38 = arith.constant 0 : i32
    %dma_start3A_39 = tpu.memref_slice %arg6[%dma_start3A_36, %dma_start3A_38] : memref<2x800xi32, #tpu.memory_space<vmem>> -> memref<1x800xi32, #tpu.memory_space<vmem>>
    %dma_start3A_40 = tpu.memref_squeeze %dma_start3A_39 : memref<1x800xi32, #tpu.memory_space<vmem>> -> memref<800xi32, #tpu.memory_space<vmem>>
    %dma_start3A_41 = tpu.memref_slice %arg2[%dma_start3A, %add3A_35] : memref<2x3200000xi32, #tpu.memory_space<hbm>> -> memref<1x800xi32, #tpu.memory_space<hbm>>
    %dma_start3A_42 = tpu.memref_squeeze %dma_start3A_41 : memref<1x800xi32, #tpu.memory_space<hbm>> -> memref<800xi32, #tpu.memory_space<hbm>>
    %dma_start3A_43 = tpu.memref_slice %arg11[%dma_start3A_37] : memref<2x!tpu.dma_semaphore, #tpu.memory_space<semaphore_mem>> -> memref<1x!tpu.dma_semaphore, #tpu.memory_space<semaphore_mem>>
    %dma_start3A_44 = tpu.memref_squeeze %dma_start3A_43 : memref<1x!tpu.dma_semaphore, #tpu.memory_space<semaphore_mem>> -> memref<!tpu.dma_semaphore, #tpu.memory_space<semaphore_mem>>
    %dma_start3A_45 = arith.constant 0 : i32
    %dma_start3A_46 = tpu.memref_slice %arg6[%dma_start3A_36, %dma_start3A_45] : memref<2x800xi32, #tpu.memory_space<vmem>> -> memref<1x800xi32, #tpu.memory_space<vmem>>
    %dma_start3A_47 = tpu.memref_squeeze %dma_start3A_46 : memref<1x800xi32, #tpu.memory_space<vmem>> -> memref<800xi32, #tpu.memory_space<vmem>>
    %dma_start3A_48 = tpu.memref_slice %arg2[%dma_start3A, %add3A_35] : memref<2x3200000xi32, #tpu.memory_space<hbm>> -> memref<1x800xi32, #tpu.memory_space<hbm>>
    %dma_start3A_49 = tpu.memref_squeeze %dma_start3A_48 : memref<1x800xi32, #tpu.memory_space<hbm>> -> memref<800xi32, #tpu.memory_space<hbm>>
    tpu.enqueue_dma source(%dma_start3A_49 : memref<800xi32, #tpu.memory_space<hbm>>) target(%dma_start3A_47 : memref<800xi32, #tpu.memory_space<vmem>>) target_semaphore(%dma_start3A_44 : memref<!tpu.dma_semaphore, #tpu.memory_space<semaphore_mem>>)
    %dma_start3A_50 = arith.constant 1 : i32
    %dma_start3A_51 = arith.constant 0 : i32
    %dma_start3A_52 = arith.constant 0 : i32
    %dma_start3A_53 = arith.constant 0 : i32
    %dma_start3A_54 = tpu.memref_slice %arg7[%dma_start3A_51, %dma_start3A_53] : memref<2x800xi32, #tpu.memory_space<vmem>> -> memref<1x800xi32, #tpu.memory_space<vmem>>
    %dma_start3A_55 = tpu.memref_squeeze %dma_start3A_54 : memref<1x800xi32, #tpu.memory_space<vmem>> -> memref<800xi32, #tpu.memory_space<vmem>>
    %dma_start3A_56 = tpu.memref_slice %arg2[%dma_start3A_50, %add3A_35] : memref<2x3200000xi32, #tpu.memory_space<hbm>> -> memref<1x800xi32, #tpu.memory_space<hbm>>
    %dma_start3A_57 = tpu.memref_squeeze %dma_start3A_56 : memref<1x800xi32, #tpu.memory_space<hbm>> -> memref<800xi32, #tpu.memory_space<hbm>>
    %dma_start3A_58 = tpu.memref_slice %arg11[%dma_start3A_52] : memref<2x!tpu.dma_semaphore, #tpu.memory_space<semaphore_mem>> -> memref<1x!tpu.dma_semaphore, #tpu.memory_space<semaphore_mem>>
    %dma_start3A_59 = tpu.memref_squeeze %dma_start3A_58 : memref<1x!tpu.dma_semaphore, #tpu.memory_space<semaphore_mem>> -> memref<!tpu.dma_semaphore, #tpu.memory_space<semaphore_mem>>
    %dma_start3A_60 = arith.constant 0 : i32
    %dma_start3A_61 = tpu.memref_slice %arg7[%dma_start3A_51, %dma_start3A_60] : memref<2x800xi32, #tpu.memory_space<vmem>> -> memref<1x800xi32, #tpu.memory_space<vmem>>
    %dma_start3A_62 = tpu.memref_squeeze %dma_start3A_61 : memref<1x800xi32, #tpu.memory_space<vmem>> -> memref<800xi32, #tpu.memory_space<vmem>>
    %dma_start3A_63 = tpu.memref_slice %arg2[%dma_start3A_50, %add3A_35] : memref<2x3200000xi32, #tpu.memory_space<hbm>> -> memref<1x800xi32, #tpu.memory_space<hbm>>
    %dma_start3A_64 = tpu.memref_squeeze %dma_start3A_63 : memref<1x800xi32, #tpu.memory_space<hbm>> -> memref<800xi32, #tpu.memory_space<hbm>>
    tpu.enqueue_dma source(%dma_start3A_64 : memref<800xi32, #tpu.memory_space<hbm>>) target(%dma_start3A_62 : memref<800xi32, #tpu.memory_space<vmem>>) target_semaphore(%dma_start3A_59 : memref<!tpu.dma_semaphore, #tpu.memory_space<semaphore_mem>>)
    %dma_start3A_65 = arith.constant 0 : i32
    %dma_start3A_66 = arith.constant 0 : i32
    %dma_start3A_67 = arith.constant 0 : i32
    %dma_start3A_68 = tpu.memref_slice %arg8[%dma_start3A_65, %dma_start3A_67] : memref<2x800xf32, #tpu.memory_space<vmem>> -> memref<1x800xf32, #tpu.memory_space<vmem>>
    %dma_start3A_69 = tpu.memref_squeeze %dma_start3A_68 : memref<1x800xf32, #tpu.memory_space<vmem>> -> memref<800xf32, #tpu.memory_space<vmem>>
    %dma_start3A_70 = tpu.memref_slice %arg3[%add3A_35] : memref<3200000xf32, #tpu.memory_space<hbm>> -> memref<800xf32, #tpu.memory_space<hbm>>
    %dma_start3A_71 = tpu.memref_slice %arg11[%dma_start3A_66] : memref<2x!tpu.dma_semaphore, #tpu.memory_space<semaphore_mem>> -> memref<1x!tpu.dma_semaphore, #tpu.memory_space<semaphore_mem>>
    %dma_start3A_72 = tpu.memref_squeeze %dma_start3A_71 : memref<1x!tpu.dma_semaphore, #tpu.memory_space<semaphore_mem>> -> memref<!tpu.dma_semaphore, #tpu.memory_space<semaphore_mem>>
    %dma_start3A_73 = arith.constant 0 : i32
    %dma_start3A_74 = tpu.memref_slice %arg8[%dma_start3A_65, %dma_start3A_73] : memref<2x800xf32, #tpu.memory_space<vmem>> -> memref<1x800xf32, #tpu.memory_space<vmem>>
    %dma_start3A_75 = tpu.memref_squeeze %dma_start3A_74 : memref<1x800xf32, #tpu.memory_space<vmem>> -> memref<800xf32, #tpu.memory_space<vmem>>
    %dma_start3A_76 = tpu.memref_slice %arg3[%add3A_35] : memref<3200000xf32, #tpu.memory_space<hbm>> -> memref<800xf32, #tpu.memory_space<hbm>>
    tpu.enqueue_dma source(%dma_start3A_76 : memref<800xf32, #tpu.memory_space<hbm>>) target(%dma_start3A_75 : memref<800xf32, #tpu.memory_space<vmem>>) target_semaphore(%dma_start3A_72 : memref<!tpu.dma_semaphore, #tpu.memory_space<semaphore_mem>>)
    %scan3A_77 = arith.constant 0 : i32
    %scan3A_78 = arith.constant 0 : i32
    %scan3A_79 = arith.constant 125 : i32
    %scan3A_80 = arith.addi %scan3A_78, %scan3A_79 : i32
    %scan3A_81 = arith.constant 1 : i32
    %scan3A_82 = scf.for %scan3A_114 = %scan3A_78 to %scan3A_80 step %scan3A_81 iter_args(%scan3A_115 = %scan3A_77) -> (i32)  : i32 {
      %jit3A = arith.constant 2 : i32
      %eq3A = arith.constant 0 : i32
      %eq3A_116 = arith.cmpi eq, %jit3A, %eq3A : i32
      %jit3A_117 = arith.constant 1 : i32
      %select_n3A = arith.select %eq3A_116, %jit3A_117, %jit3A : i32
      %rem3A = arith.remsi %scan3A_114, %select_n3A : i32
      %ne3A = arith.constant 0 : i32
      %ne3A_118 = arith.cmpi ne, %rem3A, %ne3A : i32
      %lt3A = arith.constant 0 : i32
      %lt3A_119 = arith.cmpi slt, %rem3A, %lt3A : i32
      %lt3A_120 = arith.constant 0 : i32
      %lt3A_121 = arith.cmpi slt, %select_n3A, %lt3A_120 : i32
      %ne3A_122 = arith.xori %lt3A_119, %lt3A_121 : i1
      %and3A = arith.andi %ne3A_122, %ne3A_118 : i1
      %add3A_123 = arith.addi %rem3A, %select_n3A : i32
      %select_n3A_124 = arith.select %and3A, %add3A_123, %rem3A : i32
      %mul3A_125 = arith.constant 800 : i32
      %mul3A_126 = arith.muli %scan3A_114, %mul3A_125 : i32
      %add3A_127 = arith.addi %mul3A_2, %mul3A_126 : i32
      %dma_wait3A_128 = arith.constant 0 : i32
      %dma_wait3A_129 = arith.constant 0 : i32
      %dma_wait3A_130 = tpu.memref_slice %arg6[%select_n3A_124, %dma_wait3A_129] : memref<2x800xi32, #tpu.memory_space<vmem>> -> memref<1x800xi32, #tpu.memory_space<vmem>>
      %dma_wait3A_131 = tpu.memref_squeeze %dma_wait3A_130 : memref<1x800xi32, #tpu.memory_space<vmem>> -> memref<800xi32, #tpu.memory_space<vmem>>
      %dma_wait3A_132 = tpu.memref_slice %arg2[%dma_wait3A_128, %add3A_127] : memref<2x3200000xi32, #tpu.memory_space<hbm>> -> memref<1x800xi32, #tpu.memory_space<hbm>>
      %dma_wait3A_133 = tpu.memref_squeeze %dma_wait3A_132 : memref<1x800xi32, #tpu.memory_space<hbm>> -> memref<800xi32, #tpu.memory_space<hbm>>
      %dma_wait3A_134 = tpu.memref_slice %arg11[%select_n3A_124] : memref<2x!tpu.dma_semaphore, #tpu.memory_space<semaphore_mem>> -> memref<1x!tpu.dma_semaphore, #tpu.memory_space<semaphore_mem>>
      %dma_wait3A_135 = tpu.memref_squeeze %dma_wait3A_134 : memref<1x!tpu.dma_semaphore, #tpu.memory_space<semaphore_mem>> -> memref<!tpu.dma_semaphore, #tpu.memory_space<semaphore_mem>>
      %dma_wait3A_136 = arith.constant 0 : i32
      %dma_wait3A_137 = tpu.memref_slice %arg6[%select_n3A_124, %dma_wait3A_136] : memref<2x800xi32, #tpu.memory_space<vmem>> -> memref<1x800xi32, #tpu.memory_space<vmem>>
      %dma_wait3A_138 = tpu.memref_squeeze %dma_wait3A_137 : memref<1x800xi32, #tpu.memory_space<vmem>> -> memref<800xi32, #tpu.memory_space<vmem>>
      %dma_wait3A_139 = tpu.memref_slice %arg2[%dma_wait3A_128, %add3A_127] : memref<2x3200000xi32, #tpu.memory_space<hbm>> -> memref<1x800xi32, #tpu.memory_space<hbm>>
      %dma_wait3A_140 = tpu.memref_squeeze %dma_wait3A_139 : memref<1x800xi32, #tpu.memory_space<hbm>> -> memref<800xi32, #tpu.memory_space<hbm>>
      tpu.wait_dma2 semaphore(%dma_wait3A_135 : memref<!tpu.dma_semaphore, #tpu.memory_space<semaphore_mem>>) src(%dma_wait3A_140 : memref<800xi32, #tpu.memory_space<hbm>>) dst(%dma_wait3A_138 : memref<800xi32, #tpu.memory_space<vmem>>)
      %dma_wait3A_141 = arith.constant 1 : i32
      %dma_wait3A_142 = arith.constant 0 : i32
      %dma_wait3A_143 = tpu.memref_slice %arg7[%select_n3A_124, %dma_wait3A_142] : memref<2x800xi32, #tpu.memory_space<vmem>> -> memref<1x800xi32, #tpu.memory_space<vmem>>
      %dma_wait3A_144 = tpu.memref_squeeze %dma_wait3A_143 : memref<1x800xi32, #tpu.memory_space<vmem>> -> memref<800xi32, #tpu.memory_space<vmem>>
      %dma_wait3A_145 = tpu.memref_slice %arg2[%dma_wait3A_141, %add3A_127] : memref<2x3200000xi32, #tpu.memory_space<hbm>> -> memref<1x800xi32, #tpu.memory_space<hbm>>
      %dma_wait3A_146 = tpu.memref_squeeze %dma_wait3A_145 : memref<1x800xi32, #tpu.memory_space<hbm>> -> memref<800xi32, #tpu.memory_space<hbm>>
      %dma_wait3A_147 = tpu.memref_slice %arg11[%select_n3A_124] : memref<2x!tpu.dma_semaphore, #tpu.memory_space<semaphore_mem>> -> memref<1x!tpu.dma_semaphore, #tpu.memory_space<semaphore_mem>>
      %dma_wait3A_148 = tpu.memref_squeeze %dma_wait3A_147 : memref<1x!tpu.dma_semaphore, #tpu.memory_space<semaphore_mem>> -> memref<!tpu.dma_semaphore, #tpu.memory_space<semaphore_mem>>
      %dma_wait3A_149 = arith.constant 0 : i32
      %dma_wait3A_150 = tpu.memref_slice %arg7[%select_n3A_124, %dma_wait3A_149] : memref<2x800xi32, #tpu.memory_space<vmem>> -> memref<1x800xi32, #tpu.memory_space<vmem>>
      %dma_wait3A_151 = tpu.memref_squeeze %dma_wait3A_150 : memref<1x800xi32, #tpu.memory_space<vmem>> -> memref<800xi32, #tpu.memory_space<vmem>>
      %dma_wait3A_152 = tpu.memref_slice %arg2[%dma_wait3A_141, %add3A_127] : memref<2x3200000xi32, #tpu.memory_space<hbm>> -> memref<1x800xi32, #tpu.memory_space<hbm>>
      %dma_wait3A_153 = tpu.memref_squeeze %dma_wait3A_152 : memref<1x800xi32, #tpu.memory_space<hbm>> -> memref<800xi32, #tpu.memory_space<hbm>>
      tpu.wait_dma2 semaphore(%dma_wait3A_148 : memref<!tpu.dma_semaphore, #tpu.memory_space<semaphore_mem>>) src(%dma_wait3A_153 : memref<800xi32, #tpu.memory_space<hbm>>) dst(%dma_wait3A_151 : memref<800xi32, #tpu.memory_space<vmem>>)
      %dma_wait3A_154 = arith.constant 0 : i32
      %dma_wait3A_155 = tpu.memref_slice %arg8[%select_n3A_124, %dma_wait3A_154] : memref<2x800xf32, #tpu.memory_space<vmem>> -> memref<1x800xf32, #tpu.memory_space<vmem>>
      %dma_wait3A_156 = tpu.memref_squeeze %dma_wait3A_155 : memref<1x800xf32, #tpu.memory_space<vmem>> -> memref<800xf32, #tpu.memory_space<vmem>>
      %dma_wait3A_157 = tpu.memref_slice %arg3[%add3A_127] : memref<3200000xf32, #tpu.memory_space<hbm>> -> memref<800xf32, #tpu.memory_space<hbm>>
      %dma_wait3A_158 = tpu.memref_slice %arg11[%select_n3A_124] : memref<2x!tpu.dma_semaphore, #tpu.memory_space<semaphore_mem>> -> memref<1x!tpu.dma_semaphore, #tpu.memory_space<semaphore_mem>>
      %dma_wait3A_159 = tpu.memref_squeeze %dma_wait3A_158 : memref<1x!tpu.dma_semaphore, #tpu.memory_space<semaphore_mem>> -> memref<!tpu.dma_semaphore, #tpu.memory_space<semaphore_mem>>
      %dma_wait3A_160 = arith.constant 0 : i32
      %dma_wait3A_161 = tpu.memref_slice %arg8[%select_n3A_124, %dma_wait3A_160] : memref<2x800xf32, #tpu.memory_space<vmem>> -> memref<1x800xf32, #tpu.memory_space<vmem>>
      %dma_wait3A_162 = tpu.memref_squeeze %dma_wait3A_161 : memref<1x800xf32, #tpu.memory_space<vmem>> -> memref<800xf32, #tpu.memory_space<vmem>>
      %dma_wait3A_163 = tpu.memref_slice %arg3[%add3A_127] : memref<3200000xf32, #tpu.memory_space<hbm>> -> memref<800xf32, #tpu.memory_space<hbm>>
      tpu.wait_dma2 semaphore(%dma_wait3A_159 : memref<!tpu.dma_semaphore, #tpu.memory_space<semaphore_mem>>) src(%dma_wait3A_163 : memref<800xf32, #tpu.memory_space<hbm>>) dst(%dma_wait3A_162 : memref<800xf32, #tpu.memory_space<vmem>>)
      %dma_start3A_164 = arith.constant 0 : i32
      %dma_start3A_165 = arith.constant 0 : i32
      %dma_start3A_166 = tpu.memref_slice %arg9[%select_n3A_124, %dma_start3A_164, %dma_start3A_165] : memref<2x800x16xf32, #tpu.memory_space<vmem>> -> memref<1x800x16xf32, #tpu.memory_space<vmem>>
      %dma_start3A_167 = tpu.memref_squeeze %dma_start3A_166 : memref<1x800x16xf32, #tpu.memory_space<vmem>> -> memref<800x16xf32, #tpu.memory_space<vmem>>
      %dma_start3A_168 = arith.constant 0 : i32
      %dma_start3A_169 = tpu.memref_slice %arg6[%select_n3A_124, %dma_start3A_168] : memref<2x800xi32, #tpu.memory_space<vmem>> -> memref<1x800xi32, #tpu.memory_space<vmem>>
      %dma_start3A_170 = tpu.memref_squeeze %dma_start3A_169 : memref<1x800xi32, #tpu.memory_space<vmem>> -> memref<800xi32, #tpu.memory_space<vmem>>
      %dma_start3A_171 = arith.constant 0 : i32
      %dma_start3A_172 = arith.constant 0 : i32
      %dma_start3A_173 = tpu.memref_slice %arg4[%dma_start3A_171, %dma_start3A_172] : memref<100000x16xf32, #tpu.memory_space<hbm>> -> memref<100000x16xf32, #tpu.memory_space<hbm>>
      %dma_start3A_174 = tpu.memref_slice %arg12[%select_n3A_124] : memref<2x!tpu.dma_semaphore, #tpu.memory_space<semaphore_mem>> -> memref<1x!tpu.dma_semaphore, #tpu.memory_space<semaphore_mem>>
      %dma_start3A_175 = tpu.memref_squeeze %dma_start3A_174 : memref<1x!tpu.dma_semaphore, #tpu.memory_space<semaphore_mem>> -> memref<!tpu.dma_semaphore, #tpu.memory_space<semaphore_mem>>
      tpu.enqueue_indirect_dma source(%dma_start3A_173 : memref<100000x16xf32, #tpu.memory_space<hbm>>) target(%dma_start3A_167 : memref<800x16xf32, #tpu.memory_space<vmem>>) offsets(%dma_start3A_170 : memref<800xi32, #tpu.memory_space<vmem>>) semaphore(%dma_start3A_175 : memref<!tpu.dma_semaphore, #tpu.memory_space<semaphore_mem>>)
      %lt3A_176 = arith.constant 124 : i32
      %lt3A_177 = arith.cmpi slt, %scan3A_114, %lt3A_176 : i32
      %convert_element_type3A = arith.extui %lt3A_177 : i1 to i32
      %cond3A = arith.constant 0 : i32
      %cond3A_178 = arith.cmpi ne, %convert_element_type3A, %cond3A : i32
      scf.if %cond3A_178 {
        %ge3A = arith.constant 1 : i32
        %ge3A_211 = arith.cmpi sge, %scan3A_114, %ge3A : i32
        %convert_element_type3A_212 = arith.extui %ge3A_211 : i1 to i32
        %cond3A_213 = arith.constant 0 : i32
        %cond3A_214 = arith.cmpi ne, %convert_element_type3A_212, %cond3A_213 : i32
        scf.if %cond3A_214 {
          %sub3A_257 = arith.constant 1 : i32
          %sub3A_258 = arith.subi %sub3A_257, %select_n3A_124 : i32
          %sub3A_259 = arith.constant 1 : i32
          %sub3A_260 = arith.subi %sub3A_259, %select_n3A_124 : i32
          %sub3A_261 = arith.constant 1 : i32
          %sub3A_262 = arith.subi %sub3A_261, %select_n3A_124 : i32
          %dma_wait3A_263 = arith.constant 0 : i32
          %dma_wait3A_264 = arith.constant 0 : i32
          %dma_wait3A_265 = tpu.memref_slice %arg9[%sub3A_258, %dma_wait3A_263, %dma_wait3A_264] : memref<2x800x16xf32, #tpu.memory_space<vmem>> -> memref<1x800x16xf32, #tpu.memory_space<vmem>>
          %dma_wait3A_266 = tpu.memref_squeeze %dma_wait3A_265 : memref<1x800x16xf32, #tpu.memory_space<vmem>> -> memref<800x16xf32, #tpu.memory_space<vmem>>
          %dma_wait3A_267 = arith.constant 0 : i32
          %dma_wait3A_268 = tpu.memref_slice %arg7[%sub3A_260, %dma_wait3A_267] : memref<2x800xi32, #tpu.memory_space<vmem>> -> memref<1x800xi32, #tpu.memory_space<vmem>>
          %dma_wait3A_269 = tpu.memref_squeeze %dma_wait3A_268 : memref<1x800xi32, #tpu.memory_space<vmem>> -> memref<800xi32, #tpu.memory_space<vmem>>
          %dma_wait3A_270 = arith.constant 0 : i32
          %dma_wait3A_271 = arith.constant 0 : i32
          %dma_wait3A_272 = tpu.memref_slice %arg10[%dma_wait3A_270, %dma_wait3A_271] : memref<100352x16xf32, #tpu.memory_space<vmem_shared>> -> memref<100352x16xf32, #tpu.memory_space<vmem_shared>>
          %dma_wait3A_273 = tpu.memref_slice %arg13[%sub3A_262] : memref<2x!tpu.dma_semaphore, #tpu.memory_space<semaphore_mem>> -> memref<1x!tpu.dma_semaphore, #tpu.memory_space<semaphore_mem>>
          %dma_wait3A_274 = tpu.memref_squeeze %dma_wait3A_273 : memref<1x!tpu.dma_semaphore, #tpu.memory_space<semaphore_mem>> -> memref<!tpu.dma_semaphore, #tpu.memory_space<semaphore_mem>>
          tpu.wait_indirect_dma semaphore(%dma_wait3A_274 : memref<!tpu.dma_semaphore, #tpu.memory_space<semaphore_mem>>) src(%dma_wait3A_266 : memref<800x16xf32, #tpu.memory_space<vmem>>) dst(%dma_wait3A_272 : memref<100352x16xf32, #tpu.memory_space<vmem_shared>>)
        } else {
        }
        %add3A_215 = arith.constant 1 : i32
        %add3A_216 = arith.addi %scan3A_114, %add3A_215 : i32
        %sub3A = arith.constant 1 : i32
        %sub3A_217 = arith.subi %sub3A, %select_n3A_124 : i32
        %mul3A_218 = arith.constant 800 : i32
        %mul3A_219 = arith.muli %add3A_216, %mul3A_218 : i32
        %add3A_220 = arith.addi %mul3A_2, %mul3A_219 : i32
        %dma_start3A_221 = arith.constant 0 : i32
        %dma_start3A_222 = arith.constant 0 : i32
        %dma_start3A_223 = tpu.memref_slice %arg6[%sub3A_217, %dma_start3A_222] : memref<2x800xi32, #tpu.memory_space<vmem>> -> memref<1x800xi32, #tpu.memory_space<vmem>>
        %dma_start3A_224 = tpu.memref_squeeze %dma_start3A_223 : memref<1x800xi32, #tpu.memory_space<vmem>> -> memref<800xi32, #tpu.memory_space<vmem>>
        %dma_start3A_225 = tpu.memref_slice %arg2[%dma_start3A_221, %add3A_220] : memref<2x3200000xi32, #tpu.memory_space<hbm>> -> memref<1x800xi32, #tpu.memory_space<hbm>>
        %dma_start3A_226 = tpu.memref_squeeze %dma_start3A_225 : memref<1x800xi32, #tpu.memory_space<hbm>> -> memref<800xi32, #tpu.memory_space<hbm>>
        %dma_start3A_227 = tpu.memref_slice %arg11[%sub3A_217] : memref<2x!tpu.dma_semaphore, #tpu.memory_space<semaphore_mem>> -> memref<1x!tpu.dma_semaphore, #tpu.memory_space<semaphore_mem>>
        %dma_start3A_228 = tpu.memref_squeeze %dma_start3A_227 : memref<1x!tpu.dma_semaphore, #tpu.memory_space<semaphore_mem>> -> memref<!tpu.dma_semaphore, #tpu.memory_space<semaphore_mem>>
        %dma_start3A_229 = arith.constant 0 : i32
        %dma_start3A_230 = tpu.memref_slice %arg6[%sub3A_217, %dma_start3A_229] : memref<2x800xi32, #tpu.memory_space<vmem>> -> memref<1x800xi32, #tpu.memory_space<vmem>>
        %dma_start3A_231 = tpu.memref_squeeze %dma_start3A_230 : memref<1x800xi32, #tpu.memory_space<vmem>> -> memref<800xi32, #tpu.memory_space<vmem>>
        %dma_start3A_232 = tpu.memref_slice %arg2[%dma_start3A_221, %add3A_220] : memref<2x3200000xi32, #tpu.memory_space<hbm>> -> memref<1x800xi32, #tpu.memory_space<hbm>>
        %dma_start3A_233 = tpu.memref_squeeze %dma_start3A_232 : memref<1x800xi32, #tpu.memory_space<hbm>> -> memref<800xi32, #tpu.memory_space<hbm>>
        tpu.enqueue_dma source(%dma_start3A_233 : memref<800xi32, #tpu.memory_space<hbm>>) target(%dma_start3A_231 : memref<800xi32, #tpu.memory_space<vmem>>) target_semaphore(%dma_start3A_228 : memref<!tpu.dma_semaphore, #tpu.memory_space<semaphore_mem>>)
        %dma_start3A_234 = arith.constant 1 : i32
        %dma_start3A_235 = arith.constant 0 : i32
        %dma_start3A_236 = tpu.memref_slice %arg7[%sub3A_217, %dma_start3A_235] : memref<2x800xi32, #tpu.memory_space<vmem>> -> memref<1x800xi32, #tpu.memory_space<vmem>>
        %dma_start3A_237 = tpu.memref_squeeze %dma_start3A_236 : memref<1x800xi32, #tpu.memory_space<vmem>> -> memref<800xi32, #tpu.memory_space<vmem>>
        %dma_start3A_238 = tpu.memref_slice %arg2[%dma_start3A_234, %add3A_220] : memref<2x3200000xi32, #tpu.memory_space<hbm>> -> memref<1x800xi32, #tpu.memory_space<hbm>>
        %dma_start3A_239 = tpu.memref_squeeze %dma_start3A_238 : memref<1x800xi32, #tpu.memory_space<hbm>> -> memref<800xi32, #tpu.memory_space<hbm>>
        %dma_start3A_240 = tpu.memref_slice %arg11[%sub3A_217] : memref<2x!tpu.dma_semaphore, #tpu.memory_space<semaphore_mem>> -> memref<1x!tpu.dma_semaphore, #tpu.memory_space<semaphore_mem>>
        %dma_start3A_241 = tpu.memref_squeeze %dma_start3A_240 : memref<1x!tpu.dma_semaphore, #tpu.memory_space<semaphore_mem>> -> memref<!tpu.dma_semaphore, #tpu.memory_space<semaphore_mem>>
        %dma_start3A_242 = arith.constant 0 : i32
        %dma_start3A_243 = tpu.memref_slice %arg7[%sub3A_217, %dma_start3A_242] : memref<2x800xi32, #tpu.memory_space<vmem>> -> memref<1x800xi32, #tpu.memory_space<vmem>>
        %dma_start3A_244 = tpu.memref_squeeze %dma_start3A_243 : memref<1x800xi32, #tpu.memory_space<vmem>> -> memref<800xi32, #tpu.memory_space<vmem>>
        %dma_start3A_245 = tpu.memref_slice %arg2[%dma_start3A_234, %add3A_220] : memref<2x3200000xi32, #tpu.memory_space<hbm>> -> memref<1x800xi32, #tpu.memory_space<hbm>>
        %dma_start3A_246 = tpu.memref_squeeze %dma_start3A_245 : memref<1x800xi32, #tpu.memory_space<hbm>> -> memref<800xi32, #tpu.memory_space<hbm>>
        tpu.enqueue_dma source(%dma_start3A_246 : memref<800xi32, #tpu.memory_space<hbm>>) target(%dma_start3A_244 : memref<800xi32, #tpu.memory_space<vmem>>) target_semaphore(%dma_start3A_241 : memref<!tpu.dma_semaphore, #tpu.memory_space<semaphore_mem>>)
        %dma_start3A_247 = arith.constant 0 : i32
        %dma_start3A_248 = tpu.memref_slice %arg8[%sub3A_217, %dma_start3A_247] : memref<2x800xf32, #tpu.memory_space<vmem>> -> memref<1x800xf32, #tpu.memory_space<vmem>>
        %dma_start3A_249 = tpu.memref_squeeze %dma_start3A_248 : memref<1x800xf32, #tpu.memory_space<vmem>> -> memref<800xf32, #tpu.memory_space<vmem>>
        %dma_start3A_250 = tpu.memref_slice %arg3[%add3A_220] : memref<3200000xf32, #tpu.memory_space<hbm>> -> memref<800xf32, #tpu.memory_space<hbm>>
        %dma_start3A_251 = tpu.memref_slice %arg11[%sub3A_217] : memref<2x!tpu.dma_semaphore, #tpu.memory_space<semaphore_mem>> -> memref<1x!tpu.dma_semaphore, #tpu.memory_space<semaphore_mem>>
        %dma_start3A_252 = tpu.memref_squeeze %dma_start3A_251 : memref<1x!tpu.dma_semaphore, #tpu.memory_space<semaphore_mem>> -> memref<!tpu.dma_semaphore, #tpu.memory_space<semaphore_mem>>
        %dma_start3A_253 = arith.constant 0 : i32
        %dma_start3A_254 = tpu.memref_slice %arg8[%sub3A_217, %dma_start3A_253] : memref<2x800xf32, #tpu.memory_space<vmem>> -> memref<1x800xf32, #tpu.memory_space<vmem>>
        %dma_start3A_255 = tpu.memref_squeeze %dma_start3A_254 : memref<1x800xf32, #tpu.memory_space<vmem>> -> memref<800xf32, #tpu.memory_space<vmem>>
        %dma_start3A_256 = tpu.memref_slice %arg3[%add3A_220] : memref<3200000xf32, #tpu.memory_space<hbm>> -> memref<800xf32, #tpu.memory_space<hbm>>
        tpu.enqueue_dma source(%dma_start3A_256 : memref<800xf32, #tpu.memory_space<hbm>>) target(%dma_start3A_255 : memref<800xf32, #tpu.memory_space<vmem>>) target_semaphore(%dma_start3A_252 : memref<!tpu.dma_semaphore, #tpu.memory_space<semaphore_mem>>)
      } else {
      }
      %dma_wait3A_179 = arith.constant 0 : i32
      %dma_wait3A_180 = arith.constant 0 : i32
      %dma_wait3A_181 = tpu.memref_slice %arg9[%select_n3A_124, %dma_wait3A_179, %dma_wait3A_180] : memref<2x800x16xf32, #tpu.memory_space<vmem>> -> memref<1x800x16xf32, #tpu.memory_space<vmem>>
      %dma_wait3A_182 = tpu.memref_squeeze %dma_wait3A_181 : memref<1x800x16xf32, #tpu.memory_space<vmem>> -> memref<800x16xf32, #tpu.memory_space<vmem>>
      %dma_wait3A_183 = arith.constant 0 : i32
      %dma_wait3A_184 = tpu.memref_slice %arg6[%select_n3A_124, %dma_wait3A_183] : memref<2x800xi32, #tpu.memory_space<vmem>> -> memref<1x800xi32, #tpu.memory_space<vmem>>
      %dma_wait3A_185 = tpu.memref_squeeze %dma_wait3A_184 : memref<1x800xi32, #tpu.memory_space<vmem>> -> memref<800xi32, #tpu.memory_space<vmem>>
      %dma_wait3A_186 = arith.constant 0 : i32
      %dma_wait3A_187 = arith.constant 0 : i32
      %dma_wait3A_188 = tpu.memref_slice %arg4[%dma_wait3A_186, %dma_wait3A_187] : memref<100000x16xf32, #tpu.memory_space<hbm>> -> memref<100000x16xf32, #tpu.memory_space<hbm>>
      %dma_wait3A_189 = tpu.memref_slice %arg12[%select_n3A_124] : memref<2x!tpu.dma_semaphore, #tpu.memory_space<semaphore_mem>> -> memref<1x!tpu.dma_semaphore, #tpu.memory_space<semaphore_mem>>
      %dma_wait3A_190 = tpu.memref_squeeze %dma_wait3A_189 : memref<1x!tpu.dma_semaphore, #tpu.memory_space<semaphore_mem>> -> memref<!tpu.dma_semaphore, #tpu.memory_space<semaphore_mem>>
      tpu.wait_indirect_dma semaphore(%dma_wait3A_190 : memref<!tpu.dma_semaphore, #tpu.memory_space<semaphore_mem>>) src(%dma_wait3A_188 : memref<100000x16xf32, #tpu.memory_space<hbm>>) dst(%dma_wait3A_182 : memref<800x16xf32, #tpu.memory_space<vmem>>)
      %scan3A_191 = arith.constant 0 : i32
      %scan3A_192 = arith.constant 0 : i32
      %scan3A_193 = arith.constant 50 : i32
      %scan3A_194 = arith.addi %scan3A_192, %scan3A_193 : i32
      %scan3A_195 = arith.constant 1 : i32
      %scan3A_196 = scf.for %scan3A_211 = %scan3A_192 to %scan3A_194 step %scan3A_195 iter_args(%scan3A_212 = %scan3A_191) -> (i32)  : i32 {
        %mul3A_213 = arith.constant 16 : i32
        %mul3A_214 = arith.muli %scan3A_211, %mul3A_213 : i32
        %get3A = arith.index_cast %select_n3A_124 : i32 to index
        %get3A_215 = arith.index_cast %mul3A_214 : i32 to index
        %get3A_216 = tpu.vector_load %arg8[%get3A, %get3A_215] {strides = array<i32>} : memref<2x800xf32, #tpu.memory_space<vmem>>, vector<1x16xf32>,
        %get3A_217 = vector.shape_cast %get3A_216 : vector<1x16xf32> to vector<16xf32>
        %add3A_218 = arith.constant 0 : i32
        %add3A_219 = arith.addi %mul3A_214, %add3A_218 : i32
        %get3A_220 = arith.index_cast %select_n3A_124 : i32 to index
        %get3A_221 = arith.index_cast %add3A_219 : i32 to index
        %get3A_222 = arith.constant 0 : index
        %get3A_223 = tpu.vector_load %arg9[%get3A_220, %get3A_221, %get3A_222] {strides = array<i32>} : memref<2x800x16xf32, #tpu.memory_space<vmem>>, vector<1x1x16xf32>,
        %get3A_224 = vector.shape_cast %get3A_223 : vector<1x1x16xf32> to vector<16xf32>
        %slice3A = vector.extract_strided_slice %get3A_217 {offsets = [0], sizes = [1], strides = [1]} : vector<16xf32> to vector<1xf32>
        %squeeze3A = vector.extract %slice3A[0] : f32 from vector<1xf32>
        %mul3A_225 = vector.broadcast %squeeze3A : f32 to vector<16xf32>
        %mul3A_226 = arith.mulf %get3A_224, %mul3A_225 : vector<16xf32>
        %add3A_227 = arith.constant 0 : i32
        %add3A_228 = arith.addi %mul3A_214, %add3A_227 : i32
        %swap3A = arith.index_cast %select_n3A_124 : i32 to index
        %swap3A_229 = arith.index_cast %add3A_228 : i32 to index
        %swap3A_230 = arith.constant 0 : index
        %swap3A_231 = tpu.vector_load %arg9[%swap3A, %swap3A_229, %swap3A_230] {strides = array<i32>} : memref<2x800x16xf32, #tpu.memory_space<vmem>>, vector<1x1x16xf32>,
        %swap3A_232 = vector.shape_cast %swap3A_231 : vector<1x1x16xf32> to vector<16xf32>
        %swap3A_233 = vector.shape_cast %mul3A_226 : vector<16xf32> to vector<1x1x16xf32>
        tpu.vector_store %arg9[%swap3A, %swap3A_229, %swap3A_230], %swap3A_233 {strides = array<i32>} : memref<2x800x16xf32, #tpu.memory_space<vmem>>, vector<1x1x16xf32>,
        %add3A_234 = arith.constant 1 : i32
        %add3A_235 = arith.addi %mul3A_214, %add3A_234 : i32
        %get3A_236 = arith.index_cast %select_n3A_124 : i32 to index
        %get3A_237 = arith.index_cast %add3A_235 : i32 to index
        %get3A_238 = arith.constant 0 : index
        %get3A_239 = tpu.vector_load %arg9[%get3A_236, %get3A_237, %get3A_238] {strides = array<i32>} : memref<2x800x16xf32, #tpu.memory_space<vmem>>, vector<1x1x16xf32>,
        %get3A_240 = vector.shape_cast %get3A_239 : vector<1x1x16xf32> to vector<16xf32>
        %slice3A_241 = vector.extract_strided_slice %get3A_217 {offsets = [1], sizes = [1], strides = [1]} : vector<16xf32> to vector<1xf32>
        %squeeze3A_242 = vector.extract %slice3A_241[0] : f32 from vector<1xf32>
        %mul3A_243 = vector.broadcast %squeeze3A_242 : f32 to vector<16xf32>
        %mul3A_244 = arith.mulf %get3A_240, %mul3A_243 : vector<16xf32>
        %add3A_245 = arith.constant 1 : i32
        %add3A_246 = arith.addi %mul3A_214, %add3A_245 : i32
        %swap3A_247 = arith.index_cast %select_n3A_124 : i32 to index
        %swap3A_248 = arith.index_cast %add3A_246 : i32 to index
        %swap3A_249 = arith.constant 0 : index
        %swap3A_250 = tpu.vector_load %arg9[%swap3A_247, %swap3A_248, %swap3A_249] {strides = array<i32>} : memref<2x800x16xf32, #tpu.memory_space<vmem>>, vector<1x1x16xf32>,
        %swap3A_251 = vector.shape_cast %swap3A_250 : vector<1x1x16xf32> to vector<16xf32>
        %swap3A_252 = vector.shape_cast %mul3A_244 : vector<16xf32> to vector<1x1x16xf32>
        tpu.vector_store %arg9[%swap3A_247, %swap3A_248, %swap3A_249], %swap3A_252 {strides = array<i32>} : memref<2x800x16xf32, #tpu.memory_space<vmem>>, vector<1x1x16xf32>,
        %add3A_253 = arith.constant 2 : i32
        %add3A_254 = arith.addi %mul3A_214, %add3A_253 : i32
        %get3A_255 = arith.index_cast %select_n3A_124 : i32 to index
        %get3A_256 = arith.index_cast %add3A_254 : i32 to index
        %get3A_257 = arith.constant 0 : index
        %get3A_258 = tpu.vector_load %arg9[%get3A_255, %get3A_256, %get3A_257] {strides = array<i32>} : memref<2x800x16xf32, #tpu.memory_space<vmem>>, vector<1x1x16xf32>,
        %get3A_259 = vector.shape_cast %get3A_258 : vector<1x1x16xf32> to vector<16xf32>
        %slice3A_260 = vector.extract_strided_slice %get3A_217 {offsets = [2], sizes = [1], strides = [1]} : vector<16xf32> to vector<1xf32>
        %squeeze3A_261 = vector.extract %slice3A_260[0] : f32 from vector<1xf32>
        %mul3A_262 = vector.broadcast %squeeze3A_261 : f32 to vector<16xf32>
        %mul3A_263 = arith.mulf %get3A_259, %mul3A_262 : vector<16xf32>
        %add3A_264 = arith.constant 2 : i32
        %add3A_265 = arith.addi %mul3A_214, %add3A_264 : i32
        %swap3A_266 = arith.index_cast %select_n3A_124 : i32 to index
        %swap3A_267 = arith.index_cast %add3A_265 : i32 to index
        %swap3A_268 = arith.constant 0 : index
        %swap3A_269 = tpu.vector_load %arg9[%swap3A_266, %swap3A_267, %swap3A_268] {strides = array<i32>} : memref<2x800x16xf32, #tpu.memory_space<vmem>>, vector<1x1x16xf32>,
        %swap3A_270 = vector.shape_cast %swap3A_269 : vector<1x1x16xf32> to vector<16xf32>
        %swap3A_271 = vector.shape_cast %mul3A_263 : vector<16xf32> to vector<1x1x16xf32>
        tpu.vector_store %arg9[%swap3A_266, %swap3A_267, %swap3A_268], %swap3A_271 {strides = array<i32>} : memref<2x800x16xf32, #tpu.memory_space<vmem>>, vector<1x1x16xf32>,
        %add3A_272 = arith.constant 3 : i32
        %add3A_273 = arith.addi %mul3A_214, %add3A_272 : i32
        %get3A_274 = arith.index_cast %select_n3A_124 : i32 to index
        %get3A_275 = arith.index_cast %add3A_273 : i32 to index
        %get3A_276 = arith.constant 0 : index
        %get3A_277 = tpu.vector_load %arg9[%get3A_274, %get3A_275, %get3A_276] {strides = array<i32>} : memref<2x800x16xf32, #tpu.memory_space<vmem>>, vector<1x1x16xf32>,
        %get3A_278 = vector.shape_cast %get3A_277 : vector<1x1x16xf32> to vector<16xf32>
        %slice3A_279 = vector.extract_strided_slice %get3A_217 {offsets = [3], sizes = [1], strides = [1]} : vector<16xf32> to vector<1xf32>
        %squeeze3A_280 = vector.extract %slice3A_279[0] : f32 from vector<1xf32>
        %mul3A_281 = vector.broadcast %squeeze3A_280 : f32 to vector<16xf32>
        %mul3A_282 = arith.mulf %get3A_278, %mul3A_281 : vector<16xf32>
        %add3A_283 = arith.constant 3 : i32
        %add3A_284 = arith.addi %mul3A_214, %add3A_283 : i32
        %swap3A_285 = arith.index_cast %select_n3A_124 : i32 to index
        %swap3A_286 = arith.index_cast %add3A_284 : i32 to index
        %swap3A_287 = arith.constant 0 : index
        %swap3A_288 = tpu.vector_load %arg9[%swap3A_285, %swap3A_286, %swap3A_287] {strides = array<i32>} : memref<2x800x16xf32, #tpu.memory_space<vmem>>, vector<1x1x16xf32>,
        %swap3A_289 = vector.shape_cast %swap3A_288 : vector<1x1x16xf32> to vector<16xf32>
        %swap3A_290 = vector.shape_cast %mul3A_282 : vector<16xf32> to vector<1x1x16xf32>
        tpu.vector_store %arg9[%swap3A_285, %swap3A_286, %swap3A_287], %swap3A_290 {strides = array<i32>} : memref<2x800x16xf32, #tpu.memory_space<vmem>>, vector<1x1x16xf32>,
        %add3A_291 = arith.constant 4 : i32
        %add3A_292 = arith.addi %mul3A_214, %add3A_291 : i32
        %get3A_293 = arith.index_cast %select_n3A_124 : i32 to index
        %get3A_294 = arith.index_cast %add3A_292 : i32 to index
        %get3A_295 = arith.constant 0 : index
        %get3A_296 = tpu.vector_load %arg9[%get3A_293, %get3A_294, %get3A_295] {strides = array<i32>} : memref<2x800x16xf32, #tpu.memory_space<vmem>>, vector<1x1x16xf32>,
        %get3A_297 = vector.shape_cast %get3A_296 : vector<1x1x16xf32> to vector<16xf32>
        %slice3A_298 = vector.extract_strided_slice %get3A_217 {offsets = [4], sizes = [1], strides = [1]} : vector<16xf32> to vector<1xf32>
        %squeeze3A_299 = vector.extract %slice3A_298[0] : f32 from vector<1xf32>
        %mul3A_300 = vector.broadcast %squeeze3A_299 : f32 to vector<16xf32>
        %mul3A_301 = arith.mulf %get3A_297, %mul3A_300 : vector<16xf32>
        %add3A_302 = arith.constant 4 : i32
        %add3A_303 = arith.addi %mul3A_214, %add3A_302 : i32
        %swap3A_304 = arith.index_cast %select_n3A_124 : i32 to index
        %swap3A_305 = arith.index_cast %add3A_303 : i32 to index
        %swap3A_306 = arith.constant 0 : index
        %swap3A_307 = tpu.vector_load %arg9[%swap3A_304, %swap3A_305, %swap3A_306] {strides = array<i32>} : memref<2x800x16xf32, #tpu.memory_space<vmem>>, vector<1x1x16xf32>,
        %swap3A_308 = vector.shape_cast %swap3A_307 : vector<1x1x16xf32> to vector<16xf32>
        %swap3A_309 = vector.shape_cast %mul3A_301 : vector<16xf32> to vector<1x1x16xf32>
        tpu.vector_store %arg9[%swap3A_304, %swap3A_305, %swap3A_306], %swap3A_309 {strides = array<i32>} : memref<2x800x16xf32, #tpu.memory_space<vmem>>, vector<1x1x16xf32>,
        %add3A_310 = arith.constant 5 : i32
        %add3A_311 = arith.addi %mul3A_214, %add3A_310 : i32
        %get3A_312 = arith.index_cast %select_n3A_124 : i32 to index
        %get3A_313 = arith.index_cast %add3A_311 : i32 to index
        %get3A_314 = arith.constant 0 : index
        %get3A_315 = tpu.vector_load %arg9[%get3A_312, %get3A_313, %get3A_314] {strides = array<i32>} : memref<2x800x16xf32, #tpu.memory_space<vmem>>, vector<1x1x16xf32>,
        %get3A_316 = vector.shape_cast %get3A_315 : vector<1x1x16xf32> to vector<16xf32>
        %slice3A_317 = vector.extract_strided_slice %get3A_217 {offsets = [5], sizes = [1], strides = [1]} : vector<16xf32> to vector<1xf32>
        %squeeze3A_318 = vector.extract %slice3A_317[0] : f32 from vector<1xf32>
        %mul3A_319 = vector.broadcast %squeeze3A_318 : f32 to vector<16xf32>
        %mul3A_320 = arith.mulf %get3A_316, %mul3A_319 : vector<16xf32>
        %add3A_321 = arith.constant 5 : i32
        %add3A_322 = arith.addi %mul3A_214, %add3A_321 : i32
        %swap3A_323 = arith.index_cast %select_n3A_124 : i32 to index
        %swap3A_324 = arith.index_cast %add3A_322 : i32 to index
        %swap3A_325 = arith.constant 0 : index
        %swap3A_326 = tpu.vector_load %arg9[%swap3A_323, %swap3A_324, %swap3A_325] {strides = array<i32>} : memref<2x800x16xf32, #tpu.memory_space<vmem>>, vector<1x1x16xf32>,
        %swap3A_327 = vector.shape_cast %swap3A_326 : vector<1x1x16xf32> to vector<16xf32>
        %swap3A_328 = vector.shape_cast %mul3A_320 : vector<16xf32> to vector<1x1x16xf32>
        tpu.vector_store %arg9[%swap3A_323, %swap3A_324, %swap3A_325], %swap3A_328 {strides = array<i32>} : memref<2x800x16xf32, #tpu.memory_space<vmem>>, vector<1x1x16xf32>,
        %add3A_329 = arith.constant 6 : i32
        %add3A_330 = arith.addi %mul3A_214, %add3A_329 : i32
        %get3A_331 = arith.index_cast %select_n3A_124 : i32 to index
        %get3A_332 = arith.index_cast %add3A_330 : i32 to index
        %get3A_333 = arith.constant 0 : index
        %get3A_334 = tpu.vector_load %arg9[%get3A_331, %get3A_332, %get3A_333] {strides = array<i32>} : memref<2x800x16xf32, #tpu.memory_space<vmem>>, vector<1x1x16xf32>,
        %get3A_335 = vector.shape_cast %get3A_334 : vector<1x1x16xf32> to vector<16xf32>
        %slice3A_336 = vector.extract_strided_slice %get3A_217 {offsets = [6], sizes = [1], strides = [1]} : vector<16xf32> to vector<1xf32>
        %squeeze3A_337 = vector.extract %slice3A_336[0] : f32 from vector<1xf32>
        %mul3A_338 = vector.broadcast %squeeze3A_337 : f32 to vector<16xf32>
        %mul3A_339 = arith.mulf %get3A_335, %mul3A_338 : vector<16xf32>
        %add3A_340 = arith.constant 6 : i32
        %add3A_341 = arith.addi %mul3A_214, %add3A_340 : i32
        %swap3A_342 = arith.index_cast %select_n3A_124 : i32 to index
        %swap3A_343 = arith.index_cast %add3A_341 : i32 to index
        %swap3A_344 = arith.constant 0 : index
        %swap3A_345 = tpu.vector_load %arg9[%swap3A_342, %swap3A_343, %swap3A_344] {strides = array<i32>} : memref<2x800x16xf32, #tpu.memory_space<vmem>>, vector<1x1x16xf32>,
        %swap3A_346 = vector.shape_cast %swap3A_345 : vector<1x1x16xf32> to vector<16xf32>
        %swap3A_347 = vector.shape_cast %mul3A_339 : vector<16xf32> to vector<1x1x16xf32>
        tpu.vector_store %arg9[%swap3A_342, %swap3A_343, %swap3A_344], %swap3A_347 {strides = array<i32>} : memref<2x800x16xf32, #tpu.memory_space<vmem>>, vector<1x1x16xf32>,
        %add3A_348 = arith.constant 7 : i32
        %add3A_349 = arith.addi %mul3A_214, %add3A_348 : i32
        %get3A_350 = arith.index_cast %select_n3A_124 : i32 to index
        %get3A_351 = arith.index_cast %add3A_349 : i32 to index
        %get3A_352 = arith.constant 0 : index
        %get3A_353 = tpu.vector_load %arg9[%get3A_350, %get3A_351, %get3A_352] {strides = array<i32>} : memref<2x800x16xf32, #tpu.memory_space<vmem>>, vector<1x1x16xf32>,
        %get3A_354 = vector.shape_cast %get3A_353 : vector<1x1x16xf32> to vector<16xf32>
        %slice3A_355 = vector.extract_strided_slice %get3A_217 {offsets = [7], sizes = [1], strides = [1]} : vector<16xf32> to vector<1xf32>
        %squeeze3A_356 = vector.extract %slice3A_355[0] : f32 from vector<1xf32>
        %mul3A_357 = vector.broadcast %squeeze3A_356 : f32 to vector<16xf32>
        %mul3A_358 = arith.mulf %get3A_354, %mul3A_357 : vector<16xf32>
        %add3A_359 = arith.constant 7 : i32
        %add3A_360 = arith.addi %mul3A_214, %add3A_359 : i32
        %swap3A_361 = arith.index_cast %select_n3A_124 : i32 to index
        %swap3A_362 = arith.index_cast %add3A_360 : i32 to index
        %swap3A_363 = arith.constant 0 : index
        %swap3A_364 = tpu.vector_load %arg9[%swap3A_361, %swap3A_362, %swap3A_363] {strides = array<i32>} : memref<2x800x16xf32, #tpu.memory_space<vmem>>, vector<1x1x16xf32>,
        %swap3A_365 = vector.shape_cast %swap3A_364 : vector<1x1x16xf32> to vector<16xf32>
        %swap3A_366 = vector.shape_cast %mul3A_358 : vector<16xf32> to vector<1x1x16xf32>
        tpu.vector_store %arg9[%swap3A_361, %swap3A_362, %swap3A_363], %swap3A_366 {strides = array<i32>} : memref<2x800x16xf32, #tpu.memory_space<vmem>>, vector<1x1x16xf32>,
        %add3A_367 = arith.constant 8 : i32
        %add3A_368 = arith.addi %mul3A_214, %add3A_367 : i32
        %get3A_369 = arith.index_cast %select_n3A_124 : i32 to index
        %get3A_370 = arith.index_cast %add3A_368 : i32 to index
        %get3A_371 = arith.constant 0 : index
        %get3A_372 = tpu.vector_load %arg9[%get3A_369, %get3A_370, %get3A_371] {strides = array<i32>} : memref<2x800x16xf32, #tpu.memory_space<vmem>>, vector<1x1x16xf32>,
        %get3A_373 = vector.shape_cast %get3A_372 : vector<1x1x16xf32> to vector<16xf32>
        %slice3A_374 = vector.extract_strided_slice %get3A_217 {offsets = [8], sizes = [1], strides = [1]} : vector<16xf32> to vector<1xf32>
        %squeeze3A_375 = vector.extract %slice3A_374[0] : f32 from vector<1xf32>
        %mul3A_376 = vector.broadcast %squeeze3A_375 : f32 to vector<16xf32>
        %mul3A_377 = arith.mulf %get3A_373, %mul3A_376 : vector<16xf32>
        %add3A_378 = arith.constant 8 : i32
        %add3A_379 = arith.addi %mul3A_214, %add3A_378 : i32
        %swap3A_380 = arith.index_cast %select_n3A_124 : i32 to index
        %swap3A_381 = arith.index_cast %add3A_379 : i32 to index
        %swap3A_382 = arith.constant 0 : index
        %swap3A_383 = tpu.vector_load %arg9[%swap3A_380, %swap3A_381, %swap3A_382] {strides = array<i32>} : memref<2x800x16xf32, #tpu.memory_space<vmem>>, vector<1x1x16xf32>,
        %swap3A_384 = vector.shape_cast %swap3A_383 : vector<1x1x16xf32> to vector<16xf32>
        %swap3A_385 = vector.shape_cast %mul3A_377 : vector<16xf32> to vector<1x1x16xf32>
        tpu.vector_store %arg9[%swap3A_380, %swap3A_381, %swap3A_382], %swap3A_385 {strides = array<i32>} : memref<2x800x16xf32, #tpu.memory_space<vmem>>, vector<1x1x16xf32>,
        %add3A_386 = arith.constant 9 : i32
        %add3A_387 = arith.addi %mul3A_214, %add3A_386 : i32
        %get3A_388 = arith.index_cast %select_n3A_124 : i32 to index
        %get3A_389 = arith.index_cast %add3A_387 : i32 to index
        %get3A_390 = arith.constant 0 : index
        %get3A_391 = tpu.vector_load %arg9[%get3A_388, %get3A_389, %get3A_390] {strides = array<i32>} : memref<2x800x16xf32, #tpu.memory_space<vmem>>, vector<1x1x16xf32>,
        %get3A_392 = vector.shape_cast %get3A_391 : vector<1x1x16xf32> to vector<16xf32>
        %slice3A_393 = vector.extract_strided_slice %get3A_217 {offsets = [9], sizes = [1], strides = [1]} : vector<16xf32> to vector<1xf32>
        %squeeze3A_394 = vector.extract %slice3A_393[0] : f32 from vector<1xf32>
        %mul3A_395 = vector.broadcast %squeeze3A_394 : f32 to vector<16xf32>
        %mul3A_396 = arith.mulf %get3A_392, %mul3A_395 : vector<16xf32>
        %add3A_397 = arith.constant 9 : i32
        %add3A_398 = arith.addi %mul3A_214, %add3A_397 : i32
        %swap3A_399 = arith.index_cast %select_n3A_124 : i32 to index
        %swap3A_400 = arith.index_cast %add3A_398 : i32 to index
        %swap3A_401 = arith.constant 0 : index
        %swap3A_402 = tpu.vector_load %arg9[%swap3A_399, %swap3A_400, %swap3A_401] {strides = array<i32>} : memref<2x800x16xf32, #tpu.memory_space<vmem>>, vector<1x1x16xf32>,
        %swap3A_403 = vector.shape_cast %swap3A_402 : vector<1x1x16xf32> to vector<16xf32>
        %swap3A_404 = vector.shape_cast %mul3A_396 : vector<16xf32> to vector<1x1x16xf32>
        tpu.vector_store %arg9[%swap3A_399, %swap3A_400, %swap3A_401], %swap3A_404 {strides = array<i32>} : memref<2x800x16xf32, #tpu.memory_space<vmem>>, vector<1x1x16xf32>,
        %add3A_405 = arith.constant 10 : i32
        %add3A_406 = arith.addi %mul3A_214, %add3A_405 : i32
        %get3A_407 = arith.index_cast %select_n3A_124 : i32 to index
        %get3A_408 = arith.index_cast %add3A_406 : i32 to index
        %get3A_409 = arith.constant 0 : index
        %get3A_410 = tpu.vector_load %arg9[%get3A_407, %get3A_408, %get3A_409] {strides = array<i32>} : memref<2x800x16xf32, #tpu.memory_space<vmem>>, vector<1x1x16xf32>,
        %get3A_411 = vector.shape_cast %get3A_410 : vector<1x1x16xf32> to vector<16xf32>
        %slice3A_412 = vector.extract_strided_slice %get3A_217 {offsets = [10], sizes = [1], strides = [1]} : vector<16xf32> to vector<1xf32>
        %squeeze3A_413 = vector.extract %slice3A_412[0] : f32 from vector<1xf32>
        %mul3A_414 = vector.broadcast %squeeze3A_413 : f32 to vector<16xf32>
        %mul3A_415 = arith.mulf %get3A_411, %mul3A_414 : vector<16xf32>
        %add3A_416 = arith.constant 10 : i32
        %add3A_417 = arith.addi %mul3A_214, %add3A_416 : i32
        %swap3A_418 = arith.index_cast %select_n3A_124 : i32 to index
        %swap3A_419 = arith.index_cast %add3A_417 : i32 to index
        %swap3A_420 = arith.constant 0 : index
        %swap3A_421 = tpu.vector_load %arg9[%swap3A_418, %swap3A_419, %swap3A_420] {strides = array<i32>} : memref<2x800x16xf32, #tpu.memory_space<vmem>>, vector<1x1x16xf32>,
        %swap3A_422 = vector.shape_cast %swap3A_421 : vector<1x1x16xf32> to vector<16xf32>
        %swap3A_423 = vector.shape_cast %mul3A_415 : vector<16xf32> to vector<1x1x16xf32>
        tpu.vector_store %arg9[%swap3A_418, %swap3A_419, %swap3A_420], %swap3A_423 {strides = array<i32>} : memref<2x800x16xf32, #tpu.memory_space<vmem>>, vector<1x1x16xf32>,
        %add3A_424 = arith.constant 11 : i32
        %add3A_425 = arith.addi %mul3A_214, %add3A_424 : i32
        %get3A_426 = arith.index_cast %select_n3A_124 : i32 to index
        %get3A_427 = arith.index_cast %add3A_425 : i32 to index
        %get3A_428 = arith.constant 0 : index
        %get3A_429 = tpu.vector_load %arg9[%get3A_426, %get3A_427, %get3A_428] {strides = array<i32>} : memref<2x800x16xf32, #tpu.memory_space<vmem>>, vector<1x1x16xf32>,
        %get3A_430 = vector.shape_cast %get3A_429 : vector<1x1x16xf32> to vector<16xf32>
        %slice3A_431 = vector.extract_strided_slice %get3A_217 {offsets = [11], sizes = [1], strides = [1]} : vector<16xf32> to vector<1xf32>
        %squeeze3A_432 = vector.extract %slice3A_431[0] : f32 from vector<1xf32>
        %mul3A_433 = vector.broadcast %squeeze3A_432 : f32 to vector<16xf32>
        %mul3A_434 = arith.mulf %get3A_430, %mul3A_433 : vector<16xf32>
        %add3A_435 = arith.constant 11 : i32
        %add3A_436 = arith.addi %mul3A_214, %add3A_435 : i32
        %swap3A_437 = arith.index_cast %select_n3A_124 : i32 to index
        %swap3A_438 = arith.index_cast %add3A_436 : i32 to index
        %swap3A_439 = arith.constant 0 : index
        %swap3A_440 = tpu.vector_load %arg9[%swap3A_437, %swap3A_438, %swap3A_439] {strides = array<i32>} : memref<2x800x16xf32, #tpu.memory_space<vmem>>, vector<1x1x16xf32>,
        %swap3A_441 = vector.shape_cast %swap3A_440 : vector<1x1x16xf32> to vector<16xf32>
        %swap3A_442 = vector.shape_cast %mul3A_434 : vector<16xf32> to vector<1x1x16xf32>
        tpu.vector_store %arg9[%swap3A_437, %swap3A_438, %swap3A_439], %swap3A_442 {strides = array<i32>} : memref<2x800x16xf32, #tpu.memory_space<vmem>>, vector<1x1x16xf32>,
        %add3A_443 = arith.constant 12 : i32
        %add3A_444 = arith.addi %mul3A_214, %add3A_443 : i32
        %get3A_445 = arith.index_cast %select_n3A_124 : i32 to index
        %get3A_446 = arith.index_cast %add3A_444 : i32 to index
        %get3A_447 = arith.constant 0 : index
        %get3A_448 = tpu.vector_load %arg9[%get3A_445, %get3A_446, %get3A_447] {strides = array<i32>} : memref<2x800x16xf32, #tpu.memory_space<vmem>>, vector<1x1x16xf32>,
        %get3A_449 = vector.shape_cast %get3A_448 : vector<1x1x16xf32> to vector<16xf32>
        %slice3A_450 = vector.extract_strided_slice %get3A_217 {offsets = [12], sizes = [1], strides = [1]} : vector<16xf32> to vector<1xf32>
        %squeeze3A_451 = vector.extract %slice3A_450[0] : f32 from vector<1xf32>
        %mul3A_452 = vector.broadcast %squeeze3A_451 : f32 to vector<16xf32>
        %mul3A_453 = arith.mulf %get3A_449, %mul3A_452 : vector<16xf32>
        %add3A_454 = arith.constant 12 : i32
        %add3A_455 = arith.addi %mul3A_214, %add3A_454 : i32
        %swap3A_456 = arith.index_cast %select_n3A_124 : i32 to index
        %swap3A_457 = arith.index_cast %add3A_455 : i32 to index
        %swap3A_458 = arith.constant 0 : index
        %swap3A_459 = tpu.vector_load %arg9[%swap3A_456, %swap3A_457, %swap3A_458] {strides = array<i32>} : memref<2x800x16xf32, #tpu.memory_space<vmem>>, vector<1x1x16xf32>,
        %swap3A_460 = vector.shape_cast %swap3A_459 : vector<1x1x16xf32> to vector<16xf32>
        %swap3A_461 = vector.shape_cast %mul3A_453 : vector<16xf32> to vector<1x1x16xf32>
        tpu.vector_store %arg9[%swap3A_456, %swap3A_457, %swap3A_458], %swap3A_461 {strides = array<i32>} : memref<2x800x16xf32, #tpu.memory_space<vmem>>, vector<1x1x16xf32>,
        %add3A_462 = arith.constant 13 : i32
        %add3A_463 = arith.addi %mul3A_214, %add3A_462 : i32
        %get3A_464 = arith.index_cast %select_n3A_124 : i32 to index
        %get3A_465 = arith.index_cast %add3A_463 : i32 to index
        %get3A_466 = arith.constant 0 : index
        %get3A_467 = tpu.vector_load %arg9[%get3A_464, %get3A_465, %get3A_466] {strides = array<i32>} : memref<2x800x16xf32, #tpu.memory_space<vmem>>, vector<1x1x16xf32>,
        %get3A_468 = vector.shape_cast %get3A_467 : vector<1x1x16xf32> to vector<16xf32>
        %slice3A_469 = vector.extract_strided_slice %get3A_217 {offsets = [13], sizes = [1], strides = [1]} : vector<16xf32> to vector<1xf32>
        %squeeze3A_470 = vector.extract %slice3A_469[0] : f32 from vector<1xf32>
        %mul3A_471 = vector.broadcast %squeeze3A_470 : f32 to vector<16xf32>
        %mul3A_472 = arith.mulf %get3A_468, %mul3A_471 : vector<16xf32>
        %add3A_473 = arith.constant 13 : i32
        %add3A_474 = arith.addi %mul3A_214, %add3A_473 : i32
        %swap3A_475 = arith.index_cast %select_n3A_124 : i32 to index
        %swap3A_476 = arith.index_cast %add3A_474 : i32 to index
        %swap3A_477 = arith.constant 0 : index
        %swap3A_478 = tpu.vector_load %arg9[%swap3A_475, %swap3A_476, %swap3A_477] {strides = array<i32>} : memref<2x800x16xf32, #tpu.memory_space<vmem>>, vector<1x1x16xf32>,
        %swap3A_479 = vector.shape_cast %swap3A_478 : vector<1x1x16xf32> to vector<16xf32>
        %swap3A_480 = vector.shape_cast %mul3A_472 : vector<16xf32> to vector<1x1x16xf32>
        tpu.vector_store %arg9[%swap3A_475, %swap3A_476, %swap3A_477], %swap3A_480 {strides = array<i32>} : memref<2x800x16xf32, #tpu.memory_space<vmem>>, vector<1x1x16xf32>,
        %add3A_481 = arith.constant 14 : i32
        %add3A_482 = arith.addi %mul3A_214, %add3A_481 : i32
        %get3A_483 = arith.index_cast %select_n3A_124 : i32 to index
        %get3A_484 = arith.index_cast %add3A_482 : i32 to index
        %get3A_485 = arith.constant 0 : index
        %get3A_486 = tpu.vector_load %arg9[%get3A_483, %get3A_484, %get3A_485] {strides = array<i32>} : memref<2x800x16xf32, #tpu.memory_space<vmem>>, vector<1x1x16xf32>,
        %get3A_487 = vector.shape_cast %get3A_486 : vector<1x1x16xf32> to vector<16xf32>
        %slice3A_488 = vector.extract_strided_slice %get3A_217 {offsets = [14], sizes = [1], strides = [1]} : vector<16xf32> to vector<1xf32>
        %squeeze3A_489 = vector.extract %slice3A_488[0] : f32 from vector<1xf32>
        %mul3A_490 = vector.broadcast %squeeze3A_489 : f32 to vector<16xf32>
        %mul3A_491 = arith.mulf %get3A_487, %mul3A_490 : vector<16xf32>
        %add3A_492 = arith.constant 14 : i32
        %add3A_493 = arith.addi %mul3A_214, %add3A_492 : i32
        %swap3A_494 = arith.index_cast %select_n3A_124 : i32 to index
        %swap3A_495 = arith.index_cast %add3A_493 : i32 to index
        %swap3A_496 = arith.constant 0 : index
        %swap3A_497 = tpu.vector_load %arg9[%swap3A_494, %swap3A_495, %swap3A_496] {strides = array<i32>} : memref<2x800x16xf32, #tpu.memory_space<vmem>>, vector<1x1x16xf32>,
        %swap3A_498 = vector.shape_cast %swap3A_497 : vector<1x1x16xf32> to vector<16xf32>
        %swap3A_499 = vector.shape_cast %mul3A_491 : vector<16xf32> to vector<1x1x16xf32>
        tpu.vector_store %arg9[%swap3A_494, %swap3A_495, %swap3A_496], %swap3A_499 {strides = array<i32>} : memref<2x800x16xf32, #tpu.memory_space<vmem>>, vector<1x1x16xf32>,
        %add3A_500 = arith.constant 15 : i32
        %add3A_501 = arith.addi %mul3A_214, %add3A_500 : i32
        %get3A_502 = arith.index_cast %select_n3A_124 : i32 to index
        %get3A_503 = arith.index_cast %add3A_501 : i32 to index
        %get3A_504 = arith.constant 0 : index
        %get3A_505 = tpu.vector_load %arg9[%get3A_502, %get3A_503, %get3A_504] {strides = array<i32>} : memref<2x800x16xf32, #tpu.memory_space<vmem>>, vector<1x1x16xf32>,
        %get3A_506 = vector.shape_cast %get3A_505 : vector<1x1x16xf32> to vector<16xf32>
        %slice3A_507 = vector.extract_strided_slice %get3A_217 {offsets = [15], sizes = [1], strides = [1]} : vector<16xf32> to vector<1xf32>
        %squeeze3A_508 = vector.extract %slice3A_507[0] : f32 from vector<1xf32>
        %mul3A_509 = vector.broadcast %squeeze3A_508 : f32 to vector<16xf32>
        %mul3A_510 = arith.mulf %get3A_506, %mul3A_509 : vector<16xf32>
        %add3A_511 = arith.constant 15 : i32
        %add3A_512 = arith.addi %mul3A_214, %add3A_511 : i32
        %swap3A_513 = arith.index_cast %select_n3A_124 : i32 to index
        %swap3A_514 = arith.index_cast %add3A_512 : i32 to index
        %swap3A_515 = arith.constant 0 : index
        %swap3A_516 = tpu.vector_load %arg9[%swap3A_513, %swap3A_514, %swap3A_515] {strides = array<i32>} : memref<2x800x16xf32, #tpu.memory_space<vmem>>, vector<1x1x16xf32>,
        %swap3A_517 = vector.shape_cast %swap3A_516 : vector<1x1x16xf32> to vector<16xf32>
        %swap3A_518 = vector.shape_cast %mul3A_510 : vector<16xf32> to vector<1x1x16xf32>
        tpu.vector_store %arg9[%swap3A_513, %swap3A_514, %swap3A_515], %swap3A_518 {strides = array<i32>} : memref<2x800x16xf32, #tpu.memory_space<vmem>>, vector<1x1x16xf32>,
        %scan3A_519 = arith.constant 0 : i32
        scf.yield %scan3A_519 : i32
      }
      %scan3A_197 = arith.constant 50 : i32
      %dma_start3A_198 = arith.constant 0 : i32
      %dma_start3A_199 = arith.constant 0 : i32
      %dma_start3A_200 = tpu.memref_slice %arg9[%select_n3A_124, %dma_start3A_198, %dma_start3A_199] : memref<2x800x16xf32, #tpu.memory_space<vmem>> -> memref<1x800x16xf32, #tpu.memory_space<vmem>>
      %dma_start3A_201 = tpu.memref_squeeze %dma_start3A_200 : memref<1x800x16xf32, #tpu.memory_space<vmem>> -> memref<800x16xf32, #tpu.memory_space<vmem>>
      %dma_start3A_202 = arith.constant 0 : i32
      %dma_start3A_203 = tpu.memref_slice %arg7[%select_n3A_124, %dma_start3A_202] : memref<2x800xi32, #tpu.memory_space<vmem>> -> memref<1x800xi32, #tpu.memory_space<vmem>>
      %dma_start3A_204 = tpu.memref_squeeze %dma_start3A_203 : memref<1x800xi32, #tpu.memory_space<vmem>> -> memref<800xi32, #tpu.memory_space<vmem>>
      %dma_start3A_205 = arith.constant 0 : i32
      %dma_start3A_206 = arith.constant 0 : i32
      %dma_start3A_207 = tpu.memref_slice %arg10[%dma_start3A_205, %dma_start3A_206] : memref<100352x16xf32, #tpu.memory_space<vmem_shared>> -> memref<100352x16xf32, #tpu.memory_space<vmem_shared>>
      %dma_start3A_208 = tpu.memref_slice %arg13[%select_n3A_124] : memref<2x!tpu.dma_semaphore, #tpu.memory_space<semaphore_mem>> -> memref<1x!tpu.dma_semaphore, #tpu.memory_space<semaphore_mem>>
      %dma_start3A_209 = tpu.memref_squeeze %dma_start3A_208 : memref<1x!tpu.dma_semaphore, #tpu.memory_space<semaphore_mem>> -> memref<!tpu.dma_semaphore, #tpu.memory_space<semaphore_mem>>
      tpu.enqueue_indirect_dma source(%dma_start3A_201 : memref<800x16xf32, #tpu.memory_space<vmem>>) target(%dma_start3A_207 : memref<100352x16xf32, #tpu.memory_space<vmem_shared>>) offsets(%dma_start3A_204 : memref<800xi32, #tpu.memory_space<vmem>>) semaphore(%dma_start3A_209 : memref<!tpu.dma_semaphore, #tpu.memory_space<semaphore_mem>>) {add = true}
      %scan3A_210 = arith.constant 0 : i32
      scf.yield %scan3A_210 : i32
    }
    %scan3A_83 = arith.constant 125 : i32
    %dma_wait3A = arith.constant 0 : i32
    %dma_wait3A_84 = arith.constant 0 : i32
    %dma_wait3A_85 = arith.constant 0 : i32
    %dma_wait3A_86 = arith.constant 0 : i32
    %dma_wait3A_87 = arith.constant 0 : i32
    %dma_wait3A_88 = tpu.memref_slice %arg9[%dma_wait3A, %dma_wait3A_86, %dma_wait3A_87] : memref<2x800x16xf32, #tpu.memory_space<vmem>> -> memref<1x800x16xf32, #tpu.memory_space<vmem>>
    %dma_wait3A_89 = tpu.memref_squeeze %dma_wait3A_88 : memref<1x800x16xf32, #tpu.memory_space<vmem>> -> memref<800x16xf32, #tpu.memory_space<vmem>>
    %dma_wait3A_90 = arith.constant 0 : i32
    %dma_wait3A_91 = tpu.memref_slice %arg7[%dma_wait3A_84, %dma_wait3A_90] : memref<2x800xi32, #tpu.memory_space<vmem>> -> memref<1x800xi32, #tpu.memory_space<vmem>>
    %dma_wait3A_92 = tpu.memref_squeeze %dma_wait3A_91 : memref<1x800xi32, #tpu.memory_space<vmem>> -> memref<800xi32, #tpu.memory_space<vmem>>
    %dma_wait3A_93 = arith.constant 0 : i32
    %dma_wait3A_94 = arith.constant 0 : i32
    %dma_wait3A_95 = tpu.memref_slice %arg10[%dma_wait3A_93, %dma_wait3A_94] : memref<100352x16xf32, #tpu.memory_space<vmem_shared>> -> memref<100352x16xf32, #tpu.memory_space<vmem_shared>>
    %dma_wait3A_96 = tpu.memref_slice %arg13[%dma_wait3A_85] : memref<2x!tpu.dma_semaphore, #tpu.memory_space<semaphore_mem>> -> memref<1x!tpu.dma_semaphore, #tpu.memory_space<semaphore_mem>>
    %dma_wait3A_97 = tpu.memref_squeeze %dma_wait3A_96 : memref<1x!tpu.dma_semaphore, #tpu.memory_space<semaphore_mem>> -> memref<!tpu.dma_semaphore, #tpu.memory_space<semaphore_mem>>
    tpu.wait_indirect_dma semaphore(%dma_wait3A_97 : memref<!tpu.dma_semaphore, #tpu.memory_space<semaphore_mem>>) src(%dma_wait3A_89 : memref<800x16xf32, #tpu.memory_space<vmem>>) dst(%dma_wait3A_95 : memref<100352x16xf32, #tpu.memory_space<vmem_shared>>)
    %dma_wait3A_98 = arith.constant 1 : i32
    %dma_wait3A_99 = arith.constant 1 : i32
    %dma_wait3A_100 = arith.constant 1 : i32
    %dma_wait3A_101 = arith.constant 0 : i32
    %dma_wait3A_102 = arith.constant 0 : i32
    %dma_wait3A_103 = tpu.memref_slice %arg9[%dma_wait3A_98, %dma_wait3A_101, %dma_wait3A_102] : memref<2x800x16xf32, #tpu.memory_space<vmem>> -> memref<1x800x16xf32, #tpu.memory_space<vmem>>
    %dma_wait3A_104 = tpu.memref_squeeze %dma_wait3A_103 : memref<1x800x16xf32, #tpu.memory_space<vmem>> -> memref<800x16xf32, #tpu.memory_space<vmem>>
    %dma_wait3A_105 = arith.constant 0 : i32
    %dma_wait3A_106 = tpu.memref_slice %arg7[%dma_wait3A_99, %dma_wait3A_105] : memref<2x800xi32, #tpu.memory_space<vmem>> -> memref<1x800xi32, #tpu.memory_space<vmem>>
    %dma_wait3A_107 = tpu.memref_squeeze %dma_wait3A_106 : memref<1x800xi32, #tpu.memory_space<vmem>> -> memref<800xi32, #tpu.memory_space<vmem>>
    %dma_wait3A_108 = arith.constant 0 : i32
    %dma_wait3A_109 = arith.constant 0 : i32
    %dma_wait3A_110 = tpu.memref_slice %arg10[%dma_wait3A_108, %dma_wait3A_109] : memref<100352x16xf32, #tpu.memory_space<vmem_shared>> -> memref<100352x16xf32, #tpu.memory_space<vmem_shared>>
    %dma_wait3A_111 = tpu.memref_slice %arg13[%dma_wait3A_100] : memref<2x!tpu.dma_semaphore, #tpu.memory_space<semaphore_mem>> -> memref<1x!tpu.dma_semaphore, #tpu.memory_space<semaphore_mem>>
    %dma_wait3A_112 = tpu.memref_squeeze %dma_wait3A_111 : memref<1x!tpu.dma_semaphore, #tpu.memory_space<semaphore_mem>> -> memref<!tpu.dma_semaphore, #tpu.memory_space<semaphore_mem>>
    tpu.wait_indirect_dma semaphore(%dma_wait3A_112 : memref<!tpu.dma_semaphore, #tpu.memory_space<semaphore_mem>>) src(%dma_wait3A_104 : memref<800x16xf32, #tpu.memory_space<vmem>>) dst(%dma_wait3A_110 : memref<100352x16xf32, #tpu.memory_space<vmem_shared>>)
    %barrier3A_113 = arith.constant 0 : index
    tpu.barrier barrier_id(%barrier3A_113)
    "tpu.region"() ({
      %run_scoped3A_114 = tpu.sem_alloc : memref<!tpu.dma_semaphore, #tpu.memory_space<semaphore_mem>>
      %dma_start3A_115 = arith.constant 0 : i32
      %dma_start3A_116 = tpu.memref_slice %arg5[%arg0, %mul3A_10, %dma_start3A_115] : memref<2x100352x16xf32, #tpu.memory_space<hbm>> -> memref<1x6272x16xf32, #tpu.memory_space<hbm>>
      %dma_start3A_117 = tpu.memref_squeeze %dma_start3A_116 : memref<1x6272x16xf32, #tpu.memory_space<hbm>> -> memref<6272x16xf32, #tpu.memory_space<hbm>>
      %dma_start3A_118 = arith.constant 0 : i32
      %dma_start3A_119 = tpu.memref_slice %arg10[%mul3A_10, %dma_start3A_118] : memref<100352x16xf32, #tpu.memory_space<vmem_shared>> -> memref<6272x16xf32, #tpu.memory_space<vmem_shared>>
      tpu.enqueue_dma source(%dma_start3A_119 : memref<6272x16xf32, #tpu.memory_space<vmem_shared>>) target(%dma_start3A_117 : memref<6272x16xf32, #tpu.memory_space<hbm>>) target_semaphore(%run_scoped3A_114 : memref<!tpu.dma_semaphore, #tpu.memory_space<semaphore_mem>>)
      %dma_wait3A_120 = arith.constant 0 : i32
      %dma_wait3A_121 = tpu.memref_slice %arg5[%arg0, %mul3A_10, %dma_wait3A_120] : memref<2x100352x16xf32, #tpu.memory_space<hbm>> -> memref<1x6272x16xf32, #tpu.memory_space<hbm>>
      %dma_wait3A_122 = tpu.memref_squeeze %dma_wait3A_121 : memref<1x6272x16xf32, #tpu.memory_space<hbm>> -> memref<6272x16xf32, #tpu.memory_space<hbm>>
      %dma_wait3A_123 = arith.constant 0 : i32
      %dma_wait3A_124 = tpu.memref_slice %arg10[%mul3A_10, %dma_wait3A_123] : memref<100352x16xf32, #tpu.memory_space<vmem_shared>> -> memref<6272x16xf32, #tpu.memory_space<vmem_shared>>
      tpu.wait_dma2 semaphore(%run_scoped3A_114 : memref<!tpu.dma_semaphore, #tpu.memory_space<semaphore_mem>>) src(%dma_wait3A_124 : memref<6272x16xf32, #tpu.memory_space<vmem_shared>>) dst(%dma_wait3A_122 : memref<6272x16xf32, #tpu.memory_space<hbm>>)
      tpu.yield
    }) : () -> ()
    return
  }
}

#map = affine_map<(d0, d1) -> (0, 0)>
#map1 = affine_map<(d0, d1) -> (0)>
module attributes {stable_mosaic.version = 14 : i64} {
  func.func @_sc_deg(%arg0: i32, %arg1: i32, %arg2: memref<2x3200000xi32, #tpu.memory_space<hbm>>, %arg3: memref<3200000xf32, #tpu.memory_space<hbm>>, %arg4: memref<2x100352xf32, #tpu.memory_space<hbm>>, %arg5: memref<2x4000xi32, #tpu.memory_space<vmem>>, %arg6: memref<2x4000xf32, #tpu.memory_space<vmem>>, %arg7: memref<6272xf32, #tpu.memory_space<vmem>>, %arg8: memref<100352xf32, #tpu.memory_space<vmem_shared>>, %arg9: memref<2x!tpu.dma_semaphore, #tpu.memory_space<semaphore_mem>>, %arg10: memref<2x!tpu.dma_semaphore, #tpu.memory_space<semaphore_mem>>) attributes {dimension_semantics = [#tpu.dimension_semantics<core_parallel>, #tpu.dimension_semantics<subcore_parallel>], iteration_bounds = array<i64: 2, 16>, scalar_prefetch = 0 : i64, scratch_operands = 6 : i64, tpu.core_type = #tpu.core_type<sc_vector_subcore>, window_params = [{transform_indices = #map}, {transform_indices = #map1}, {transform_indices = #map}]} {
    %mul3A = arith.constant 16 : i32
    %mul3A_0 = arith.muli %arg0, %mul3A : i32
    %add3A = arith.addi %mul3A_0, %arg1 : i32
    %mul3A_1 = arith.constant 100000 : i32
    %mul3A_2 = arith.muli %add3A, %mul3A_1 : i32
    %scan3A = arith.constant 0 : i32
    %scan3A_3 = arith.constant 0 : i32
    %scan3A_4 = arith.constant 392 : i32
    %scan3A_5 = arith.addi %scan3A_3, %scan3A_4 : i32
    %scan3A_6 = arith.constant 1 : i32
    %scan3A_7 = scf.for %scan3A_74 = %scan3A_3 to %scan3A_5 step %scan3A_6 iter_args(%scan3A_75 = %scan3A) -> (i32)  : i32 {
      %broadcast_in_dim3A = arith.constant 0.000000e+00 : f32
      %broadcast_in_dim3A_76 = vector.broadcast %broadcast_in_dim3A : f32 to vector<16xf32>
      %mul3A_77 = arith.constant 16 : i32
      %mul3A_78 = arith.muli %scan3A_74, %mul3A_77 : i32
      %swap3A = arith.index_cast %mul3A_78 : i32 to index
      %swap3A_79 = tpu.vector_load %arg7[%swap3A] {strides = array<i32>} : memref<6272xf32, #tpu.memory_space<vmem>>, vector<16xf32>,
      %swap3A_80 = vector.shape_cast %swap3A_79 : vector<16xf32> to vector<16xf32>
      %swap3A_81 = vector.shape_cast %broadcast_in_dim3A_76 : vector<16xf32> to vector<16xf32>
      tpu.vector_store %arg7[%swap3A], %swap3A_81 {strides = array<i32>} : memref<6272xf32, #tpu.memory_space<vmem>>, vector<16xf32>,
      %scan3A_82 = arith.constant 0 : i32
      scf.yield %scan3A_82 : i32
    }
    %scan3A_8 = arith.constant 392 : i32
    %mul3A_9 = arith.constant 6272 : i32
    %mul3A_10 = arith.muli %arg1, %mul3A_9 : i32
    "tpu.region"() ({
      %run_scoped3A = tpu.sem_alloc : memref<!tpu.dma_semaphore, #tpu.memory_space<semaphore_mem>>
      %dma_start3A_74 = tpu.memref_slice %arg8[%mul3A_10] : memref<100352xf32, #tpu.memory_space<vmem_shared>> -> memref<6272xf32, #tpu.memory_space<vmem_shared>>
      %dma_start3A_75 = tpu.memref_slice %arg8[%mul3A_10] : memref<100352xf32, #tpu.memory_space<vmem_shared>> -> memref<6272xf32, #tpu.memory_space<vmem_shared>>
      tpu.enqueue_dma source(%arg7 : memref<6272xf32, #tpu.memory_space<vmem>>) target(%dma_start3A_75 : memref<6272xf32, #tpu.memory_space<vmem_shared>>) target_semaphore(%run_scoped3A : memref<!tpu.dma_semaphore, #tpu.memory_space<semaphore_mem>>)
      %dma_wait3A_76 = tpu.memref_slice %arg8[%mul3A_10] : memref<100352xf32, #tpu.memory_space<vmem_shared>> -> memref<6272xf32, #tpu.memory_space<vmem_shared>>
      %dma_wait3A_77 = tpu.memref_slice %arg8[%mul3A_10] : memref<100352xf32, #tpu.memory_space<vmem_shared>> -> memref<6272xf32, #tpu.memory_space<vmem_shared>>
      tpu.wait_dma2 semaphore(%run_scoped3A : memref<!tpu.dma_semaphore, #tpu.memory_space<semaphore_mem>>) src(%arg7 : memref<6272xf32, #tpu.memory_space<vmem>>) dst(%dma_wait3A_77 : memref<6272xf32, #tpu.memory_space<vmem_shared>>)
      tpu.yield
    }) : () -> ()
    %barrier3A = arith.constant 0 : index
    tpu.barrier barrier_id(%barrier3A)
    %add3A_11 = arith.constant 0 : i32
    %add3A_12 = arith.addi %mul3A_2, %add3A_11 : i32
    %dma_start3A = arith.constant 1 : i32
    %dma_start3A_13 = arith.constant 0 : i32
    %dma_start3A_14 = arith.constant 0 : i32
    %dma_start3A_15 = arith.constant 0 : i32
    %dma_start3A_16 = tpu.memref_slice %arg5[%dma_start3A_13, %dma_start3A_15] : memref<2x4000xi32, #tpu.memory_space<vmem>> -> memref<1x4000xi32, #tpu.memory_space<vmem>>
    %dma_start3A_17 = tpu.memref_squeeze %dma_start3A_16 : memref<1x4000xi32, #tpu.memory_space<vmem>> -> memref<4000xi32, #tpu.memory_space<vmem>>
    %dma_start3A_18 = tpu.memref_slice %arg2[%dma_start3A, %add3A_12] : memref<2x3200000xi32, #tpu.memory_space<hbm>> -> memref<1x4000xi32, #tpu.memory_space<hbm>>
    %dma_start3A_19 = tpu.memref_squeeze %dma_start3A_18 : memref<1x4000xi32, #tpu.memory_space<hbm>> -> memref<4000xi32, #tpu.memory_space<hbm>>
    %dma_start3A_20 = tpu.memref_slice %arg9[%dma_start3A_14] : memref<2x!tpu.dma_semaphore, #tpu.memory_space<semaphore_mem>> -> memref<1x!tpu.dma_semaphore, #tpu.memory_space<semaphore_mem>>
    %dma_start3A_21 = tpu.memref_squeeze %dma_start3A_20 : memref<1x!tpu.dma_semaphore, #tpu.memory_space<semaphore_mem>> -> memref<!tpu.dma_semaphore, #tpu.memory_space<semaphore_mem>>
    %dma_start3A_22 = arith.constant 0 : i32
    %dma_start3A_23 = tpu.memref_slice %arg5[%dma_start3A_13, %dma_start3A_22] : memref<2x4000xi32, #tpu.memory_space<vmem>> -> memref<1x4000xi32, #tpu.memory_space<vmem>>
    %dma_start3A_24 = tpu.memref_squeeze %dma_start3A_23 : memref<1x4000xi32, #tpu.memory_space<vmem>> -> memref<4000xi32, #tpu.memory_space<vmem>>
    %dma_start3A_25 = tpu.memref_slice %arg2[%dma_start3A, %add3A_12] : memref<2x3200000xi32, #tpu.memory_space<hbm>> -> memref<1x4000xi32, #tpu.memory_space<hbm>>
    %dma_start3A_26 = tpu.memref_squeeze %dma_start3A_25 : memref<1x4000xi32, #tpu.memory_space<hbm>> -> memref<4000xi32, #tpu.memory_space<hbm>>
    tpu.enqueue_dma source(%dma_start3A_26 : memref<4000xi32, #tpu.memory_space<hbm>>) target(%dma_start3A_24 : memref<4000xi32, #tpu.memory_space<vmem>>) target_semaphore(%dma_start3A_21 : memref<!tpu.dma_semaphore, #tpu.memory_space<semaphore_mem>>)
    %dma_start3A_27 = arith.constant 0 : i32
    %dma_start3A_28 = arith.constant 0 : i32
    %dma_start3A_29 = arith.constant 0 : i32
    %dma_start3A_30 = tpu.memref_slice %arg6[%dma_start3A_27, %dma_start3A_29] : memref<2x4000xf32, #tpu.memory_space<vmem>> -> memref<1x4000xf32, #tpu.memory_space<vmem>>
    %dma_start3A_31 = tpu.memref_squeeze %dma_start3A_30 : memref<1x4000xf32, #tpu.memory_space<vmem>> -> memref<4000xf32, #tpu.memory_space<vmem>>
    %dma_start3A_32 = tpu.memref_slice %arg3[%add3A_12] : memref<3200000xf32, #tpu.memory_space<hbm>> -> memref<4000xf32, #tpu.memory_space<hbm>>
    %dma_start3A_33 = tpu.memref_slice %arg9[%dma_start3A_28] : memref<2x!tpu.dma_semaphore, #tpu.memory_space<semaphore_mem>> -> memref<1x!tpu.dma_semaphore, #tpu.memory_space<semaphore_mem>>
    %dma_start3A_34 = tpu.memref_squeeze %dma_start3A_33 : memref<1x!tpu.dma_semaphore, #tpu.memory_space<semaphore_mem>> -> memref<!tpu.dma_semaphore, #tpu.memory_space<semaphore_mem>>
    %dma_start3A_35 = arith.constant 0 : i32
    %dma_start3A_36 = tpu.memref_slice %arg6[%dma_start3A_27, %dma_start3A_35] : memref<2x4000xf32, #tpu.memory_space<vmem>> -> memref<1x4000xf32, #tpu.memory_space<vmem>>
    %dma_start3A_37 = tpu.memref_squeeze %dma_start3A_36 : memref<1x4000xf32, #tpu.memory_space<vmem>> -> memref<4000xf32, #tpu.memory_space<vmem>>
    %dma_start3A_38 = tpu.memref_slice %arg3[%add3A_12] : memref<3200000xf32, #tpu.memory_space<hbm>> -> memref<4000xf32, #tpu.memory_space<hbm>>
    tpu.enqueue_dma source(%dma_start3A_38 : memref<4000xf32, #tpu.memory_space<hbm>>) target(%dma_start3A_37 : memref<4000xf32, #tpu.memory_space<vmem>>) target_semaphore(%dma_start3A_34 : memref<!tpu.dma_semaphore, #tpu.memory_space<semaphore_mem>>)
    %scan3A_39 = arith.constant 0 : i32
    %scan3A_40 = arith.constant 0 : i32
    %scan3A_41 = arith.constant 25 : i32
    %scan3A_42 = arith.addi %scan3A_40, %scan3A_41 : i32
    %scan3A_43 = arith.constant 1 : i32
    %scan3A_44 = scf.for %scan3A_74 = %scan3A_40 to %scan3A_42 step %scan3A_43 iter_args(%scan3A_75 = %scan3A_39) -> (i32)  : i32 {
      %jit3A = arith.constant 2 : i32
      %eq3A = arith.constant 0 : i32
      %eq3A_76 = arith.cmpi eq, %jit3A, %eq3A : i32
      %jit3A_77 = arith.constant 1 : i32
      %select_n3A = arith.select %eq3A_76, %jit3A_77, %jit3A : i32
      %rem3A = arith.remsi %scan3A_74, %select_n3A : i32
      %ne3A = arith.constant 0 : i32
      %ne3A_78 = arith.cmpi ne, %rem3A, %ne3A : i32
      %lt3A = arith.constant 0 : i32
      %lt3A_79 = arith.cmpi slt, %rem3A, %lt3A : i32
      %lt3A_80 = arith.constant 0 : i32
      %lt3A_81 = arith.cmpi slt, %select_n3A, %lt3A_80 : i32
      %ne3A_82 = arith.xori %lt3A_79, %lt3A_81 : i1
      %and3A = arith.andi %ne3A_82, %ne3A_78 : i1
      %add3A_83 = arith.addi %rem3A, %select_n3A : i32
      %select_n3A_84 = arith.select %and3A, %add3A_83, %rem3A : i32
      %mul3A_85 = arith.constant 4000 : i32
      %mul3A_86 = arith.muli %scan3A_74, %mul3A_85 : i32
      %add3A_87 = arith.addi %mul3A_2, %mul3A_86 : i32
      %dma_wait3A_88 = arith.constant 1 : i32
      %dma_wait3A_89 = arith.constant 0 : i32
      %dma_wait3A_90 = tpu.memref_slice %arg5[%select_n3A_84, %dma_wait3A_89] : memref<2x4000xi32, #tpu.memory_space<vmem>> -> memref<1x4000xi32, #tpu.memory_space<vmem>>
      %dma_wait3A_91 = tpu.memref_squeeze %dma_wait3A_90 : memref<1x4000xi32, #tpu.memory_space<vmem>> -> memref<4000xi32, #tpu.memory_space<vmem>>
      %dma_wait3A_92 = tpu.memref_slice %arg2[%dma_wait3A_88, %add3A_87] : memref<2x3200000xi32, #tpu.memory_space<hbm>> -> memref<1x4000xi32, #tpu.memory_space<hbm>>
      %dma_wait3A_93 = tpu.memref_squeeze %dma_wait3A_92 : memref<1x4000xi32, #tpu.memory_space<hbm>> -> memref<4000xi32, #tpu.memory_space<hbm>>
      %dma_wait3A_94 = tpu.memref_slice %arg9[%select_n3A_84] : memref<2x!tpu.dma_semaphore, #tpu.memory_space<semaphore_mem>> -> memref<1x!tpu.dma_semaphore, #tpu.memory_space<semaphore_mem>>
      %dma_wait3A_95 = tpu.memref_squeeze %dma_wait3A_94 : memref<1x!tpu.dma_semaphore, #tpu.memory_space<semaphore_mem>> -> memref<!tpu.dma_semaphore, #tpu.memory_space<semaphore_mem>>
      %dma_wait3A_96 = arith.constant 0 : i32
      %dma_wait3A_97 = tpu.memref_slice %arg5[%select_n3A_84, %dma_wait3A_96] : memref<2x4000xi32, #tpu.memory_space<vmem>> -> memref<1x4000xi32, #tpu.memory_space<vmem>>
      %dma_wait3A_98 = tpu.memref_squeeze %dma_wait3A_97 : memref<1x4000xi32, #tpu.memory_space<vmem>> -> memref<4000xi32, #tpu.memory_space<vmem>>
      %dma_wait3A_99 = tpu.memref_slice %arg2[%dma_wait3A_88, %add3A_87] : memref<2x3200000xi32, #tpu.memory_space<hbm>> -> memref<1x4000xi32, #tpu.memory_space<hbm>>
      %dma_wait3A_100 = tpu.memref_squeeze %dma_wait3A_99 : memref<1x4000xi32, #tpu.memory_space<hbm>> -> memref<4000xi32, #tpu.memory_space<hbm>>
      tpu.wait_dma2 semaphore(%dma_wait3A_95 : memref<!tpu.dma_semaphore, #tpu.memory_space<semaphore_mem>>) src(%dma_wait3A_100 : memref<4000xi32, #tpu.memory_space<hbm>>) dst(%dma_wait3A_98 : memref<4000xi32, #tpu.memory_space<vmem>>)
      %dma_wait3A_101 = arith.constant 0 : i32
      %dma_wait3A_102 = tpu.memref_slice %arg6[%select_n3A_84, %dma_wait3A_101] : memref<2x4000xf32, #tpu.memory_space<vmem>> -> memref<1x4000xf32, #tpu.memory_space<vmem>>
      %dma_wait3A_103 = tpu.memref_squeeze %dma_wait3A_102 : memref<1x4000xf32, #tpu.memory_space<vmem>> -> memref<4000xf32, #tpu.memory_space<vmem>>
      %dma_wait3A_104 = tpu.memref_slice %arg3[%add3A_87] : memref<3200000xf32, #tpu.memory_space<hbm>> -> memref<4000xf32, #tpu.memory_space<hbm>>
      %dma_wait3A_105 = tpu.memref_slice %arg9[%select_n3A_84] : memref<2x!tpu.dma_semaphore, #tpu.memory_space<semaphore_mem>> -> memref<1x!tpu.dma_semaphore, #tpu.memory_space<semaphore_mem>>
      %dma_wait3A_106 = tpu.memref_squeeze %dma_wait3A_105 : memref<1x!tpu.dma_semaphore, #tpu.memory_space<semaphore_mem>> -> memref<!tpu.dma_semaphore, #tpu.memory_space<semaphore_mem>>
      %dma_wait3A_107 = arith.constant 0 : i32
      %dma_wait3A_108 = tpu.memref_slice %arg6[%select_n3A_84, %dma_wait3A_107] : memref<2x4000xf32, #tpu.memory_space<vmem>> -> memref<1x4000xf32, #tpu.memory_space<vmem>>
      %dma_wait3A_109 = tpu.memref_squeeze %dma_wait3A_108 : memref<1x4000xf32, #tpu.memory_space<vmem>> -> memref<4000xf32, #tpu.memory_space<vmem>>
      %dma_wait3A_110 = tpu.memref_slice %arg3[%add3A_87] : memref<3200000xf32, #tpu.memory_space<hbm>> -> memref<4000xf32, #tpu.memory_space<hbm>>
      tpu.wait_dma2 semaphore(%dma_wait3A_106 : memref<!tpu.dma_semaphore, #tpu.memory_space<semaphore_mem>>) src(%dma_wait3A_110 : memref<4000xf32, #tpu.memory_space<hbm>>) dst(%dma_wait3A_109 : memref<4000xf32, #tpu.memory_space<vmem>>)
      %lt3A_111 = arith.constant 24 : i32
      %lt3A_112 = arith.cmpi slt, %scan3A_74, %lt3A_111 : i32
      %convert_element_type3A = arith.extui %lt3A_112 : i1 to i32
      %cond3A = arith.constant 0 : i32
      %cond3A_113 = arith.cmpi ne, %convert_element_type3A, %cond3A : i32
      scf.if %cond3A_113 {
        %ge3A = arith.constant 1 : i32
        %ge3A_125 = arith.cmpi sge, %scan3A_74, %ge3A : i32
        %convert_element_type3A_126 = arith.extui %ge3A_125 : i1 to i32
        %cond3A_127 = arith.constant 0 : i32
        %cond3A_128 = arith.cmpi ne, %convert_element_type3A_126, %cond3A_127 : i32
        scf.if %cond3A_128 {
          %sub3A_158 = arith.constant 1 : i32
          %sub3A_159 = arith.subi %sub3A_158, %select_n3A_84 : i32
          %sub3A_160 = arith.constant 1 : i32
          %sub3A_161 = arith.subi %sub3A_160, %select_n3A_84 : i32
          %sub3A_162 = arith.constant 1 : i32
          %sub3A_163 = arith.subi %sub3A_162, %select_n3A_84 : i32
          %dma_wait3A_164 = arith.constant 0 : i32
          %dma_wait3A_165 = tpu.memref_slice %arg6[%sub3A_159, %dma_wait3A_164] : memref<2x4000xf32, #tpu.memory_space<vmem>> -> memref<1x4000xf32, #tpu.memory_space<vmem>>
          %dma_wait3A_166 = tpu.memref_squeeze %dma_wait3A_165 : memref<1x4000xf32, #tpu.memory_space<vmem>> -> memref<4000xf32, #tpu.memory_space<vmem>>
          %dma_wait3A_167 = arith.constant 0 : i32
          %dma_wait3A_168 = tpu.memref_slice %arg5[%sub3A_161, %dma_wait3A_167] : memref<2x4000xi32, #tpu.memory_space<vmem>> -> memref<1x4000xi32, #tpu.memory_space<vmem>>
          %dma_wait3A_169 = tpu.memref_squeeze %dma_wait3A_168 : memref<1x4000xi32, #tpu.memory_space<vmem>> -> memref<4000xi32, #tpu.memory_space<vmem>>
          %dma_wait3A_170 = arith.constant 0 : i32
          %dma_wait3A_171 = tpu.memref_slice %arg8[%dma_wait3A_170] : memref<100352xf32, #tpu.memory_space<vmem_shared>> -> memref<100352xf32, #tpu.memory_space<vmem_shared>>
          %dma_wait3A_172 = tpu.memref_slice %arg10[%sub3A_163] : memref<2x!tpu.dma_semaphore, #tpu.memory_space<semaphore_mem>> -> memref<1x!tpu.dma_semaphore, #tpu.memory_space<semaphore_mem>>
          %dma_wait3A_173 = tpu.memref_squeeze %dma_wait3A_172 : memref<1x!tpu.dma_semaphore, #tpu.memory_space<semaphore_mem>> -> memref<!tpu.dma_semaphore, #tpu.memory_space<semaphore_mem>>
          tpu.wait_indirect_dma semaphore(%dma_wait3A_173 : memref<!tpu.dma_semaphore, #tpu.memory_space<semaphore_mem>>) src(%dma_wait3A_166 : memref<4000xf32, #tpu.memory_space<vmem>>) dst(%dma_wait3A_171 : memref<100352xf32, #tpu.memory_space<vmem_shared>>)
        } else {
        }
        %add3A_129 = arith.constant 1 : i32
        %add3A_130 = arith.addi %scan3A_74, %add3A_129 : i32
        %sub3A = arith.constant 1 : i32
        %sub3A_131 = arith.subi %sub3A, %select_n3A_84 : i32
        %mul3A_132 = arith.constant 4000 : i32
        %mul3A_133 = arith.muli %add3A_130, %mul3A_132 : i32
        %add3A_134 = arith.addi %mul3A_2, %mul3A_133 : i32
        %dma_start3A_135 = arith.constant 1 : i32
        %dma_start3A_136 = arith.constant 0 : i32
        %dma_start3A_137 = tpu.memref_slice %arg5[%sub3A_131, %dma_start3A_136] : memref<2x4000xi32, #tpu.memory_space<vmem>> -> memref<1x4000xi32, #tpu.memory_space<vmem>>
        %dma_start3A_138 = tpu.memref_squeeze %dma_start3A_137 : memref<1x4000xi32, #tpu.memory_space<vmem>> -> memref<4000xi32, #tpu.memory_space<vmem>>
        %dma_start3A_139 = tpu.memref_slice %arg2[%dma_start3A_135, %add3A_134] : memref<2x3200000xi32, #tpu.memory_space<hbm>> -> memref<1x4000xi32, #tpu.memory_space<hbm>>
        %dma_start3A_140 = tpu.memref_squeeze %dma_start3A_139 : memref<1x4000xi32, #tpu.memory_space<hbm>> -> memref<4000xi32, #tpu.memory_space<hbm>>
        %dma_start3A_141 = tpu.memref_slice %arg9[%sub3A_131] : memref<2x!tpu.dma_semaphore, #tpu.memory_space<semaphore_mem>> -> memref<1x!tpu.dma_semaphore, #tpu.memory_space<semaphore_mem>>
        %dma_start3A_142 = tpu.memref_squeeze %dma_start3A_141 : memref<1x!tpu.dma_semaphore, #tpu.memory_space<semaphore_mem>> -> memref<!tpu.dma_semaphore, #tpu.memory_space<semaphore_mem>>
        %dma_start3A_143 = arith.constant 0 : i32
        %dma_start3A_144 = tpu.memref_slice %arg5[%sub3A_131, %dma_start3A_143] : memref<2x4000xi32, #tpu.memory_space<vmem>> -> memref<1x4000xi32, #tpu.memory_space<vmem>>
        %dma_start3A_145 = tpu.memref_squeeze %dma_start3A_144 : memref<1x4000xi32, #tpu.memory_space<vmem>> -> memref<4000xi32, #tpu.memory_space<vmem>>
        %dma_start3A_146 = tpu.memref_slice %arg2[%dma_start3A_135, %add3A_134] : memref<2x3200000xi32, #tpu.memory_space<hbm>> -> memref<1x4000xi32, #tpu.memory_space<hbm>>
        %dma_start3A_147 = tpu.memref_squeeze %dma_start3A_146 : memref<1x4000xi32, #tpu.memory_space<hbm>> -> memref<4000xi32, #tpu.memory_space<hbm>>
        tpu.enqueue_dma source(%dma_start3A_147 : memref<4000xi32, #tpu.memory_space<hbm>>) target(%dma_start3A_145 : memref<4000xi32, #tpu.memory_space<vmem>>) target_semaphore(%dma_start3A_142 : memref<!tpu.dma_semaphore, #tpu.memory_space<semaphore_mem>>)
        %dma_start3A_148 = arith.constant 0 : i32
        %dma_start3A_149 = tpu.memref_slice %arg6[%sub3A_131, %dma_start3A_148] : memref<2x4000xf32, #tpu.memory_space<vmem>> -> memref<1x4000xf32, #tpu.memory_space<vmem>>
        %dma_start3A_150 = tpu.memref_squeeze %dma_start3A_149 : memref<1x4000xf32, #tpu.memory_space<vmem>> -> memref<4000xf32, #tpu.memory_space<vmem>>
        %dma_start3A_151 = tpu.memref_slice %arg3[%add3A_134] : memref<3200000xf32, #tpu.memory_space<hbm>> -> memref<4000xf32, #tpu.memory_space<hbm>>
        %dma_start3A_152 = tpu.memref_slice %arg9[%sub3A_131] : memref<2x!tpu.dma_semaphore, #tpu.memory_space<semaphore_mem>> -> memref<1x!tpu.dma_semaphore, #tpu.memory_space<semaphore_mem>>
        %dma_start3A_153 = tpu.memref_squeeze %dma_start3A_152 : memref<1x!tpu.dma_semaphore, #tpu.memory_space<semaphore_mem>> -> memref<!tpu.dma_semaphore, #tpu.memory_space<semaphore_mem>>
        %dma_start3A_154 = arith.constant 0 : i32
        %dma_start3A_155 = tpu.memref_slice %arg6[%sub3A_131, %dma_start3A_154] : memref<2x4000xf32, #tpu.memory_space<vmem>> -> memref<1x4000xf32, #tpu.memory_space<vmem>>
        %dma_start3A_156 = tpu.memref_squeeze %dma_start3A_155 : memref<1x4000xf32, #tpu.memory_space<vmem>> -> memref<4000xf32, #tpu.memory_space<vmem>>
        %dma_start3A_157 = tpu.memref_slice %arg3[%add3A_134] : memref<3200000xf32, #tpu.memory_space<hbm>> -> memref<4000xf32, #tpu.memory_space<hbm>>
        tpu.enqueue_dma source(%dma_start3A_157 : memref<4000xf32, #tpu.memory_space<hbm>>) target(%dma_start3A_156 : memref<4000xf32, #tpu.memory_space<vmem>>) target_semaphore(%dma_start3A_153 : memref<!tpu.dma_semaphore, #tpu.memory_space<semaphore_mem>>)
      } else {
      }
      %dma_start3A_114 = arith.constant 0 : i32
      %dma_start3A_115 = tpu.memref_slice %arg6[%select_n3A_84, %dma_start3A_114] : memref<2x4000xf32, #tpu.memory_space<vmem>> -> memref<1x4000xf32, #tpu.memory_space<vmem>>
      %dma_start3A_116 = tpu.memref_squeeze %dma_start3A_115 : memref<1x4000xf32, #tpu.memory_space<vmem>> -> memref<4000xf32, #tpu.memory_space<vmem>>
      %dma_start3A_117 = arith.constant 0 : i32
      %dma_start3A_118 = tpu.memref_slice %arg5[%select_n3A_84, %dma_start3A_117] : memref<2x4000xi32, #tpu.memory_space<vmem>> -> memref<1x4000xi32, #tpu.memory_space<vmem>>
      %dma_start3A_119 = tpu.memref_squeeze %dma_start3A_118 : memref<1x4000xi32, #tpu.memory_space<vmem>> -> memref<4000xi32, #tpu.memory_space<vmem>>
      %dma_start3A_120 = arith.constant 0 : i32
      %dma_start3A_121 = tpu.memref_slice %arg8[%dma_start3A_120] : memref<100352xf32, #tpu.memory_space<vmem_shared>> -> memref<100352xf32, #tpu.memory_space<vmem_shared>>
      %dma_start3A_122 = tpu.memref_slice %arg10[%select_n3A_84] : memref<2x!tpu.dma_semaphore, #tpu.memory_space<semaphore_mem>> -> memref<1x!tpu.dma_semaphore, #tpu.memory_space<semaphore_mem>>
      %dma_start3A_123 = tpu.memref_squeeze %dma_start3A_122 : memref<1x!tpu.dma_semaphore, #tpu.memory_space<semaphore_mem>> -> memref<!tpu.dma_semaphore, #tpu.memory_space<semaphore_mem>>
      tpu.enqueue_indirect_dma source(%dma_start3A_116 : memref<4000xf32, #tpu.memory_space<vmem>>) target(%dma_start3A_121 : memref<100352xf32, #tpu.memory_space<vmem_shared>>) offsets(%dma_start3A_119 : memref<4000xi32, #tpu.memory_space<vmem>>) semaphore(%dma_start3A_123 : memref<!tpu.dma_semaphore, #tpu.memory_space<semaphore_mem>>) {add = true}
      %scan3A_124 = arith.constant 0 : i32
      scf.yield %scan3A_124 : i32
    }
    %scan3A_45 = arith.constant 25 : i32
    %dma_wait3A = arith.constant 0 : i32
    %dma_wait3A_46 = arith.constant 0 : i32
    %dma_wait3A_47 = arith.constant 0 : i32
    %dma_wait3A_48 = arith.constant 0 : i32
    %dma_wait3A_49 = tpu.memref_slice %arg6[%dma_wait3A, %dma_wait3A_48] : memref<2x4000xf32, #tpu.memory_space<vmem>> -> memref<1x4000xf32, #tpu.memory_space<vmem>>
    %dma_wait3A_50 = tpu.memref_squeeze %dma_wait3A_49 : memref<1x4000xf32, #tpu.memory_space<vmem>> -> memref<4000xf32, #tpu.memory_space<vmem>>
    %dma_wait3A_51 = arith.constant 0 : i32
    %dma_wait3A_52 = tpu.memref_slice %arg5[%dma_wait3A_46, %dma_wait3A_51] : memref<2x4000xi32, #tpu.memory_space<vmem>> -> memref<1x4000xi32, #tpu.memory_space<vmem>>
    %dma_wait3A_53 = tpu.memref_squeeze %dma_wait3A_52 : memref<1x4000xi32, #tpu.memory_space<vmem>> -> memref<4000xi32, #tpu.memory_space<vmem>>
    %dma_wait3A_54 = arith.constant 0 : i32
    %dma_wait3A_55 = tpu.memref_slice %arg8[%dma_wait3A_54] : memref<100352xf32, #tpu.memory_space<vmem_shared>> -> memref<100352xf32, #tpu.memory_space<vmem_shared>>
    %dma_wait3A_56 = tpu.memref_slice %arg10[%dma_wait3A_47] : memref<2x!tpu.dma_semaphore, #tpu.memory_space<semaphore_mem>> -> memref<1x!tpu.dma_semaphore, #tpu.memory_space<semaphore_mem>>
    %dma_wait3A_57 = tpu.memref_squeeze %dma_wait3A_56 : memref<1x!tpu.dma_semaphore, #tpu.memory_space<semaphore_mem>> -> memref<!tpu.dma_semaphore, #tpu.memory_space<semaphore_mem>>
    tpu.wait_indirect_dma semaphore(%dma_wait3A_57 : memref<!tpu.dma_semaphore, #tpu.memory_space<semaphore_mem>>) src(%dma_wait3A_50 : memref<4000xf32, #tpu.memory_space<vmem>>) dst(%dma_wait3A_55 : memref<100352xf32, #tpu.memory_space<vmem_shared>>)
    %dma_wait3A_58 = arith.constant 1 : i32
    %dma_wait3A_59 = arith.constant 1 : i32
    %dma_wait3A_60 = arith.constant 1 : i32
    %dma_wait3A_61 = arith.constant 0 : i32
    %dma_wait3A_62 = tpu.memref_slice %arg6[%dma_wait3A_58, %dma_wait3A_61] : memref<2x4000xf32, #tpu.memory_space<vmem>> -> memref<1x4000xf32, #tpu.memory_space<vmem>>
    %dma_wait3A_63 = tpu.memref_squeeze %dma_wait3A_62 : memref<1x4000xf32, #tpu.memory_space<vmem>> -> memref<4000xf32, #tpu.memory_space<vmem>>
    %dma_wait3A_64 = arith.constant 0 : i32
    %dma_wait3A_65 = tpu.memref_slice %arg5[%dma_wait3A_59, %dma_wait3A_64] : memref<2x4000xi32, #tpu.memory_space<vmem>> -> memref<1x4000xi32, #tpu.memory_space<vmem>>
    %dma_wait3A_66 = tpu.memref_squeeze %dma_wait3A_65 : memref<1x4000xi32, #tpu.memory_space<vmem>> -> memref<4000xi32, #tpu.memory_space<vmem>>
    %dma_wait3A_67 = arith.constant 0 : i32
    %dma_wait3A_68 = tpu.memref_slice %arg8[%dma_wait3A_67] : memref<100352xf32, #tpu.memory_space<vmem_shared>> -> memref<100352xf32, #tpu.memory_space<vmem_shared>>
    %dma_wait3A_69 = tpu.memref_slice %arg10[%dma_wait3A_60] : memref<2x!tpu.dma_semaphore, #tpu.memory_space<semaphore_mem>> -> memref<1x!tpu.dma_semaphore, #tpu.memory_space<semaphore_mem>>
    %dma_wait3A_70 = tpu.memref_squeeze %dma_wait3A_69 : memref<1x!tpu.dma_semaphore, #tpu.memory_space<semaphore_mem>> -> memref<!tpu.dma_semaphore, #tpu.memory_space<semaphore_mem>>
    tpu.wait_indirect_dma semaphore(%dma_wait3A_70 : memref<!tpu.dma_semaphore, #tpu.memory_space<semaphore_mem>>) src(%dma_wait3A_63 : memref<4000xf32, #tpu.memory_space<vmem>>) dst(%dma_wait3A_68 : memref<100352xf32, #tpu.memory_space<vmem_shared>>)
    %barrier3A_71 = arith.constant 0 : index
    tpu.barrier barrier_id(%barrier3A_71)
    %mul3A_72 = arith.constant 6272 : i32
    %mul3A_73 = arith.muli %arg1, %mul3A_72 : i32
    "tpu.region"() ({
      %run_scoped3A = tpu.sem_alloc : memref<!tpu.dma_semaphore, #tpu.memory_space<semaphore_mem>>
      %dma_start3A_74 = tpu.memref_slice %arg4[%arg0, %mul3A_73] : memref<2x100352xf32, #tpu.memory_space<hbm>> -> memref<1x6272xf32, #tpu.memory_space<hbm>>
      %dma_start3A_75 = tpu.memref_squeeze %dma_start3A_74 : memref<1x6272xf32, #tpu.memory_space<hbm>> -> memref<6272xf32, #tpu.memory_space<hbm>>
      %dma_start3A_76 = tpu.memref_slice %arg8[%mul3A_73] : memref<100352xf32, #tpu.memory_space<vmem_shared>> -> memref<6272xf32, #tpu.memory_space<vmem_shared>>
      tpu.enqueue_dma source(%dma_start3A_76 : memref<6272xf32, #tpu.memory_space<vmem_shared>>) target(%dma_start3A_75 : memref<6272xf32, #tpu.memory_space<hbm>>) target_semaphore(%run_scoped3A : memref<!tpu.dma_semaphore, #tpu.memory_space<semaphore_mem>>)
      %dma_wait3A_77 = tpu.memref_slice %arg4[%arg0, %mul3A_73] : memref<2x100352xf32, #tpu.memory_space<hbm>> -> memref<1x6272xf32, #tpu.memory_space<hbm>>
      %dma_wait3A_78 = tpu.memref_squeeze %dma_wait3A_77 : memref<1x6272xf32, #tpu.memory_space<hbm>> -> memref<6272xf32, #tpu.memory_space<hbm>>
      %dma_wait3A_79 = tpu.memref_slice %arg8[%mul3A_73] : memref<100352xf32, #tpu.memory_space<vmem_shared>> -> memref<6272xf32, #tpu.memory_space<vmem_shared>>
      tpu.wait_dma2 semaphore(%run_scoped3A : memref<!tpu.dma_semaphore, #tpu.memory_space<semaphore_mem>>) src(%dma_wait3A_79 : memref<6272xf32, #tpu.memory_space<vmem_shared>>) dst(%dma_wait3A_78 : memref<6272xf32, #tpu.memory_space<hbm>>)
      tpu.yield
    }) : () -> ()
    return
  }
}

module attributes {stable_mosaic.version = 14 : i64} {
  func.func @_pre1_body(%arg0: i32, %arg1: memref<4000x128xf32, #tpu.memory_space<vmem>>, %arg2: memref<2x1x1x4000xf32, #tpu.memory_space<vmem>>, %arg3: memref<128x16xf32, #tpu.memory_space<vmem>>, %arg4: memref<4000x16xf32, #tpu.memory_space<vmem>>, %arg5: memref<4000x16xf32, #tpu.memory_space<vmem>>, %arg6: memref<1x1x4000xf32, #tpu.memory_space<vmem>>) attributes {dimension_semantics = [#tpu.dimension_semantics<arbitrary>], iteration_bounds = array<i64: 25>, scalar_prefetch = 0 : i64, scratch_operands = 0 : i64, tpu.core_type = #tpu.core_type<tc>, window_params = [{transform_indices = @transform_0, window_bounds = array<i64: 4000, 128>}, {transform_indices = @transform_1, window_bounds = array<i64: 2, 1, 1, 4000>}, {pipeline_mode = #tpu.pipeline_mode<synchronous>, transform_indices = @transform_2, window_bounds = array<i64: 128, 16>}, {transform_indices = @transform_3, window_bounds = array<i64: 4000, 16>}, {transform_indices = @transform_4, window_bounds = array<i64: 4000, 16>}, {transform_indices = @transform_5, window_bounds = array<i64: 1, 1, 4000>}]} {
    %get3A = arith.constant 0 : index
    %get3A_0 = arith.constant 0 : index
    %get3A_1 = arith.constant 0 : index
    %get3A_2 = arith.constant 0 : index
    %get3A_3 = vector.load %arg2[%get3A, %get3A_0, %get3A_1, %get3A_2] : memref<2x1x1x4000xf32, #tpu.memory_space<vmem>>, vector<1x1x1x4000xf32>
    %get3A_4 = vector.shape_cast %get3A_3 : vector<1x1x1x4000xf32> to vector<1x4000xf32>
    %add3A = arith.constant 1.000000e+00 : f32
    %add3A_5 = vector.broadcast %add3A : f32 to vector<1x4000xf32>
    %add3A_6 = arith.addf %add3A_5, %get3A_4 : vector<1x4000xf32>
    %get3A_7 = arith.constant 1 : index
    %get3A_8 = arith.constant 0 : index
    %get3A_9 = arith.constant 0 : index
    %get3A_10 = arith.constant 0 : index
    %get3A_11 = vector.load %arg2[%get3A_7, %get3A_8, %get3A_9, %get3A_10] : memref<2x1x1x4000xf32, #tpu.memory_space<vmem>>, vector<1x1x1x4000xf32>
    %get3A_12 = vector.shape_cast %get3A_11 : vector<1x1x1x4000xf32> to vector<1x4000xf32>
    %add3A_13 = arith.addf %add3A_6, %get3A_12 : vector<1x4000xf32>
    %gt3A = arith.constant 0.000000e+00 : f32
    %gt3A_14 = vector.broadcast %gt3A : f32 to vector<1x4000xf32>
    %gt3A_15 = arith.cmpf ogt, %add3A_13, %gt3A_14 : vector<1x4000xf32>
    %rsqrt3A = math.rsqrt %add3A_13 : vector<1x4000xf32>
    %jit3A = arith.constant 0.000000e+00 : f32
    %broadcast_in_dim3A = vector.broadcast %jit3A : f32 to vector<1x4000xf32>
    %select_n3A = arith.select %gt3A_15, %rsqrt3A, %broadcast_in_dim3A : vector<1x4000xi1>, vector<1x4000xf32>
    %transpose3A = tpu.transpose %select_n3A, [1, 0] : vector<1x4000xf32> -> vector<4000x1xf32>
    %get3A_16 = arith.constant 0 : index
    %get3A_17 = arith.constant 0 : index
    %get3A_18 = vector.load %arg1[%get3A_16, %get3A_17] : memref<4000x128xf32, #tpu.memory_space<vmem>>, vector<4000x128xf32>
    %get3A_19 = arith.constant 0 : index
    %get3A_20 = arith.constant 0 : index
    %get3A_21 = vector.load %arg3[%get3A_19, %get3A_20] : memref<128x16xf32, #tpu.memory_space<vmem>>, vector<128x16xf32>
    %dot_general3A = arith.constant dense<0.000000e+00> : vector<4000x16xf32>
    %dot_general3A_22 = tpu.matmul %get3A_18, %get3A_21, %dot_general3A {dimension_numbers = #tpu.dot_dimension_numbers<[1], [0], [0], [1], [0, 0, 1, 1], [], []>, transpose_lhs_hint = false} : vector<4000x128xf32>, vector<128x16xf32>, vector<4000x16xf32> -> vector<4000x16xf32>
    %swap3A = arith.constant 0 : index
    %swap3A_23 = arith.constant 0 : index
    %swap3A_24 = vector.load %arg4[%swap3A, %swap3A_23] : memref<4000x16xf32, #tpu.memory_space<vmem>>, vector<4000x16xf32>
    tpu.vector_store %arg4[%swap3A, %swap3A_23], %dot_general3A_22 {strides = array<i32>} : memref<4000x16xf32, #tpu.memory_space<vmem>>, vector<4000x16xf32>,
    %mul3A = vector.broadcast %transpose3A : vector<4000x1xf32> to vector<4000x16xf32>
    %mul3A_25 = arith.mulf %mul3A, %dot_general3A_22 : vector<4000x16xf32>
    %swap3A_26 = arith.constant 0 : index
    %swap3A_27 = arith.constant 0 : index
    %swap3A_28 = vector.load %arg5[%swap3A_26, %swap3A_27] : memref<4000x16xf32, #tpu.memory_space<vmem>>, vector<4000x16xf32>
    tpu.vector_store %arg5[%swap3A_26, %swap3A_27], %mul3A_25 {strides = array<i32>} : memref<4000x16xf32, #tpu.memory_space<vmem>>, vector<4000x16xf32>,
    %reshape3A = vector.shape_cast %select_n3A : vector<1x4000xf32> to vector<1x1x4000xf32>
    %swap3A_29 = arith.constant 0 : index
    %swap3A_30 = arith.constant 0 : index
    %swap3A_31 = arith.constant 0 : index
    %swap3A_32 = vector.load %arg6[%swap3A_29, %swap3A_30, %swap3A_31] : memref<1x1x4000xf32, #tpu.memory_space<vmem>>, vector<1x1x4000xf32>
    tpu.vector_store %arg6[%swap3A_29, %swap3A_30, %swap3A_31], %reshape3A {strides = array<i32>} : memref<1x1x4000xf32, #tpu.memory_space<vmem>>, vector<1x1x4000xf32>,
    return
  }
  func.func @transform_0(%arg0: i32) -> (i32, i32) {
    %c0_i32 = arith.constant 0 : i32
    %c0_i32_0 = arith.constant 0 : i32
    return %arg0, %c0_i32 : i32, i32
  }
  func.func @transform_1(%arg0: i32) -> (i32, i32, i32, i32) {
    %c0_i32 = arith.constant 0 : i32
    %c0_i32_0 = arith.constant 0 : i32
    %c0_i32_1 = arith.constant 0 : i32
    %c0_i32_2 = arith.constant 0 : i32
    return %c0_i32, %arg0, %c0_i32_0, %c0_i32_1 : i32, i32, i32, i32
  }
  func.func @transform_2(%arg0: i32) -> (i32, i32) {
    %c0_i32 = arith.constant 0 : i32
    %c0_i32_0 = arith.constant 0 : i32
    %c0_i32_1 = arith.constant 0 : i32
    return %c0_i32, %c0_i32_0 : i32, i32
  }
  func.func @transform_3(%arg0: i32) -> (i32, i32) {
    %c0_i32 = arith.constant 0 : i32
    %c0_i32_0 = arith.constant 0 : i32
    return %arg0, %c0_i32 : i32, i32
  }
  func.func @transform_4(%arg0: i32) -> (i32, i32) {
    %c0_i32 = arith.constant 0 : i32
    %c0_i32_0 = arith.constant 0 : i32
    return %arg0, %c0_i32 : i32, i32
  }
  func.func @transform_5(%arg0: i32) -> (i32, i32, i32) {
    %c0_i32 = arith.constant 0 : i32
    %c0_i32_0 = arith.constant 0 : i32
    %c0_i32_1 = arith.constant 0 : i32
    return %arg0, %c0_i32, %c0_i32_0 : i32, i32, i32
  }
}

module attributes {stable_mosaic.version = 14 : i64} {
  func.func @_mid_body(%arg0: i32, %arg1: memref<2x4000x16xf32, #tpu.memory_space<vmem>>, %arg2: memref<4000x16xf32, #tpu.memory_space<vmem>>, %arg3: memref<1x1x4000xf32, #tpu.memory_space<vmem>>, %arg4: memref<1x16xf32, #tpu.memory_space<vmem>>, %arg5: memref<16x16xf32, #tpu.memory_space<vmem>>, %arg6: memref<4000x16xf32, #tpu.memory_space<vmem>>, %arg7: memref<4000x16xf32, #tpu.memory_space<vmem>>) attributes {dimension_semantics = [#tpu.dimension_semantics<arbitrary>], iteration_bounds = array<i64: 25>, scalar_prefetch = 0 : i64, scratch_operands = 0 : i64, tpu.core_type = #tpu.core_type<tc>, window_params = [{transform_indices = @transform_0, window_bounds = array<i64: 2, 4000, 16>}, {transform_indices = @transform_1, window_bounds = array<i64: 4000, 16>}, {transform_indices = @transform_2, window_bounds = array<i64: 1, 1, 4000>}, {pipeline_mode = #tpu.pipeline_mode<synchronous>, transform_indices = @transform_3, window_bounds = array<i64: 1, 16>}, {pipeline_mode = #tpu.pipeline_mode<synchronous>, transform_indices = @transform_4, window_bounds = array<i64: 16, 16>}, {transform_indices = @transform_5, window_bounds = array<i64: 4000, 16>}, {transform_indices = @transform_6, window_bounds = array<i64: 4000, 16>}]} {
    %get3A = arith.constant 0 : index
    %get3A_0 = arith.constant 0 : index
    %get3A_1 = arith.constant 0 : index
    %get3A_2 = vector.load %arg3[%get3A, %get3A_0, %get3A_1] : memref<1x1x4000xf32, #tpu.memory_space<vmem>>, vector<1x1x4000xf32>
    %get3A_3 = vector.shape_cast %get3A_2 : vector<1x1x4000xf32> to vector<1x4000xf32>
    %transpose3A = tpu.transpose %get3A_3, [1, 0] : vector<1x4000xf32> -> vector<4000x1xf32>
    %get3A_4 = arith.constant 0 : index
    %get3A_5 = arith.constant 0 : index
    %get3A_6 = arith.constant 0 : index
    %get3A_7 = vector.load %arg1[%get3A_4, %get3A_5, %get3A_6] : memref<2x4000x16xf32, #tpu.memory_space<vmem>>, vector<1x4000x16xf32>
    %get3A_8 = vector.shape_cast %get3A_7 : vector<1x4000x16xf32> to vector<4000x16xf32>
    %get3A_9 = arith.constant 1 : index
    %get3A_10 = arith.constant 0 : index
    %get3A_11 = arith.constant 0 : index
    %get3A_12 = vector.load %arg1[%get3A_9, %get3A_10, %get3A_11] : memref<2x4000x16xf32, #tpu.memory_space<vmem>>, vector<1x4000x16xf32>
    %get3A_13 = vector.shape_cast %get3A_12 : vector<1x4000x16xf32> to vector<4000x16xf32>
    %add3A = arith.addf %get3A_8, %get3A_13 : vector<4000x16xf32>
    %get3A_14 = arith.constant 0 : index
    %get3A_15 = arith.constant 0 : index
    %get3A_16 = vector.load %arg4[%get3A_14, %get3A_15] : memref<1x16xf32, #tpu.memory_space<vmem>>, vector<1x16xf32>
    %mul3A = vector.broadcast %transpose3A : vector<4000x1xf32> to vector<4000x16xf32>
    %mul3A_17 = arith.mulf %mul3A, %add3A : vector<4000x16xf32>
    %add3A_18 = vector.broadcast %get3A_16 : vector<1x16xf32> to vector<4000x16xf32>
    %add3A_19 = arith.addf %add3A_18, %mul3A_17 : vector<4000x16xf32>
    %mul3A_20 = arith.mulf %transpose3A, %transpose3A : vector<4000x1xf32>
    %get3A_21 = arith.constant 0 : index
    %get3A_22 = arith.constant 0 : index
    %get3A_23 = vector.load %arg2[%get3A_21, %get3A_22] : memref<4000x16xf32, #tpu.memory_space<vmem>>, vector<4000x16xf32>
    %mul3A_24 = vector.broadcast %mul3A_20 : vector<4000x1xf32> to vector<4000x16xf32>
    %mul3A_25 = arith.mulf %mul3A_24, %get3A_23 : vector<4000x16xf32>
    %add3A_26 = arith.addf %add3A_19, %mul3A_25 : vector<4000x16xf32>
    %max3A = arith.constant 0.000000e+00 : f32
    %max3A_27 = vector.broadcast %max3A : f32 to vector<4000x16xf32>
    %max3A_28 = arith.maximumf %add3A_26, %max3A_27 : vector<4000x16xf32>
    %get3A_29 = arith.constant 0 : index
    %get3A_30 = arith.constant 0 : index
    %get3A_31 = vector.load %arg5[%get3A_29, %get3A_30] : memref<16x16xf32, #tpu.memory_space<vmem>>, vector<16x16xf32>
    %dot_general3A = arith.constant dense<0.000000e+00> : vector<4000x16xf32>
    %dot_general3A_32 = tpu.matmul %max3A_28, %get3A_31, %dot_general3A {dimension_numbers = #tpu.dot_dimension_numbers<[1], [0], [0], [1], [0, 0, 1, 1], [], []>, transpose_lhs_hint = false} : vector<4000x16xf32>, vector<16x16xf32>, vector<4000x16xf32> -> vector<4000x16xf32>
    %swap3A = arith.constant 0 : index
    %swap3A_33 = arith.constant 0 : index
    %swap3A_34 = vector.load %arg6[%swap3A, %swap3A_33] : memref<4000x16xf32, #tpu.memory_space<vmem>>, vector<4000x16xf32>
    tpu.vector_store %arg6[%swap3A, %swap3A_33], %dot_general3A_32 {strides = array<i32>} : memref<4000x16xf32, #tpu.memory_space<vmem>>, vector<4000x16xf32>,
    %mul3A_35 = vector.broadcast %transpose3A : vector<4000x1xf32> to vector<4000x16xf32>
    %mul3A_36 = arith.mulf %mul3A_35, %dot_general3A_32 : vector<4000x16xf32>
    %swap3A_37 = arith.constant 0 : index
    %swap3A_38 = arith.constant 0 : index
    %swap3A_39 = vector.load %arg7[%swap3A_37, %swap3A_38] : memref<4000x16xf32, #tpu.memory_space<vmem>>, vector<4000x16xf32>
    tpu.vector_store %arg7[%swap3A_37, %swap3A_38], %mul3A_36 {strides = array<i32>} : memref<4000x16xf32, #tpu.memory_space<vmem>>, vector<4000x16xf32>,
    return
  }
  func.func @transform_0(%arg0: i32) -> (i32, i32, i32) {
    %c0_i32 = arith.constant 0 : i32
    %c0_i32_0 = arith.constant 0 : i32
    %c0_i32_1 = arith.constant 0 : i32
    return %c0_i32, %arg0, %c0_i32_0 : i32, i32, i32
  }
  func.func @transform_1(%arg0: i32) -> (i32, i32) {
    %c0_i32 = arith.constant 0 : i32
    %c0_i32_0 = arith.constant 0 : i32
    return %arg0, %c0_i32 : i32, i32
  }
  func.func @transform_2(%arg0: i32) -> (i32, i32, i32) {
    %c0_i32 = arith.constant 0 : i32
    %c0_i32_0 = arith.constant 0 : i32
    %c0_i32_1 = arith.constant 0 : i32
    return %arg0, %c0_i32, %c0_i32_0 : i32, i32, i32
  }
  func.func @transform_3(%arg0: i32) -> (i32, i32) {
    %c0_i32 = arith.constant 0 : i32
    %c0_i32_0 = arith.constant 0 : i32
    %c0_i32_1 = arith.constant 0 : i32
    return %c0_i32, %c0_i32_0 : i32, i32
  }
  func.func @transform_4(%arg0: i32) -> (i32, i32) {
    %c0_i32 = arith.constant 0 : i32
    %c0_i32_0 = arith.constant 0 : i32
    %c0_i32_1 = arith.constant 0 : i32
    return %c0_i32, %c0_i32_0 : i32, i32
  }
  func.func @transform_5(%arg0: i32) -> (i32, i32) {
    %c0_i32 = arith.constant 0 : i32
    %c0_i32_0 = arith.constant 0 : i32
    return %arg0, %c0_i32 : i32, i32
  }
  func.func @transform_6(%arg0: i32) -> (i32, i32) {
    %c0_i32 = arith.constant 0 : i32
    %c0_i32_0 = arith.constant 0 : i32
    return %arg0, %c0_i32 : i32, i32
  }
}

module attributes {stable_mosaic.version = 14 : i64} {
  func.func @_final_body(%arg0: i32, %arg1: memref<2x4000x16xf32, #tpu.memory_space<vmem>>, %arg2: memref<4000x16xf32, #tpu.memory_space<vmem>>, %arg3: memref<1x1x4000xf32, #tpu.memory_space<vmem>>, %arg4: memref<1x16xf32, #tpu.memory_space<vmem>>, %arg5: memref<1x1x4000xi32, #tpu.memory_space<vmem>>, %arg6: memref<16x2xf32, #tpu.memory_space<vmem>>, %arg7: memref<1x2xf32, #tpu.memory_space<vmem>>, %arg8: memref<64x2xf32, #tpu.memory_space<vmem>>, %arg9: memref<64x16xf32, #tpu.memory_space<vmem>>, %arg10: memref<64x1xf32, #tpu.memory_space<vmem>>) attributes {dimension_semantics = [#tpu.dimension_semantics<arbitrary>], iteration_bounds = array<i64: 25>, scalar_prefetch = 0 : i64, scratch_operands = 2 : i64, tpu.core_type = #tpu.core_type<tc>, window_params = [{transform_indices = @transform_0, window_bounds = array<i64: 2, 4000, 16>}, {transform_indices = @transform_1, window_bounds = array<i64: 4000, 16>}, {transform_indices = @transform_2, window_bounds = array<i64: 1, 1, 4000>}, {pipeline_mode = #tpu.pipeline_mode<synchronous>, transform_indices = @transform_3, window_bounds = array<i64: 1, 16>}, {transform_indices = @transform_4, window_bounds = array<i64: 1, 1, 4000>}, {pipeline_mode = #tpu.pipeline_mode<synchronous>, transform_indices = @transform_5, window_bounds = array<i64: 16, 2>}, {pipeline_mode = #tpu.pipeline_mode<synchronous>, transform_indices = @transform_6, window_bounds = array<i64: 1, 2>}, {pipeline_mode = #tpu.pipeline_mode<synchronous>, transform_indices = @transform_7, window_bounds = array<i64: 64, 2>}]} {
    %eq3A = arith.constant 0 : i32
    %eq3A_0 = arith.cmpi eq, %arg0, %eq3A : i32
    %convert_element_type3A = arith.extui %eq3A_0 : i1 to i32
    %cond3A = arith.constant 0 : i32
    %cond3A_1 = arith.cmpi ne, %convert_element_type3A, %cond3A : i32
    scf.if %cond3A_1 {
      %broadcast_in_dim3A_62 = arith.constant 0.000000e+00 : f32
      %broadcast_in_dim3A_63 = vector.broadcast %broadcast_in_dim3A_62 : f32 to vector<64x16xf32>
      %swap3A_64 = arith.constant 0 : index
      %swap3A_65 = arith.constant 0 : index
      %swap3A_66 = vector.load %arg9[%swap3A_64, %swap3A_65] : memref<64x16xf32, #tpu.memory_space<vmem>>, vector<64x16xf32>
      tpu.vector_store %arg9[%swap3A_64, %swap3A_65], %broadcast_in_dim3A_63 {strides = array<i32>} : memref<64x16xf32, #tpu.memory_space<vmem>>, vector<64x16xf32>,
      %broadcast_in_dim3A_67 = arith.constant 0.000000e+00 : f32
      %broadcast_in_dim3A_68 = vector.broadcast %broadcast_in_dim3A_67 : f32 to vector<64x1xf32>
      %swap3A_69 = arith.constant 0 : index
      %swap3A_70 = arith.constant 0 : index
      %swap3A_71 = vector.load %arg10[%swap3A_69, %swap3A_70] : memref<64x1xf32, #tpu.memory_space<vmem>>, vector<64x1xf32>
      tpu.vector_store %arg10[%swap3A_69, %swap3A_70], %broadcast_in_dim3A_68 {strides = array<i32>} : memref<64x1xf32, #tpu.memory_space<vmem>>, vector<64x1xf32>,
    } else {
    }
    %get3A = arith.constant 0 : index
    %get3A_2 = arith.constant 0 : index
    %get3A_3 = arith.constant 0 : index
    %get3A_4 = vector.load %arg3[%get3A, %get3A_2, %get3A_3] : memref<1x1x4000xf32, #tpu.memory_space<vmem>>, vector<1x1x4000xf32>
    %get3A_5 = vector.shape_cast %get3A_4 : vector<1x1x4000xf32> to vector<1x4000xf32>
    %transpose3A = tpu.transpose %get3A_5, [1, 0] : vector<1x4000xf32> -> vector<4000x1xf32>
    %get3A_6 = arith.constant 0 : index
    %get3A_7 = arith.constant 0 : index
    %get3A_8 = arith.constant 0 : index
    %get3A_9 = vector.load %arg1[%get3A_6, %get3A_7, %get3A_8] : memref<2x4000x16xf32, #tpu.memory_space<vmem>>, vector<1x4000x16xf32>
    %get3A_10 = vector.shape_cast %get3A_9 : vector<1x4000x16xf32> to vector<4000x16xf32>
    %get3A_11 = arith.constant 1 : index
    %get3A_12 = arith.constant 0 : index
    %get3A_13 = arith.constant 0 : index
    %get3A_14 = vector.load %arg1[%get3A_11, %get3A_12, %get3A_13] : memref<2x4000x16xf32, #tpu.memory_space<vmem>>, vector<1x4000x16xf32>
    %get3A_15 = vector.shape_cast %get3A_14 : vector<1x4000x16xf32> to vector<4000x16xf32>
    %add3A = arith.addf %get3A_10, %get3A_15 : vector<4000x16xf32>
    %get3A_16 = arith.constant 0 : index
    %get3A_17 = arith.constant 0 : index
    %get3A_18 = vector.load %arg4[%get3A_16, %get3A_17] : memref<1x16xf32, #tpu.memory_space<vmem>>, vector<1x16xf32>
    %mul3A = vector.broadcast %transpose3A : vector<4000x1xf32> to vector<4000x16xf32>
    %mul3A_19 = arith.mulf %mul3A, %add3A : vector<4000x16xf32>
    %add3A_20 = vector.broadcast %get3A_18 : vector<1x16xf32> to vector<4000x16xf32>
    %add3A_21 = arith.addf %add3A_20, %mul3A_19 : vector<4000x16xf32>
    %mul3A_22 = arith.mulf %transpose3A, %transpose3A : vector<4000x1xf32>
    %get3A_23 = arith.constant 0 : index
    %get3A_24 = arith.constant 0 : index
    %get3A_25 = vector.load %arg2[%get3A_23, %get3A_24] : memref<4000x16xf32, #tpu.memory_space<vmem>>, vector<4000x16xf32>
    %mul3A_26 = vector.broadcast %mul3A_22 : vector<4000x1xf32> to vector<4000x16xf32>
    %mul3A_27 = arith.mulf %mul3A_26, %get3A_25 : vector<4000x16xf32>
    %add3A_28 = arith.addf %add3A_21, %mul3A_27 : vector<4000x16xf32>
    %max3A = arith.constant 0.000000e+00 : f32
    %max3A_29 = vector.broadcast %max3A : f32 to vector<4000x16xf32>
    %max3A_30 = arith.maximumf %add3A_28, %max3A_29 : vector<4000x16xf32>
    %get3A_31 = arith.constant 0 : index
    %get3A_32 = arith.constant 0 : index
    %get3A_33 = arith.constant 0 : index
    %get3A_34 = vector.load %arg5[%get3A_31, %get3A_32, %get3A_33] : memref<1x1x4000xi32, #tpu.memory_space<vmem>>, vector<1x1x4000xi32>
    %get3A_35 = vector.shape_cast %get3A_34 : vector<1x1x4000xi32> to vector<1x4000xi32>
    %iota3A = tpu.iota {dimensions = array<i32: 0>} : vector<64x4000xi32>
    %eq3A_36 = vector.broadcast %get3A_35 : vector<1x4000xi32> to vector<64x4000xi32>
    %eq3A_37 = arith.cmpi eq, %iota3A, %eq3A_36 : vector<64x4000xi32>
    %convert_element_type3A_38 = arith.extui %eq3A_37 : vector<64x4000xi1> to vector<64x4000xi32>
    %convert_element_type3A_39 = arith.sitofp %convert_element_type3A_38 : vector<64x4000xi32> to vector<64x4000xf32>
    %get3A_40 = arith.constant 0 : index
    %get3A_41 = arith.constant 0 : index
    %get3A_42 = vector.load %arg9[%get3A_40, %get3A_41] : memref<64x16xf32, #tpu.memory_space<vmem>>, vector<64x16xf32>
    %dot_general3A = arith.constant dense<0.000000e+00> : vector<64x16xf32>
    %dot_general3A_43 = tpu.matmul %convert_element_type3A_39, %max3A_30, %dot_general3A {dimension_numbers = #tpu.dot_dimension_numbers<[1], [0], [0], [1], [0, 0, 1, 1], [], []>, transpose_lhs_hint = false} : vector<64x4000xf32>, vector<4000x16xf32>, vector<64x16xf32> -> vector<64x16xf32>
    %add3A_44 = arith.addf %get3A_42, %dot_general3A_43 : vector<64x16xf32>
    %swap3A = arith.constant 0 : index
    %swap3A_45 = arith.constant 0 : index
    %swap3A_46 = vector.load %arg9[%swap3A, %swap3A_45] : memref<64x16xf32, #tpu.memory_space<vmem>>, vector<64x16xf32>
    tpu.vector_store %arg9[%swap3A, %swap3A_45], %add3A_44 {strides = array<i32>} : memref<64x16xf32, #tpu.memory_space<vmem>>, vector<64x16xf32>,
    %get3A_47 = arith.constant 0 : index
    %get3A_48 = arith.constant 0 : index
    %get3A_49 = vector.load %arg10[%get3A_47, %get3A_48] : memref<64x1xf32, #tpu.memory_space<vmem>>, vector<64x1xf32>
    %broadcast_in_dim3A = arith.constant 1.000000e+00 : f32
    %broadcast_in_dim3A_50 = vector.broadcast %broadcast_in_dim3A : f32 to vector<4000x1xf32>
    %dot_general3A_51 = arith.constant dense<0.000000e+00> : vector<64x1xf32>
    %dot_general3A_52 = tpu.matmul %convert_element_type3A_39, %broadcast_in_dim3A_50, %dot_general3A_51 {dimension_numbers = #tpu.dot_dimension_numbers<[1], [0], [0], [1], [0, 0, 1, 1], [], []>, transpose_lhs_hint = false} : vector<64x4000xf32>, vector<4000x1xf32>, vector<64x1xf32> -> vector<64x1xf32>
    %add3A_53 = arith.addf %get3A_49, %dot_general3A_52 : vector<64x1xf32>
    %swap3A_54 = arith.constant 0 : index
    %swap3A_55 = arith.constant 0 : index
    %swap3A_56 = vector.load %arg10[%swap3A_54, %swap3A_55] : memref<64x1xf32, #tpu.memory_space<vmem>>, vector<64x1xf32>
    tpu.vector_store %arg10[%swap3A_54, %swap3A_55], %add3A_53 {strides = array<i32>} : memref<64x1xf32, #tpu.memory_space<vmem>>, vector<64x1xf32>,
    %eq3A_57 = arith.constant 24 : i32
    %eq3A_58 = arith.cmpi eq, %arg0, %eq3A_57 : i32
    %convert_element_type3A_59 = arith.extui %eq3A_58 : i1 to i32
    %cond3A_60 = arith.constant 0 : i32
    %cond3A_61 = arith.cmpi ne, %convert_element_type3A_59, %cond3A_60 : i32
    scf.if %cond3A_61 {
      %get3A_62 = arith.constant 0 : index
      %get3A_63 = arith.constant 0 : index
      %get3A_64 = vector.load %arg9[%get3A_62, %get3A_63] : memref<64x16xf32, #tpu.memory_space<vmem>>, vector<64x16xf32>
      %get3A_65 = arith.constant 0 : index
      %get3A_66 = arith.constant 0 : index
      %get3A_67 = vector.load %arg10[%get3A_65, %get3A_66] : memref<64x1xf32, #tpu.memory_space<vmem>>, vector<64x1xf32>
      %max3A_68 = arith.constant 1.000000e+00 : f32
      %max3A_69 = vector.broadcast %max3A_68 : f32 to vector<64x1xf32>
      %max3A_70 = arith.maximumf %get3A_67, %max3A_69 : vector<64x1xf32>
      %div3A = vector.broadcast %max3A_70 : vector<64x1xf32> to vector<64x16xf32>
      %div3A_71 = arith.divf %get3A_64, %div3A : vector<64x16xf32>
      %get3A_72 = arith.constant 0 : index
      %get3A_73 = arith.constant 0 : index
      %get3A_74 = vector.load %arg6[%get3A_72, %get3A_73] : memref<16x2xf32, #tpu.memory_space<vmem>>, vector<16x2xf32>
      %dot_general3A_75 = arith.constant dense<0.000000e+00> : vector<64x2xf32>
      %dot_general3A_76 = tpu.matmul %div3A_71, %get3A_74, %dot_general3A_75 {dimension_numbers = #tpu.dot_dimension_numbers<[1], [0], [0], [1], [0, 0, 1, 1], [], []>, transpose_lhs_hint = false} : vector<64x16xf32>, vector<16x2xf32>, vector<64x2xf32> -> vector<64x2xf32>
      %get3A_77 = arith.constant 0 : index
      %get3A_78 = arith.constant 0 : index
      %get3A_79 = vector.load %arg7[%get3A_77, %get3A_78] : memref<1x2xf32, #tpu.memory_space<vmem>>, vector<1x2xf32>
      %add3A_80 = vector.broadcast %get3A_79 : vector<1x2xf32> to vector<64x2xf32>
      %add3A_81 = arith.addf %dot_general3A_76, %add3A_80 : vector<64x2xf32>
      %reduce_max3A = arith.constant dense<0xFF800000> : vector<64xf32>
      %reduce_max3A_82 = vector.multi_reduction <maximumf>, %add3A_81, %reduce_max3A [1] : vector<64x2xf32> to vector<64xf32>
      %broadcast_in_dim3A_83 = vector.shape_cast %reduce_max3A_82 : vector<64xf32> to vector<64x1xf32>
      %sub3A = vector.broadcast %broadcast_in_dim3A_83 : vector<64x1xf32> to vector<64x2xf32>
      %sub3A_84 = arith.subf %add3A_81, %sub3A : vector<64x2xf32>
      %exp3A = math.exp %sub3A_84 : vector<64x2xf32>
      %reduce_sum3A = arith.constant dense<0.000000e+00> : vector<64xf32>
      %reduce_sum3A_85 = vector.multi_reduction <add>, %exp3A, %reduce_sum3A [1] : vector<64x2xf32> to vector<64xf32>
      %broadcast_in_dim3A_86 = vector.shape_cast %reduce_sum3A_85 : vector<64xf32> to vector<64x1xf32>
      %log3A = math.log %broadcast_in_dim3A_86 : vector<64x1xf32>
      %add3A_87 = arith.addf %broadcast_in_dim3A_83, %log3A : vector<64x1xf32>
      %sub3A_88 = vector.broadcast %add3A_87 : vector<64x1xf32> to vector<64x2xf32>
      %sub3A_89 = arith.subf %add3A_81, %sub3A_88 : vector<64x2xf32>
      %swap3A_90 = arith.constant 0 : index
      %swap3A_91 = arith.constant 0 : index
      %swap3A_92 = vector.load %arg8[%swap3A_90, %swap3A_91] : memref<64x2xf32, #tpu.memory_space<vmem>>, vector<64x2xf32>
      tpu.vector_store %arg8[%swap3A_90, %swap3A_91], %sub3A_89 {strides = array<i32>} : memref<64x2xf32, #tpu.memory_space<vmem>>, vector<64x2xf32>,
    } else {
    }
    return
  }
  func.func @transform_0(%arg0: i32) -> (i32, i32, i32) {
    %c0_i32 = arith.constant 0 : i32
    %c0_i32_0 = arith.constant 0 : i32
    %c0_i32_1 = arith.constant 0 : i32
    return %c0_i32, %arg0, %c0_i32_0 : i32, i32, i32
  }
  func.func @transform_1(%arg0: i32) -> (i32, i32) {
    %c0_i32 = arith.constant 0 : i32
    %c0_i32_0 = arith.constant 0 : i32
    return %arg0, %c0_i32 : i32, i32
  }
  func.func @transform_2(%arg0: i32) -> (i32, i32, i32) {
    %c0_i32 = arith.constant 0 : i32
    %c0_i32_0 = arith.constant 0 : i32
    %c0_i32_1 = arith.constant 0 : i32
    return %arg0, %c0_i32, %c0_i32_0 : i32, i32, i32
  }
  func.func @transform_3(%arg0: i32) -> (i32, i32) {
    %c0_i32 = arith.constant 0 : i32
    %c0_i32_0 = arith.constant 0 : i32
    %c0_i32_1 = arith.constant 0 : i32
    return %c0_i32, %c0_i32_0 : i32, i32
  }
  func.func @transform_4(%arg0: i32) -> (i32, i32, i32) {
    %c0_i32 = arith.constant 0 : i32
    %c0_i32_0 = arith.constant 0 : i32
    %c0_i32_1 = arith.constant 0 : i32
    return %arg0, %c0_i32, %c0_i32_0 : i32, i32, i32
  }
  func.func @transform_5(%arg0: i32) -> (i32, i32) {
    %c0_i32 = arith.constant 0 : i32
    %c0_i32_0 = arith.constant 0 : i32
    %c0_i32_1 = arith.constant 0 : i32
    return %c0_i32, %c0_i32_0 : i32, i32
  }
  func.func @transform_6(%arg0: i32) -> (i32, i32) {
    %c0_i32 = arith.constant 0 : i32
    %c0_i32_0 = arith.constant 0 : i32
    %c0_i32_1 = arith.constant 0 : i32
    return %c0_i32, %c0_i32_0 : i32, i32
  }
  func.func @transform_7(%arg0: i32) -> (i32, i32) {
    %c0_i32 = arith.constant 0 : i32
    %c0_i32_0 = arith.constant 0 : i32
    %c0_i32_1 = arith.constant 0 : i32
    return %c0_i32, %c0_i32_0 : i32, i32
  }
}

</mosaic_0001>

<sc_bundles>
// kernel: kernel.11.cloned.1.call-start
scs
__scs_entry_jumppad:
0x0: {  	(pc) =	sbr.rel $0x88, $3  }
0x1: {  	(tag) =	ssettag $0x0;
	lr =	simm.s32 $0x1  }
0x2: {  	[smem:$0x3F97] =	sst lr;
	_ =	strace $0xD0000000  }
0x3: {  	_ = 	snop  }
0x4: {  	_ = 	snop  }
0x5: {  	_ = 	snop  }
0x6: {  	_ = 	snop  }
0x7: {  	_ = 	snop  }
__scs_overlays_trampoline_lowered:
0x8: {  	[smem:$0x3FA6] =	sst s0  }
0x9: {  	[smem:$0x3FA7] =	sst s1  }
0xa: {  	[smem:$0x3FA8] =	sst s2  }
0xb: {  	[smem:$0x3FA9] =	sst s3  }
0xc: {  	[smem:$0x3FAA] =	sst s4  }
0xd: {  	[smem:$0x3FAB] =	sst s5  }
0xe: {  	[smem:$0x3FAC] =	sst s6  }
0xf: {  	[smem:$0x3FAD] =	sst s7  }
0x10: {  	[smem:$0x3FAE] =	sst s8  }
0x11: {  	[smem:$0x3FAF] =	sst s9;
	s0 =	simm.s32 @!p0 $0x0  }
0x12: {  	s1 =	sld [smem:$0x3F95];
	s0 =	simm.s32 @p0 $0x1  }
0x13: {  	[smem:$0x3FB0] =	sst s0;
	s0 =	simm.s32 @!p1 $0x0  }
0x14: {  	s2 =	sld [smem:$0x3F94];
	s0 =	simm.s32 @p1 $0x1  }
0x15: {  	[smem:$0x3FB1] =	sst s0;
	s0 =	simm.s32 @!p2 $0x0  }
0x16: {  	s3 =	sld [smem:$0x3FDB];
	s0 =	simm.s32 @p2 $0x1  }
0x17: {  	s4 =	simm.s32 $0x1BF5;
	[smem:$0x3FB3] =	sst s0  }
0x18: {  	s0 =	sld [smem:$0x3F96];
	_ =	swait.ge [sflag:s4], $0x0  }
0x19: {  	s7 =	sld [smem:$0x3F97]  }
0x1a: {  	s8 =	sadd.s32 $0xFFFFE003, lr  }
0x1b: {  	s9 =	sadd.s32 $0xFFFFFEF7, lr;
	s5 =	simm.s32 $0xFFFFFFFF;
	p2 =	slt.u32 s8, $0xFFFFF086  }
0x1c: {  	p1 =	slt.u32 s9, $0xF7A;
	s5 =	simm.s32 @!p2 $0x0  }
0x1d: {  	s5 =	simm.s32 @p1 $0x1;
	p0 =	seq.s32 s7, s2  }
0x1e: {  	s7 =	smul.u32 @!p0 $0xF7A, s2;
	p2 =	seq.s32 @!p0 s5, $0x0  }
0x1f: {  	s9 =	smul.u32 $0xF7A, s1;
	s8 =	simm.s32 @!p0 $0x1BF5;
	p2 =	por !p2, p0  }
0x20: {  	[sflag:s8] =	ssyncset.s32 @!p0 $0xFFFFF086;
	s6 =	sadd.s32 @!p0 s3, s7;
	s7 =	simm.s32 @!p0 $0x108  }
0x21: {  	s3 =	sadd.s32 s3, s9;
	s6 =	sadd.s32 @!p0 $0x88, s6;
	s7 =	simm.s32 @p2 $0x1082  }
0x22: {  	[simem:s7], [sflag:s8] =	dma.local @!p0 [hbm:s6], $0xF7A  }
0x23: {  	s9 =	sor.u32 $0xD0000000, s2;
	s6 =	simm.s32 $0x108;
	_ =	swait.ge @!p0 [sflag:s8], $0x0  }
0x24: {  	s3 =	sadd.s32 $0x88, s3;
	s6 =	simm.s32 @!p1 $0x1082;
	[sflag:s4] =	ssyncset.s32 $0xFFFFF086  }
0x25: {  	[simem:s6], [sflag:s4] =	dma.local [hbm:s3], $0xF7A  }
0x26: {  	[smem:$0x3F97] =	sst s1;
	(tag) =	ssettag s2;
	_ =	strace s9  }
0x27: {  	s1 =	sld [smem:$0x3FA7]  }
0x28: {  	s2 =	sld [smem:$0x3FA8]  }
0x29: {  	s4 =	sld [smem:$0x3FAA]  }
0x2a: {  	p0 =	seq.s32 s5, $0x0;
	s5 =	sld [smem:$0x3FAB]  }
0x2b: {  	s6 =	sld [smem:$0x3FAC]  }
0x2c: {  	s7 =	sld [smem:$0x3FAD]  }
0x2d: {  	s3 =	simm.s32 $0x108;
	s8 =	sld [smem:$0x3FAE]  }
0x2e: {  	s3 =	simm.s32 @!p0 $0x1082;
	s9 =	sld [smem:$0x3FAF]  }
0x2f: {  	lr =	sadd.s32 s0, s3;
	s0 =	sld [smem:$0x3FA6]  }
0x30: {  	s3 =	sld [smem:$0x3FA9]  }
0x31: {  	[smem:$0x3FB2] =	sst s10  }
0x32: {  	s10 =	sld [smem:$0x3FB0];
	_ =	sdelay $0x3  }
0x33: {  	p0 =	seq.s32 s10, $0x1;
	s10 =	sld [smem:$0x3FB2];
	_ =	sdelay $0x3  }
0x34: {  	[smem:$0x3FB2] =	sst s10  }
0x35: {  	s10 =	sld [smem:$0x3FB1];
	_ =	sdelay $0x3  }
0x36: {  	p1 =	seq.s32 s10, $0x1;
	s10 =	sld [smem:$0x3FB2];
	_ =	sdelay $0x3  }
0x37: {  	[smem:$0x3FB2] =	sst s10  }
0x38: {  	s10 =	sld [smem:$0x3FB3]  }
0x39: {  	_ = 	snop;
	(pc) =	sbr.ind lr, $3  }
0x3a: {  	_ = 	snop  }
0x3b: {  	_ = 	snop  }
0x3c: {  	p2 =	seq.s32 s10, $0x1;
	s10 =	sld [smem:$0x3FB2]  }
0x3d: {  	_ =	shalt  }
0x3e: {  	_ =	shalt  }
0x3f: {  	_ =	shalt  }
0x40: {  	_ =	shalt  }
0x41: {  	_ =	shalt  }
0x42: {  	_ =	shalt  }
0x43: {  	_ =	shalt  }
0x44: {  	_ =	shalt  }
0x45: {  	_ =	shalt  }
0x46: {  	_ =	shalt  }
0x47: {  	_ =	shalt  }
0x48: {  	_ =	shalt  }
0x49: {  	_ =	shalt  }
0x4a: {  	_ =	shalt  }
0x4b: {  	_ =	shalt  }
0x4c: {  	_ =	shalt  }
0x4d: {  	_ =	shalt  }
0x4e: {  	_ =	shalt  }
0x4f: {  	_ =	shalt  }
0x50: {  	_ =	shalt  }
0x51: {  	_ =	shalt  }
0x52: {  	_ =	shalt  }
0x53: {  	_ =	shalt  }
0x54: {  	_ =	shalt  }
0x55: {  	_ =	shalt  }
0x56: {  	_ =	shalt  }
0x57: {  	_ =	shalt  }
0x58: {  	_ =	shalt  }
0x59: {  	_ =	shalt  }
0x5a: {  	_ =	shalt  }
0x5b: {  	_ =	shalt  }
0x5c: {  	_ =	shalt  }
0x5d: {  	_ =	shalt  }
0x5e: {  	_ =	shalt  }
0x5f: {  	_ =	shalt  }
0x60: {  	_ =	shalt  }
0x61: {  	_ =	shalt  }
0x62: {  	_ =	shalt  }
0x63: {  	_ =	shalt  }
0x64: {  	_ =	shalt  }
0x65: {  	_ =	shalt  }
0x66: {  	_ =	shalt  }
0x67: {  	_ =	shalt  }
0x68: {  	_ =	shalt  }
0x69: {  	_ =	shalt  }
0x6a: {  	_ =	shalt  }
0x6b: {  	_ =	shalt  }
0x6c: {  	_ =	shalt  }
0x6d: {  	_ =	shalt  }
0x6e: {  	_ =	shalt  }
0x6f: {  	_ =	shalt  }
0x70: {  	_ =	shalt  }
0x71: {  	_ =	shalt  }
0x72: {  	_ =	shalt  }
0x73: {  	_ =	shalt  }
0x74: {  	_ =	shalt  }
0x75: {  	_ =	shalt  }
0x76: {  	_ =	shalt  }
0x77: {  	_ =	shalt  }
0x78: {  	_ =	shalt  }
0x79: {  	_ =	shalt  }
0x7a: {  	_ =	shalt  }
0x7b: {  	_ =	shalt  }
0x7c: {  	_ =	shalt  }
0x7d: {  	_ =	shalt  }
0x7e: {  	_ =	shalt  }
0x7f: {  	_ =	shalt  }
0x80: {  	_ =	shalt  }
0x81: {  	_ =	shalt  }
0x82: {  	_ =	shalt  }
0x83: {  	_ =	shalt  }
0x84: {  	_ =	shalt  }
0x85: {  	_ =	shalt  }
0x86: {  	_ =	shalt  }
0x87: {  	_ =	shalt  }
.Lfunc_end0:
.L_simem_size_0:
called_computation.1_lowered:
.L_overlay_start_0:
0x88: {  	s2 =	sld [smem:$0x3FD9]  }
0x89: {  	s3 =	sld [smem:$0x3FFE];
	_ =	sdelay $0x1  }
0x8a: {  	s1 =	srdreg.scid  }
0x8b: {  	s0 =	sand.u32 $0x1, s1  }
0x8c: {  	s17 =	sshll.u32 s0, $0xA;
	s2 =	sadd.s32 s3, s2  }
0x8d: {  	s2 =	sadd.s32 s2, s17  }
0x8e: {  	[smem:$0x3FBE] =	sst s2  }
0x8f: {  	_ = 	snop  }
0x90: {  	s2 =	sld [smem:$0x3FC6];
	(tm) =	ssettm $0x1  }
0x91: {  	s18 =	sld [smem:$0x3FFB];
	_ =	sdelay $0x3  }
0x92: {  	_ =	strace s18  }
0x93: {  	s3 =	sld [smem:$0x3FFC];
	_ =	sdelay $0x3  }
0x94: {  	_ =	strace s3  }
0x95: {  	s3 =	sld [smem:$0x3FFD];
	_ =	sdelay $0x3  }
0x96: {  	_ =	strace s3  }
0x97: {  	_ =	strace $0x8FFFFFFF  }
0x98: {  	s19 =	sld [smem:$0x3FDB];
	_ =	sdelay $0x1  }
0x99: {  	s4 =	simm.s32 $_scs_section_size  }
0x9a: {  	s5 =	simm.s32 $_size__tile_overlayer_lowered;
	s6 =	simm.s32 $_tile_overlayer_lowered  }
0x9b: {  	s22 =	simm.s32 $0x1BFF;
	s21 =	sshll.u32 s6, $0x1;
	s3 =	sadd.s32 s4, s19  }
0x9c: {  	s7 =	simm.s32 $0x0;
	s20 =	sshll.u32 s5, $0x1;
	s5 =	sadd.s32 s21, s3  }
0x9d: {  	[timem:s7], [sflag:s22] =	dma.local [hbm:s5], s20  }
0x9e: {  	_ =	swait.ge [sflag:s22], s20  }
0x9f: {  	s4 =	ssub.s32 $0x0, s20;
	[sflag:s22] =	ssyncset.done $0x0  }
0xa0: {  	[sflag:s22] =	ssyncadd.s32 s4;
	_ =	sdelay $0x1  }
0xa1: {  	s23 =	simm.s32 $0x1B8B  }
0xa2: {  	_ =	swait.ge [sflag:s23], $0x1  }
0xa3: {  	[sflag:s23] =	ssyncset.done $0x0  }
0xa4: {  	s25 =	simm.s32 $0x1B8E;
	s24 =	sld [smem:$0x3FFE];
	[sflag:s23] =	ssyncadd.s32 $0xFFFFFFFF  }
0xa5: {  	s26 =	simm.s32 $execute0_lowered;
	[smem:$0x3FD2] =	sst s25  }
0xa6: {  	s5 =	sshll.u32 s26, $0x1;
	_ =	strace $0x80000049;
	[dreg:$0x1] =	wrdreg $0xFFFFFFFF  }
0xa7: {  	s28 =	simm.s32 $_size_execute0_lowered;
	s3 =	sadd.s32 s3, s5;
	[dreg:$0x0] =	wrdreg $0x0  }
0xa8: {  	s5 =	sshll.u32 s28, $0x1;
	[dreg:$0x2] =	wrdreg s3  }
0xa9: {  	[dreg:$0x3] =	wrdreg s5  }
0xaa: {  	[dreg:$0x4] =	wrdreg $0xC0  }
0xab: {  	_ =	task [dreg:s7], $0x5FFFF  }
0xac: {  	[dreg:$0x1] =	wrdreg $0xFFFFFFFF  }
0xad: {  	[dreg:$0x0] =	wrdreg $0x60  }
0xae: {  	[dreg:$0x2] =	wrdreg s24  }
0xaf: {  	[dreg:$0x3] =	wrdreg s2  }
0xb0: {  	[dreg:$0x4] =	wrdreg $0x76C00  }
0xb1: {  	[dreg:$0x5] =	wrdreg $0x9  }
0xb2: {  	_ =	task.clear_ibuf [dreg:s7], $0x6FFFF;
	_ =	strace $0x90000049  }
0xb3: {  	s29 =	simm.s32 $0x9;
	_ =	strace $0x8000004B  }
0xb4: {  	_ =	swait.ge [sflag:s29], $0x1  }
0xb5: {  	[sflag:s29] =	ssyncadd.s32 $0xFFFFFFFF  }
0xb6: {  	_ =	strace $0x9000004B  }
0xb7: {  	_ =	sfence  }
0xb8: {  	s30 =	sld [smem:$0x0];
	_ =	sdelay $0x2  }
0xb9: {  	s31 =	sshll.u32 s1, $0xD;
	s1 =	sshrl.u32 s1, $0x2  }
0xba: {  	s3 =	sand.u32 $0x4000, s31;
	s1 =	sadd.s32 s1, s30  }
0xbb: {  	s0 =	sor.u32 s3, s0;
	s1 =	sshll.u32 s1, $0x11  }
0xbc: {  	s0 =	sor.u32 s1, s0  }
0xbd: {  	s0 =	sadd.s32 $0x8F2B, s0  }
0xbe: {  	[sflag:s0] =	ssyncadd.remote.s32 $0x1  }
0xbf: {  	_ =	sfence.sel $0xFFFF  }
0xc0: {  	[dreg:$0x0] =	wrdreg $0xFFFFFFFF;
	(pc) =	sbr.abs _section_cstart, $3  }
0xc1: {  	[dreg:$0x1] =	wrdreg $0xFFFFFFFF  }
0xc2: {  	_ =	task.clear_ibuf [dreg:s7], $0x2FFFF;
	_ =	strace $0x9FFFFFFF  }
0xc3: {  	(tm) =	ssettm $0x7FFFFFFF  }
tec
execute0_lowered:
.L_overlay_start_1:
0x0: {  	(tag) =	ssettag $0x1  }
0x1: {  	s0 =	rddreg [dreg:$0x0]  }
0x2: {  	s2 =	rddreg [dreg:$0x1];
	s1 =	srdreg.scid  }
0x3: {  	s10 =	stileid.u32;
	s3 =	rddreg [dreg:$0x2]  }
0x4: {  	s4 =	simm.s32 $0x0;
	s21 =	simm.s32 $0x12C0;
	s22 =	simm.s32 $0x7  }
0x5: {  	s28 =	simm.s32 $0x6;
	s29 =	simm.s32 $0x0;
	s7 =	smul.u32 $0x18800, s10  }
0x6: {  	s1 =	sand.u32 $0x1, s1;
	[smem:$0x7FF] =	sst s4;
	s9 =	smul.u32 $0x62000, s10  }
0x7: {  	s5 =	smul.u32 $0x188000, s1;
	s24 =	sshll.u32 s1, $0x4;
	s1 =	ssub.s32 $0x2, s1  }
0x8: {  	_ =	strace $0x8000004A;
	s9 =	sshrl.u32 s9, $0x2;
	s25 =	sshrl.u32 s1, $0x1  }
0x9: {  	s6 =	sadd.s32 s7, s5;
	s5 =	sadd.s32 $0x1E00, s0;
	s15 =	sadd.s32 s9, s3  }
0xa: {  	s1 =	ssub.s32 s1, s25;
	s7 =	sadd.s32 s7, s3;
	s25 =	simm.s32 $0x320  }
0xb: {  	s8 =	sshrl.u32 s6, $0x3;
	s6 =	sadd.s32 $0x3D2800, s0;
	s9 =	sadd.s32 $0x3100, s15  }
0xc: {  	s26 =	sadd.s32 $0x6200, s15;
	s30 =	sadd.s32 $0x9300, s15;
	s31 =	sadd.s32 $0xC400, s15  }
0xd: {  	s0 =	sadd.s32 s8, s0;
	s8 =	sor.u32 s10, s24;
	[dreg:$0x4] =	wrdreg s9  }
0xe: {  	s12 =	sadd.s32 $0xF500, s15;
	[dreg:$0x5] =	wrdreg s26;
	s8 =	smul.u32 $0x186A0, s8  }
0xf: {  	s14 =	sadd.s32 $0x12600, s15;
	s15 =	sadd.s32 $0x15700, s15;
	[dreg:$0x6] =	wrdreg s30  }
0x10: {  	s20 =	smax.u32 s1, $0x1;
	[dreg:$0x7] =	wrdreg s31;
	s17 =	sshrl.u32 s8, $0x3  }
0x11: {  	s26 =	simm.s32 $0x5;
	s19 =	sadd.s32 $0xC5400, s0;
	s13 =	sadd.s32 s5, s17  }
0x12: {  	v0 =	vimm.f32 $0.0e+00;
	s18 =	sadd.s32 $0x320, s8;
	s17 =	sadd.s32 s2, s17;
	s16 =	sadd.s32 $0x61A80, s13  }
.LBB2_1:
0x13: {  	s0 =	simm.s32 $0x40;
	s1 =	simm.s32 $0x0  }
.LBB2_2:
0x14: {  	p0 =	sne.s32 s0, $0xC3C0;
	[tilespmem:s1+$0x12C0] =	vst v0;
	s1 =	smov.u32 s0;
	s0 =	sadd.s32 $0x40, s0  }
.Ltmp0:
0x15: {  	(pc) =	sbr.rel @p0 .LBB2_2-.Ltmp0, $2  }
0x16: {  	_ =	sdelay $0x2  }
0x17: {  	s1 =	sshra.s32 s1, $0x2  }
0x18: {  	[tilespmem:s1+$0x12C0] =	vst v0  }
0x19: {  	[spmem:s7] =	stream.linear.scatter [tilespmem:s21], [sflag:$0x7], $0x3100, $0x38;
	[tilespmem:$0x1FEC0] =	vst v63  }
0x1a: {  	_ =	swait.ge [sflag:s22], $0x3100  }
0x1b: {  	[sflag:s22] =	ssyncset.done $0x0  }
0x1c: {  	s0 =	rddreg [dreg:$0x4];
	[sflag:s22] =	ssyncadd.s32 $0xFFFFCF00  }
0x1d: {  	[spmem:s0] =	stream.linear.scatter [tilespmem:s21], [sflag:$0x7], $0x3100, $0x38;
	[tilespmem:$0x1FEC0] =	vst v63  }
0x1e: {  	_ =	swait.ge [sflag:s22], $0x3100  }
0x1f: {  	[sflag:s22] =	ssyncset.done $0x0  }
0x20: {  	s10 =	rddreg [dreg:$0x5];
	[sflag:s22] =	ssyncadd.s32 $0xFFFFCF00  }
0x21: {  	[spmem:s10] =	stream.linear.scatter [tilespmem:s21], [sflag:$0x7], $0x3100, $0x38;
	[tilespmem:$0x1FEC0] =	vst v63  }
0x22: {  	_ =	swait.ge [sflag:s22], $0x3100  }
0x23: {  	[sflag:s22] =	ssyncset.done $0x0  }
0x24: {  	s11 =	rddreg [dreg:$0x6];
	[sflag:s22] =	ssyncadd.s32 $0xFFFFCF00  }
0x25: {  	[spmem:s11] =	stream.linear.scatter [tilespmem:s21], [sflag:$0x7], $0x3100, $0x38;
	[tilespmem:$0x1FEC0] =	vst v63  }
0x26: {  	_ =	swait.ge [sflag:s22], $0x3100  }
0x27: {  	[sflag:s22] =	ssyncset.done $0x0  }
0x28: {  	s23 =	rddreg [dreg:$0x7];
	[sflag:s22] =	ssyncadd.s32 $0xFFFFCF00  }
0x29: {  	[spmem:s23] =	stream.linear.scatter [tilespmem:s21], [sflag:$0x7], $0x3100, $0x38;
	[tilespmem:$0x1FEC0] =	vst v63  }
0x2a: {  	_ =	swait.ge [sflag:s22], $0x3100  }
0x2b: {  	[sflag:s22] =	ssyncset.done $0x0  }
0x2c: {  	[sflag:s22] =	ssyncadd.s32 $0xFFFFCF00  }
0x2d: {  	[spmem:s12] =	stream.linear.scatter [tilespmem:s21], [sflag:$0x7], $0x3100, $0x38;
	[tilespmem:$0x1FEC0] =	vst v63  }
0x2e: {  	_ =	swait.ge [sflag:s22], $0x3100  }
0x2f: {  	[sflag:s22] =	ssyncset.done $0x0  }
0x30: {  	[sflag:s22] =	ssyncadd.s32 $0xFFFFCF00  }
0x31: {  	[spmem:s14] =	stream.linear.scatter [tilespmem:s21], [sflag:$0x7], $0x3100, $0x38;
	[tilespmem:$0x1FEC0] =	vst v63  }
0x32: {  	_ =	swait.ge [sflag:s22], $0x3100  }
0x33: {  	[sflag:s22] =	ssyncset.done $0x0  }
0x34: {  	[sflag:s22] =	ssyncadd.s32 $0xFFFFCF00  }
0x35: {  	[spmem:s15] =	stream.linear.scatter [tilespmem:s21], [sflag:$0x7], $0x3100, $0x38;
	[tilespmem:$0x1FEC0] =	vst v63  }
0x36: {  	_ =	swait.ge [sflag:s22], $0x3100  }
0x37: {  	[sflag:s22] =	ssyncset.done $0x0  }
0x38: {  	[sflag:s22] =	ssyncadd.s32 $0xFFFFCF00  }
0x39: {  	s30 =	simm.s32 $0x0;
	[bflag:$0x0] =	sbarrier.arrive $0xFFFF  }
0x3a: {  	[tilespmem:s30], [sflag:$0x1] =	stream.linear.gather [hbm4b:s13+s30], $0x320, $0x38;
	[tilespmem:$0x1FEC0] =	vst v63  }
0x3b: {  	s24 =	simm.s32 $0x640  }
0x3c: {  	[tilespmem:s24], [sflag:$0x1] =	stream.linear.gather [hbm4b:s16+s30], $0x320, $0x38;
	[tilespmem:$0x1FEC0] =	vst v63  }
0x3d: {  	s31 =	simm.s32 $0xC80;
	p0 =	por $0x0, $0x0  }
0x3e: {  	[tilespmem:s31], [sflag:$0x1] =	stream.linear.gather [hbm4b:s17+s30], $0x320, $0x38;
	[tilespmem:$0x1FEC0] =	vst v63  }
.LBB2_4:
0x3f: {  	s31 =	sand.u32 $0x1, s30  }
0x40: {  	s0 =	sadd.s32 $0x1, s31  }
0x41: {  	_ =	swait.ge [sflag:s0], $0x320  }
0x42: {  	[sflag:s0] =	ssyncset.done $0x0  }
0x43: {  	[sflag:s0] =	ssyncadd.s32 $0xFFFFFCE0  }
0x44: {  	_ =	swait.ge [sflag:s0], $0x320  }
0x45: {  	p1 =	seq.s32 s30, $0x0;
	s1 =	smul.u32 $0xC800, s31;
	[sflag:s0] =	ssyncset.done $0x0  }
.Ltmp1:
0x46: {  	[sflag:s0] =	ssyncadd.s32 $0xFFFFFCE0;
	(pc) =	sbr.rel @p1 .LBB2_5-.Ltmp1, $4  }
0x47: {  	_ =	swait.ge [sflag:s0], $0x320  }
0x48: {  	s23 =	smul.u32 $0x320, s31;
	s1 =	sshrl.u32 s1, $0x2;
	[sflag:s0] =	ssyncset.done $0x0  }
0x49: {  	s1 =	sadd.s32 $0x12C0, s1;
	[sflag:s0] =	ssyncadd.s32 $0xFFFFFCE0;
	s0 =	sadd.s32 $0x3, s31  }
0x4a: {  	[tilespmem:s1], [sflag:s0] =	stream.indirect.gather [hbm4b:s6+s25], $0x10, s23, s25, $0xb8;
	[tilespmem:$0x1FEC0] =	vst v63  }
0x4b: {  	p1 =	seq.s32 s30, $0x7C  }
.Ltmp2:
0x4c: {  	_ = 	snop;
	(pc) =	sbr.rel @p1 .LBB2_9-.Ltmp2, $1  }
0x4d: {  	_ =	sdelay $0x3  }
.Ltmp3:
0x4e: {  	s8 =	sxor.u32 $0x1, s31;
	(pc) =	sbr.rel .LBB2_8-.Ltmp3, $4  }
0x4f: {  	s24 =	sadd.s32 $0x5, s8  }
0x50: {  	_ =	swait.ge [sflag:s24], $0x3200  }
0x51: {  	[sflag:s24] =	ssyncset.done $0x0  }
0x52: {  	[sflag:s24] =	ssyncadd.s32 $0xFFFFCE00  }
.LBB2_5:
0x53: {  	s8 =	simm.s32 $0x1  }
.LBB2_8:
0x54: {  	s24 =	smul.u32 $0x320, s30;
	_ =	sdelay $0x1  }
0x55: {  	s24 =	sadd.s32 s24, s18  }
0x56: {  	s9 =	smul.u32 $0x320, s8;
	s24 =	sshrl.u32 s24, $0x3  }
0x57: {  	s8 =	sadd.s32 $0x1, s8;
	s10 =	sadd.s32 s5, s24  }
0x58: {  	[tilespmem:s9], [sflag:s8] =	stream.linear.gather [hbm4b:s10+s4], $0x320, $0x38;
	[tilespmem:$0x1FEC0] =	vst v63  }
0x59: {  	s11 =	sadd.s32 $0x640, s9;
	s10 =	sadd.s32 $0x61A80, s10  }
0x5a: {  	[tilespmem:s11], [sflag:s8] =	stream.linear.gather [hbm4b:s10+s4], $0x320, $0x38;
	[tilespmem:$0x1FEC0] =	vst v63  }
0x5b: {  	s24 =	sadd.s32 s2, s24;
	s9 =	sadd.s32 $0xC80, s9  }
0x5c: {  	[tilespmem:s9], [sflag:s8] =	stream.linear.gather [hbm4b:s24+s4], $0x320, $0x38;
	[tilespmem:$0x1FEC0] =	vst v63  }
.LBB2_9:
0x5d: {  	s8 =	simm.s32 $0x1  }
0x5e: {  	s8 =	simm.s32 @!p0 $0x0  }
0x5f: {  	s9 =	smul.u32 $0xC80, s8;
	_ =	sdelay $0x1  }
0x60: {  	s9 =	sshrl.u32 s9, $0x2  }
0x61: {  	s9 =	sadd.s32 $0xC80, s9  }
0x62: {  	v1 =	vmov s9;
	_ =	sdelay $0x1  }
0x63: {  	_ =	swait.ge [sflag:s0], $0x3200  }
0x64: {  	[sflag:s0] =	ssyncset.done $0x0;
	s8 =	smul.u32 $0xC800, s8  }
0x65: {  	s24 =	simm.s32 $0x0;
	[sflag:s0] =	ssyncadd.s32 $0xFFFFCE00  }
0x66: {  	s8 =	sshrl.u32 s8, $0x2;
	v2 =	vld.idx.msk [tilespmem:v1+s24+$0x0 ss:$0x1], $0xffff  }
0x67: {  	s24 =	sadd.s32 $0x1340, s8  }
0x68: {  	v3 =	vld [tilespmem:s24+$0xFFFFFF80]  }
0x69: {  	v4 =	vld [tilespmem:s24+$0xFFFFFF90]  }
0x6a: {  	v5 =	vld [tilespmem:s24+$0xFFFFFFA0]  }
0x6b: {  	v6 =	vld [tilespmem:s24+$0xFFFFFFB0];
	v7 =	vbroadcast v2, $0x0  }
0x6c: {  	v10 =	vld [tilespmem:s24+$0xFFFFFFD0];
	v8 =	vbroadcast v2, $0x1  }
0x6d: {  	v46 =	vld [tilespmem:s24+$0xFFFFFFE0];
	v11 =	vbroadcast v2, $0x2;
	v3 =	vmul.f32 v7, v3  }
0x6e: {  	v9 =	vld [tilespmem:s24+$0xFFFFFFC0];
	v45 =	vbroadcast v2, $0x3;
	v4 =	vmul.f32 v4, v8  }
0x6f: {  	v49 =	vld [tilespmem:s24+$0x10];
	v47 =	vbroadcast v2, $0x5;
	v5 =	vmul.f32 v5, v11;
	[tilespmem:s24+$0xFFFFFF80] =	vst v3  }
0x70: {  	v59 =	vld [tilespmem:s24+$0x60];
	v13 =	vbroadcast v2, $0x6;
	v6 =	vmul.f32 v6, v45;
	[tilespmem:s24+$0xFFFFFF90] =	vst v4  }
0x71: {  	v12 =	vld [tilespmem:s24+$0xFFFFFFF0];
	v7 =	vmul.f32 v10, v47;
	v3 =	vbroadcast v2, $0x4;
	[tilespmem:s24+$0xFFFFFFA0] =	vst v5  }
0x72: {  	v48 =	vld [tilespmem:s24+$0x0];
	v53 =	vbroadcast v2, $0x9;
	v8 =	vmul.f32 v46, v13;
	[tilespmem:s24+$0xFFFFFFB0] =	vst v6  }
0x73: {  	v52 =	vld [tilespmem:s24+$0x30];
	v62 =	vbroadcast v2, $0xE;
	[tilespmem:s24+$0xFFFFFFD0] =	vst v7;
	v3 =	vmul.f32 v9, v3  }
0x74: {  	v55 =	vld [tilespmem:s24+$0x50];
	v50 =	vbroadcast v2, $0x7;
	v58 =	vmul.f32 v49, v53;
	[tilespmem:s24+$0xFFFFFFE0] =	vst v8  }
0x75: {  	v51 =	vld [tilespmem:s24+$0x20];
	v63 =	vmul.f32 v59, v62;
	[tilespmem:s24+$0xFFFFFFC0] =	vst v3;
	v3 =	vbroadcast v2, $0x8  }
0x76: {  	v54 =	vld [tilespmem:s24+$0x40];
	v57 =	vbroadcast v2, $0xB;
	v5 =	vmul.f32 v12, v50;
	[tilespmem:s24+$0x10] =	vst v58  }
0x77: {  	v60 =	vld [tilespmem:s24+$0x70];
	v61 =	vbroadcast v2, $0xD;
	[tilespmem:s24+$0x60] =	vst v63;
	v3 =	vmul.f32 v48, v3  }
0x78: {  	v56 =	vbroadcast v2, $0xA;
	v4 =	vmul.f32 v52, v57;
	[tilespmem:s24+$0xFFFFFFF0] =	vst v5  }
0x79: {  	v6 =	vmul.f32 v55, v61;
	[tilespmem:s24+$0x0] =	vst v3;
	v3 =	vbroadcast v2, $0xC  }
0x7a: {  	v9 =	vmul.f32 v51, v56;
	[tilespmem:s24+$0x30] =	vst v4;
	v2 =	vbroadcast v2, $0xF  }
0x7b: {  	[tilespmem:s24+$0x50] =	vst v6;
	v3 =	vmul.f32 v54, v3  }
0x7c: {  	[tilespmem:s24+$0x20] =	vst v9;
	v2 =	vmul.f32 v60, v2  }
0x7d: {  	[tilespmem:s24+$0x40] =	vst v3  }
0x7e: {  	s23 =	sadd.s32 $0x640, s23;
	s0 =	simm.s32 $0x80;
	s8 =	simm.s32 $0x10;
	[tilespmem:s24+$0x70] =	vst v2  }
.LBB2_10:
0x7f: {  	p1 =	sne.s32 s0, $0xC40;
	v2 =	vld.idx.msk [tilespmem:v1+s8+$0x0 ss:$0x1], $0xffff;
	s24 =	sadd.s32 $0x100, s24  }
0x80: {  	v3 =	vld [tilespmem:s24+$0xFFFFFFB0]  }
0x81: {  	v4 =	vld [tilespmem:s24+$0xFFFFFF90]  }
0x82: {  	v5 =	vld [tilespmem:s24+$0xFFFFFF80]  }
0x83: {  	v6 =	vld [tilespmem:s24+$0xFFFFFFA0]  }
0x84: {  	v7 =	vld [tilespmem:s24+$0xFFFFFFF0]  }
0x85: {  	v8 =	vbroadcast v2, $0x0;
	v9 =	vbroadcast v2, $0x1;
	v10 =	vld [tilespmem:s24+$0xFFFFFFD0]  }
0x86: {  	v11 =	vbroadcast v2, $0x2;
	v12 =	vbroadcast v2, $0x3;
	v13 =	vld [tilespmem:s24+$0xFFFFFFC0]  }
0x87: {  	v4 =	vmul.f32 v4, v9;
	v5 =	vmul.f32 v8, v5;
	v8 =	vld [tilespmem:s24+$0xFFFFFFE0]  }
0x88: {  	v3 =	vmul.f32 v3, v12;
	v6 =	vmul.f32 v6, v11;
	v9 =	vld [tilespmem:s24+$0x30]  }
0x89: {  	v11 =	vbroadcast v2, $0x5;
	[tilespmem:s24+$0xFFFFFF80] =	vst v5;
	v5 =	vbroadcast v2, $0x4;
	v12 =	vld [tilespmem:s24+$0x10]  }
0x8a: {  	v14 =	vbroadcast v2, $0x7;
	[tilespmem:s24+$0xFFFFFF90] =	vst v4;
	v4 =	vbroadcast v2, $0x6;
	v15 =	vld [tilespmem:s24+$0x0]  }
0x8b: {  	[tilespmem:s24+$0xFFFFFFA0] =	vst v6;
	v5 =	vmul.f32 v13, v5;
	v6 =	vmul.f32 v10, v11;
	v10 =	vld [tilespmem:s24+$0x20]  }
0x8c: {  	[tilespmem:s24+$0xFFFFFFB0] =	vst v3;
	v3 =	vmul.f32 v8, v4;
	v4 =	vmul.f32 v7, v14;
	v7 =	vld [tilespmem:s24+$0x70]  }
0x8d: {  	v8 =	vbroadcast v2, $0x9;
	[tilespmem:s24+$0xFFFFFFC0] =	vst v5;
	v5 =	vbroadcast v2, $0x8;
	v11 =	vld [tilespmem:s24+$0x50]  }
0x8e: {  	v13 =	vbroadcast v2, $0xB;
	[tilespmem:s24+$0xFFFFFFD0] =	vst v6;
	v6 =	vbroadcast v2, $0xA;
	v14 =	vld [tilespmem:s24+$0x40]  }
0x8f: {  	[tilespmem:s24+$0xFFFFFFE0] =	vst v3;
	v3 =	vmul.f32 v15, v5;
	v5 =	vmul.f32 v12, v8;
	v8 =	vld [tilespmem:s24+$0x60]  }
0x90: {  	[tilespmem:s24+$0xFFFFFFF0] =	vst v4;
	v4 =	vmul.f32 v10, v6;
	v6 =	vmul.f32 v9, v13  }
0x91: {  	v9 =	vbroadcast v2, $0xD;
	[tilespmem:s24+$0x0] =	vst v3;
	v3 =	vbroadcast v2, $0xC  }
0x92: {  	[tilespmem:s24+$0x10] =	vst v5;
	v5 =	vbroadcast v2, $0xE;
	v2 =	vbroadcast v2, $0xF  }
0x93: {  	[tilespmem:s24+$0x20] =	vst v4;
	v3 =	vmul.f32 v14, v3;
	v4 =	vmul.f32 v11, v9  }
.Ltmp4:
0x94: {  	[tilespmem:s24+$0x30] =	vst v6;
	v5 =	vmul.f32 v8, v5;
	v2 =	vmul.f32 v7, v2;
	(pc) =	sbr.rel @p1 .LBB2_10-.Ltmp4, $4  }
0x95: {  	[tilespmem:s24+$0x40] =	vst v3  }
0x96: {  	[tilespmem:s24+$0x50] =	vst v4  }
0x97: {  	[tilespmem:s24+$0x60] =	vst v5  }
0x98: {  	s8 =	sshra.s32 s0, $0x2;
	s0 =	sadd.s32 $0x40, s0;
	[tilespmem:s24+$0x70] =	vst v2  }
0x99: {  	_ =	sdelay $0x3  }
0x9a: {  	v1 =	vld.idx.msk [tilespmem:v1+s8+$0x0 ss:$0x1], $0xffff  }
0x9b: {  	s0 =	sadd.s32 $0x100, s24  }
0x9c: {  	v2 =	vld [tilespmem:s0+$0xFFFFFF80]  }
0x9d: {  	v3 =	vld [tilespmem:s0+$0xFFFFFF90]  }
0x9e: {  	v4 =	vld [tilespmem:s0+$0xFFFFFFA0]  }
0x9f: {  	v5 =	vld [tilespmem:s0+$0xFFFFFFB0];
	v6 =	vbroadcast v1, $0x0  }
0xa0: {  	v9 =	vld [tilespmem:s0+$0xFFFFFFD0];
	v7 =	vbroadcast v1, $0x1  }
0xa1: {  	v8 =	vld [tilespmem:s0+$0xFFFFFFC0];
	v10 =	vbroadcast v1, $0x2;
	v2 =	vmul.f32 v6, v2  }
0xa2: {  	v49 =	vld [tilespmem:s0+$0xFFFFFFE0];
	v48 =	vbroadcast v1, $0x3;
	v3 =	vmul.f32 v3, v7  }
0xa3: {  	v51 =	vld [tilespmem:s0+$0x10];
	v50 =	vbroadcast v1, $0x5;
	v4 =	vmul.f32 v4, v10;
	[tilespmem:s0+$0xFFFFFF80] =	vst v2  }
0xa4: {  	v11 =	vld [tilespmem:s0+$0xFFFFFFF0];
	v5 =	vmul.f32 v5, v48;
	v2 =	vbroadcast v1, $0x4;
	[tilespmem:s0+$0xFFFFFF90] =	vst v3  }
0xa5: {  	v12 =	vbroadcast v1, $0x6;
	v6 =	vmul.f32 v9, v50;
	v3 =	vld [tilespmem:s0+$0x0];
	[tilespmem:s0+$0xFFFFFFA0] =	vst v4  }
0xa6: {  	v57 =	vld [tilespmem:s0+$0x50];
	v55 =	vbroadcast v1, $0x9;
	[tilespmem:s0+$0xFFFFFFB0] =	vst v5;
	v2 =	vmul.f32 v8, v2  }
0xa7: {  	v53 =	vld [tilespmem:s0+$0x20];
	v52 =	vbroadcast v1, $0x7;
	v7 =	vmul.f32 v49, v12;
	[tilespmem:s0+$0xFFFFFFD0] =	vst v6  }
0xa8: {  	v54 =	vld [tilespmem:s0+$0x30];
	v59 =	vmul.f32 v51, v55;
	[tilespmem:s0+$0xFFFFFFC0] =	vst v2;
	v2 =	vbroadcast v1, $0x8  }
0xa9: {  	v56 =	vld [tilespmem:s0+$0x40];
	v62 =	vbroadcast v1, $0xD;
	v4 =	vmul.f32 v11, v52;
	[tilespmem:s0+$0xFFFFFFE0] =	vst v7  }
0xaa: {  	v60 =	vld [tilespmem:s0+$0x60];
	v58 =	vbroadcast v1, $0xA;
	[tilespmem:s0+$0x10] =	vst v59;
	v2 =	vmul.f32 v3, v2  }
0xab: {  	v61 =	vld [tilespmem:s0+$0x70];
	v5 =	vmul.f32 v57, v62;
	[tilespmem:s0+$0xFFFFFFF0] =	vst v4;
	v3 =	vbroadcast v1, $0xB  }
0xac: {  	v8 =	vmul.f32 v53, v58;
	[tilespmem:s0+$0x0] =	vst v2;
	v2 =	vbroadcast v1, $0xC  }
0xad: {  	s30 =	sadd.s32 $0x1, s30;
	v63 =	vbroadcast v1, $0xE;
	[tilespmem:s0+$0x50] =	vst v5;
	v3 =	vmul.f32 v54, v3  }
0xae: {  	p1 =	sne.s32 s30, $0x7D;
	[tilespmem:s0+$0x20] =	vst v8;
	v1 =	vbroadcast v1, $0xF;
	v2 =	vmul.f32 v56, v2  }
.Ltmp5:
0xaf: {  	[tilespmem:s0+$0x30] =	vst v3;
	v3 =	vmul.f32 v60, v63;
	(pc) =	sbr.rel @p1 .LBB2_4-.Ltmp5, $4  }
0xb0: {  	v1 =	vmul.f32 v61, v1;
	[tilespmem:s0+$0x40] =	vst v2  }
0xb1: {  	[tilespmem:s0+$0x60] =	vst v3  }
0xb2: {  	s31 =	sadd.s32 $0x5, s31;
	p0 =	por !p0, !p0;
	[tilespmem:s0+$0x70] =	vst v1  }
0xb3: {  	[spmem:s3] =	stream.indirect.scatter.add.f32 [tilespmem:s1], [sflag:s31], $0x10, s23, s25, $0xb8;
	[tilespmem:$0x1FEC0] =	vst v63  }
0xb4: {  	_ =	swait.ge [sflag:s26], $0x3200  }
0xb5: {  	[sflag:s26] =	ssyncset.done $0x0  }
0xb6: {  	[sflag:s26] =	ssyncadd.s32 $0xFFFFCE00  }
0xb7: {  	s0 =	stileid.u32;
	_ =	swait.ge [sflag:s28], $0x3200  }
0xb8: {  	s1 =	sshrl.u32 s7, $0x3;
	s29 =	sadd.s32 $0x1, s29;
	[sflag:s28] =	ssyncset.done $0x0  }
0xb9: {  	s0 =	sshll.u32 s0, $0x6;
	p0 =	sne.s32 s29, s20;
	[sflag:s28] =	ssyncadd.s32 $0xFFFFCE00  }
.Ltmp6:
0xba: {  	s0 =	sor.u32 $0x1C07, s0;
	[bflag:$0x0] =	sbarrier.arrive $0xFFFF;
	(pc) =	sbr.rel @p0 .LBB2_1-.Ltmp6, $4  }
0xbb: {  	[hbm:s19], [sflag:s0] =	dma.local [spmem:s1], $0x3100  }
0xbc: {  	_ =	swait.ge [sflag:s22], $0x3100  }
0xbd: {  	[sflag:s22] =	ssyncset.done $0x0  }
0xbe: {  	[sflag:s22] =	ssyncadd.s32 $0xFFFFCF00  }
0xbf: {  	_ =	sfence.sel $0x180000  }
0xc0: {  	[bflag:$0x0] =	sbarrier.arrive $0xFFFF  }
0xc1: {  	_ =	strace $0x9000004A  }
0xc2: {  	s0 =	stileid.u32;
	[bflag:$0x2] =	sbarrier.arrive $0xFFFF  }
0xc3: {  	p0 =	sne.s32 s0, $0x0;
	s0 =	rddreg [dreg:$0x3]  }
0xc4: {  	s0 =	sadd.s32 @!p0 $0x100000, s0  }
0xc5: {  	[sflag:s0] =	ssyncadd.tile.s32 @!p0 $0x1;
	_ =	shalt  }
.Lfunc_end2:
_tile_overlayer_lowered:
.L_overlay_start_2:
0xc6: {  	(tag) =	ssettag $0x2  }
0xc7: {  	s0 =	rddreg [dreg:$0x0];
	s2 =	stileid.u32  }
0xc8: {  	s1 =	rddreg [dreg:$0x1];
	p0 =	sne.s32 s2, $0x0  }
0xc9: {  	s3 =	rddreg [dreg:$0x2];
	[bflag:$0x3] =	sbarrier.arrive $0xFFFF;
	s2 =	simm.s32 @!p0 $0x1C07  }
0xca: {  	[timem:s3], [sflag:s2] =	dma.local @!p0 [hbm:s0], s1  }
0xcb: {  	s0 =	simm.s32 @!p0 $0x7  }
0xcc: {  	_ =	swait.ge @!p0 [sflag:s0], s1  }
0xcd: {  	s1 =	ssub.s32 @!p0 $0x0, s1;
	[sflag:s0] =	ssyncset.done @!p0 $0x0  }
0xce: {  	[sflag:s0] =	ssyncadd.s32 @!p0 s1  }
0xcf: {  	[bflag:$0x3] =	sbarrier.arrive $0xFFFF  }
0xd0: {  	_ =	shalt  }

// kernel: kernel.14.cloned.1.call-start
scs
__scs_entry_jumppad:
0x0: {  	(pc) =	sbr.rel $0x88, $3  }
0x1: {  	(tag) =	ssettag $0x0;
	lr =	simm.s32 $0x1  }
0x2: {  	[smem:$0x3F97] =	sst lr;
	_ =	strace $0xD0000000  }
0x3: {  	_ = 	snop  }
0x4: {  	_ = 	snop  }
0x5: {  	_ = 	snop  }
0x6: {  	_ = 	snop  }
0x7: {  	_ = 	snop  }
__scs_overlays_trampoline_lowered:
0x8: {  	[smem:$0x3FA6] =	sst s0  }
0x9: {  	[smem:$0x3FA7] =	sst s1  }
0xa: {  	[smem:$0x3FA8] =	sst s2  }
0xb: {  	[smem:$0x3FA9] =	sst s3  }
0xc: {  	[smem:$0x3FAA] =	sst s4  }
0xd: {  	[smem:$0x3FAB] =	sst s5  }
0xe: {  	[smem:$0x3FAC] =	sst s6  }
0xf: {  	[smem:$0x3FAD] =	sst s7  }
0x10: {  	[smem:$0x3FAE] =	sst s8  }
0x11: {  	[smem:$0x3FAF] =	sst s9;
	s0 =	simm.s32 @!p0 $0x0  }
0x12: {  	s1 =	sld [smem:$0x3F95];
	s0 =	simm.s32 @p0 $0x1  }
0x13: {  	[smem:$0x3FB0] =	sst s0;
	s0 =	simm.s32 @!p1 $0x0  }
0x14: {  	s2 =	sld [smem:$0x3F94];
	s0 =	simm.s32 @p1 $0x1  }
0x15: {  	[smem:$0x3FB1] =	sst s0;
	s0 =	simm.s32 @!p2 $0x0  }
0x16: {  	s3 =	sld [smem:$0x3FDB];
	s0 =	simm.s32 @p2 $0x1  }
0x17: {  	s4 =	simm.s32 $0x1BF5;
	[smem:$0x3FB3] =	sst s0  }
0x18: {  	s0 =	sld [smem:$0x3F96];
	_ =	swait.ge [sflag:s4], $0x0  }
0x19: {  	s7 =	sld [smem:$0x3F97]  }
0x1a: {  	s8 =	sadd.s32 $0xFFFFE003, lr  }
0x1b: {  	s9 =	sadd.s32 $0xFFFFFEF7, lr;
	s5 =	simm.s32 $0xFFFFFFFF;
	p2 =	slt.u32 s8, $0xFFFFF086  }
0x1c: {  	p1 =	slt.u32 s9, $0xF7A;
	s5 =	simm.s32 @!p2 $0x0  }
0x1d: {  	s5 =	simm.s32 @p1 $0x1;
	p0 =	seq.s32 s7, s2  }
0x1e: {  	s7 =	smul.u32 @!p0 $0xF7A, s2;
	p2 =	seq.s32 @!p0 s5, $0x0  }
0x1f: {  	s9 =	smul.u32 $0xF7A, s1;
	s8 =	simm.s32 @!p0 $0x1BF5;
	p2 =	por !p2, p0  }
0x20: {  	[sflag:s8] =	ssyncset.s32 @!p0 $0xFFFFF086;
	s6 =	sadd.s32 @!p0 s3, s7;
	s7 =	simm.s32 @!p0 $0x108  }
0x21: {  	s3 =	sadd.s32 s3, s9;
	s6 =	sadd.s32 @!p0 $0x88, s6;
	s7 =	simm.s32 @p2 $0x1082  }
0x22: {  	[simem:s7], [sflag:s8] =	dma.local @!p0 [hbm:s6], $0xF7A  }
0x23: {  	s9 =	sor.u32 $0xD0000000, s2;
	s6 =	simm.s32 $0x108;
	_ =	swait.ge @!p0 [sflag:s8], $0x0  }
0x24: {  	s3 =	sadd.s32 $0x88, s3;
	s6 =	simm.s32 @!p1 $0x1082;
	[sflag:s4] =	ssyncset.s32 $0xFFFFF086  }
0x25: {  	[simem:s6], [sflag:s4] =	dma.local [hbm:s3], $0xF7A  }
0x26: {  	[smem:$0x3F97] =	sst s1;
	(tag) =	ssettag s2;
	_ =	strace s9  }
0x27: {  	s1 =	sld [smem:$0x3FA7]  }
0x28: {  	s2 =	sld [smem:$0x3FA8]  }
0x29: {  	s4 =	sld [smem:$0x3FAA]  }
0x2a: {  	p0 =	seq.s32 s5, $0x0;
	s5 =	sld [smem:$0x3FAB]  }
0x2b: {  	s6 =	sld [smem:$0x3FAC]  }
0x2c: {  	s7 =	sld [smem:$0x3FAD]  }
0x2d: {  	s3 =	simm.s32 $0x108;
	s8 =	sld [smem:$0x3FAE]  }
0x2e: {  	s3 =	simm.s32 @!p0 $0x1082;
	s9 =	sld [smem:$0x3FAF]  }
0x2f: {  	lr =	sadd.s32 s0, s3;
	s0 =	sld [smem:$0x3FA6]  }
0x30: {  	s3 =	sld [smem:$0x3FA9]  }
0x31: {  	[smem:$0x3FB2] =	sst s10  }
0x32: {  	s10 =	sld [smem:$0x3FB0];
	_ =	sdelay $0x3  }
0x33: {  	p0 =	seq.s32 s10, $0x1;
	s10 =	sld [smem:$0x3FB2];
	_ =	sdelay $0x3  }
0x34: {  	[smem:$0x3FB2] =	sst s10  }
0x35: {  	s10 =	sld [smem:$0x3FB1];
	_ =	sdelay $0x3  }
0x36: {  	p1 =	seq.s32 s10, $0x1;
	s10 =	sld [smem:$0x3FB2];
	_ =	sdelay $0x3  }
0x37: {  	[smem:$0x3FB2] =	sst s10  }
0x38: {  	s10 =	sld [smem:$0x3FB3]  }
0x39: {  	_ = 	snop;
	(pc) =	sbr.ind lr, $3  }
0x3a: {  	_ = 	snop  }
0x3b: {  	_ = 	snop  }
0x3c: {  	p2 =	seq.s32 s10, $0x1;
	s10 =	sld [smem:$0x3FB2]  }
0x3d: {  	_ =	shalt  }
0x3e: {  	_ =	shalt  }
0x3f: {  	_ =	shalt  }
0x40: {  	_ =	shalt  }
0x41: {  	_ =	shalt  }
0x42: {  	_ =	shalt  }
0x43: {  	_ =	shalt  }
0x44: {  	_ =	shalt  }
0x45: {  	_ =	shalt  }
0x46: {  	_ =	shalt  }
0x47: {  	_ =	shalt  }
0x48: {  	_ =	shalt  }
0x49: {  	_ =	shalt  }
0x4a: {  	_ =	shalt  }
0x4b: {  	_ =	shalt  }
0x4c: {  	_ =	shalt  }
0x4d: {  	_ =	shalt  }
0x4e: {  	_ =	shalt  }
0x4f: {  	_ =	shalt  }
0x50: {  	_ =	shalt  }
0x51: {  	_ =	shalt  }
0x52: {  	_ =	shalt  }
0x53: {  	_ =	shalt  }
0x54: {  	_ =	shalt  }
0x55: {  	_ =	shalt  }
0x56: {  	_ =	shalt  }
0x57: {  	_ =	shalt  }
0x58: {  	_ =	shalt  }
0x59: {  	_ =	shalt  }
0x5a: {  	_ =	shalt  }
0x5b: {  	_ =	shalt  }
0x5c: {  	_ =	shalt  }
0x5d: {  	_ =	shalt  }
0x5e: {  	_ =	shalt  }
0x5f: {  	_ =	shalt  }
0x60: {  	_ =	shalt  }
0x61: {  	_ =	shalt  }
0x62: {  	_ =	shalt  }
0x63: {  	_ =	shalt  }
0x64: {  	_ =	shalt  }
0x65: {  	_ =	shalt  }
0x66: {  	_ =	shalt  }
0x67: {  	_ =	shalt  }
0x68: {  	_ =	shalt  }
0x69: {  	_ =	shalt  }
0x6a: {  	_ =	shalt  }
0x6b: {  	_ =	shalt  }
0x6c: {  	_ =	shalt  }
0x6d: {  	_ =	shalt  }
0x6e: {  	_ =	shalt  }
0x6f: {  	_ =	shalt  }
0x70: {  	_ =	shalt  }
0x71: {  	_ =	shalt  }
0x72: {  	_ =	shalt  }
0x73: {  	_ =	shalt  }
0x74: {  	_ =	shalt  }
0x75: {  	_ =	shalt  }
0x76: {  	_ =	shalt  }
0x77: {  	_ =	shalt  }
0x78: {  	_ =	shalt  }
0x79: {  	_ =	shalt  }
0x7a: {  	_ =	shalt  }
0x7b: {  	_ =	shalt  }
0x7c: {  	_ =	shalt  }
0x7d: {  	_ =	shalt  }
0x7e: {  	_ =	shalt  }
0x7f: {  	_ =	shalt  }
0x80: {  	_ =	shalt  }
0x81: {  	_ =	shalt  }
0x82: {  	_ =	shalt  }
0x83: {  	_ =	shalt  }
0x84: {  	_ =	shalt  }
0x85: {  	_ =	shalt  }
0x86: {  	_ =	shalt  }
0x87: {  	_ =	shalt  }
.Lfunc_end0:
.L_simem_size_0:
called_computation.2_lowered:
.L_overlay_start_0:
0x88: {  	s2 =	sld [smem:$0x3FD9]  }
0x89: {  	s3 =	sld [smem:$0x3FFE];
	_ =	sdelay $0x1  }
0x8a: {  	s1 =	srdreg.scid  }
0x8b: {  	s0 =	sand.u32 $0x1, s1  }
0x8c: {  	s17 =	sshll.u32 s0, $0xA;
	s2 =	sadd.s32 s3, s2  }
0x8d: {  	s2 =	sadd.s32 s2, s17  }
0x8e: {  	[smem:$0x3FBE] =	sst s2  }
0x8f: {  	_ = 	snop  }
0x90: {  	s2 =	sld [smem:$0x3FC6];
	(tm) =	ssettm $0x1  }
0x91: {  	s18 =	sld [smem:$0x3FFB];
	_ =	sdelay $0x3  }
0x92: {  	_ =	strace s18  }
0x93: {  	s3 =	sld [smem:$0x3FFC];
	_ =	sdelay $0x3  }
0x94: {  	_ =	strace s3  }
0x95: {  	s3 =	sld [smem:$0x3FFD];
	_ =	sdelay $0x3  }
0x96: {  	_ =	strace s3  }
0x97: {  	_ =	strace $0x8FFFFFFF  }
0x98: {  	s19 =	sld [smem:$0x3FDB];
	_ =	sdelay $0x1  }
0x99: {  	s4 =	simm.s32 $_scs_section_size  }
0x9a: {  	s5 =	simm.s32 $_size__tile_overlayer_lowered;
	s6 =	simm.s32 $_tile_overlayer_lowered  }
0x9b: {  	s22 =	simm.s32 $0x1BFF;
	s21 =	sshll.u32 s6, $0x1;
	s3 =	sadd.s32 s4, s19  }
0x9c: {  	s7 =	simm.s32 $0x0;
	s20 =	sshll.u32 s5, $0x1;
	s5 =	sadd.s32 s21, s3  }
0x9d: {  	[timem:s7], [sflag:s22] =	dma.local [hbm:s5], s20  }
0x9e: {  	_ =	swait.ge [sflag:s22], s20  }
0x9f: {  	s4 =	ssub.s32 $0x0, s20;
	[sflag:s22] =	ssyncset.done $0x0  }
0xa0: {  	[sflag:s22] =	ssyncadd.s32 s4;
	_ =	sdelay $0x1  }
0xa1: {  	s23 =	simm.s32 $0x1B8B  }
0xa2: {  	_ =	swait.ge [sflag:s23], $0x1  }
0xa3: {  	[sflag:s23] =	ssyncset.done $0x0  }
0xa4: {  	s25 =	simm.s32 $0x1B8E;
	s24 =	sld [smem:$0x3FFE];
	[sflag:s23] =	ssyncadd.s32 $0xFFFFFFFF  }
0xa5: {  	s26 =	simm.s32 $execute0_lowered;
	[smem:$0x3FD2] =	sst s25  }
0xa6: {  	s5 =	sshll.u32 s26, $0x1;
	_ =	strace $0x8000004C;
	[dreg:$0x1] =	wrdreg $0xFFFFFFFF  }
0xa7: {  	s28 =	simm.s32 $_size_execute0_lowered;
	s3 =	sadd.s32 s3, s5;
	[dreg:$0x0] =	wrdreg $0x0  }
0xa8: {  	s5 =	sshll.u32 s28, $0x1;
	[dreg:$0x2] =	wrdreg s3  }
0xa9: {  	[dreg:$0x3] =	wrdreg s5  }
0xaa: {  	[dreg:$0x4] =	wrdreg $0xC0  }
0xab: {  	_ =	task [dreg:s7], $0x5FFFF  }
0xac: {  	[dreg:$0x1] =	wrdreg $0xFFFFFFFF  }
0xad: {  	[dreg:$0x0] =	wrdreg $0x60  }
0xae: {  	[dreg:$0x2] =	wrdreg s24  }
0xaf: {  	[dreg:$0x3] =	wrdreg s2  }
0xb0: {  	[dreg:$0x4] =	wrdreg $0x76C00  }
0xb1: {  	[dreg:$0x5] =	wrdreg $0x9  }
0xb2: {  	_ =	task.clear_ibuf [dreg:s7], $0x6FFFF;
	_ =	strace $0x9000004C  }
0xb3: {  	s29 =	simm.s32 $0x9;
	_ =	strace $0x8000004E  }
0xb4: {  	_ =	swait.ge [sflag:s29], $0x1  }
0xb5: {  	[sflag:s29] =	ssyncadd.s32 $0xFFFFFFFF  }
0xb6: {  	_ =	strace $0x9000004E  }
0xb7: {  	_ =	sfence  }
0xb8: {  	s30 =	sld [smem:$0x0];
	_ =	sdelay $0x2  }
0xb9: {  	s31 =	sshll.u32 s1, $0xD;
	s1 =	sshrl.u32 s1, $0x2  }
0xba: {  	s3 =	sand.u32 $0x4000, s31;
	s1 =	sadd.s32 s1, s30  }
0xbb: {  	s0 =	sor.u32 s3, s0;
	s1 =	sshll.u32 s1, $0x11  }
0xbc: {  	s0 =	sor.u32 s1, s0  }
0xbd: {  	s0 =	sadd.s32 $0x8F2B, s0  }
0xbe: {  	[sflag:s0] =	ssyncadd.remote.s32 $0x1  }
0xbf: {  	_ =	sfence.sel $0xFFFF  }
0xc0: {  	[dreg:$0x0] =	wrdreg $0xFFFFFFFF;
	(pc) =	sbr.abs _section_cstart, $3  }
0xc1: {  	[dreg:$0x1] =	wrdreg $0xFFFFFFFF  }
0xc2: {  	_ =	task.clear_ibuf [dreg:s7], $0x2FFFF;
	_ =	strace $0x9FFFFFFF  }
0xc3: {  	(tm) =	ssettm $0x7FFFFFFF  }
tec
execute0_lowered:
.L_overlay_start_1:
0x0: {  	(tag) =	ssettag $0x1  }
0x1: {  	s0 =	rddreg [dreg:$0x0]  }
0x2: {  	s2 =	rddreg [dreg:$0x1];
	s1 =	srdreg.scid  }
0x3: {  	s10 =	stileid.u32;
	s3 =	rddreg [dreg:$0x2]  }
0x4: {  	s4 =	simm.s32 $0x0;
	s21 =	simm.s32 $0x12C0;
	s22 =	simm.s32 $0x7  }
0x5: {  	s28 =	simm.s32 $0x6;
	s29 =	simm.s32 $0x0;
	s7 =	smul.u32 $0x18800, s10  }
0x6: {  	s1 =	sand.u32 $0x1, s1;
	[smem:$0x7FF] =	sst s4;
	s9 =	smul.u32 $0x62000, s10  }
0x7: {  	s5 =	smul.u32 $0x188000, s1;
	s24 =	sshll.u32 s1, $0x4;
	s1 =	ssub.s32 $0x2, s1  }
0x8: {  	_ =	strace $0x8000004D;
	s9 =	sshrl.u32 s9, $0x2;
	s25 =	sshrl.u32 s1, $0x1  }
0x9: {  	s6 =	sadd.s32 s7, s5;
	s5 =	sadd.s32 $0x1E00, s0;
	s15 =	sadd.s32 s9, s3  }
0xa: {  	s1 =	ssub.s32 s1, s25;
	s7 =	sadd.s32 s7, s3;
	s25 =	simm.s32 $0x320  }
0xb: {  	s8 =	sshrl.u32 s6, $0x3;
	s6 =	sadd.s32 $0x24BE00, s0;
	s9 =	sadd.s32 $0x3100, s15  }
0xc: {  	s26 =	sadd.s32 $0x6200, s15;
	s30 =	sadd.s32 $0x9300, s15;
	s31 =	sadd.s32 $0xC400, s15  }
0xd: {  	s0 =	sadd.s32 s8, s0;
	s8 =	sor.u32 s10, s24;
	[dreg:$0x4] =	wrdreg s9  }
0xe: {  	s12 =	sadd.s32 $0xF500, s15;
	[dreg:$0x5] =	wrdreg s26;
	s8 =	smul.u32 $0x186A0, s8  }
0xf: {  	s14 =	sadd.s32 $0x12600, s15;
	s15 =	sadd.s32 $0x15700, s15;
	[dreg:$0x6] =	wrdreg s30  }
0x10: {  	s20 =	smax.u32 s1, $0x1;
	[dreg:$0x7] =	wrdreg s31;
	s17 =	sshrl.u32 s8, $0x3  }
0x11: {  	s26 =	simm.s32 $0x5;
	s19 =	sadd.s32 $0xC5400, s0;
	s13 =	sadd.s32 s5, s17  }
0x12: {  	v0 =	vimm.f32 $0.0e+00;
	s18 =	sadd.s32 $0x320, s8;
	s17 =	sadd.s32 s2, s17;
	s16 =	sadd.s32 $0x61A80, s13  }
.LBB2_1:
0x13: {  	s0 =	simm.s32 $0x40;
	s1 =	simm.s32 $0x0  }
.LBB2_2:
0x14: {  	p0 =	sne.s32 s0, $0xC3C0;
	[tilespmem:s1+$0x12C0] =	vst v0;
	s1 =	smov.u32 s0;
	s0 =	sadd.s32 $0x40, s0  }
.Ltmp0:
0x15: {  	(pc) =	sbr.rel @p0 .LBB2_2-.Ltmp0, $2  }
0x16: {  	_ =	sdelay $0x2  }
0x17: {  	s1 =	sshra.s32 s1, $0x2  }
0x18: {  	[tilespmem:s1+$0x12C0] =	vst v0  }
0x19: {  	[spmem:s7] =	stream.linear.scatter [tilespmem:s21], [sflag:$0x7], $0x3100, $0x38;
	[tilespmem:$0x1FEC0] =	vst v63  }
0x1a: {  	_ =	swait.ge [sflag:s22], $0x3100  }
0x1b: {  	[sflag:s22] =	ssyncset.done $0x0  }
0x1c: {  	s0 =	rddreg [dreg:$0x4];
	[sflag:s22] =	ssyncadd.s32 $0xFFFFCF00  }
0x1d: {  	[spmem:s0] =	stream.linear.scatter [tilespmem:s21], [sflag:$0x7], $0x3100, $0x38;
	[tilespmem:$0x1FEC0] =	vst v63  }
0x1e: {  	_ =	swait.ge [sflag:s22], $0x3100  }
0x1f: {  	[sflag:s22] =	ssyncset.done $0x0  }
0x20: {  	s10 =	rddreg [dreg:$0x5];
	[sflag:s22] =	ssyncadd.s32 $0xFFFFCF00  }
0x21: {  	[spmem:s10] =	stream.linear.scatter [tilespmem:s21], [sflag:$0x7], $0x3100, $0x38;
	[tilespmem:$0x1FEC0] =	vst v63  }
0x22: {  	_ =	swait.ge [sflag:s22], $0x3100  }
0x23: {  	[sflag:s22] =	ssyncset.done $0x0  }
0x24: {  	s11 =	rddreg [dreg:$0x6];
	[sflag:s22] =	ssyncadd.s32 $0xFFFFCF00  }
0x25: {  	[spmem:s11] =	stream.linear.scatter [tilespmem:s21], [sflag:$0x7], $0x3100, $0x38;
	[tilespmem:$0x1FEC0] =	vst v63  }
0x26: {  	_ =	swait.ge [sflag:s22], $0x3100  }
0x27: {  	[sflag:s22] =	ssyncset.done $0x0  }
0x28: {  	s23 =	rddreg [dreg:$0x7];
	[sflag:s22] =	ssyncadd.s32 $0xFFFFCF00  }
0x29: {  	[spmem:s23] =	stream.linear.scatter [tilespmem:s21], [sflag:$0x7], $0x3100, $0x38;
	[tilespmem:$0x1FEC0] =	vst v63  }
0x2a: {  	_ =	swait.ge [sflag:s22], $0x3100  }
0x2b: {  	[sflag:s22] =	ssyncset.done $0x0  }
0x2c: {  	[sflag:s22] =	ssyncadd.s32 $0xFFFFCF00  }
0x2d: {  	[spmem:s12] =	stream.linear.scatter [tilespmem:s21], [sflag:$0x7], $0x3100, $0x38;
	[tilespmem:$0x1FEC0] =	vst v63  }
0x2e: {  	_ =	swait.ge [sflag:s22], $0x3100  }
0x2f: {  	[sflag:s22] =	ssyncset.done $0x0  }
0x30: {  	[sflag:s22] =	ssyncadd.s32 $0xFFFFCF00  }
0x31: {  	[spmem:s14] =	stream.linear.scatter [tilespmem:s21], [sflag:$0x7], $0x3100, $0x38;
	[tilespmem:$0x1FEC0] =	vst v63  }
0x32: {  	_ =	swait.ge [sflag:s22], $0x3100  }
0x33: {  	[sflag:s22] =	ssyncset.done $0x0  }
0x34: {  	[sflag:s22] =	ssyncadd.s32 $0xFFFFCF00  }
0x35: {  	[spmem:s15] =	stream.linear.scatter [tilespmem:s21], [sflag:$0x7], $0x3100, $0x38;
	[tilespmem:$0x1FEC0] =	vst v63  }
0x36: {  	_ =	swait.ge [sflag:s22], $0x3100  }
0x37: {  	[sflag:s22] =	ssyncset.done $0x0  }
0x38: {  	[sflag:s22] =	ssyncadd.s32 $0xFFFFCF00  }
0x39: {  	s30 =	simm.s32 $0x0;
	[bflag:$0x0] =	sbarrier.arrive $0xFFFF  }
0x3a: {  	[tilespmem:s30], [sflag:$0x1] =	stream.linear.gather [hbm4b:s13+s30], $0x320, $0x38;
	[tilespmem:$0x1FEC0] =	vst v63  }
0x3b: {  	s24 =	simm.s32 $0x640  }
0x3c: {  	[tilespmem:s24], [sflag:$0x1] =	stream.linear.gather [hbm4b:s16+s30], $0x320, $0x38;
	[tilespmem:$0x1FEC0] =	vst v63  }
0x3d: {  	s31 =	simm.s32 $0xC80;
	p0 =	por $0x0, $0x0  }
0x3e: {  	[tilespmem:s31], [sflag:$0x1] =	stream.linear.gather [hbm4b:s17+s30], $0x320, $0x38;
	[tilespmem:$0x1FEC0] =	vst v63  }
.LBB2_4:
0x3f: {  	s31 =	sand.u32 $0x1, s30  }
0x40: {  	s0 =	sadd.s32 $0x1, s31  }
0x41: {  	_ =	swait.ge [sflag:s0], $0x320  }
0x42: {  	[sflag:s0] =	ssyncset.done $0x0  }
0x43: {  	[sflag:s0] =	ssyncadd.s32 $0xFFFFFCE0  }
0x44: {  	_ =	swait.ge [sflag:s0], $0x320  }
0x45: {  	p1 =	seq.s32 s30, $0x0;
	s1 =	smul.u32 $0xC800, s31;
	[sflag:s0] =	ssyncset.done $0x0  }
.Ltmp1:
0x46: {  	[sflag:s0] =	ssyncadd.s32 $0xFFFFFCE0;
	(pc) =	sbr.rel @p1 .LBB2_5-.Ltmp1, $4  }
0x47: {  	_ =	swait.ge [sflag:s0], $0x320  }
0x48: {  	s23 =	smul.u32 $0x320, s31;
	s1 =	sshrl.u32 s1, $0x2;
	[sflag:s0] =	ssyncset.done $0x0  }
0x49: {  	s1 =	sadd.s32 $0x12C0, s1;
	[sflag:s0] =	ssyncadd.s32 $0xFFFFFCE0;
	s0 =	sadd.s32 $0x3, s31  }
0x4a: {  	[tilespmem:s1], [sflag:s0] =	stream.indirect.gather [hbm4b:s6+s25], $0x10, s23, s25, $0xb8;
	[tilespmem:$0x1FEC0] =	vst v63  }
0x4b: {  	p1 =	seq.s32 s30, $0x7C  }
.Ltmp2:
0x4c: {  	_ = 	snop;
	(pc) =	sbr.rel @p1 .LBB2_9-.Ltmp2, $1  }
0x4d: {  	_ =	sdelay $0x3  }
.Ltmp3:
0x4e: {  	s8 =	sxor.u32 $0x1, s31;
	(pc) =	sbr.rel .LBB2_8-.Ltmp3, $4  }
0x4f: {  	s24 =	sadd.s32 $0x5, s8  }
0x50: {  	_ =	swait.ge [sflag:s24], $0x3200  }
0x51: {  	[sflag:s24] =	ssyncset.done $0x0  }
0x52: {  	[sflag:s24] =	ssyncadd.s32 $0xFFFFCE00  }
.LBB2_5:
0x53: {  	s8 =	simm.s32 $0x1  }
.LBB2_8:
0x54: {  	s24 =	smul.u32 $0x320, s30;
	_ =	sdelay $0x1  }
0x55: {  	s24 =	sadd.s32 s24, s18  }
0x56: {  	s9 =	smul.u32 $0x320, s8;
	s24 =	sshrl.u32 s24, $0x3  }
0x57: {  	s8 =	sadd.s32 $0x1, s8;
	s10 =	sadd.s32 s5, s24  }
0x58: {  	[tilespmem:s9], [sflag:s8] =	stream.linear.gather [hbm4b:s10+s4], $0x320, $0x38;
	[tilespmem:$0x1FEC0] =	vst v63  }
0x59: {  	s11 =	sadd.s32 $0x640, s9;
	s10 =	sadd.s32 $0x61A80, s10  }
0x5a: {  	[tilespmem:s11], [sflag:s8] =	stream.linear.gather [hbm4b:s10+s4], $0x320, $0x38;
	[tilespmem:$0x1FEC0] =	vst v63  }
0x5b: {  	s24 =	sadd.s32 s2, s24;
	s9 =	sadd.s32 $0xC80, s9  }
0x5c: {  	[tilespmem:s9], [sflag:s8] =	stream.linear.gather [hbm4b:s24+s4], $0x320, $0x38;
	[tilespmem:$0x1FEC0] =	vst v63  }
.LBB2_9:
0x5d: {  	s8 =	simm.s32 $0x1  }
0x5e: {  	s8 =	simm.s32 @!p0 $0x0  }
0x5f: {  	s9 =	smul.u32 $0xC80, s8;
	_ =	sdelay $0x1  }
0x60: {  	s9 =	sshrl.u32 s9, $0x2  }
0x61: {  	s9 =	sadd.s32 $0xC80, s9  }
0x62: {  	v1 =	vmov s9;
	_ =	sdelay $0x1  }
0x63: {  	_ =	swait.ge [sflag:s0], $0x3200  }
0x64: {  	[sflag:s0] =	ssyncset.done $0x0;
	s8 =	smul.u32 $0xC800, s8  }
0x65: {  	s24 =	simm.s32 $0x0;
	[sflag:s0] =	ssyncadd.s32 $0xFFFFCE00  }
0x66: {  	s8 =	sshrl.u32 s8, $0x2;
	v2 =	vld.idx.msk [tilespmem:v1+s24+$0x0 ss:$0x1], $0xffff  }
0x67: {  	s24 =	sadd.s32 $0x1340, s8  }
0x68: {  	v3 =	vld [tilespmem:s24+$0xFFFFFF80]  }
0x69: {  	v4 =	vld [tilespmem:s24+$0xFFFFFF90]  }
0x6a: {  	v5 =	vld [tilespmem:s24+$0xFFFFFFA0]  }
0x6b: {  	v6 =	vld [tilespmem:s24+$0xFFFFFFB0];
	v7 =	vbroadcast v2, $0x0  }
0x6c: {  	v10 =	vld [tilespmem:s24+$0xFFFFFFD0];
	v8 =	vbroadcast v2, $0x1  }
0x6d: {  	v46 =	vld [tilespmem:s24+$0xFFFFFFE0];
	v11 =	vbroadcast v2, $0x2;
	v3 =	vmul.f32 v7, v3  }
0x6e: {  	v9 =	vld [tilespmem:s24+$0xFFFFFFC0];
	v45 =	vbroadcast v2, $0x3;
	v4 =	vmul.f32 v4, v8  }
0x6f: {  	v49 =	vld [tilespmem:s24+$0x10];
	v47 =	vbroadcast v2, $0x5;
	v5 =	vmul.f32 v5, v11;
	[tilespmem:s24+$0xFFFFFF80] =	vst v3  }
0x70: {  	v59 =	vld [tilespmem:s24+$0x60];
	v13 =	vbroadcast v2, $0x6;
	v6 =	vmul.f32 v6, v45;
	[tilespmem:s24+$0xFFFFFF90] =	vst v4  }
0x71: {  	v12 =	vld [tilespmem:s24+$0xFFFFFFF0];
	v7 =	vmul.f32 v10, v47;
	v3 =	vbroadcast v2, $0x4;
	[tilespmem:s24+$0xFFFFFFA0] =	vst v5  }
0x72: {  	v48 =	vld [tilespmem:s24+$0x0];
	v53 =	vbroadcast v2, $0x9;
	v8 =	vmul.f32 v46, v13;
	[tilespmem:s24+$0xFFFFFFB0] =	vst v6  }
0x73: {  	v52 =	vld [tilespmem:s24+$0x30];
	v62 =	vbroadcast v2, $0xE;
	[tilespmem:s24+$0xFFFFFFD0] =	vst v7;
	v3 =	vmul.f32 v9, v3  }
0x74: {  	v55 =	vld [tilespmem:s24+$0x50];
	v50 =	vbroadcast v2, $0x7;
	v58 =	vmul.f32 v49, v53;
	[tilespmem:s24+$0xFFFFFFE0] =	vst v8  }
0x75: {  	v51 =	vld [tilespmem:s24+$0x20];
	v63 =	vmul.f32 v59, v62;
	[tilespmem:s24+$0xFFFFFFC0] =	vst v3;
	v3 =	vbroadcast v2, $0x8  }
0x76: {  	v54 =	vld [tilespmem:s24+$0x40];
	v57 =	vbroadcast v2, $0xB;
	v5 =	vmul.f32 v12, v50;
	[tilespmem:s24+$0x10] =	vst v58  }
0x77: {  	v60 =	vld [tilespmem:s24+$0x70];
	v61 =	vbroadcast v2, $0xD;
	[tilespmem:s24+$0x60] =	vst v63;
	v3 =	vmul.f32 v48, v3  }
0x78: {  	v56 =	vbroadcast v2, $0xA;
	v4 =	vmul.f32 v52, v57;
	[tilespmem:s24+$0xFFFFFFF0] =	vst v5  }
0x79: {  	v6 =	vmul.f32 v55, v61;
	[tilespmem:s24+$0x0] =	vst v3;
	v3 =	vbroadcast v2, $0xC  }
0x7a: {  	v9 =	vmul.f32 v51, v56;
	[tilespmem:s24+$0x30] =	vst v4;
	v2 =	vbroadcast v2, $0xF  }
0x7b: {  	[tilespmem:s24+$0x50] =	vst v6;
	v3 =	vmul.f32 v54, v3  }
0x7c: {  	[tilespmem:s24+$0x20] =	vst v9;
	v2 =	vmul.f32 v60, v2  }
0x7d: {  	[tilespmem:s24+$0x40] =	vst v3  }
0x7e: {  	s23 =	sadd.s32 $0x640, s23;
	s0 =	simm.s32 $0x80;
	s8 =	simm.s32 $0x10;
	[tilespmem:s24+$0x70] =	vst v2  }
.LBB2_10:
0x7f: {  	p1 =	sne.s32 s0, $0xC40;
	v2 =	vld.idx.msk [tilespmem:v1+s8+$0x0 ss:$0x1], $0xffff;
	s24 =	sadd.s32 $0x100, s24  }
0x80: {  	v3 =	vld [tilespmem:s24+$0xFFFFFFB0]  }
0x81: {  	v4 =	vld [tilespmem:s24+$0xFFFFFF90]  }
0x82: {  	v5 =	vld [tilespmem:s24+$0xFFFFFF80]  }
0x83: {  	v6 =	vld [tilespmem:s24+$0xFFFFFFA0]  }
0x84: {  	v7 =	vld [tilespmem:s24+$0xFFFFFFF0]  }
0x85: {  	v8 =	vbroadcast v2, $0x0;
	v9 =	vbroadcast v2, $0x1;
	v10 =	vld [tilespmem:s24+$0xFFFFFFD0]  }
0x86: {  	v11 =	vbroadcast v2, $0x2;
	v12 =	vbroadcast v2, $0x3;
	v13 =	vld [tilespmem:s24+$0xFFFFFFC0]  }
0x87: {  	v4 =	vmul.f32 v4, v9;
	v5 =	vmul.f32 v8, v5;
	v8 =	vld [tilespmem:s24+$0xFFFFFFE0]  }
0x88: {  	v3 =	vmul.f32 v3, v12;
	v6 =	vmul.f32 v6, v11;
	v9 =	vld [tilespmem:s24+$0x30]  }
0x89: {  	v11 =	vbroadcast v2, $0x5;
	[tilespmem:s24+$0xFFFFFF80] =	vst v5;
	v5 =	vbroadcast v2, $0x4;
	v12 =	vld [tilespmem:s24+$0x10]  }
0x8a: {  	v14 =	vbroadcast v2, $0x7;
	[tilespmem:s24+$0xFFFFFF90] =	vst v4;
	v4 =	vbroadcast v2, $0x6;
	v15 =	vld [tilespmem:s24+$0x0]  }
0x8b: {  	[tilespmem:s24+$0xFFFFFFA0] =	vst v6;
	v5 =	vmul.f32 v13, v5;
	v6 =	vmul.f32 v10, v11;
	v10 =	vld [tilespmem:s24+$0x20]  }
0x8c: {  	[tilespmem:s24+$0xFFFFFFB0] =	vst v3;
	v3 =	vmul.f32 v8, v4;
	v4 =	vmul.f32 v7, v14;
	v7 =	vld [tilespmem:s24+$0x70]  }
0x8d: {  	v8 =	vbroadcast v2, $0x9;
	[tilespmem:s24+$0xFFFFFFC0] =	vst v5;
	v5 =	vbroadcast v2, $0x8;
	v11 =	vld [tilespmem:s24+$0x50]  }
0x8e: {  	v13 =	vbroadcast v2, $0xB;
	[tilespmem:s24+$0xFFFFFFD0] =	vst v6;
	v6 =	vbroadcast v2, $0xA;
	v14 =	vld [tilespmem:s24+$0x40]  }
0x8f: {  	[tilespmem:s24+$0xFFFFFFE0] =	vst v3;
	v3 =	vmul.f32 v15, v5;
	v5 =	vmul.f32 v12, v8;
	v8 =	vld [tilespmem:s24+$0x60]  }
0x90: {  	[tilespmem:s24+$0xFFFFFFF0] =	vst v4;
	v4 =	vmul.f32 v10, v6;
	v6 =	vmul.f32 v9, v13  }
0x91: {  	v9 =	vbroadcast v2, $0xD;
	[tilespmem:s24+$0x0] =	vst v3;
	v3 =	vbroadcast v2, $0xC  }
0x92: {  	[tilespmem:s24+$0x10] =	vst v5;
	v5 =	vbroadcast v2, $0xE;
	v2 =	vbroadcast v2, $0xF  }
0x93: {  	[tilespmem:s24+$0x20] =	vst v4;
	v3 =	vmul.f32 v14, v3;
	v4 =	vmul.f32 v11, v9  }
.Ltmp4:
0x94: {  	[tilespmem:s24+$0x30] =	vst v6;
	v5 =	vmul.f32 v8, v5;
	v2 =	vmul.f32 v7, v2;
	(pc) =	sbr.rel @p1 .LBB2_10-.Ltmp4, $4  }
0x95: {  	[tilespmem:s24+$0x40] =	vst v3  }
0x96: {  	[tilespmem:s24+$0x50] =	vst v4  }
0x97: {  	[tilespmem:s24+$0x60] =	vst v5  }
0x98: {  	s8 =	sshra.s32 s0, $0x2;
	s0 =	sadd.s32 $0x40, s0;
	[tilespmem:s24+$0x70] =	vst v2  }
0x99: {  	_ =	sdelay $0x3  }
0x9a: {  	v1 =	vld.idx.msk [tilespmem:v1+s8+$0x0 ss:$0x1], $0xffff  }
0x9b: {  	s0 =	sadd.s32 $0x100, s24  }
0x9c: {  	v2 =	vld [tilespmem:s0+$0xFFFFFF80]  }
0x9d: {  	v3 =	vld [tilespmem:s0+$0xFFFFFF90]  }
0x9e: {  	v4 =	vld [tilespmem:s0+$0xFFFFFFA0]  }
0x9f: {  	v5 =	vld [tilespmem:s0+$0xFFFFFFB0];
	v6 =	vbroadcast v1, $0x0  }
0xa0: {  	v9 =	vld [tilespmem:s0+$0xFFFFFFD0];
	v7 =	vbroadcast v1, $0x1  }
0xa1: {  	v8 =	vld [tilespmem:s0+$0xFFFFFFC0];
	v10 =	vbroadcast v1, $0x2;
	v2 =	vmul.f32 v6, v2  }
0xa2: {  	v49 =	vld [tilespmem:s0+$0xFFFFFFE0];
	v48 =	vbroadcast v1, $0x3;
	v3 =	vmul.f32 v3, v7  }
0xa3: {  	v51 =	vld [tilespmem:s0+$0x10];
	v50 =	vbroadcast v1, $0x5;
	v4 =	vmul.f32 v4, v10;
	[tilespmem:s0+$0xFFFFFF80] =	vst v2  }
0xa4: {  	v11 =	vld [tilespmem:s0+$0xFFFFFFF0];
	v5 =	vmul.f32 v5, v48;
	v2 =	vbroadcast v1, $0x4;
	[tilespmem:s0+$0xFFFFFF90] =	vst v3  }
0xa5: {  	v12 =	vbroadcast v1, $0x6;
	v6 =	vmul.f32 v9, v50;
	v3 =	vld [tilespmem:s0+$0x0];
	[tilespmem:s0+$0xFFFFFFA0] =	vst v4  }
0xa6: {  	v57 =	vld [tilespmem:s0+$0x50];
	v55 =	vbroadcast v1, $0x9;
	[tilespmem:s0+$0xFFFFFFB0] =	vst v5;
	v2 =	vmul.f32 v8, v2  }
0xa7: {  	v53 =	vld [tilespmem:s0+$0x20];
	v52 =	vbroadcast v1, $0x7;
	v7 =	vmul.f32 v49, v12;
	[tilespmem:s0+$0xFFFFFFD0] =	vst v6  }
0xa8: {  	v54 =	vld [tilespmem:s0+$0x30];
	v59 =	vmul.f32 v51, v55;
	[tilespmem:s0+$0xFFFFFFC0] =	vst v2;
	v2 =	vbroadcast v1, $0x8  }
0xa9: {  	v56 =	vld [tilespmem:s0+$0x40];
	v62 =	vbroadcast v1, $0xD;
	v4 =	vmul.f32 v11, v52;
	[tilespmem:s0+$0xFFFFFFE0] =	vst v7  }
0xaa: {  	v60 =	vld [tilespmem:s0+$0x60];
	v58 =	vbroadcast v1, $0xA;
	[tilespmem:s0+$0x10] =	vst v59;
	v2 =	vmul.f32 v3, v2  }
0xab: {  	v61 =	vld [tilespmem:s0+$0x70];
	v5 =	vmul.f32 v57, v62;
	[tilespmem:s0+$0xFFFFFFF0] =	vst v4;
	v3 =	vbroadcast v1, $0xB  }
0xac: {  	v8 =	vmul.f32 v53, v58;
	[tilespmem:s0+$0x0] =	vst v2;
	v2 =	vbroadcast v1, $0xC  }
0xad: {  	s30 =	sadd.s32 $0x1, s30;
	v63 =	vbroadcast v1, $0xE;
	[tilespmem:s0+$0x50] =	vst v5;
	v3 =	vmul.f32 v54, v3  }
0xae: {  	p1 =	sne.s32 s30, $0x7D;
	[tilespmem:s0+$0x20] =	vst v8;
	v1 =	vbroadcast v1, $0xF;
	v2 =	vmul.f32 v56, v2  }
.Ltmp5:
0xaf: {  	[tilespmem:s0+$0x30] =	vst v3;
	v3 =	vmul.f32 v60, v63;
	(pc) =	sbr.rel @p1 .LBB2_4-.Ltmp5, $4  }
0xb0: {  	v1 =	vmul.f32 v61, v1;
	[tilespmem:s0+$0x40] =	vst v2  }
0xb1: {  	[tilespmem:s0+$0x60] =	vst v3  }
0xb2: {  	s31 =	sadd.s32 $0x5, s31;
	p0 =	por !p0, !p0;
	[tilespmem:s0+$0x70] =	vst v1  }
0xb3: {  	[spmem:s3] =	stream.indirect.scatter.add.f32 [tilespmem:s1], [sflag:s31], $0x10, s23, s25, $0xb8;
	[tilespmem:$0x1FEC0] =	vst v63  }
0xb4: {  	_ =	swait.ge [sflag:s26], $0x3200  }
0xb5: {  	[sflag:s26] =	ssyncset.done $0x0  }
0xb6: {  	[sflag:s26] =	ssyncadd.s32 $0xFFFFCE00  }
0xb7: {  	s0 =	stileid.u32;
	_ =	swait.ge [sflag:s28], $0x3200  }
0xb8: {  	s1 =	sshrl.u32 s7, $0x3;
	s29 =	sadd.s32 $0x1, s29;
	[sflag:s28] =	ssyncset.done $0x0  }
0xb9: {  	s0 =	sshll.u32 s0, $0x6;
	p0 =	sne.s32 s29, s20;
	[sflag:s28] =	ssyncadd.s32 $0xFFFFCE00  }
.Ltmp6:
0xba: {  	s0 =	sor.u32 $0x1C07, s0;
	[bflag:$0x0] =	sbarrier.arrive $0xFFFF;
	(pc) =	sbr.rel @p0 .LBB2_1-.Ltmp6, $4  }
0xbb: {  	[hbm:s19], [sflag:s0] =	dma.local [spmem:s1], $0x3100  }
0xbc: {  	_ =	swait.ge [sflag:s22], $0x3100  }
0xbd: {  	[sflag:s22] =	ssyncset.done $0x0  }
0xbe: {  	[sflag:s22] =	ssyncadd.s32 $0xFFFFCF00  }
0xbf: {  	_ =	sfence.sel $0x180000  }
0xc0: {  	[bflag:$0x0] =	sbarrier.arrive $0xFFFF  }
0xc1: {  	_ =	strace $0x9000004D  }
0xc2: {  	s0 =	stileid.u32;
	[bflag:$0x2] =	sbarrier.arrive $0xFFFF  }
0xc3: {  	p0 =	sne.s32 s0, $0x0;
	s0 =	rddreg [dreg:$0x3]  }
0xc4: {  	s0 =	sadd.s32 @!p0 $0x100000, s0  }
0xc5: {  	[sflag:s0] =	ssyncadd.tile.s32 @!p0 $0x1;
	_ =	shalt  }
.Lfunc_end2:
_tile_overlayer_lowered:
.L_overlay_start_2:
0xc6: {  	(tag) =	ssettag $0x2  }
0xc7: {  	s0 =	rddreg [dreg:$0x0];
	s2 =	stileid.u32  }
0xc8: {  	s1 =	rddreg [dreg:$0x1];
	p0 =	sne.s32 s2, $0x0  }
0xc9: {  	s3 =	rddreg [dreg:$0x2];
	[bflag:$0x3] =	sbarrier.arrive $0xFFFF;
	s2 =	simm.s32 @!p0 $0x1C07  }
0xca: {  	[timem:s3], [sflag:s2] =	dma.local @!p0 [hbm:s0], s1  }
0xcb: {  	s0 =	simm.s32 @!p0 $0x7  }
0xcc: {  	_ =	swait.ge @!p0 [sflag:s0], s1  }
0xcd: {  	s1 =	ssub.s32 @!p0 $0x0, s1;
	[sflag:s0] =	ssyncset.done @!p0 $0x0  }
0xce: {  	[sflag:s0] =	ssyncadd.s32 @!p0 s1  }
0xcf: {  	[bflag:$0x3] =	sbarrier.arrive $0xFFFF  }
0xd0: {  	_ =	shalt  }

// kernel: kernel.8.cloned.1.call-start
scs
__scs_entry_jumppad:
0x0: {  	(pc) =	sbr.rel $0x88, $3  }
0x1: {  	(tag) =	ssettag $0x0;
	lr =	simm.s32 $0x1  }
0x2: {  	[smem:$0x3F97] =	sst lr;
	_ =	strace $0xD0000000  }
0x3: {  	_ = 	snop  }
0x4: {  	_ = 	snop  }
0x5: {  	_ = 	snop  }
0x6: {  	_ = 	snop  }
0x7: {  	_ = 	snop  }
__scs_overlays_trampoline_lowered:
0x8: {  	[smem:$0x3FA6] =	sst s0  }
0x9: {  	[smem:$0x3FA7] =	sst s1  }
0xa: {  	[smem:$0x3FA8] =	sst s2  }
0xb: {  	[smem:$0x3FA9] =	sst s3  }
0xc: {  	[smem:$0x3FAA] =	sst s4  }
0xd: {  	[smem:$0x3FAB] =	sst s5  }
0xe: {  	[smem:$0x3FAC] =	sst s6  }
0xf: {  	[smem:$0x3FAD] =	sst s7  }
0x10: {  	[smem:$0x3FAE] =	sst s8  }
0x11: {  	[smem:$0x3FAF] =	sst s9;
	s0 =	simm.s32 @!p0 $0x0  }
0x12: {  	s1 =	sld [smem:$0x3F95];
	s0 =	simm.s32 @p0 $0x1  }
0x13: {  	[smem:$0x3FB0] =	sst s0;
	s0 =	simm.s32 @!p1 $0x0  }
0x14: {  	s2 =	sld [smem:$0x3F94];
	s0 =	simm.s32 @p1 $0x1  }
0x15: {  	[smem:$0x3FB1] =	sst s0;
	s0 =	simm.s32 @!p2 $0x0  }
0x16: {  	s3 =	sld [smem:$0x3FDB];
	s0 =	simm.s32 @p2 $0x1  }
0x17: {  	s4 =	simm.s32 $0x1BF5;
	[smem:$0x3FB3] =	sst s0  }
0x18: {  	s0 =	sld [smem:$0x3F96];
	_ =	swait.ge [sflag:s4], $0x0  }
0x19: {  	s7 =	sld [smem:$0x3F97]  }
0x1a: {  	s8 =	sadd.s32 $0xFFFFE003, lr  }
0x1b: {  	s9 =	sadd.s32 $0xFFFFFEF7, lr;
	s5 =	simm.s32 $0xFFFFFFFF;
	p2 =	slt.u32 s8, $0xFFFFF086  }
0x1c: {  	p1 =	slt.u32 s9, $0xF7A;
	s5 =	simm.s32 @!p2 $0x0  }
0x1d: {  	s5 =	simm.s32 @p1 $0x1;
	p0 =	seq.s32 s7, s2  }
0x1e: {  	s7 =	smul.u32 @!p0 $0xF7A, s2;
	p2 =	seq.s32 @!p0 s5, $0x0  }
0x1f: {  	s9 =	smul.u32 $0xF7A, s1;
	s8 =	simm.s32 @!p0 $0x1BF5;
	p2 =	por !p2, p0  }
0x20: {  	[sflag:s8] =	ssyncset.s32 @!p0 $0xFFFFF086;
	s6 =	sadd.s32 @!p0 s3, s7;
	s7 =	simm.s32 @!p0 $0x108  }
0x21: {  	s3 =	sadd.s32 s3, s9;
	s6 =	sadd.s32 @!p0 $0x88, s6;
	s7 =	simm.s32 @p2 $0x1082  }
0x22: {  	[simem:s7], [sflag:s8] =	dma.local @!p0 [hbm:s6], $0xF7A  }
0x23: {  	s9 =	sor.u32 $0xD0000000, s2;
	s6 =	simm.s32 $0x108;
	_ =	swait.ge @!p0 [sflag:s8], $0x0  }
0x24: {  	s3 =	sadd.s32 $0x88, s3;
	s6 =	simm.s32 @!p1 $0x1082;
	[sflag:s4] =	ssyncset.s32 $0xFFFFF086  }
0x25: {  	[simem:s6], [sflag:s4] =	dma.local [hbm:s3], $0xF7A  }
0x26: {  	[smem:$0x3F97] =	sst s1;
	(tag) =	ssettag s2;
	_ =	strace s9  }
0x27: {  	s1 =	sld [smem:$0x3FA7]  }
0x28: {  	s2 =	sld [smem:$0x3FA8]  }
0x29: {  	s4 =	sld [smem:$0x3FAA]  }
0x2a: {  	p0 =	seq.s32 s5, $0x0;
	s5 =	sld [smem:$0x3FAB]  }
0x2b: {  	s6 =	sld [smem:$0x3FAC]  }
0x2c: {  	s7 =	sld [smem:$0x3FAD]  }
0x2d: {  	s3 =	simm.s32 $0x108;
	s8 =	sld [smem:$0x3FAE]  }
0x2e: {  	s3 =	simm.s32 @!p0 $0x1082;
	s9 =	sld [smem:$0x3FAF]  }
0x2f: {  	lr =	sadd.s32 s0, s3;
	s0 =	sld [smem:$0x3FA6]  }
0x30: {  	s3 =	sld [smem:$0x3FA9]  }
0x31: {  	[smem:$0x3FB2] =	sst s10  }
0x32: {  	s10 =	sld [smem:$0x3FB0];
	_ =	sdelay $0x3  }
0x33: {  	p0 =	seq.s32 s10, $0x1;
	s10 =	sld [smem:$0x3FB2];
	_ =	sdelay $0x3  }
0x34: {  	[smem:$0x3FB2] =	sst s10  }
0x35: {  	s10 =	sld [smem:$0x3FB1];
	_ =	sdelay $0x3  }
0x36: {  	p1 =	seq.s32 s10, $0x1;
	s10 =	sld [smem:$0x3FB2];
	_ =	sdelay $0x3  }
0x37: {  	[smem:$0x3FB2] =	sst s10  }
0x38: {  	s10 =	sld [smem:$0x3FB3]  }
0x39: {  	_ = 	snop;
	(pc) =	sbr.ind lr, $3  }
0x3a: {  	_ = 	snop  }
0x3b: {  	_ = 	snop  }
0x3c: {  	p2 =	seq.s32 s10, $0x1;
	s10 =	sld [smem:$0x3FB2]  }
0x3d: {  	_ =	shalt  }
0x3e: {  	_ =	shalt  }
0x3f: {  	_ =	shalt  }
0x40: {  	_ =	shalt  }
0x41: {  	_ =	shalt  }
0x42: {  	_ =	shalt  }
0x43: {  	_ =	shalt  }
0x44: {  	_ =	shalt  }
0x45: {  	_ =	shalt  }
0x46: {  	_ =	shalt  }
0x47: {  	_ =	shalt  }
0x48: {  	_ =	shalt  }
0x49: {  	_ =	shalt  }
0x4a: {  	_ =	shalt  }
0x4b: {  	_ =	shalt  }
0x4c: {  	_ =	shalt  }
0x4d: {  	_ =	shalt  }
0x4e: {  	_ =	shalt  }
0x4f: {  	_ =	shalt  }
0x50: {  	_ =	shalt  }
0x51: {  	_ =	shalt  }
0x52: {  	_ =	shalt  }
0x53: {  	_ =	shalt  }
0x54: {  	_ =	shalt  }
0x55: {  	_ =	shalt  }
0x56: {  	_ =	shalt  }
0x57: {  	_ =	shalt  }
0x58: {  	_ =	shalt  }
0x59: {  	_ =	shalt  }
0x5a: {  	_ =	shalt  }
0x5b: {  	_ =	shalt  }
0x5c: {  	_ =	shalt  }
0x5d: {  	_ =	shalt  }
0x5e: {  	_ =	shalt  }
0x5f: {  	_ =	shalt  }
0x60: {  	_ =	shalt  }
0x61: {  	_ =	shalt  }
0x62: {  	_ =	shalt  }
0x63: {  	_ =	shalt  }
0x64: {  	_ =	shalt  }
0x65: {  	_ =	shalt  }
0x66: {  	_ =	shalt  }
0x67: {  	_ =	shalt  }
0x68: {  	_ =	shalt  }
0x69: {  	_ =	shalt  }
0x6a: {  	_ =	shalt  }
0x6b: {  	_ =	shalt  }
0x6c: {  	_ =	shalt  }
0x6d: {  	_ =	shalt  }
0x6e: {  	_ =	shalt  }
0x6f: {  	_ =	shalt  }
0x70: {  	_ =	shalt  }
0x71: {  	_ =	shalt  }
0x72: {  	_ =	shalt  }
0x73: {  	_ =	shalt  }
0x74: {  	_ =	shalt  }
0x75: {  	_ =	shalt  }
0x76: {  	_ =	shalt  }
0x77: {  	_ =	shalt  }
0x78: {  	_ =	shalt  }
0x79: {  	_ =	shalt  }
0x7a: {  	_ =	shalt  }
0x7b: {  	_ =	shalt  }
0x7c: {  	_ =	shalt  }
0x7d: {  	_ =	shalt  }
0x7e: {  	_ =	shalt  }
0x7f: {  	_ =	shalt  }
0x80: {  	_ =	shalt  }
0x81: {  	_ =	shalt  }
0x82: {  	_ =	shalt  }
0x83: {  	_ =	shalt  }
0x84: {  	_ =	shalt  }
0x85: {  	_ =	shalt  }
0x86: {  	_ =	shalt  }
0x87: {  	_ =	shalt  }
.Lfunc_end0:
.L_simem_size_0:
called_computation_lowered:
.L_overlay_start_0:
0x88: {  	s2 =	sld [smem:$0x3FD9]  }
0x89: {  	s3 =	sld [smem:$0x3FFE];
	_ =	sdelay $0x1  }
0x8a: {  	s1 =	srdreg.scid  }
0x8b: {  	s0 =	sand.u32 $0x1, s1  }
0x8c: {  	s17 =	sshll.u32 s0, $0xA;
	s2 =	sadd.s32 s3, s2  }
0x8d: {  	s2 =	sadd.s32 s2, s17  }
0x8e: {  	[smem:$0x3FBE] =	sst s2  }
0x8f: {  	_ = 	snop  }
0x90: {  	s2 =	sld [smem:$0x3FC6];
	(tm) =	ssettm $0x1  }
0x91: {  	s18 =	sld [smem:$0x3FFB];
	_ =	sdelay $0x3  }
0x92: {  	_ =	strace s18  }
0x93: {  	s3 =	sld [smem:$0x3FFC];
	_ =	sdelay $0x3  }
0x94: {  	_ =	strace s3  }
0x95: {  	s3 =	sld [smem:$0x3FFD];
	_ =	sdelay $0x3  }
0x96: {  	_ =	strace s3  }
0x97: {  	_ =	strace $0x8FFFFFFF  }
0x98: {  	s19 =	sld [smem:$0x3FDB];
	_ =	sdelay $0x1  }
0x99: {  	s4 =	simm.s32 $_scs_section_size  }
0x9a: {  	s5 =	simm.s32 $_size__tile_overlayer_lowered;
	s6 =	simm.s32 $_tile_overlayer_lowered  }
0x9b: {  	s22 =	simm.s32 $0x1BFF;
	s21 =	sshll.u32 s6, $0x1;
	s3 =	sadd.s32 s4, s19  }
0x9c: {  	s7 =	simm.s32 $0x0;
	s20 =	sshll.u32 s5, $0x1;
	s5 =	sadd.s32 s21, s3  }
0x9d: {  	[timem:s7], [sflag:s22] =	dma.local [hbm:s5], s20  }
0x9e: {  	_ =	swait.ge [sflag:s22], s20  }
0x9f: {  	s4 =	ssub.s32 $0x0, s20;
	[sflag:s22] =	ssyncset.done $0x0  }
0xa0: {  	[sflag:s22] =	ssyncadd.s32 s4;
	_ =	sdelay $0x1  }
0xa1: {  	s23 =	simm.s32 $0x1B8B  }
0xa2: {  	_ =	swait.ge [sflag:s23], $0x1  }
0xa3: {  	[sflag:s23] =	ssyncset.done $0x0  }
0xa4: {  	s25 =	simm.s32 $0x1B8E;
	s24 =	sld [smem:$0x3FFE];
	[sflag:s23] =	ssyncadd.s32 $0xFFFFFFFF  }
0xa5: {  	s26 =	simm.s32 $execute0_lowered;
	[smem:$0x3FD2] =	sst s25  }
0xa6: {  	s5 =	sshll.u32 s26, $0x1;
	_ =	strace $0x80000046;
	[dreg:$0x1] =	wrdreg $0xFFFFFFFF  }
0xa7: {  	s28 =	simm.s32 $_size_execute0_lowered;
	s3 =	sadd.s32 s3, s5;
	[dreg:$0x0] =	wrdreg $0x0  }
0xa8: {  	s5 =	sshll.u32 s28, $0x1;
	[dreg:$0x2] =	wrdreg s3  }
0xa9: {  	[dreg:$0x3] =	wrdreg s5  }
0xaa: {  	[dreg:$0x4] =	wrdreg $0xC0  }
0xab: {  	_ =	task [dreg:s7], $0x5FFFF  }
0xac: {  	[dreg:$0x1] =	wrdreg $0xFFFFFFFF  }
0xad: {  	[dreg:$0x0] =	wrdreg $0x60  }
0xae: {  	[dreg:$0x2] =	wrdreg s24  }
0xaf: {  	[dreg:$0x3] =	wrdreg s2  }
0xb0: {  	[dreg:$0x4] =	wrdreg $0x57000  }
0xb1: {  	[dreg:$0x5] =	wrdreg $0x9  }
0xb2: {  	_ =	task.clear_ibuf [dreg:s7], $0x6FFFF;
	_ =	strace $0x90000046  }
0xb3: {  	s29 =	simm.s32 $0x9;
	_ =	strace $0x80000048  }
0xb4: {  	_ =	swait.ge [sflag:s29], $0x1  }
0xb5: {  	[sflag:s29] =	ssyncadd.s32 $0xFFFFFFFF  }
0xb6: {  	_ =	strace $0x90000048  }
0xb7: {  	_ =	sfence  }
0xb8: {  	s30 =	sld [smem:$0x0];
	_ =	sdelay $0x2  }
0xb9: {  	s31 =	sshll.u32 s1, $0xD;
	s1 =	sshrl.u32 s1, $0x2  }
0xba: {  	s3 =	sand.u32 $0x4000, s31;
	s1 =	sadd.s32 s1, s30  }
0xbb: {  	s0 =	sor.u32 s3, s0;
	s1 =	sshll.u32 s1, $0x11  }
0xbc: {  	s0 =	sor.u32 s1, s0  }
0xbd: {  	s0 =	sadd.s32 $0x8F2B, s0  }
0xbe: {  	[sflag:s0] =	ssyncadd.remote.s32 $0x1  }
0xbf: {  	_ =	sfence.sel $0xFFFF  }
0xc0: {  	[dreg:$0x0] =	wrdreg $0xFFFFFFFF;
	(pc) =	sbr.abs _section_cstart, $3  }
0xc1: {  	[dreg:$0x1] =	wrdreg $0xFFFFFFFF  }
0xc2: {  	_ =	task.clear_ibuf [dreg:s7], $0x2FFFF;
	_ =	strace $0x9FFFFFFF  }
0xc3: {  	(tm) =	ssettm $0x7FFFFFFF  }
tec
execute0_lowered:
.L_overlay_start_1:
0x0: {  	(tag) =	ssettag $0x1  }
0x1: {  	s5 =	rddreg [dreg:$0x0]  }
0x2: {  	s2 =	rddreg [dreg:$0x1]  }
0x3: {  	s3 =	rddreg [dreg:$0x2]  }
0x4: {  	s4 =	srdreg.scid;
	s0 =	rddreg [dreg:$0x3]  }
0x5: {  	s1 =	stileid.u32;
	s14 =	simm.s32 $0x1F40;
	s15 =	simm.s32 $0xFA0  }
0x6: {  	s16 =	simm.s32 $0x3;
	s17 =	simm.s32 $0x4;
	s18 =	simm.s32 $0x0  }
0x7: {  	s6 =	sand.u32 $0x1, s4;
	s4 =	simm.s32 $0x0;
	s7 =	smul.u32 $0x1880, s1  }
0x8: {  	s10 =	sadd.s32 $0x1E00, s5;
	s13 =	smul.u32 $0x186A0, s1;
	s8 =	sshll.u32 s6, $0x4  }
0x9: {  	[smem:$0x7FF] =	sst s4;
	s9 =	smul.u32 $0x18800, s6;
	s11 =	ssub.s32 $0x2, s6  }
0xa: {  	s6 =	smul.u32 $0x186A00, s6;
	s8 =	sor.u32 s1, s8;
	_ =	strace $0x80000047  }
0xb: {  	s12 =	sshrl.u32 s11, $0x1;
	s8 =	smul.u32 $0x186A0, s8;
	s9 =	sadd.s32 s7, s9  }
0xc: {  	s11 =	ssub.s32 s11, s12;
	s30 =	sadd.s32 s13, s6;
	s12 =	simm.s32 $0x3E80  }
.Ltmp0:
0xd: {  	s9 =	sshrl.u32 s9, $0x3;
	s13 =	sadd.s32 $0x30E3A0, s30;
	(pc) =	sbr.rel .LBB2_1-.Ltmp0, $4  }
0xe: {  	s9 =	sadd.s32 s9, s5;
	s8 =	sshrl.u32 s8, $0x3;
	s5 =	sadd.s32 s7, s3  }
0xf: {  	s31 =	sshrl.u32 s13, $0x3;
	s13 =	simm.s32 $0x5;
	s29 =	sadd.s32 s10, s8  }
0x10: {  	s7 =	sadd.s32 s2, s8;
	s8 =	sadd.s32 $0xC5400, s9;
	s9 =	smax.u32 s11, $0x1  }
0x11: {  	v0 =	vimm.f32 $0.0e+00;
	s10 =	sadd.s32 s31, s10;
	s11 =	sadd.s32 $0xFA0, s30;
	s6 =	sadd.s32 $0x61A80, s29  }
.LBB2_6:
0x12: {  	s19 =	sadd.s32 $0x3, s22  }
0x13: {  	[spmem:s3] =	stream.indirect.scatter.add.f32 [tilespmem:s24], [sflag:s19], $0x1, s23, s15, $0xb8;
	[tilespmem:$0x6F80] =	vst v63  }
.LBB2_9:
0x14: {  	_ =	swait.ge [sflag:s16], $0xFA0  }
0x15: {  	[sflag:s16] =	ssyncset.done $0x0  }
0x16: {  	[sflag:s16] =	ssyncadd.s32 $0xFFFFF060  }
0x17: {  	_ =	swait.ge [sflag:s17], $0xFA0  }
0x18: {  	s19 =	sshll.u32 s1, $0x6;
	s18 =	sadd.s32 $0x1, s18;
	[sflag:s17] =	ssyncset.done $0x0  }
0x19: {  	s20 =	sshrl.u32 s5, $0x3;
	p0 =	sne.s32 s18, s9;
	[sflag:s17] =	ssyncadd.s32 $0xFFFFF060  }
.Ltmp1:
0x1a: {  	s19 =	sor.u32 $0x1C05, s19;
	[bflag:$0x0] =	sbarrier.arrive $0xFFFF;
	(pc) =	sbr.rel @!p0 .LBB2_10-.Ltmp1, $4  }
0x1b: {  	[hbm:s8], [sflag:s19] =	dma.local [spmem:s20], $0x310  }
0x1c: {  	_ =	swait.ge [sflag:s13], $0x310  }
0x1d: {  	[sflag:s13] =	ssyncset.done $0x0  }
0x1e: {  	[sflag:s13] =	ssyncadd.s32 $0xFFFFFCF0  }
.LBB2_1:
0x1f: {  	s19 =	simm.s32 $0x40;
	s20 =	simm.s32 $0x0  }
.LBB2_2:
0x20: {  	p0 =	sne.s32 s19, $0x61C0;
	[tilespmem:s20+$0x3E80] =	vst v0;
	s20 =	smov.u32 s19;
	s19 =	sadd.s32 $0x40, s19  }
.Ltmp2:
0x21: {  	(pc) =	sbr.rel @p0 .LBB2_2-.Ltmp2, $2  }
0x22: {  	_ =	sdelay $0x2  }
0x23: {  	s20 =	sshra.s32 s20, $0x2  }
0x24: {  	[tilespmem:s20+$0x3E80] =	vst v0  }
0x25: {  	[spmem:s5] =	stream.linear.scatter [tilespmem:s12], [sflag:$0x5], $0x1880, $0x38;
	[tilespmem:$0x6F80] =	vst v63  }
0x26: {  	_ =	swait.ge [sflag:s13], $0x1880  }
0x27: {  	[sflag:s13] =	ssyncset.done $0x0  }
.Ltmp3:
0x28: {  	[sflag:s13] =	ssyncadd.s32 $0xFFFFE780;
	(pc) =	sbr.rel .LBB2_4-.Ltmp3, $4  }
0x29: {  	s19 =	simm.s32 $0x0;
	[bflag:$0x0] =	sbarrier.arrive $0xFFFF  }
0x2a: {  	[tilespmem:s19], [sflag:$0x1] =	stream.linear.gather [hbm4b:s6+s19], $0xFA0, $0x38;
	[tilespmem:$0x6F80] =	vst v63  }
0x2b: {  	s20 =	smov.u32 s11;
	s21 =	smov.u32 s10  }
0x2c: {  	[tilespmem:s14], [sflag:$0x1] =	stream.linear.gather [hbm4b:s7+s19], $0xFA0, $0x38;
	[tilespmem:$0x6F80] =	vst v63  }
.LBB2_8:
0x2d: {  	s26 =	smul.u32 $0xFA0, s25;
	s19 =	sadd.s32 $0x1, s19  }
0x2e: {  	s31 =	sadd.s32 $0x1, s25;
	p0 =	sne.s32 s19, $0x19  }
0x2f: {  	[tilespmem:s26], [sflag:s31] =	stream.linear.gather [hbm4b:s21+s4], $0xFA0, $0x38;
	[tilespmem:$0x6F80] =	vst v63  }
.Ltmp4:
0x30: {  	s28 =	sshrl.u32 s20, $0x3;
	(pc) =	sbr.rel @!p0 .LBB2_9-.Ltmp4, $4  }
0x31: {  	s28 =	sadd.s32 s2, s28;
	s26 =	sadd.s32 $0x1F40, s26  }
0x32: {  	[tilespmem:s26], [sflag:s31] =	stream.linear.gather [hbm4b:s28+s4], $0xFA0, $0x38;
	[tilespmem:$0x6F80] =	vst v63  }
0x33: {  	s22 =	sadd.s32 $0x3, s22;
	s20 =	sadd.s32 $0xFA0, s20;
	s21 =	sadd.s32 $0x1F4, s21  }
0x34: {  	[spmem:s3] =	stream.indirect.scatter.add.f32 [tilespmem:s24], [sflag:s22], $0x1, s23, s15, $0xb8;
	[tilespmem:$0x6F80] =	vst v63  }
.LBB2_4:
0x35: {  	s22 =	sand.u32 $0x1, s19  }
0x36: {  	s25 =	sadd.s32 $0x1, s22  }
0x37: {  	p0 =	seq.s32 s19, $0x0;
	_ =	swait.ge [sflag:s25], $0xFA0  }
.Ltmp5:
0x38: {  	[sflag:s25] =	ssyncset.done $0x0;
	(pc) =	sbr.rel @p0 .LBB2_8-.Ltmp5, $4  }
0x39: {  	[sflag:s25] =	ssyncadd.s32 $0xFFFFF060  }
0x3a: {  	s23 =	smul.u32 $0xFA0, s22;
	_ =	swait.ge [sflag:s25], $0xFA0  }
0x3b: {  	[sflag:s25] =	ssyncset.done $0x0  }
0x3c: {  	s24 =	sadd.s32 $0x1F40, s23;
	[sflag:s25] =	ssyncadd.s32 $0xFFFFF060;
	s25 =	simm.s32 $0x1  }
0x3d: {  	p0 =	sne.s32 s19, $0x18  }
.Ltmp6:
0x3e: {  	_ = 	snop;
	(pc) =	sbr.rel @!p0 .LBB2_6-.Ltmp6, $1  }
0x3f: {  	_ =	sdelay $0x3  }
.Ltmp7:
0x40: {  	s25 =	sxor.u32 $0x1, s22;
	(pc) =	sbr.rel .LBB2_8-.Ltmp7, $4  }
0x41: {  	s26 =	sadd.s32 $0x3, s25  }
0x42: {  	_ =	swait.ge [sflag:s26], $0xFA0  }
0x43: {  	[sflag:s26] =	ssyncset.done $0x0  }
0x44: {  	[sflag:s26] =	ssyncadd.s32 $0xFFFFF060  }
.LBB2_10:
0x45: {  	_ =	sfence.sel $0x180000  }
0x46: {  	[bflag:$0x0] =	sbarrier.arrive $0xFFFF  }
0x47: {  	p0 =	sne.s32 s1, $0x0;
	_ =	strace $0x90000047  }
0x48: {  	s0 =	sadd.s32 @!p0 $0x100000, s0;
	[bflag:$0x2] =	sbarrier.arrive $0xFFFF  }
0x49: {  	[sflag:s0] =	ssyncadd.tile.s32 @!p0 $0x1;
	_ =	shalt  }
.Lfunc_end2:
_tile_overlayer_lowered:
.L_overlay_start_2:
0x4a: {  	(tag) =	ssettag $0x2  }
0x4b: {  	s0 =	rddreg [dreg:$0x0];
	s2 =	stileid.u32  }
0x4c: {  	s1 =	rddreg [dreg:$0x1];
	p0 =	sne.s32 s2, $0x0  }
0x4d: {  	s3 =	rddreg [dreg:$0x2];
	[bflag:$0x3] =	sbarrier.arrive $0xFFFF;
	s2 =	simm.s32 @!p0 $0x1C05  }
0x4e: {  	[timem:s3], [sflag:s2] =	dma.local @!p0 [hbm:s0], s1  }
0x4f: {  	s0 =	simm.s32 @!p0 $0x5  }
0x50: {  	_ =	swait.ge @!p0 [sflag:s0], s1  }
0x51: {  	s1 =	ssub.s32 @!p0 $0x0, s1;
	[sflag:s0] =	ssyncset.done @!p0 $0x0  }
0x52: {  	[sflag:s0] =	ssyncadd.s32 @!p0 s1  }
0x53: {  	[bflag:$0x3] =	sbarrier.arrive $0xFFFF  }
0x54: {  	_ =	shalt  }

</sc_bundles>
